<compile_context>
chip_gen: v7x
topology: tpu7x:2x2x1
jax: 0.10.2.dev20260603
libtpu: 0.0.44.dev20260713+nightly
codegen_flags: <defaults>
</compile_context>

<pallas_src>
import functools

import jax
import jax.numpy as jnp
from jax import lax
from jax.experimental import pallas as pl
from jax.experimental.pallas import tpu as pltpu
from jax.experimental.pallas import tpu_sc as plsc

VOCAB = 100000
DIM = 768
NTAB = 6
B, S = 4, 2048
NIDS = B * S

NC, NS = 2, 16
NW = NC * NS
IDS_PER_W = NIDS // NW
CH = 64
NCHUNK = IDS_PER_W // CH


def _make_gather():
  mesh = plsc.VectorSubcoreMesh(core_axis_name="c", subcore_axis_name="s")

  @functools.partial(
      pl.kernel,
      out_type=tuple(
          jax.ShapeDtypeStruct((NIDS, DIM), jnp.float32) for _ in range(2 * NTAB)
      ),
      mesh=mesh,
      scratch_types=[
          pltpu.VMEM((IDS_PER_W,), jnp.int32),
          pltpu.VMEM((CH, DIM), jnp.float32),
          pltpu.VMEM((CH, DIM), jnp.float32),
          pltpu.SemaphoreType.DMA,
          pltpu.SemaphoreType.DMA,
          pltpu.SemaphoreType.DMA,
          pltpu.SemaphoreType.DMA,
      ],
  )
  def gather12(idx_hbm, w0, w1, w2, w3, w4, w5,
               o0, o1, o2, o3, o4, o5, d0, d1, d2, d3, d4, d5,
               idx_v, rows0, rows1, gs0, gs1, ws0, ws1):
    wid = lax.axis_index("s") * NC + lax.axis_index("c")
    base = wid * IDS_PER_W
    pltpu.sync_copy(
        idx_hbm.at[base // S, pl.ds(base % S, IDS_PER_W)], idx_v
    )
    bufs = (rows0, rows1)
    gsems = (gs0, gs1)
    wsems = (ws0, ws1)
    work = [
        (w, o, d, c)
        for w, o, d in (
            (w0, o0, d0), (w1, o1, d1), (w2, o2, d2),
            (w3, o3, d3), (w4, o4, d4), (w5, o5, d5),
        )
        for c in range(NCHUNK)
    ]
    n = len(work)
    gathers = [None] * n
    writes = [None] * n
    def _idx(c):
      return idx_v.at[pl.ds(c * CH, CH)]

    w_, _, _, c_ = work[0]
    gathers[0] = pltpu.async_copy(w_.at[_idx(c_)], bufs[0], gsems[0])
    for i in range(n):
      b = i % 2
      nb = (i + 1) % 2
      if i + 1 < n:
        if i >= 1:
          for wr in writes[i - 1]:
            wr.wait()
        w, _, _, c = work[i + 1]
        gathers[i + 1] = pltpu.async_copy(w.at[_idx(c)], bufs[nb], gsems[nb])
      gathers[i].wait()
      _, o, d, c = work[i]
      sl = pl.ds(base + c * CH, CH)
      writes[i] = (
          pltpu.async_copy(bufs[b], o.at[sl], wsems[b]),
          pltpu.async_copy(bufs[b], d.at[sl], wsems[b]),
      )
    for wr in writes[n - 2]:
      wr.wait()
    for wr in writes[n - 1]:
      wr.wait()

  return gather12


_gather12 = _make_gather()


def kernel(inputs, W0, W1, W2, W3, W4, W5):
  outs = _gather12(inputs, W0, W1, W2, W3, W4, W5)
  ve = tuple(o.reshape(B, S, DIM) for o in outs[:NTAB])
  dup = tuple(o.reshape(B, S, DIM) for o in outs[NTAB:])
  return ve + tuple(reversed(dup))

# --- scband reference (transcript-rebuilt; emitter-appended) ---
"""Pipeline reference for scband-value-embedding-32143535243415 (READ-ONLY COPY).

The authoritative reference and input builder live on the scoring server;
editing this copy changes nothing except your own understanding.
"""

import jax, jax.numpy as jnp
import numpy as np

VOCAB = 100000
DIM = 768
NTAB = 6  # num_layers // 2
B, S = 4, 2048


def setup_inputs(seed: int = 0) -> dict:
    key = jax.random.key(seed)
    keys = jax.random.split(key, NTAB + 1)
    inp = {}
    inp["inputs"] = jax.random.randint(keys[0], (B, S), 0, VOCAB, dtype=jnp.int32)
    for i in range(NTAB):
        inp[f"W{i}"] = jax.random.normal(keys[i + 1], (VOCAB, DIM), dtype=jnp.float32) * 0.02
    return inp


def reference(inputs, W0, W1, W2, W3, W4, W5):
    tables = (W0, W1, W2, W3, W4, W5)
    # ve = [emb(inputs) for emb in self.embed]
    ve = tuple(jnp.take(W, inputs, axis=0) for W in tables)
    # ve += reversed(ve)
    out = ve + tuple(reversed(ve))
    return out

if __name__ == "__main__":
    import jax
    _d = setup_inputs()
    print(jax.jit(kernel)(*tuple(_d.values())))

</pallas_src>

<mosaic_0001>
#map = affine_map<(d0, d1) -> (0, 0)>
module attributes {stable_mosaic.version = 14 : i64} {
  func.func @gather12(%arg0: i32, %arg1: i32, %arg2: memref<4x2048xi32, #tpu.memory_space<hbm>>, %arg3: memref<100000x768xf32, #tpu.memory_space<hbm>>, %arg4: memref<100000x768xf32, #tpu.memory_space<hbm>>, %arg5: memref<100000x768xf32, #tpu.memory_space<hbm>>, %arg6: memref<100000x768xf32, #tpu.memory_space<hbm>>, %arg7: memref<100000x768xf32, #tpu.memory_space<hbm>>, %arg8: memref<100000x768xf32, #tpu.memory_space<hbm>>, %arg9: memref<8192x768xf32, #tpu.memory_space<hbm>>, %arg10: memref<8192x768xf32, #tpu.memory_space<hbm>>, %arg11: memref<8192x768xf32, #tpu.memory_space<hbm>>, %arg12: memref<8192x768xf32, #tpu.memory_space<hbm>>, %arg13: memref<8192x768xf32, #tpu.memory_space<hbm>>, %arg14: memref<8192x768xf32, #tpu.memory_space<hbm>>, %arg15: memref<8192x768xf32, #tpu.memory_space<hbm>>, %arg16: memref<8192x768xf32, #tpu.memory_space<hbm>>, %arg17: memref<8192x768xf32, #tpu.memory_space<hbm>>, %arg18: memref<8192x768xf32, #tpu.memory_space<hbm>>, %arg19: memref<8192x768xf32, #tpu.memory_space<hbm>>, %arg20: memref<8192x768xf32, #tpu.memory_space<hbm>>, %arg21: memref<256xi32, #tpu.memory_space<vmem>>, %arg22: memref<64x768xf32, #tpu.memory_space<vmem>>, %arg23: memref<64x768xf32, #tpu.memory_space<vmem>>, %arg24: memref<!tpu.dma_semaphore, #tpu.memory_space<semaphore_mem>>, %arg25: memref<!tpu.dma_semaphore, #tpu.memory_space<semaphore_mem>>, %arg26: memref<!tpu.dma_semaphore, #tpu.memory_space<semaphore_mem>>, %arg27: memref<!tpu.dma_semaphore, #tpu.memory_space<semaphore_mem>>) attributes {dimension_semantics = [#tpu.dimension_semantics<core_parallel>, #tpu.dimension_semantics<subcore_parallel>], iteration_bounds = array<i64: 2, 16>, scalar_prefetch = 0 : i64, scratch_operands = 7 : i64, tpu.core_type = #tpu.core_type<sc_vector_subcore>, window_params = [{transform_indices = #map}, {transform_indices = #map}, {transform_indices = #map}, {transform_indices = #map}, {transform_indices = #map}, {transform_indices = #map}, {transform_indices = #map}, {transform_indices = #map}, {transform_indices = #map}, {transform_indices = #map}, {transform_indices = #map}, {transform_indices = #map}, {transform_indices = #map}, {transform_indices = #map}, {transform_indices = #map}, {transform_indices = #map}, {transform_indices = #map}, {transform_indices = #map}, {transform_indices = #map}]} {
    %mul3A = arith.constant 2 : i32
    %mul3A_0 = arith.muli %arg1, %mul3A : i32
    %add3A = arith.addi %mul3A_0, %arg0 : i32
    %mul3A_1 = arith.constant 256 : i32
    %mul3A_2 = arith.muli %add3A, %mul3A_1 : i32
    %jit3A = arith.constant 2048 : i32
    %div3A = arith.divsi %mul3A_2, %jit3A : i32
    %sign3A = arith.constant 0 : i32
    %sign3A_3 = arith.cmpi sgt, %mul3A_2, %sign3A : i32
    %sign3A_4 = arith.extui %sign3A_3 : i1 to i32
    %sign3A_5 = arith.constant 0 : i32
    %sign3A_6 = arith.cmpi slt, %mul3A_2, %sign3A_5 : i32
    %sign3A_7 = arith.extui %sign3A_6 : i1 to i32
    %sign3A_8 = arith.subi %sign3A_4, %sign3A_7 : i32
    %sign3A_9 = arith.constant 0 : i32
    %sign3A_10 = arith.cmpi sgt, %jit3A, %sign3A_9 : i32
    %sign3A_11 = arith.extui %sign3A_10 : i1 to i32
    %sign3A_12 = arith.constant 0 : i32
    %sign3A_13 = arith.cmpi slt, %jit3A, %sign3A_12 : i32
    %sign3A_14 = arith.extui %sign3A_13 : i1 to i32
    %sign3A_15 = arith.subi %sign3A_11, %sign3A_14 : i32
    %ne3A = arith.cmpi ne, %sign3A_8, %sign3A_15 : i32
    %rem3A = arith.remsi %mul3A_2, %jit3A : i32
    %ne3A_16 = arith.constant 0 : i32
    %ne3A_17 = arith.cmpi ne, %rem3A, %ne3A_16 : i32
    %and3A = arith.andi %ne3A, %ne3A_17 : i1
    %sub3A = arith.constant 1 : i32
    %sub3A_18 = arith.subi %div3A, %sub3A : i32
    %select_n3A = arith.select %and3A, %sub3A_18, %div3A : i32
    %jit3A_19 = arith.constant 2048 : i32
    %eq3A = arith.constant 0 : i32
    %eq3A_20 = arith.cmpi eq, %jit3A_19, %eq3A : i32
    %jit3A_21 = arith.constant 1 : i32
    %select_n3A_22 = arith.select %eq3A_20, %jit3A_21, %jit3A_19 : i32
    %rem3A_23 = arith.remsi %mul3A_2, %select_n3A_22 : i32
    %ne3A_24 = arith.constant 0 : i32
    %ne3A_25 = arith.cmpi ne, %rem3A_23, %ne3A_24 : i32
    %lt3A = arith.constant 0 : i32
    %lt3A_26 = arith.cmpi slt, %rem3A_23, %lt3A : i32
    %lt3A_27 = arith.constant 0 : i32
    %lt3A_28 = arith.cmpi slt, %select_n3A_22, %lt3A_27 : i32
    %ne3A_29 = arith.xori %lt3A_26, %lt3A_28 : i1
    %and3A_30 = arith.andi %ne3A_29, %ne3A_25 : i1
    %add3A_31 = arith.addi %rem3A_23, %select_n3A_22 : i32
    %select_n3A_32 = arith.select %and3A_30, %add3A_31, %rem3A_23 : i32
    "tpu.region"() ({
      %run_scoped3A = tpu.sem_alloc : memref<!tpu.dma_semaphore, #tpu.memory_space<semaphore_mem>>
      %dma_start3A_703 = tpu.memref_slice %arg2[%select_n3A, %select_n3A_32] : memref<4x2048xi32, #tpu.memory_space<hbm>> -> memref<1x256xi32, #tpu.memory_space<hbm>>
      %dma_start3A_704 = tpu.memref_squeeze %dma_start3A_703 : memref<1x256xi32, #tpu.memory_space<hbm>> -> memref<256xi32, #tpu.memory_space<hbm>>
      %dma_start3A_705 = tpu.memref_slice %arg2[%select_n3A, %select_n3A_32] : memref<4x2048xi32, #tpu.memory_space<hbm>> -> memref<1x256xi32, #tpu.memory_space<hbm>>
      %dma_start3A_706 = tpu.memref_squeeze %dma_start3A_705 : memref<1x256xi32, #tpu.memory_space<hbm>> -> memref<256xi32, #tpu.memory_space<hbm>>
      tpu.enqueue_dma source(%dma_start3A_706 : memref<256xi32, #tpu.memory_space<hbm>>) target(%arg21 : memref<256xi32, #tpu.memory_space<vmem>>) target_semaphore(%run_scoped3A : memref<!tpu.dma_semaphore, #tpu.memory_space<semaphore_mem>>)
      %dma_wait3A_707 = tpu.memref_slice %arg2[%select_n3A, %select_n3A_32] : memref<4x2048xi32, #tpu.memory_space<hbm>> -> memref<1x256xi32, #tpu.memory_space<hbm>>
      %dma_wait3A_708 = tpu.memref_squeeze %dma_wait3A_707 : memref<1x256xi32, #tpu.memory_space<hbm>> -> memref<256xi32, #tpu.memory_space<hbm>>
      %dma_wait3A_709 = tpu.memref_slice %arg2[%select_n3A, %select_n3A_32] : memref<4x2048xi32, #tpu.memory_space<hbm>> -> memref<1x256xi32, #tpu.memory_space<hbm>>
      %dma_wait3A_710 = tpu.memref_squeeze %dma_wait3A_709 : memref<1x256xi32, #tpu.memory_space<hbm>> -> memref<256xi32, #tpu.memory_space<hbm>>
      tpu.wait_dma2 semaphore(%run_scoped3A : memref<!tpu.dma_semaphore, #tpu.memory_space<semaphore_mem>>) src(%dma_wait3A_710 : memref<256xi32, #tpu.memory_space<hbm>>) dst(%arg21 : memref<256xi32, #tpu.memory_space<vmem>>)
      tpu.yield
    }) : () -> ()
    %dma_start3A = arith.constant 0 : i32
    %dma_start3A_33 = tpu.memref_slice %arg21[%dma_start3A] : memref<256xi32, #tpu.memory_space<vmem>> -> memref<64xi32, #tpu.memory_space<vmem>>
    %dma_start3A_34 = arith.constant 0 : i32
    %dma_start3A_35 = arith.constant 0 : i32
    %dma_start3A_36 = tpu.memref_slice %arg3[%dma_start3A_34, %dma_start3A_35] : memref<100000x768xf32, #tpu.memory_space<hbm>> -> memref<100000x768xf32, #tpu.memory_space<hbm>>
    tpu.enqueue_indirect_dma source(%dma_start3A_36 : memref<100000x768xf32, #tpu.memory_space<hbm>>) target(%arg22 : memref<64x768xf32, #tpu.memory_space<vmem>>) offsets(%dma_start3A_33 : memref<64xi32, #tpu.memory_space<vmem>>) semaphore(%arg24 : memref<!tpu.dma_semaphore, #tpu.memory_space<semaphore_mem>>)
    %dma_start3A_37 = arith.constant 64 : i32
    %dma_start3A_38 = tpu.memref_slice %arg21[%dma_start3A_37] : memref<256xi32, #tpu.memory_space<vmem>> -> memref<64xi32, #tpu.memory_space<vmem>>
    %dma_start3A_39 = arith.constant 0 : i32
    %dma_start3A_40 = arith.constant 0 : i32
    %dma_start3A_41 = tpu.memref_slice %arg3[%dma_start3A_39, %dma_start3A_40] : memref<100000x768xf32, #tpu.memory_space<hbm>> -> memref<100000x768xf32, #tpu.memory_space<hbm>>
    tpu.enqueue_indirect_dma source(%dma_start3A_41 : memref<100000x768xf32, #tpu.memory_space<hbm>>) target(%arg23 : memref<64x768xf32, #tpu.memory_space<vmem>>) offsets(%dma_start3A_38 : memref<64xi32, #tpu.memory_space<vmem>>) semaphore(%arg25 : memref<!tpu.dma_semaphore, #tpu.memory_space<semaphore_mem>>)
    %dma_wait3A = arith.constant 0 : i32
    %dma_wait3A_42 = tpu.memref_slice %arg21[%dma_wait3A] : memref<256xi32, #tpu.memory_space<vmem>> -> memref<64xi32, #tpu.memory_space<vmem>>
    %dma_wait3A_43 = arith.constant 0 : i32
    %dma_wait3A_44 = arith.constant 0 : i32
    %dma_wait3A_45 = tpu.memref_slice %arg3[%dma_wait3A_43, %dma_wait3A_44] : memref<100000x768xf32, #tpu.memory_space<hbm>> -> memref<100000x768xf32, #tpu.memory_space<hbm>>
    tpu.wait_indirect_dma semaphore(%arg24 : memref<!tpu.dma_semaphore, #tpu.memory_space<semaphore_mem>>) src(%dma_wait3A_45 : memref<100000x768xf32, #tpu.memory_space<hbm>>) dst(%arg22 : memref<64x768xf32, #tpu.memory_space<vmem>>)
    %add3A_46 = arith.constant 0 : i32
    %add3A_47 = arith.addi %mul3A_2, %add3A_46 : i32
    %dma_start3A_48 = arith.constant 0 : i32
    %dma_start3A_49 = tpu.memref_slice %arg9[%add3A_47, %dma_start3A_48] : memref<8192x768xf32, #tpu.memory_space<hbm>> -> memref<64x768xf32, #tpu.memory_space<hbm>>
    %dma_start3A_50 = arith.constant 0 : i32
    %dma_start3A_51 = tpu.memref_slice %arg9[%add3A_47, %dma_start3A_50] : memref<8192x768xf32, #tpu.memory_space<hbm>> -> memref<64x768xf32, #tpu.memory_space<hbm>>
    tpu.enqueue_dma source(%arg22 : memref<64x768xf32, #tpu.memory_space<vmem>>) target(%dma_start3A_51 : memref<64x768xf32, #tpu.memory_space<hbm>>) target_semaphore(%arg26 : memref<!tpu.dma_semaphore, #tpu.memory_space<semaphore_mem>>)
    %dma_start3A_52 = arith.constant 0 : i32
    %dma_start3A_53 = tpu.memref_slice %arg15[%add3A_47, %dma_start3A_52] : memref<8192x768xf32, #tpu.memory_space<hbm>> -> memref<64x768xf32, #tpu.memory_space<hbm>>
    %dma_start3A_54 = arith.constant 0 : i32
    %dma_start3A_55 = tpu.memref_slice %arg15[%add3A_47, %dma_start3A_54] : memref<8192x768xf32, #tpu.memory_space<hbm>> -> memref<64x768xf32, #tpu.memory_space<hbm>>
    tpu.enqueue_dma source(%arg22 : memref<64x768xf32, #tpu.memory_space<vmem>>) target(%dma_start3A_55 : memref<64x768xf32, #tpu.memory_space<hbm>>) target_semaphore(%arg26 : memref<!tpu.dma_semaphore, #tpu.memory_space<semaphore_mem>>)
    %dma_wait3A_56 = arith.constant 0 : i32
    %dma_wait3A_57 = tpu.memref_slice %arg9[%add3A_47, %dma_wait3A_56] : memref<8192x768xf32, #tpu.memory_space<hbm>> -> memref<64x768xf32, #tpu.memory_space<hbm>>
    %dma_wait3A_58 = arith.constant 0 : i32
    %dma_wait3A_59 = tpu.memref_slice %arg9[%add3A_47, %dma_wait3A_58] : memref<8192x768xf32, #tpu.memory_space<hbm>> -> memref<64x768xf32, #tpu.memory_space<hbm>>
    tpu.wait_dma2 semaphore(%arg26 : memref<!tpu.dma_semaphore, #tpu.memory_space<semaphore_mem>>) src(%arg22 : memref<64x768xf32, #tpu.memory_space<vmem>>) dst(%dma_wait3A_59 : memref<64x768xf32, #tpu.memory_space<hbm>>)
    %dma_wait3A_60 = arith.constant 0 : i32
    %dma_wait3A_61 = tpu.memref_slice %arg15[%add3A_47, %dma_wait3A_60] : memref<8192x768xf32, #tpu.memory_space<hbm>> -> memref<64x768xf32, #tpu.memory_space<hbm>>
    %dma_wait3A_62 = arith.constant 0 : i32
    %dma_wait3A_63 = tpu.memref_slice %arg15[%add3A_47, %dma_wait3A_62] : memref<8192x768xf32, #tpu.memory_space<hbm>> -> memref<64x768xf32, #tpu.memory_space<hbm>>
    tpu.wait_dma2 semaphore(%arg26 : memref<!tpu.dma_semaphore, #tpu.memory_space<semaphore_mem>>) src(%arg22 : memref<64x768xf32, #tpu.memory_space<vmem>>) dst(%dma_wait3A_63 : memref<64x768xf32, #tpu.memory_space<hbm>>)
    %dma_start3A_64 = arith.constant 128 : i32
    %dma_start3A_65 = tpu.memref_slice %arg21[%dma_start3A_64] : memref<256xi32, #tpu.memory_space<vmem>> -> memref<64xi32, #tpu.memory_space<vmem>>
    %dma_start3A_66 = arith.constant 0 : i32
    %dma_start3A_67 = arith.constant 0 : i32
    %dma_start3A_68 = tpu.memref_slice %arg3[%dma_start3A_66, %dma_start3A_67] : memref<100000x768xf32, #tpu.memory_space<hbm>> -> memref<100000x768xf32, #tpu.memory_space<hbm>>
    tpu.enqueue_indirect_dma source(%dma_start3A_68 : memref<100000x768xf32, #tpu.memory_space<hbm>>) target(%arg22 : memref<64x768xf32, #tpu.memory_space<vmem>>) offsets(%dma_start3A_65 : memref<64xi32, #tpu.memory_space<vmem>>) semaphore(%arg24 : memref<!tpu.dma_semaphore, #tpu.memory_space<semaphore_mem>>)
    %dma_wait3A_69 = arith.constant 64 : i32
    %dma_wait3A_70 = tpu.memref_slice %arg21[%dma_wait3A_69] : memref<256xi32, #tpu.memory_space<vmem>> -> memref<64xi32, #tpu.memory_space<vmem>>
    %dma_wait3A_71 = arith.constant 0 : i32
    %dma_wait3A_72 = arith.constant 0 : i32
    %dma_wait3A_73 = tpu.memref_slice %arg3[%dma_wait3A_71, %dma_wait3A_72] : memref<100000x768xf32, #tpu.memory_space<hbm>> -> memref<100000x768xf32, #tpu.memory_space<hbm>>
    tpu.wait_indirect_dma semaphore(%arg25 : memref<!tpu.dma_semaphore, #tpu.memory_space<semaphore_mem>>) src(%dma_wait3A_73 : memref<100000x768xf32, #tpu.memory_space<hbm>>) dst(%arg23 : memref<64x768xf32, #tpu.memory_space<vmem>>)
    %add3A_74 = arith.constant 64 : i32
    %add3A_75 = arith.addi %mul3A_2, %add3A_74 : i32
    %dma_start3A_76 = arith.constant 0 : i32
    %dma_start3A_77 = tpu.memref_slice %arg9[%add3A_75, %dma_start3A_76] : memref<8192x768xf32, #tpu.memory_space<hbm>> -> memref<64x768xf32, #tpu.memory_space<hbm>>
    %dma_start3A_78 = arith.constant 0 : i32
    %dma_start3A_79 = tpu.memref_slice %arg9[%add3A_75, %dma_start3A_78] : memref<8192x768xf32, #tpu.memory_space<hbm>> -> memref<64x768xf32, #tpu.memory_space<hbm>>
    tpu.enqueue_dma source(%arg23 : memref<64x768xf32, #tpu.memory_space<vmem>>) target(%dma_start3A_79 : memref<64x768xf32, #tpu.memory_space<hbm>>) target_semaphore(%arg27 : memref<!tpu.dma_semaphore, #tpu.memory_space<semaphore_mem>>)
    %dma_start3A_80 = arith.constant 0 : i32
    %dma_start3A_81 = tpu.memref_slice %arg15[%add3A_75, %dma_start3A_80] : memref<8192x768xf32, #tpu.memory_space<hbm>> -> memref<64x768xf32, #tpu.memory_space<hbm>>
    %dma_start3A_82 = arith.constant 0 : i32
    %dma_start3A_83 = tpu.memref_slice %arg15[%add3A_75, %dma_start3A_82] : memref<8192x768xf32, #tpu.memory_space<hbm>> -> memref<64x768xf32, #tpu.memory_space<hbm>>
    tpu.enqueue_dma source(%arg23 : memref<64x768xf32, #tpu.memory_space<vmem>>) target(%dma_start3A_83 : memref<64x768xf32, #tpu.memory_space<hbm>>) target_semaphore(%arg27 : memref<!tpu.dma_semaphore, #tpu.memory_space<semaphore_mem>>)
    %dma_wait3A_84 = arith.constant 0 : i32
    %dma_wait3A_85 = tpu.memref_slice %arg9[%add3A_75, %dma_wait3A_84] : memref<8192x768xf32, #tpu.memory_space<hbm>> -> memref<64x768xf32, #tpu.memory_space<hbm>>
    %dma_wait3A_86 = arith.constant 0 : i32
    %dma_wait3A_87 = tpu.memref_slice %arg9[%add3A_75, %dma_wait3A_86] : memref<8192x768xf32, #tpu.memory_space<hbm>> -> memref<64x768xf32, #tpu.memory_space<hbm>>
    tpu.wait_dma2 semaphore(%arg27 : memref<!tpu.dma_semaphore, #tpu.memory_space<semaphore_mem>>) src(%arg23 : memref<64x768xf32, #tpu.memory_space<vmem>>) dst(%dma_wait3A_87 : memref<64x768xf32, #tpu.memory_space<hbm>>)
    %dma_wait3A_88 = arith.constant 0 : i32
    %dma_wait3A_89 = tpu.memref_slice %arg15[%add3A_75, %dma_wait3A_88] : memref<8192x768xf32, #tpu.memory_space<hbm>> -> memref<64x768xf32, #tpu.memory_space<hbm>>
    %dma_wait3A_90 = arith.constant 0 : i32
    %dma_wait3A_91 = tpu.memref_slice %arg15[%add3A_75, %dma_wait3A_90] : memref<8192x768xf32, #tpu.memory_space<hbm>> -> memref<64x768xf32, #tpu.memory_space<hbm>>
    tpu.wait_dma2 semaphore(%arg27 : memref<!tpu.dma_semaphore, #tpu.memory_space<semaphore_mem>>) src(%arg23 : memref<64x768xf32, #tpu.memory_space<vmem>>) dst(%dma_wait3A_91 : memref<64x768xf32, #tpu.memory_space<hbm>>)
    %dma_start3A_92 = arith.constant 192 : i32
    %dma_start3A_93 = tpu.memref_slice %arg21[%dma_start3A_92] : memref<256xi32, #tpu.memory_space<vmem>> -> memref<64xi32, #tpu.memory_space<vmem>>
    %dma_start3A_94 = arith.constant 0 : i32
    %dma_start3A_95 = arith.constant 0 : i32
    %dma_start3A_96 = tpu.memref_slice %arg3[%dma_start3A_94, %dma_start3A_95] : memref<100000x768xf32, #tpu.memory_space<hbm>> -> memref<100000x768xf32, #tpu.memory_space<hbm>>
    tpu.enqueue_indirect_dma source(%dma_start3A_96 : memref<100000x768xf32, #tpu.memory_space<hbm>>) target(%arg23 : memref<64x768xf32, #tpu.memory_space<vmem>>) offsets(%dma_start3A_93 : memref<64xi32, #tpu.memory_space<vmem>>) semaphore(%arg25 : memref<!tpu.dma_semaphore, #tpu.memory_space<semaphore_mem>>)
    %dma_wait3A_97 = arith.constant 128 : i32
    %dma_wait3A_98 = tpu.memref_slice %arg21[%dma_wait3A_97] : memref<256xi32, #tpu.memory_space<vmem>> -> memref<64xi32, #tpu.memory_space<vmem>>
    %dma_wait3A_99 = arith.constant 0 : i32
    %dma_wait3A_100 = arith.constant 0 : i32
    %dma_wait3A_101 = tpu.memref_slice %arg3[%dma_wait3A_99, %dma_wait3A_100] : memref<100000x768xf32, #tpu.memory_space<hbm>> -> memref<100000x768xf32, #tpu.memory_space<hbm>>
    tpu.wait_indirect_dma semaphore(%arg24 : memref<!tpu.dma_semaphore, #tpu.memory_space<semaphore_mem>>) src(%dma_wait3A_101 : memref<100000x768xf32, #tpu.memory_space<hbm>>) dst(%arg22 : memref<64x768xf32, #tpu.memory_space<vmem>>)
    %add3A_102 = arith.constant 128 : i32
    %add3A_103 = arith.addi %mul3A_2, %add3A_102 : i32
    %dma_start3A_104 = arith.constant 0 : i32
    %dma_start3A_105 = tpu.memref_slice %arg9[%add3A_103, %dma_start3A_104] : memref<8192x768xf32, #tpu.memory_space<hbm>> -> memref<64x768xf32, #tpu.memory_space<hbm>>
    %dma_start3A_106 = arith.constant 0 : i32
    %dma_start3A_107 = tpu.memref_slice %arg9[%add3A_103, %dma_start3A_106] : memref<8192x768xf32, #tpu.memory_space<hbm>> -> memref<64x768xf32, #tpu.memory_space<hbm>>
    tpu.enqueue_dma source(%arg22 : memref<64x768xf32, #tpu.memory_space<vmem>>) target(%dma_start3A_107 : memref<64x768xf32, #tpu.memory_space<hbm>>) target_semaphore(%arg26 : memref<!tpu.dma_semaphore, #tpu.memory_space<semaphore_mem>>)
    %dma_start3A_108 = arith.constant 0 : i32
    %dma_start3A_109 = tpu.memref_slice %arg15[%add3A_103, %dma_start3A_108] : memref<8192x768xf32, #tpu.memory_space<hbm>> -> memref<64x768xf32, #tpu.memory_space<hbm>>
    %dma_start3A_110 = arith.constant 0 : i32
    %dma_start3A_111 = tpu.memref_slice %arg15[%add3A_103, %dma_start3A_110] : memref<8192x768xf32, #tpu.memory_space<hbm>> -> memref<64x768xf32, #tpu.memory_space<hbm>>
    tpu.enqueue_dma source(%arg22 : memref<64x768xf32, #tpu.memory_space<vmem>>) target(%dma_start3A_111 : memref<64x768xf32, #tpu.memory_space<hbm>>) target_semaphore(%arg26 : memref<!tpu.dma_semaphore, #tpu.memory_space<semaphore_mem>>)
    %dma_wait3A_112 = arith.constant 0 : i32
    %dma_wait3A_113 = tpu.memref_slice %arg9[%add3A_103, %dma_wait3A_112] : memref<8192x768xf32, #tpu.memory_space<hbm>> -> memref<64x768xf32, #tpu.memory_space<hbm>>
    %dma_wait3A_114 = arith.constant 0 : i32
    %dma_wait3A_115 = tpu.memref_slice %arg9[%add3A_103, %dma_wait3A_114] : memref<8192x768xf32, #tpu.memory_space<hbm>> -> memref<64x768xf32, #tpu.memory_space<hbm>>
    tpu.wait_dma2 semaphore(%arg26 : memref<!tpu.dma_semaphore, #tpu.memory_space<semaphore_mem>>) src(%arg22 : memref<64x768xf32, #tpu.memory_space<vmem>>) dst(%dma_wait3A_115 : memref<64x768xf32, #tpu.memory_space<hbm>>)
    %dma_wait3A_116 = arith.constant 0 : i32
    %dma_wait3A_117 = tpu.memref_slice %arg15[%add3A_103, %dma_wait3A_116] : memref<8192x768xf32, #tpu.memory_space<hbm>> -> memref<64x768xf32, #tpu.memory_space<hbm>>
    %dma_wait3A_118 = arith.constant 0 : i32
    %dma_wait3A_119 = tpu.memref_slice %arg15[%add3A_103, %dma_wait3A_118] : memref<8192x768xf32, #tpu.memory_space<hbm>> -> memref<64x768xf32, #tpu.memory_space<hbm>>
    tpu.wait_dma2 semaphore(%arg26 : memref<!tpu.dma_semaphore, #tpu.memory_space<semaphore_mem>>) src(%arg22 : memref<64x768xf32, #tpu.memory_space<vmem>>) dst(%dma_wait3A_119 : memref<64x768xf32, #tpu.memory_space<hbm>>)
    %dma_start3A_120 = arith.constant 0 : i32
    %dma_start3A_121 = tpu.memref_slice %arg21[%dma_start3A_120] : memref<256xi32, #tpu.memory_space<vmem>> -> memref<64xi32, #tpu.memory_space<vmem>>
    %dma_start3A_122 = arith.constant 0 : i32
    %dma_start3A_123 = arith.constant 0 : i32
    %dma_start3A_124 = tpu.memref_slice %arg4[%dma_start3A_122, %dma_start3A_123] : memref<100000x768xf32, #tpu.memory_space<hbm>> -> memref<100000x768xf32, #tpu.memory_space<hbm>>
    tpu.enqueue_indirect_dma source(%dma_start3A_124 : memref<100000x768xf32, #tpu.memory_space<hbm>>) target(%arg22 : memref<64x768xf32, #tpu.memory_space<vmem>>) offsets(%dma_start3A_121 : memref<64xi32, #tpu.memory_space<vmem>>) semaphore(%arg24 : memref<!tpu.dma_semaphore, #tpu.memory_space<semaphore_mem>>)
    %dma_wait3A_125 = arith.constant 192 : i32
    %dma_wait3A_126 = tpu.memref_slice %arg21[%dma_wait3A_125] : memref<256xi32, #tpu.memory_space<vmem>> -> memref<64xi32, #tpu.memory_space<vmem>>
    %dma_wait3A_127 = arith.constant 0 : i32
    %dma_wait3A_128 = arith.constant 0 : i32
    %dma_wait3A_129 = tpu.memref_slice %arg3[%dma_wait3A_127, %dma_wait3A_128] : memref<100000x768xf32, #tpu.memory_space<hbm>> -> memref<100000x768xf32, #tpu.memory_space<hbm>>
    tpu.wait_indirect_dma semaphore(%arg25 : memref<!tpu.dma_semaphore, #tpu.memory_space<semaphore_mem>>) src(%dma_wait3A_129 : memref<100000x768xf32, #tpu.memory_space<hbm>>) dst(%arg23 : memref<64x768xf32, #tpu.memory_space<vmem>>)
    %add3A_130 = arith.constant 192 : i32
    %add3A_131 = arith.addi %mul3A_2, %add3A_130 : i32
    %dma_start3A_132 = arith.constant 0 : i32
    %dma_start3A_133 = tpu.memref_slice %arg9[%add3A_131, %dma_start3A_132] : memref<8192x768xf32, #tpu.memory_space<hbm>> -> memref<64x768xf32, #tpu.memory_space<hbm>>
    %dma_start3A_134 = arith.constant 0 : i32
    %dma_start3A_135 = tpu.memref_slice %arg9[%add3A_131, %dma_start3A_134] : memref<8192x768xf32, #tpu.memory_space<hbm>> -> memref<64x768xf32, #tpu.memory_space<hbm>>
    tpu.enqueue_dma source(%arg23 : memref<64x768xf32, #tpu.memory_space<vmem>>) target(%dma_start3A_135 : memref<64x768xf32, #tpu.memory_space<hbm>>) target_semaphore(%arg27 : memref<!tpu.dma_semaphore, #tpu.memory_space<semaphore_mem>>)
    %dma_start3A_136 = arith.constant 0 : i32
    %dma_start3A_137 = tpu.memref_slice %arg15[%add3A_131, %dma_start3A_136] : memref<8192x768xf32, #tpu.memory_space<hbm>> -> memref<64x768xf32, #tpu.memory_space<hbm>>
    %dma_start3A_138 = arith.constant 0 : i32
    %dma_start3A_139 = tpu.memref_slice %arg15[%add3A_131, %dma_start3A_138] : memref<8192x768xf32, #tpu.memory_space<hbm>> -> memref<64x768xf32, #tpu.memory_space<hbm>>
    tpu.enqueue_dma source(%arg23 : memref<64x768xf32, #tpu.memory_space<vmem>>) target(%dma_start3A_139 : memref<64x768xf32, #tpu.memory_space<hbm>>) target_semaphore(%arg27 : memref<!tpu.dma_semaphore, #tpu.memory_space<semaphore_mem>>)
    %dma_wait3A_140 = arith.constant 0 : i32
    %dma_wait3A_141 = tpu.memref_slice %arg9[%add3A_131, %dma_wait3A_140] : memref<8192x768xf32, #tpu.memory_space<hbm>> -> memref<64x768xf32, #tpu.memory_space<hbm>>
    %dma_wait3A_142 = arith.constant 0 : i32
    %dma_wait3A_143 = tpu.memref_slice %arg9[%add3A_131, %dma_wait3A_142] : memref<8192x768xf32, #tpu.memory_space<hbm>> -> memref<64x768xf32, #tpu.memory_space<hbm>>
    tpu.wait_dma2 semaphore(%arg27 : memref<!tpu.dma_semaphore, #tpu.memory_space<semaphore_mem>>) src(%arg23 : memref<64x768xf32, #tpu.memory_space<vmem>>) dst(%dma_wait3A_143 : memref<64x768xf32, #tpu.memory_space<hbm>>)
    %dma_wait3A_144 = arith.constant 0 : i32
    %dma_wait3A_145 = tpu.memref_slice %arg15[%add3A_131, %dma_wait3A_144] : memref<8192x768xf32, #tpu.memory_space<hbm>> -> memref<64x768xf32, #tpu.memory_space<hbm>>
    %dma_wait3A_146 = arith.constant 0 : i32
    %dma_wait3A_147 = tpu.memref_slice %arg15[%add3A_131, %dma_wait3A_146] : memref<8192x768xf32, #tpu.memory_space<hbm>> -> memref<64x768xf32, #tpu.memory_space<hbm>>
    tpu.wait_dma2 semaphore(%arg27 : memref<!tpu.dma_semaphore, #tpu.memory_space<semaphore_mem>>) src(%arg23 : memref<64x768xf32, #tpu.memory_space<vmem>>) dst(%dma_wait3A_147 : memref<64x768xf32, #tpu.memory_space<hbm>>)
    %dma_start3A_148 = arith.constant 64 : i32
    %dma_start3A_149 = tpu.memref_slice %arg21[%dma_start3A_148] : memref<256xi32, #tpu.memory_space<vmem>> -> memref<64xi32, #tpu.memory_space<vmem>>
    %dma_start3A_150 = arith.constant 0 : i32
    %dma_start3A_151 = arith.constant 0 : i32
    %dma_start3A_152 = tpu.memref_slice %arg4[%dma_start3A_150, %dma_start3A_151] : memref<100000x768xf32, #tpu.memory_space<hbm>> -> memref<100000x768xf32, #tpu.memory_space<hbm>>
    tpu.enqueue_indirect_dma source(%dma_start3A_152 : memref<100000x768xf32, #tpu.memory_space<hbm>>) target(%arg23 : memref<64x768xf32, #tpu.memory_space<vmem>>) offsets(%dma_start3A_149 : memref<64xi32, #tpu.memory_space<vmem>>) semaphore(%arg25 : memref<!tpu.dma_semaphore, #tpu.memory_space<semaphore_mem>>)
    %dma_wait3A_153 = arith.constant 0 : i32
    %dma_wait3A_154 = tpu.memref_slice %arg21[%dma_wait3A_153] : memref<256xi32, #tpu.memory_space<vmem>> -> memref<64xi32, #tpu.memory_space<vmem>>
    %dma_wait3A_155 = arith.constant 0 : i32
    %dma_wait3A_156 = arith.constant 0 : i32
    %dma_wait3A_157 = tpu.memref_slice %arg4[%dma_wait3A_155, %dma_wait3A_156] : memref<100000x768xf32, #tpu.memory_space<hbm>> -> memref<100000x768xf32, #tpu.memory_space<hbm>>
    tpu.wait_indirect_dma semaphore(%arg24 : memref<!tpu.dma_semaphore, #tpu.memory_space<semaphore_mem>>) src(%dma_wait3A_157 : memref<100000x768xf32, #tpu.memory_space<hbm>>) dst(%arg22 : memref<64x768xf32, #tpu.memory_space<vmem>>)
    %add3A_158 = arith.constant 0 : i32
    %add3A_159 = arith.addi %mul3A_2, %add3A_158 : i32
    %dma_start3A_160 = arith.constant 0 : i32
    %dma_start3A_161 = tpu.memref_slice %arg10[%add3A_159, %dma_start3A_160] : memref<8192x768xf32, #tpu.memory_space<hbm>> -> memref<64x768xf32, #tpu.memory_space<hbm>>
    %dma_start3A_162 = arith.constant 0 : i32
    %dma_start3A_163 = tpu.memref_slice %arg10[%add3A_159, %dma_start3A_162] : memref<8192x768xf32, #tpu.memory_space<hbm>> -> memref<64x768xf32, #tpu.memory_space<hbm>>
    tpu.enqueue_dma source(%arg22 : memref<64x768xf32, #tpu.memory_space<vmem>>) target(%dma_start3A_163 : memref<64x768xf32, #tpu.memory_space<hbm>>) target_semaphore(%arg26 : memref<!tpu.dma_semaphore, #tpu.memory_space<semaphore_mem>>)
    %dma_start3A_164 = arith.constant 0 : i32
    %dma_start3A_165 = tpu.memref_slice %arg16[%add3A_159, %dma_start3A_164] : memref<8192x768xf32, #tpu.memory_space<hbm>> -> memref<64x768xf32, #tpu.memory_space<hbm>>
    %dma_start3A_166 = arith.constant 0 : i32
    %dma_start3A_167 = tpu.memref_slice %arg16[%add3A_159, %dma_start3A_166] : memref<8192x768xf32, #tpu.memory_space<hbm>> -> memref<64x768xf32, #tpu.memory_space<hbm>>
    tpu.enqueue_dma source(%arg22 : memref<64x768xf32, #tpu.memory_space<vmem>>) target(%dma_start3A_167 : memref<64x768xf32, #tpu.memory_space<hbm>>) target_semaphore(%arg26 : memref<!tpu.dma_semaphore, #tpu.memory_space<semaphore_mem>>)
    %dma_wait3A_168 = arith.constant 0 : i32
    %dma_wait3A_169 = tpu.memref_slice %arg10[%add3A_159, %dma_wait3A_168] : memref<8192x768xf32, #tpu.memory_space<hbm>> -> memref<64x768xf32, #tpu.memory_space<hbm>>
    %dma_wait3A_170 = arith.constant 0 : i32
    %dma_wait3A_171 = tpu.memref_slice %arg10[%add3A_159, %dma_wait3A_170] : memref<8192x768xf32, #tpu.memory_space<hbm>> -> memref<64x768xf32, #tpu.memory_space<hbm>>
    tpu.wait_dma2 semaphore(%arg26 : memref<!tpu.dma_semaphore, #tpu.memory_space<semaphore_mem>>) src(%arg22 : memref<64x768xf32, #tpu.memory_space<vmem>>) dst(%dma_wait3A_171 : memref<64x768xf32, #tpu.memory_space<hbm>>)
    %dma_wait3A_172 = arith.constant 0 : i32
    %dma_wait3A_173 = tpu.memref_slice %arg16[%add3A_159, %dma_wait3A_172] : memref<8192x768xf32, #tpu.memory_space<hbm>> -> memref<64x768xf32, #tpu.memory_space<hbm>>
    %dma_wait3A_174 = arith.constant 0 : i32
    %dma_wait3A_175 = tpu.memref_slice %arg16[%add3A_159, %dma_wait3A_174] : memref<8192x768xf32, #tpu.memory_space<hbm>> -> memref<64x768xf32, #tpu.memory_space<hbm>>
    tpu.wait_dma2 semaphore(%arg26 : memref<!tpu.dma_semaphore, #tpu.memory_space<semaphore_mem>>) src(%arg22 : memref<64x768xf32, #tpu.memory_space<vmem>>) dst(%dma_wait3A_175 : memref<64x768xf32, #tpu.memory_space<hbm>>)
    %dma_start3A_176 = arith.constant 128 : i32
    %dma_start3A_177 = tpu.memref_slice %arg21[%dma_start3A_176] : memref<256xi32, #tpu.memory_space<vmem>> -> memref<64xi32, #tpu.memory_space<vmem>>
    %dma_start3A_178 = arith.constant 0 : i32
    %dma_start3A_179 = arith.constant 0 : i32
    %dma_start3A_180 = tpu.memref_slice %arg4[%dma_start3A_178, %dma_start3A_179] : memref<100000x768xf32, #tpu.memory_space<hbm>> -> memref<100000x768xf32, #tpu.memory_space<hbm>>
    tpu.enqueue_indirect_dma source(%dma_start3A_180 : memref<100000x768xf32, #tpu.memory_space<hbm>>) target(%arg22 : memref<64x768xf32, #tpu.memory_space<vmem>>) offsets(%dma_start3A_177 : memref<64xi32, #tpu.memory_space<vmem>>) semaphore(%arg24 : memref<!tpu.dma_semaphore, #tpu.memory_space<semaphore_mem>>)
    %dma_wait3A_181 = arith.constant 64 : i32
    %dma_wait3A_182 = tpu.memref_slice %arg21[%dma_wait3A_181] : memref<256xi32, #tpu.memory_space<vmem>> -> memref<64xi32, #tpu.memory_space<vmem>>
    %dma_wait3A_183 = arith.constant 0 : i32
    %dma_wait3A_184 = arith.constant 0 : i32
    %dma_wait3A_185 = tpu.memref_slice %arg4[%dma_wait3A_183, %dma_wait3A_184] : memref<100000x768xf32, #tpu.memory_space<hbm>> -> memref<100000x768xf32, #tpu.memory_space<hbm>>
    tpu.wait_indirect_dma semaphore(%arg25 : memref<!tpu.dma_semaphore, #tpu.memory_space<semaphore_mem>>) src(%dma_wait3A_185 : memref<100000x768xf32, #tpu.memory_space<hbm>>) dst(%arg23 : memref<64x768xf32, #tpu.memory_space<vmem>>)
    %add3A_186 = arith.constant 64 : i32
    %add3A_187 = arith.addi %mul3A_2, %add3A_186 : i32
    %dma_start3A_188 = arith.constant 0 : i32
    %dma_start3A_189 = tpu.memref_slice %arg10[%add3A_187, %dma_start3A_188] : memref<8192x768xf32, #tpu.memory_space<hbm>> -> memref<64x768xf32, #tpu.memory_space<hbm>>
    %dma_start3A_190 = arith.constant 0 : i32
    %dma_start3A_191 = tpu.memref_slice %arg10[%add3A_187, %dma_start3A_190] : memref<8192x768xf32, #tpu.memory_space<hbm>> -> memref<64x768xf32, #tpu.memory_space<hbm>>
    tpu.enqueue_dma source(%arg23 : memref<64x768xf32, #tpu.memory_space<vmem>>) target(%dma_start3A_191 : memref<64x768xf32, #tpu.memory_space<hbm>>) target_semaphore(%arg27 : memref<!tpu.dma_semaphore, #tpu.memory_space<semaphore_mem>>)
    %dma_start3A_192 = arith.constant 0 : i32
    %dma_start3A_193 = tpu.memref_slice %arg16[%add3A_187, %dma_start3A_192] : memref<8192x768xf32, #tpu.memory_space<hbm>> -> memref<64x768xf32, #tpu.memory_space<hbm>>
    %dma_start3A_194 = arith.constant 0 : i32
    %dma_start3A_195 = tpu.memref_slice %arg16[%add3A_187, %dma_start3A_194] : memref<8192x768xf32, #tpu.memory_space<hbm>> -> memref<64x768xf32, #tpu.memory_space<hbm>>
    tpu.enqueue_dma source(%arg23 : memref<64x768xf32, #tpu.memory_space<vmem>>) target(%dma_start3A_195 : memref<64x768xf32, #tpu.memory_space<hbm>>) target_semaphore(%arg27 : memref<!tpu.dma_semaphore, #tpu.memory_space<semaphore_mem>>)
    %dma_wait3A_196 = arith.constant 0 : i32
    %dma_wait3A_197 = tpu.memref_slice %arg10[%add3A_187, %dma_wait3A_196] : memref<8192x768xf32, #tpu.memory_space<hbm>> -> memref<64x768xf32, #tpu.memory_space<hbm>>
    %dma_wait3A_198 = arith.constant 0 : i32
    %dma_wait3A_199 = tpu.memref_slice %arg10[%add3A_187, %dma_wait3A_198] : memref<8192x768xf32, #tpu.memory_space<hbm>> -> memref<64x768xf32, #tpu.memory_space<hbm>>
    tpu.wait_dma2 semaphore(%arg27 : memref<!tpu.dma_semaphore, #tpu.memory_space<semaphore_mem>>) src(%arg23 : memref<64x768xf32, #tpu.memory_space<vmem>>) dst(%dma_wait3A_199 : memref<64x768xf32, #tpu.memory_space<hbm>>)
    %dma_wait3A_200 = arith.constant 0 : i32
    %dma_wait3A_201 = tpu.memref_slice %arg16[%add3A_187, %dma_wait3A_200] : memref<8192x768xf32, #tpu.memory_space<hbm>> -> memref<64x768xf32, #tpu.memory_space<hbm>>
    %dma_wait3A_202 = arith.constant 0 : i32
    %dma_wait3A_203 = tpu.memref_slice %arg16[%add3A_187, %dma_wait3A_202] : memref<8192x768xf32, #tpu.memory_space<hbm>> -> memref<64x768xf32, #tpu.memory_space<hbm>>
    tpu.wait_dma2 semaphore(%arg27 : memref<!tpu.dma_semaphore, #tpu.memory_space<semaphore_mem>>) src(%arg23 : memref<64x768xf32, #tpu.memory_space<vmem>>) dst(%dma_wait3A_203 : memref<64x768xf32, #tpu.memory_space<hbm>>)
    %dma_start3A_204 = arith.constant 192 : i32
    %dma_start3A_205 = tpu.memref_slice %arg21[%dma_start3A_204] : memref<256xi32, #tpu.memory_space<vmem>> -> memref<64xi32, #tpu.memory_space<vmem>>
    %dma_start3A_206 = arith.constant 0 : i32
    %dma_start3A_207 = arith.constant 0 : i32
    %dma_start3A_208 = tpu.memref_slice %arg4[%dma_start3A_206, %dma_start3A_207] : memref<100000x768xf32, #tpu.memory_space<hbm>> -> memref<100000x768xf32, #tpu.memory_space<hbm>>
    tpu.enqueue_indirect_dma source(%dma_start3A_208 : memref<100000x768xf32, #tpu.memory_space<hbm>>) target(%arg23 : memref<64x768xf32, #tpu.memory_space<vmem>>) offsets(%dma_start3A_205 : memref<64xi32, #tpu.memory_space<vmem>>) semaphore(%arg25 : memref<!tpu.dma_semaphore, #tpu.memory_space<semaphore_mem>>)
    %dma_wait3A_209 = arith.constant 128 : i32
    %dma_wait3A_210 = tpu.memref_slice %arg21[%dma_wait3A_209] : memref<256xi32, #tpu.memory_space<vmem>> -> memref<64xi32, #tpu.memory_space<vmem>>
    %dma_wait3A_211 = arith.constant 0 : i32
    %dma_wait3A_212 = arith.constant 0 : i32
    %dma_wait3A_213 = tpu.memref_slice %arg4[%dma_wait3A_211, %dma_wait3A_212] : memref<100000x768xf32, #tpu.memory_space<hbm>> -> memref<100000x768xf32, #tpu.memory_space<hbm>>
    tpu.wait_indirect_dma semaphore(%arg24 : memref<!tpu.dma_semaphore, #tpu.memory_space<semaphore_mem>>) src(%dma_wait3A_213 : memref<100000x768xf32, #tpu.memory_space<hbm>>) dst(%arg22 : memref<64x768xf32, #tpu.memory_space<vmem>>)
    %add3A_214 = arith.constant 128 : i32
    %add3A_215 = arith.addi %mul3A_2, %add3A_214 : i32
    %dma_start3A_216 = arith.constant 0 : i32
    %dma_start3A_217 = tpu.memref_slice %arg10[%add3A_215, %dma_start3A_216] : memref<8192x768xf32, #tpu.memory_space<hbm>> -> memref<64x768xf32, #tpu.memory_space<hbm>>
    %dma_start3A_218 = arith.constant 0 : i32
    %dma_start3A_219 = tpu.memref_slice %arg10[%add3A_215, %dma_start3A_218] : memref<8192x768xf32, #tpu.memory_space<hbm>> -> memref<64x768xf32, #tpu.memory_space<hbm>>
    tpu.enqueue_dma source(%arg22 : memref<64x768xf32, #tpu.memory_space<vmem>>) target(%dma_start3A_219 : memref<64x768xf32, #tpu.memory_space<hbm>>) target_semaphore(%arg26 : memref<!tpu.dma_semaphore, #tpu.memory_space<semaphore_mem>>)
    %dma_start3A_220 = arith.constant 0 : i32
    %dma_start3A_221 = tpu.memref_slice %arg16[%add3A_215, %dma_start3A_220] : memref<8192x768xf32, #tpu.memory_space<hbm>> -> memref<64x768xf32, #tpu.memory_space<hbm>>
    %dma_start3A_222 = arith.constant 0 : i32
    %dma_start3A_223 = tpu.memref_slice %arg16[%add3A_215, %dma_start3A_222] : memref<8192x768xf32, #tpu.memory_space<hbm>> -> memref<64x768xf32, #tpu.memory_space<hbm>>
    tpu.enqueue_dma source(%arg22 : memref<64x768xf32, #tpu.memory_space<vmem>>) target(%dma_start3A_223 : memref<64x768xf32, #tpu.memory_space<hbm>>) target_semaphore(%arg26 : memref<!tpu.dma_semaphore, #tpu.memory_space<semaphore_mem>>)
    %dma_wait3A_224 = arith.constant 0 : i32
    %dma_wait3A_225 = tpu.memref_slice %arg10[%add3A_215, %dma_wait3A_224] : memref<8192x768xf32, #tpu.memory_space<hbm>> -> memref<64x768xf32, #tpu.memory_space<hbm>>
    %dma_wait3A_226 = arith.constant 0 : i32
    %dma_wait3A_227 = tpu.memref_slice %arg10[%add3A_215, %dma_wait3A_226] : memref<8192x768xf32, #tpu.memory_space<hbm>> -> memref<64x768xf32, #tpu.memory_space<hbm>>
    tpu.wait_dma2 semaphore(%arg26 : memref<!tpu.dma_semaphore, #tpu.memory_space<semaphore_mem>>) src(%arg22 : memref<64x768xf32, #tpu.memory_space<vmem>>) dst(%dma_wait3A_227 : memref<64x768xf32, #tpu.memory_space<hbm>>)
    %dma_wait3A_228 = arith.constant 0 : i32
    %dma_wait3A_229 = tpu.memref_slice %arg16[%add3A_215, %dma_wait3A_228] : memref<8192x768xf32, #tpu.memory_space<hbm>> -> memref<64x768xf32, #tpu.memory_space<hbm>>
    %dma_wait3A_230 = arith.constant 0 : i32
    %dma_wait3A_231 = tpu.memref_slice %arg16[%add3A_215, %dma_wait3A_230] : memref<8192x768xf32, #tpu.memory_space<hbm>> -> memref<64x768xf32, #tpu.memory_space<hbm>>
    tpu.wait_dma2 semaphore(%arg26 : memref<!tpu.dma_semaphore, #tpu.memory_space<semaphore_mem>>) src(%arg22 : memref<64x768xf32, #tpu.memory_space<vmem>>) dst(%dma_wait3A_231 : memref<64x768xf32, #tpu.memory_space<hbm>>)
    %dma_start3A_232 = arith.constant 0 : i32
    %dma_start3A_233 = tpu.memref_slice %arg21[%dma_start3A_232] : memref<256xi32, #tpu.memory_space<vmem>> -> memref<64xi32, #tpu.memory_space<vmem>>
    %dma_start3A_234 = arith.constant 0 : i32
    %dma_start3A_235 = arith.constant 0 : i32
    %dma_start3A_236 = tpu.memref_slice %arg5[%dma_start3A_234, %dma_start3A_235] : memref<100000x768xf32, #tpu.memory_space<hbm>> -> memref<100000x768xf32, #tpu.memory_space<hbm>>
    tpu.enqueue_indirect_dma source(%dma_start3A_236 : memref<100000x768xf32, #tpu.memory_space<hbm>>) target(%arg22 : memref<64x768xf32, #tpu.memory_space<vmem>>) offsets(%dma_start3A_233 : memref<64xi32, #tpu.memory_space<vmem>>) semaphore(%arg24 : memref<!tpu.dma_semaphore, #tpu.memory_space<semaphore_mem>>)
    %dma_wait3A_237 = arith.constant 192 : i32
    %dma_wait3A_238 = tpu.memref_slice %arg21[%dma_wait3A_237] : memref<256xi32, #tpu.memory_space<vmem>> -> memref<64xi32, #tpu.memory_space<vmem>>
    %dma_wait3A_239 = arith.constant 0 : i32
    %dma_wait3A_240 = arith.constant 0 : i32
    %dma_wait3A_241 = tpu.memref_slice %arg4[%dma_wait3A_239, %dma_wait3A_240] : memref<100000x768xf32, #tpu.memory_space<hbm>> -> memref<100000x768xf32, #tpu.memory_space<hbm>>
    tpu.wait_indirect_dma semaphore(%arg25 : memref<!tpu.dma_semaphore, #tpu.memory_space<semaphore_mem>>) src(%dma_wait3A_241 : memref<100000x768xf32, #tpu.memory_space<hbm>>) dst(%arg23 : memref<64x768xf32, #tpu.memory_space<vmem>>)
    %add3A_242 = arith.constant 192 : i32
    %add3A_243 = arith.addi %mul3A_2, %add3A_242 : i32
    %dma_start3A_244 = arith.constant 0 : i32
    %dma_start3A_245 = tpu.memref_slice %arg10[%add3A_243, %dma_start3A_244] : memref<8192x768xf32, #tpu.memory_space<hbm>> -> memref<64x768xf32, #tpu.memory_space<hbm>>
    %dma_start3A_246 = arith.constant 0 : i32
    %dma_start3A_247 = tpu.memref_slice %arg10[%add3A_243, %dma_start3A_246] : memref<8192x768xf32, #tpu.memory_space<hbm>> -> memref<64x768xf32, #tpu.memory_space<hbm>>
    tpu.enqueue_dma source(%arg23 : memref<64x768xf32, #tpu.memory_space<vmem>>) target(%dma_start3A_247 : memref<64x768xf32, #tpu.memory_space<hbm>>) target_semaphore(%arg27 : memref<!tpu.dma_semaphore, #tpu.memory_space<semaphore_mem>>)
    %dma_start3A_248 = arith.constant 0 : i32
    %dma_start3A_249 = tpu.memref_slice %arg16[%add3A_243, %dma_start3A_248] : memref<8192x768xf32, #tpu.memory_space<hbm>> -> memref<64x768xf32, #tpu.memory_space<hbm>>
    %dma_start3A_250 = arith.constant 0 : i32
    %dma_start3A_251 = tpu.memref_slice %arg16[%add3A_243, %dma_start3A_250] : memref<8192x768xf32, #tpu.memory_space<hbm>> -> memref<64x768xf32, #tpu.memory_space<hbm>>
    tpu.enqueue_dma source(%arg23 : memref<64x768xf32, #tpu.memory_space<vmem>>) target(%dma_start3A_251 : memref<64x768xf32, #tpu.memory_space<hbm>>) target_semaphore(%arg27 : memref<!tpu.dma_semaphore, #tpu.memory_space<semaphore_mem>>)
    %dma_wait3A_252 = arith.constant 0 : i32
    %dma_wait3A_253 = tpu.memref_slice %arg10[%add3A_243, %dma_wait3A_252] : memref<8192x768xf32, #tpu.memory_space<hbm>> -> memref<64x768xf32, #tpu.memory_space<hbm>>
    %dma_wait3A_254 = arith.constant 0 : i32
    %dma_wait3A_255 = tpu.memref_slice %arg10[%add3A_243, %dma_wait3A_254] : memref<8192x768xf32, #tpu.memory_space<hbm>> -> memref<64x768xf32, #tpu.memory_space<hbm>>
    tpu.wait_dma2 semaphore(%arg27 : memref<!tpu.dma_semaphore, #tpu.memory_space<semaphore_mem>>) src(%arg23 : memref<64x768xf32, #tpu.memory_space<vmem>>) dst(%dma_wait3A_255 : memref<64x768xf32, #tpu.memory_space<hbm>>)
    %dma_wait3A_256 = arith.constant 0 : i32
    %dma_wait3A_257 = tpu.memref_slice %arg16[%add3A_243, %dma_wait3A_256] : memref<8192x768xf32, #tpu.memory_space<hbm>> -> memref<64x768xf32, #tpu.memory_space<hbm>>
    %dma_wait3A_258 = arith.constant 0 : i32
    %dma_wait3A_259 = tpu.memref_slice %arg16[%add3A_243, %dma_wait3A_258] : memref<8192x768xf32, #tpu.memory_space<hbm>> -> memref<64x768xf32, #tpu.memory_space<hbm>>
    tpu.wait_dma2 semaphore(%arg27 : memref<!tpu.dma_semaphore, #tpu.memory_space<semaphore_mem>>) src(%arg23 : memref<64x768xf32, #tpu.memory_space<vmem>>) dst(%dma_wait3A_259 : memref<64x768xf32, #tpu.memory_space<hbm>>)
    %dma_start3A_260 = arith.constant 64 : i32
    %dma_start3A_261 = tpu.memref_slice %arg21[%dma_start3A_260] : memref<256xi32, #tpu.memory_space<vmem>> -> memref<64xi32, #tpu.memory_space<vmem>>
    %dma_start3A_262 = arith.constant 0 : i32
    %dma_start3A_263 = arith.constant 0 : i32
    %dma_start3A_264 = tpu.memref_slice %arg5[%dma_start3A_262, %dma_start3A_263] : memref<100000x768xf32, #tpu.memory_space<hbm>> -> memref<100000x768xf32, #tpu.memory_space<hbm>>
    tpu.enqueue_indirect_dma source(%dma_start3A_264 : memref<100000x768xf32, #tpu.memory_space<hbm>>) target(%arg23 : memref<64x768xf32, #tpu.memory_space<vmem>>) offsets(%dma_start3A_261 : memref<64xi32, #tpu.memory_space<vmem>>) semaphore(%arg25 : memref<!tpu.dma_semaphore, #tpu.memory_space<semaphore_mem>>)
    %dma_wait3A_265 = arith.constant 0 : i32
    %dma_wait3A_266 = tpu.memref_slice %arg21[%dma_wait3A_265] : memref<256xi32, #tpu.memory_space<vmem>> -> memref<64xi32, #tpu.memory_space<vmem>>
    %dma_wait3A_267 = arith.constant 0 : i32
    %dma_wait3A_268 = arith.constant 0 : i32
    %dma_wait3A_269 = tpu.memref_slice %arg5[%dma_wait3A_267, %dma_wait3A_268] : memref<100000x768xf32, #tpu.memory_space<hbm>> -> memref<100000x768xf32, #tpu.memory_space<hbm>>
    tpu.wait_indirect_dma semaphore(%arg24 : memref<!tpu.dma_semaphore, #tpu.memory_space<semaphore_mem>>) src(%dma_wait3A_269 : memref<100000x768xf32, #tpu.memory_space<hbm>>) dst(%arg22 : memref<64x768xf32, #tpu.memory_space<vmem>>)
    %add3A_270 = arith.constant 0 : i32
    %add3A_271 = arith.addi %mul3A_2, %add3A_270 : i32
    %dma_start3A_272 = arith.constant 0 : i32
    %dma_start3A_273 = tpu.memref_slice %arg11[%add3A_271, %dma_start3A_272] : memref<8192x768xf32, #tpu.memory_space<hbm>> -> memref<64x768xf32, #tpu.memory_space<hbm>>
    %dma_start3A_274 = arith.constant 0 : i32
    %dma_start3A_275 = tpu.memref_slice %arg11[%add3A_271, %dma_start3A_274] : memref<8192x768xf32, #tpu.memory_space<hbm>> -> memref<64x768xf32, #tpu.memory_space<hbm>>
    tpu.enqueue_dma source(%arg22 : memref<64x768xf32, #tpu.memory_space<vmem>>) target(%dma_start3A_275 : memref<64x768xf32, #tpu.memory_space<hbm>>) target_semaphore(%arg26 : memref<!tpu.dma_semaphore, #tpu.memory_space<semaphore_mem>>)
    %dma_start3A_276 = arith.constant 0 : i32
    %dma_start3A_277 = tpu.memref_slice %arg17[%add3A_271, %dma_start3A_276] : memref<8192x768xf32, #tpu.memory_space<hbm>> -> memref<64x768xf32, #tpu.memory_space<hbm>>
    %dma_start3A_278 = arith.constant 0 : i32
    %dma_start3A_279 = tpu.memref_slice %arg17[%add3A_271, %dma_start3A_278] : memref<8192x768xf32, #tpu.memory_space<hbm>> -> memref<64x768xf32, #tpu.memory_space<hbm>>
    tpu.enqueue_dma source(%arg22 : memref<64x768xf32, #tpu.memory_space<vmem>>) target(%dma_start3A_279 : memref<64x768xf32, #tpu.memory_space<hbm>>) target_semaphore(%arg26 : memref<!tpu.dma_semaphore, #tpu.memory_space<semaphore_mem>>)
    %dma_wait3A_280 = arith.constant 0 : i32
    %dma_wait3A_281 = tpu.memref_slice %arg11[%add3A_271, %dma_wait3A_280] : memref<8192x768xf32, #tpu.memory_space<hbm>> -> memref<64x768xf32, #tpu.memory_space<hbm>>
    %dma_wait3A_282 = arith.constant 0 : i32
    %dma_wait3A_283 = tpu.memref_slice %arg11[%add3A_271, %dma_wait3A_282] : memref<8192x768xf32, #tpu.memory_space<hbm>> -> memref<64x768xf32, #tpu.memory_space<hbm>>
    tpu.wait_dma2 semaphore(%arg26 : memref<!tpu.dma_semaphore, #tpu.memory_space<semaphore_mem>>) src(%arg22 : memref<64x768xf32, #tpu.memory_space<vmem>>) dst(%dma_wait3A_283 : memref<64x768xf32, #tpu.memory_space<hbm>>)
    %dma_wait3A_284 = arith.constant 0 : i32
    %dma_wait3A_285 = tpu.memref_slice %arg17[%add3A_271, %dma_wait3A_284] : memref<8192x768xf32, #tpu.memory_space<hbm>> -> memref<64x768xf32, #tpu.memory_space<hbm>>
    %dma_wait3A_286 = arith.constant 0 : i32
    %dma_wait3A_287 = tpu.memref_slice %arg17[%add3A_271, %dma_wait3A_286] : memref<8192x768xf32, #tpu.memory_space<hbm>> -> memref<64x768xf32, #tpu.memory_space<hbm>>
    tpu.wait_dma2 semaphore(%arg26 : memref<!tpu.dma_semaphore, #tpu.memory_space<semaphore_mem>>) src(%arg22 : memref<64x768xf32, #tpu.memory_space<vmem>>) dst(%dma_wait3A_287 : memref<64x768xf32, #tpu.memory_space<hbm>>)
    %dma_start3A_288 = arith.constant 128 : i32
    %dma_start3A_289 = tpu.memref_slice %arg21[%dma_start3A_288] : memref<256xi32, #tpu.memory_space<vmem>> -> memref<64xi32, #tpu.memory_space<vmem>>
    %dma_start3A_290 = arith.constant 0 : i32
    %dma_start3A_291 = arith.constant 0 : i32
    %dma_start3A_292 = tpu.memref_slice %arg5[%dma_start3A_290, %dma_start3A_291] : memref<100000x768xf32, #tpu.memory_space<hbm>> -> memref<100000x768xf32, #tpu.memory_space<hbm>>
    tpu.enqueue_indirect_dma source(%dma_start3A_292 : memref<100000x768xf32, #tpu.memory_space<hbm>>) target(%arg22 : memref<64x768xf32, #tpu.memory_space<vmem>>) offsets(%dma_start3A_289 : memref<64xi32, #tpu.memory_space<vmem>>) semaphore(%arg24 : memref<!tpu.dma_semaphore, #tpu.memory_space<semaphore_mem>>)
    %dma_wait3A_293 = arith.constant 64 : i32
    %dma_wait3A_294 = tpu.memref_slice %arg21[%dma_wait3A_293] : memref<256xi32, #tpu.memory_space<vmem>> -> memref<64xi32, #tpu.memory_space<vmem>>
    %dma_wait3A_295 = arith.constant 0 : i32
    %dma_wait3A_296 = arith.constant 0 : i32
    %dma_wait3A_297 = tpu.memref_slice %arg5[%dma_wait3A_295, %dma_wait3A_296] : memref<100000x768xf32, #tpu.memory_space<hbm>> -> memref<100000x768xf32, #tpu.memory_space<hbm>>
    tpu.wait_indirect_dma semaphore(%arg25 : memref<!tpu.dma_semaphore, #tpu.memory_space<semaphore_mem>>) src(%dma_wait3A_297 : memref<100000x768xf32, #tpu.memory_space<hbm>>) dst(%arg23 : memref<64x768xf32, #tpu.memory_space<vmem>>)
    %add3A_298 = arith.constant 64 : i32
    %add3A_299 = arith.addi %mul3A_2, %add3A_298 : i32
    %dma_start3A_300 = arith.constant 0 : i32
    %dma_start3A_301 = tpu.memref_slice %arg11[%add3A_299, %dma_start3A_300] : memref<8192x768xf32, #tpu.memory_space<hbm>> -> memref<64x768xf32, #tpu.memory_space<hbm>>
    %dma_start3A_302 = arith.constant 0 : i32
    %dma_start3A_303 = tpu.memref_slice %arg11[%add3A_299, %dma_start3A_302] : memref<8192x768xf32, #tpu.memory_space<hbm>> -> memref<64x768xf32, #tpu.memory_space<hbm>>
    tpu.enqueue_dma source(%arg23 : memref<64x768xf32, #tpu.memory_space<vmem>>) target(%dma_start3A_303 : memref<64x768xf32, #tpu.memory_space<hbm>>) target_semaphore(%arg27 : memref<!tpu.dma_semaphore, #tpu.memory_space<semaphore_mem>>)
    %dma_start3A_304 = arith.constant 0 : i32
    %dma_start3A_305 = tpu.memref_slice %arg17[%add3A_299, %dma_start3A_304] : memref<8192x768xf32, #tpu.memory_space<hbm>> -> memref<64x768xf32, #tpu.memory_space<hbm>>
    %dma_start3A_306 = arith.constant 0 : i32
    %dma_start3A_307 = tpu.memref_slice %arg17[%add3A_299, %dma_start3A_306] : memref<8192x768xf32, #tpu.memory_space<hbm>> -> memref<64x768xf32, #tpu.memory_space<hbm>>
    tpu.enqueue_dma source(%arg23 : memref<64x768xf32, #tpu.memory_space<vmem>>) target(%dma_start3A_307 : memref<64x768xf32, #tpu.memory_space<hbm>>) target_semaphore(%arg27 : memref<!tpu.dma_semaphore, #tpu.memory_space<semaphore_mem>>)
    %dma_wait3A_308 = arith.constant 0 : i32
    %dma_wait3A_309 = tpu.memref_slice %arg11[%add3A_299, %dma_wait3A_308] : memref<8192x768xf32, #tpu.memory_space<hbm>> -> memref<64x768xf32, #tpu.memory_space<hbm>>
    %dma_wait3A_310 = arith.constant 0 : i32
    %dma_wait3A_311 = tpu.memref_slice %arg11[%add3A_299, %dma_wait3A_310] : memref<8192x768xf32, #tpu.memory_space<hbm>> -> memref<64x768xf32, #tpu.memory_space<hbm>>
    tpu.wait_dma2 semaphore(%arg27 : memref<!tpu.dma_semaphore, #tpu.memory_space<semaphore_mem>>) src(%arg23 : memref<64x768xf32, #tpu.memory_space<vmem>>) dst(%dma_wait3A_311 : memref<64x768xf32, #tpu.memory_space<hbm>>)
    %dma_wait3A_312 = arith.constant 0 : i32
    %dma_wait3A_313 = tpu.memref_slice %arg17[%add3A_299, %dma_wait3A_312] : memref<8192x768xf32, #tpu.memory_space<hbm>> -> memref<64x768xf32, #tpu.memory_space<hbm>>
    %dma_wait3A_314 = arith.constant 0 : i32
    %dma_wait3A_315 = tpu.memref_slice %arg17[%add3A_299, %dma_wait3A_314] : memref<8192x768xf32, #tpu.memory_space<hbm>> -> memref<64x768xf32, #tpu.memory_space<hbm>>
    tpu.wait_dma2 semaphore(%arg27 : memref<!tpu.dma_semaphore, #tpu.memory_space<semaphore_mem>>) src(%arg23 : memref<64x768xf32, #tpu.memory_space<vmem>>) dst(%dma_wait3A_315 : memref<64x768xf32, #tpu.memory_space<hbm>>)
    %dma_start3A_316 = arith.constant 192 : i32
    %dma_start3A_317 = tpu.memref_slice %arg21[%dma_start3A_316] : memref<256xi32, #tpu.memory_space<vmem>> -> memref<64xi32, #tpu.memory_space<vmem>>
    %dma_start3A_318 = arith.constant 0 : i32
    %dma_start3A_319 = arith.constant 0 : i32
    %dma_start3A_320 = tpu.memref_slice %arg5[%dma_start3A_318, %dma_start3A_319] : memref<100000x768xf32, #tpu.memory_space<hbm>> -> memref<100000x768xf32, #tpu.memory_space<hbm>>
    tpu.enqueue_indirect_dma source(%dma_start3A_320 : memref<100000x768xf32, #tpu.memory_space<hbm>>) target(%arg23 : memref<64x768xf32, #tpu.memory_space<vmem>>) offsets(%dma_start3A_317 : memref<64xi32, #tpu.memory_space<vmem>>) semaphore(%arg25 : memref<!tpu.dma_semaphore, #tpu.memory_space<semaphore_mem>>)
    %dma_wait3A_321 = arith.constant 128 : i32
    %dma_wait3A_322 = tpu.memref_slice %arg21[%dma_wait3A_321] : memref<256xi32, #tpu.memory_space<vmem>> -> memref<64xi32, #tpu.memory_space<vmem>>
    %dma_wait3A_323 = arith.constant 0 : i32
    %dma_wait3A_324 = arith.constant 0 : i32
    %dma_wait3A_325 = tpu.memref_slice %arg5[%dma_wait3A_323, %dma_wait3A_324] : memref<100000x768xf32, #tpu.memory_space<hbm>> -> memref<100000x768xf32, #tpu.memory_space<hbm>>
    tpu.wait_indirect_dma semaphore(%arg24 : memref<!tpu.dma_semaphore, #tpu.memory_space<semaphore_mem>>) src(%dma_wait3A_325 : memref<100000x768xf32, #tpu.memory_space<hbm>>) dst(%arg22 : memref<64x768xf32, #tpu.memory_space<vmem>>)
    %add3A_326 = arith.constant 128 : i32
    %add3A_327 = arith.addi %mul3A_2, %add3A_326 : i32
    %dma_start3A_328 = arith.constant 0 : i32
    %dma_start3A_329 = tpu.memref_slice %arg11[%add3A_327, %dma_start3A_328] : memref<8192x768xf32, #tpu.memory_space<hbm>> -> memref<64x768xf32, #tpu.memory_space<hbm>>
    %dma_start3A_330 = arith.constant 0 : i32
    %dma_start3A_331 = tpu.memref_slice %arg11[%add3A_327, %dma_start3A_330] : memref<8192x768xf32, #tpu.memory_space<hbm>> -> memref<64x768xf32, #tpu.memory_space<hbm>>
    tpu.enqueue_dma source(%arg22 : memref<64x768xf32, #tpu.memory_space<vmem>>) target(%dma_start3A_331 : memref<64x768xf32, #tpu.memory_space<hbm>>) target_semaphore(%arg26 : memref<!tpu.dma_semaphore, #tpu.memory_space<semaphore_mem>>)
    %dma_start3A_332 = arith.constant 0 : i32
    %dma_start3A_333 = tpu.memref_slice %arg17[%add3A_327, %dma_start3A_332] : memref<8192x768xf32, #tpu.memory_space<hbm>> -> memref<64x768xf32, #tpu.memory_space<hbm>>
    %dma_start3A_334 = arith.constant 0 : i32
    %dma_start3A_335 = tpu.memref_slice %arg17[%add3A_327, %dma_start3A_334] : memref<8192x768xf32, #tpu.memory_space<hbm>> -> memref<64x768xf32, #tpu.memory_space<hbm>>
    tpu.enqueue_dma source(%arg22 : memref<64x768xf32, #tpu.memory_space<vmem>>) target(%dma_start3A_335 : memref<64x768xf32, #tpu.memory_space<hbm>>) target_semaphore(%arg26 : memref<!tpu.dma_semaphore, #tpu.memory_space<semaphore_mem>>)
    %dma_wait3A_336 = arith.constant 0 : i32
    %dma_wait3A_337 = tpu.memref_slice %arg11[%add3A_327, %dma_wait3A_336] : memref<8192x768xf32, #tpu.memory_space<hbm>> -> memref<64x768xf32, #tpu.memory_space<hbm>>
    %dma_wait3A_338 = arith.constant 0 : i32
    %dma_wait3A_339 = tpu.memref_slice %arg11[%add3A_327, %dma_wait3A_338] : memref<8192x768xf32, #tpu.memory_space<hbm>> -> memref<64x768xf32, #tpu.memory_space<hbm>>
    tpu.wait_dma2 semaphore(%arg26 : memref<!tpu.dma_semaphore, #tpu.memory_space<semaphore_mem>>) src(%arg22 : memref<64x768xf32, #tpu.memory_space<vmem>>) dst(%dma_wait3A_339 : memref<64x768xf32, #tpu.memory_space<hbm>>)
    %dma_wait3A_340 = arith.constant 0 : i32
    %dma_wait3A_341 = tpu.memref_slice %arg17[%add3A_327, %dma_wait3A_340] : memref<8192x768xf32, #tpu.memory_space<hbm>> -> memref<64x768xf32, #tpu.memory_space<hbm>>
    %dma_wait3A_342 = arith.constant 0 : i32
    %dma_wait3A_343 = tpu.memref_slice %arg17[%add3A_327, %dma_wait3A_342] : memref<8192x768xf32, #tpu.memory_space<hbm>> -> memref<64x768xf32, #tpu.memory_space<hbm>>
    tpu.wait_dma2 semaphore(%arg26 : memref<!tpu.dma_semaphore, #tpu.memory_space<semaphore_mem>>) src(%arg22 : memref<64x768xf32, #tpu.memory_space<vmem>>) dst(%dma_wait3A_343 : memref<64x768xf32, #tpu.memory_space<hbm>>)
    %dma_start3A_344 = arith.constant 0 : i32
    %dma_start3A_345 = tpu.memref_slice %arg21[%dma_start3A_344] : memref<256xi32, #tpu.memory_space<vmem>> -> memref<64xi32, #tpu.memory_space<vmem>>
    %dma_start3A_346 = arith.constant 0 : i32
    %dma_start3A_347 = arith.constant 0 : i32
    %dma_start3A_348 = tpu.memref_slice %arg6[%dma_start3A_346, %dma_start3A_347] : memref<100000x768xf32, #tpu.memory_space<hbm>> -> memref<100000x768xf32, #tpu.memory_space<hbm>>
    tpu.enqueue_indirect_dma source(%dma_start3A_348 : memref<100000x768xf32, #tpu.memory_space<hbm>>) target(%arg22 : memref<64x768xf32, #tpu.memory_space<vmem>>) offsets(%dma_start3A_345 : memref<64xi32, #tpu.memory_space<vmem>>) semaphore(%arg24 : memref<!tpu.dma_semaphore, #tpu.memory_space<semaphore_mem>>)
    %dma_wait3A_349 = arith.constant 192 : i32
    %dma_wait3A_350 = tpu.memref_slice %arg21[%dma_wait3A_349] : memref<256xi32, #tpu.memory_space<vmem>> -> memref<64xi32, #tpu.memory_space<vmem>>
    %dma_wait3A_351 = arith.constant 0 : i32
    %dma_wait3A_352 = arith.constant 0 : i32
    %dma_wait3A_353 = tpu.memref_slice %arg5[%dma_wait3A_351, %dma_wait3A_352] : memref<100000x768xf32, #tpu.memory_space<hbm>> -> memref<100000x768xf32, #tpu.memory_space<hbm>>
    tpu.wait_indirect_dma semaphore(%arg25 : memref<!tpu.dma_semaphore, #tpu.memory_space<semaphore_mem>>) src(%dma_wait3A_353 : memref<100000x768xf32, #tpu.memory_space<hbm>>) dst(%arg23 : memref<64x768xf32, #tpu.memory_space<vmem>>)
    %add3A_354 = arith.constant 192 : i32
    %add3A_355 = arith.addi %mul3A_2, %add3A_354 : i32
    %dma_start3A_356 = arith.constant 0 : i32
    %dma_start3A_357 = tpu.memref_slice %arg11[%add3A_355, %dma_start3A_356] : memref<8192x768xf32, #tpu.memory_space<hbm>> -> memref<64x768xf32, #tpu.memory_space<hbm>>
    %dma_start3A_358 = arith.constant 0 : i32
    %dma_start3A_359 = tpu.memref_slice %arg11[%add3A_355, %dma_start3A_358] : memref<8192x768xf32, #tpu.memory_space<hbm>> -> memref<64x768xf32, #tpu.memory_space<hbm>>
    tpu.enqueue_dma source(%arg23 : memref<64x768xf32, #tpu.memory_space<vmem>>) target(%dma_start3A_359 : memref<64x768xf32, #tpu.memory_space<hbm>>) target_semaphore(%arg27 : memref<!tpu.dma_semaphore, #tpu.memory_space<semaphore_mem>>)
    %dma_start3A_360 = arith.constant 0 : i32
    %dma_start3A_361 = tpu.memref_slice %arg17[%add3A_355, %dma_start3A_360] : memref<8192x768xf32, #tpu.memory_space<hbm>> -> memref<64x768xf32, #tpu.memory_space<hbm>>
    %dma_start3A_362 = arith.constant 0 : i32
    %dma_start3A_363 = tpu.memref_slice %arg17[%add3A_355, %dma_start3A_362] : memref<8192x768xf32, #tpu.memory_space<hbm>> -> memref<64x768xf32, #tpu.memory_space<hbm>>
    tpu.enqueue_dma source(%arg23 : memref<64x768xf32, #tpu.memory_space<vmem>>) target(%dma_start3A_363 : memref<64x768xf32, #tpu.memory_space<hbm>>) target_semaphore(%arg27 : memref<!tpu.dma_semaphore, #tpu.memory_space<semaphore_mem>>)
    %dma_wait3A_364 = arith.constant 0 : i32
    %dma_wait3A_365 = tpu.memref_slice %arg11[%add3A_355, %dma_wait3A_364] : memref<8192x768xf32, #tpu.memory_space<hbm>> -> memref<64x768xf32, #tpu.memory_space<hbm>>
    %dma_wait3A_366 = arith.constant 0 : i32
    %dma_wait3A_367 = tpu.memref_slice %arg11[%add3A_355, %dma_wait3A_366] : memref<8192x768xf32, #tpu.memory_space<hbm>> -> memref<64x768xf32, #tpu.memory_space<hbm>>
    tpu.wait_dma2 semaphore(%arg27 : memref<!tpu.dma_semaphore, #tpu.memory_space<semaphore_mem>>) src(%arg23 : memref<64x768xf32, #tpu.memory_space<vmem>>) dst(%dma_wait3A_367 : memref<64x768xf32, #tpu.memory_space<hbm>>)
    %dma_wait3A_368 = arith.constant 0 : i32
    %dma_wait3A_369 = tpu.memref_slice %arg17[%add3A_355, %dma_wait3A_368] : memref<8192x768xf32, #tpu.memory_space<hbm>> -> memref<64x768xf32, #tpu.memory_space<hbm>>
    %dma_wait3A_370 = arith.constant 0 : i32
    %dma_wait3A_371 = tpu.memref_slice %arg17[%add3A_355, %dma_wait3A_370] : memref<8192x768xf32, #tpu.memory_space<hbm>> -> memref<64x768xf32, #tpu.memory_space<hbm>>
    tpu.wait_dma2 semaphore(%arg27 : memref<!tpu.dma_semaphore, #tpu.memory_space<semaphore_mem>>) src(%arg23 : memref<64x768xf32, #tpu.memory_space<vmem>>) dst(%dma_wait3A_371 : memref<64x768xf32, #tpu.memory_space<hbm>>)
    %dma_start3A_372 = arith.constant 64 : i32
    %dma_start3A_373 = tpu.memref_slice %arg21[%dma_start3A_372] : memref<256xi32, #tpu.memory_space<vmem>> -> memref<64xi32, #tpu.memory_space<vmem>>
    %dma_start3A_374 = arith.constant 0 : i32
    %dma_start3A_375 = arith.constant 0 : i32
    %dma_start3A_376 = tpu.memref_slice %arg6[%dma_start3A_374, %dma_start3A_375] : memref<100000x768xf32, #tpu.memory_space<hbm>> -> memref<100000x768xf32, #tpu.memory_space<hbm>>
    tpu.enqueue_indirect_dma source(%dma_start3A_376 : memref<100000x768xf32, #tpu.memory_space<hbm>>) target(%arg23 : memref<64x768xf32, #tpu.memory_space<vmem>>) offsets(%dma_start3A_373 : memref<64xi32, #tpu.memory_space<vmem>>) semaphore(%arg25 : memref<!tpu.dma_semaphore, #tpu.memory_space<semaphore_mem>>)
    %dma_wait3A_377 = arith.constant 0 : i32
    %dma_wait3A_378 = tpu.memref_slice %arg21[%dma_wait3A_377] : memref<256xi32, #tpu.memory_space<vmem>> -> memref<64xi32, #tpu.memory_space<vmem>>
    %dma_wait3A_379 = arith.constant 0 : i32
    %dma_wait3A_380 = arith.constant 0 : i32
    %dma_wait3A_381 = tpu.memref_slice %arg6[%dma_wait3A_379, %dma_wait3A_380] : memref<100000x768xf32, #tpu.memory_space<hbm>> -> memref<100000x768xf32, #tpu.memory_space<hbm>>
    tpu.wait_indirect_dma semaphore(%arg24 : memref<!tpu.dma_semaphore, #tpu.memory_space<semaphore_mem>>) src(%dma_wait3A_381 : memref<100000x768xf32, #tpu.memory_space<hbm>>) dst(%arg22 : memref<64x768xf32, #tpu.memory_space<vmem>>)
    %add3A_382 = arith.constant 0 : i32
    %add3A_383 = arith.addi %mul3A_2, %add3A_382 : i32
    %dma_start3A_384 = arith.constant 0 : i32
    %dma_start3A_385 = tpu.memref_slice %arg12[%add3A_383, %dma_start3A_384] : memref<8192x768xf32, #tpu.memory_space<hbm>> -> memref<64x768xf32, #tpu.memory_space<hbm>>
    %dma_start3A_386 = arith.constant 0 : i32
    %dma_start3A_387 = tpu.memref_slice %arg12[%add3A_383, %dma_start3A_386] : memref<8192x768xf32, #tpu.memory_space<hbm>> -> memref<64x768xf32, #tpu.memory_space<hbm>>
    tpu.enqueue_dma source(%arg22 : memref<64x768xf32, #tpu.memory_space<vmem>>) target(%dma_start3A_387 : memref<64x768xf32, #tpu.memory_space<hbm>>) target_semaphore(%arg26 : memref<!tpu.dma_semaphore, #tpu.memory_space<semaphore_mem>>)
    %dma_start3A_388 = arith.constant 0 : i32
    %dma_start3A_389 = tpu.memref_slice %arg18[%add3A_383, %dma_start3A_388] : memref<8192x768xf32, #tpu.memory_space<hbm>> -> memref<64x768xf32, #tpu.memory_space<hbm>>
    %dma_start3A_390 = arith.constant 0 : i32
    %dma_start3A_391 = tpu.memref_slice %arg18[%add3A_383, %dma_start3A_390] : memref<8192x768xf32, #tpu.memory_space<hbm>> -> memref<64x768xf32, #tpu.memory_space<hbm>>
    tpu.enqueue_dma source(%arg22 : memref<64x768xf32, #tpu.memory_space<vmem>>) target(%dma_start3A_391 : memref<64x768xf32, #tpu.memory_space<hbm>>) target_semaphore(%arg26 : memref<!tpu.dma_semaphore, #tpu.memory_space<semaphore_mem>>)
    %dma_wait3A_392 = arith.constant 0 : i32
    %dma_wait3A_393 = tpu.memref_slice %arg12[%add3A_383, %dma_wait3A_392] : memref<8192x768xf32, #tpu.memory_space<hbm>> -> memref<64x768xf32, #tpu.memory_space<hbm>>
    %dma_wait3A_394 = arith.constant 0 : i32
    %dma_wait3A_395 = tpu.memref_slice %arg12[%add3A_383, %dma_wait3A_394] : memref<8192x768xf32, #tpu.memory_space<hbm>> -> memref<64x768xf32, #tpu.memory_space<hbm>>
    tpu.wait_dma2 semaphore(%arg26 : memref<!tpu.dma_semaphore, #tpu.memory_space<semaphore_mem>>) src(%arg22 : memref<64x768xf32, #tpu.memory_space<vmem>>) dst(%dma_wait3A_395 : memref<64x768xf32, #tpu.memory_space<hbm>>)
    %dma_wait3A_396 = arith.constant 0 : i32
    %dma_wait3A_397 = tpu.memref_slice %arg18[%add3A_383, %dma_wait3A_396] : memref<8192x768xf32, #tpu.memory_space<hbm>> -> memref<64x768xf32, #tpu.memory_space<hbm>>
    %dma_wait3A_398 = arith.constant 0 : i32
    %dma_wait3A_399 = tpu.memref_slice %arg18[%add3A_383, %dma_wait3A_398] : memref<8192x768xf32, #tpu.memory_space<hbm>> -> memref<64x768xf32, #tpu.memory_space<hbm>>
    tpu.wait_dma2 semaphore(%arg26 : memref<!tpu.dma_semaphore, #tpu.memory_space<semaphore_mem>>) src(%arg22 : memref<64x768xf32, #tpu.memory_space<vmem>>) dst(%dma_wait3A_399 : memref<64x768xf32, #tpu.memory_space<hbm>>)
    %dma_start3A_400 = arith.constant 128 : i32
    %dma_start3A_401 = tpu.memref_slice %arg21[%dma_start3A_400] : memref<256xi32, #tpu.memory_space<vmem>> -> memref<64xi32, #tpu.memory_space<vmem>>
    %dma_start3A_402 = arith.constant 0 : i32
    %dma_start3A_403 = arith.constant 0 : i32
    %dma_start3A_404 = tpu.memref_slice %arg6[%dma_start3A_402, %dma_start3A_403] : memref<100000x768xf32, #tpu.memory_space<hbm>> -> memref<100000x768xf32, #tpu.memory_space<hbm>>
    tpu.enqueue_indirect_dma source(%dma_start3A_404 : memref<100000x768xf32, #tpu.memory_space<hbm>>) target(%arg22 : memref<64x768xf32, #tpu.memory_space<vmem>>) offsets(%dma_start3A_401 : memref<64xi32, #tpu.memory_space<vmem>>) semaphore(%arg24 : memref<!tpu.dma_semaphore, #tpu.memory_space<semaphore_mem>>)
    %dma_wait3A_405 = arith.constant 64 : i32
    %dma_wait3A_406 = tpu.memref_slice %arg21[%dma_wait3A_405] : memref<256xi32, #tpu.memory_space<vmem>> -> memref<64xi32, #tpu.memory_space<vmem>>
    %dma_wait3A_407 = arith.constant 0 : i32
    %dma_wait3A_408 = arith.constant 0 : i32
    %dma_wait3A_409 = tpu.memref_slice %arg6[%dma_wait3A_407, %dma_wait3A_408] : memref<100000x768xf32, #tpu.memory_space<hbm>> -> memref<100000x768xf32, #tpu.memory_space<hbm>>
    tpu.wait_indirect_dma semaphore(%arg25 : memref<!tpu.dma_semaphore, #tpu.memory_space<semaphore_mem>>) src(%dma_wait3A_409 : memref<100000x768xf32, #tpu.memory_space<hbm>>) dst(%arg23 : memref<64x768xf32, #tpu.memory_space<vmem>>)
    %add3A_410 = arith.constant 64 : i32
    %add3A_411 = arith.addi %mul3A_2, %add3A_410 : i32
    %dma_start3A_412 = arith.constant 0 : i32
    %dma_start3A_413 = tpu.memref_slice %arg12[%add3A_411, %dma_start3A_412] : memref<8192x768xf32, #tpu.memory_space<hbm>> -> memref<64x768xf32, #tpu.memory_space<hbm>>
    %dma_start3A_414 = arith.constant 0 : i32
    %dma_start3A_415 = tpu.memref_slice %arg12[%add3A_411, %dma_start3A_414] : memref<8192x768xf32, #tpu.memory_space<hbm>> -> memref<64x768xf32, #tpu.memory_space<hbm>>
    tpu.enqueue_dma source(%arg23 : memref<64x768xf32, #tpu.memory_space<vmem>>) target(%dma_start3A_415 : memref<64x768xf32, #tpu.memory_space<hbm>>) target_semaphore(%arg27 : memref<!tpu.dma_semaphore, #tpu.memory_space<semaphore_mem>>)
    %dma_start3A_416 = arith.constant 0 : i32
    %dma_start3A_417 = tpu.memref_slice %arg18[%add3A_411, %dma_start3A_416] : memref<8192x768xf32, #tpu.memory_space<hbm>> -> memref<64x768xf32, #tpu.memory_space<hbm>>
    %dma_start3A_418 = arith.constant 0 : i32
    %dma_start3A_419 = tpu.memref_slice %arg18[%add3A_411, %dma_start3A_418] : memref<8192x768xf32, #tpu.memory_space<hbm>> -> memref<64x768xf32, #tpu.memory_space<hbm>>
    tpu.enqueue_dma source(%arg23 : memref<64x768xf32, #tpu.memory_space<vmem>>) target(%dma_start3A_419 : memref<64x768xf32, #tpu.memory_space<hbm>>) target_semaphore(%arg27 : memref<!tpu.dma_semaphore, #tpu.memory_space<semaphore_mem>>)
    %dma_wait3A_420 = arith.constant 0 : i32
    %dma_wait3A_421 = tpu.memref_slice %arg12[%add3A_411, %dma_wait3A_420] : memref<8192x768xf32, #tpu.memory_space<hbm>> -> memref<64x768xf32, #tpu.memory_space<hbm>>
    %dma_wait3A_422 = arith.constant 0 : i32
    %dma_wait3A_423 = tpu.memref_slice %arg12[%add3A_411, %dma_wait3A_422] : memref<8192x768xf32, #tpu.memory_space<hbm>> -> memref<64x768xf32, #tpu.memory_space<hbm>>
    tpu.wait_dma2 semaphore(%arg27 : memref<!tpu.dma_semaphore, #tpu.memory_space<semaphore_mem>>) src(%arg23 : memref<64x768xf32, #tpu.memory_space<vmem>>) dst(%dma_wait3A_423 : memref<64x768xf32, #tpu.memory_space<hbm>>)
    %dma_wait3A_424 = arith.constant 0 : i32
    %dma_wait3A_425 = tpu.memref_slice %arg18[%add3A_411, %dma_wait3A_424] : memref<8192x768xf32, #tpu.memory_space<hbm>> -> memref<64x768xf32, #tpu.memory_space<hbm>>
    %dma_wait3A_426 = arith.constant 0 : i32
    %dma_wait3A_427 = tpu.memref_slice %arg18[%add3A_411, %dma_wait3A_426] : memref<8192x768xf32, #tpu.memory_space<hbm>> -> memref<64x768xf32, #tpu.memory_space<hbm>>
    tpu.wait_dma2 semaphore(%arg27 : memref<!tpu.dma_semaphore, #tpu.memory_space<semaphore_mem>>) src(%arg23 : memref<64x768xf32, #tpu.memory_space<vmem>>) dst(%dma_wait3A_427 : memref<64x768xf32, #tpu.memory_space<hbm>>)
    %dma_start3A_428 = arith.constant 192 : i32
    %dma_start3A_429 = tpu.memref_slice %arg21[%dma_start3A_428] : memref<256xi32, #tpu.memory_space<vmem>> -> memref<64xi32, #tpu.memory_space<vmem>>
    %dma_start3A_430 = arith.constant 0 : i32
    %dma_start3A_431 = arith.constant 0 : i32
    %dma_start3A_432 = tpu.memref_slice %arg6[%dma_start3A_430, %dma_start3A_431] : memref<100000x768xf32, #tpu.memory_space<hbm>> -> memref<100000x768xf32, #tpu.memory_space<hbm>>
    tpu.enqueue_indirect_dma source(%dma_start3A_432 : memref<100000x768xf32, #tpu.memory_space<hbm>>) target(%arg23 : memref<64x768xf32, #tpu.memory_space<vmem>>) offsets(%dma_start3A_429 : memref<64xi32, #tpu.memory_space<vmem>>) semaphore(%arg25 : memref<!tpu.dma_semaphore, #tpu.memory_space<semaphore_mem>>)
    %dma_wait3A_433 = arith.constant 128 : i32
    %dma_wait3A_434 = tpu.memref_slice %arg21[%dma_wait3A_433] : memref<256xi32, #tpu.memory_space<vmem>> -> memref<64xi32, #tpu.memory_space<vmem>>
    %dma_wait3A_435 = arith.constant 0 : i32
    %dma_wait3A_436 = arith.constant 0 : i32
    %dma_wait3A_437 = tpu.memref_slice %arg6[%dma_wait3A_435, %dma_wait3A_436] : memref<100000x768xf32, #tpu.memory_space<hbm>> -> memref<100000x768xf32, #tpu.memory_space<hbm>>
    tpu.wait_indirect_dma semaphore(%arg24 : memref<!tpu.dma_semaphore, #tpu.memory_space<semaphore_mem>>) src(%dma_wait3A_437 : memref<100000x768xf32, #tpu.memory_space<hbm>>) dst(%arg22 : memref<64x768xf32, #tpu.memory_space<vmem>>)
    %add3A_438 = arith.constant 128 : i32
    %add3A_439 = arith.addi %mul3A_2, %add3A_438 : i32
    %dma_start3A_440 = arith.constant 0 : i32
    %dma_start3A_441 = tpu.memref_slice %arg12[%add3A_439, %dma_start3A_440] : memref<8192x768xf32, #tpu.memory_space<hbm>> -> memref<64x768xf32, #tpu.memory_space<hbm>>
    %dma_start3A_442 = arith.constant 0 : i32
    %dma_start3A_443 = tpu.memref_slice %arg12[%add3A_439, %dma_start3A_442] : memref<8192x768xf32, #tpu.memory_space<hbm>> -> memref<64x768xf32, #tpu.memory_space<hbm>>
    tpu.enqueue_dma source(%arg22 : memref<64x768xf32, #tpu.memory_space<vmem>>) target(%dma_start3A_443 : memref<64x768xf32, #tpu.memory_space<hbm>>) target_semaphore(%arg26 : memref<!tpu.dma_semaphore, #tpu.memory_space<semaphore_mem>>)
    %dma_start3A_444 = arith.constant 0 : i32
    %dma_start3A_445 = tpu.memref_slice %arg18[%add3A_439, %dma_start3A_444] : memref<8192x768xf32, #tpu.memory_space<hbm>> -> memref<64x768xf32, #tpu.memory_space<hbm>>
    %dma_start3A_446 = arith.constant 0 : i32
    %dma_start3A_447 = tpu.memref_slice %arg18[%add3A_439, %dma_start3A_446] : memref<8192x768xf32, #tpu.memory_space<hbm>> -> memref<64x768xf32, #tpu.memory_space<hbm>>
    tpu.enqueue_dma source(%arg22 : memref<64x768xf32, #tpu.memory_space<vmem>>) target(%dma_start3A_447 : memref<64x768xf32, #tpu.memory_space<hbm>>) target_semaphore(%arg26 : memref<!tpu.dma_semaphore, #tpu.memory_space<semaphore_mem>>)
    %dma_wait3A_448 = arith.constant 0 : i32
    %dma_wait3A_449 = tpu.memref_slice %arg12[%add3A_439, %dma_wait3A_448] : memref<8192x768xf32, #tpu.memory_space<hbm>> -> memref<64x768xf32, #tpu.memory_space<hbm>>
    %dma_wait3A_450 = arith.constant 0 : i32
    %dma_wait3A_451 = tpu.memref_slice %arg12[%add3A_439, %dma_wait3A_450] : memref<8192x768xf32, #tpu.memory_space<hbm>> -> memref<64x768xf32, #tpu.memory_space<hbm>>
    tpu.wait_dma2 semaphore(%arg26 : memref<!tpu.dma_semaphore, #tpu.memory_space<semaphore_mem>>) src(%arg22 : memref<64x768xf32, #tpu.memory_space<vmem>>) dst(%dma_wait3A_451 : memref<64x768xf32, #tpu.memory_space<hbm>>)
    %dma_wait3A_452 = arith.constant 0 : i32
    %dma_wait3A_453 = tpu.memref_slice %arg18[%add3A_439, %dma_wait3A_452] : memref<8192x768xf32, #tpu.memory_space<hbm>> -> memref<64x768xf32, #tpu.memory_space<hbm>>
    %dma_wait3A_454 = arith.constant 0 : i32
    %dma_wait3A_455 = tpu.memref_slice %arg18[%add3A_439, %dma_wait3A_454] : memref<8192x768xf32, #tpu.memory_space<hbm>> -> memref<64x768xf32, #tpu.memory_space<hbm>>
    tpu.wait_dma2 semaphore(%arg26 : memref<!tpu.dma_semaphore, #tpu.memory_space<semaphore_mem>>) src(%arg22 : memref<64x768xf32, #tpu.memory_space<vmem>>) dst(%dma_wait3A_455 : memref<64x768xf32, #tpu.memory_space<hbm>>)
    %dma_start3A_456 = arith.constant 0 : i32
    %dma_start3A_457 = tpu.memref_slice %arg21[%dma_start3A_456] : memref<256xi32, #tpu.memory_space<vmem>> -> memref<64xi32, #tpu.memory_space<vmem>>
    %dma_start3A_458 = arith.constant 0 : i32
    %dma_start3A_459 = arith.constant 0 : i32
    %dma_start3A_460 = tpu.memref_slice %arg7[%dma_start3A_458, %dma_start3A_459] : memref<100000x768xf32, #tpu.memory_space<hbm>> -> memref<100000x768xf32, #tpu.memory_space<hbm>>
    tpu.enqueue_indirect_dma source(%dma_start3A_460 : memref<100000x768xf32, #tpu.memory_space<hbm>>) target(%arg22 : memref<64x768xf32, #tpu.memory_space<vmem>>) offsets(%dma_start3A_457 : memref<64xi32, #tpu.memory_space<vmem>>) semaphore(%arg24 : memref<!tpu.dma_semaphore, #tpu.memory_space<semaphore_mem>>)
    %dma_wait3A_461 = arith.constant 192 : i32
    %dma_wait3A_462 = tpu.memref_slice %arg21[%dma_wait3A_461] : memref<256xi32, #tpu.memory_space<vmem>> -> memref<64xi32, #tpu.memory_space<vmem>>
    %dma_wait3A_463 = arith.constant 0 : i32
    %dma_wait3A_464 = arith.constant 0 : i32
    %dma_wait3A_465 = tpu.memref_slice %arg6[%dma_wait3A_463, %dma_wait3A_464] : memref<100000x768xf32, #tpu.memory_space<hbm>> -> memref<100000x768xf32, #tpu.memory_space<hbm>>
    tpu.wait_indirect_dma semaphore(%arg25 : memref<!tpu.dma_semaphore, #tpu.memory_space<semaphore_mem>>) src(%dma_wait3A_465 : memref<100000x768xf32, #tpu.memory_space<hbm>>) dst(%arg23 : memref<64x768xf32, #tpu.memory_space<vmem>>)
    %add3A_466 = arith.constant 192 : i32
    %add3A_467 = arith.addi %mul3A_2, %add3A_466 : i32
    %dma_start3A_468 = arith.constant 0 : i32
    %dma_start3A_469 = tpu.memref_slice %arg12[%add3A_467, %dma_start3A_468] : memref<8192x768xf32, #tpu.memory_space<hbm>> -> memref<64x768xf32, #tpu.memory_space<hbm>>
    %dma_start3A_470 = arith.constant 0 : i32
    %dma_start3A_471 = tpu.memref_slice %arg12[%add3A_467, %dma_start3A_470] : memref<8192x768xf32, #tpu.memory_space<hbm>> -> memref<64x768xf32, #tpu.memory_space<hbm>>
    tpu.enqueue_dma source(%arg23 : memref<64x768xf32, #tpu.memory_space<vmem>>) target(%dma_start3A_471 : memref<64x768xf32, #tpu.memory_space<hbm>>) target_semaphore(%arg27 : memref<!tpu.dma_semaphore, #tpu.memory_space<semaphore_mem>>)
    %dma_start3A_472 = arith.constant 0 : i32
    %dma_start3A_473 = tpu.memref_slice %arg18[%add3A_467, %dma_start3A_472] : memref<8192x768xf32, #tpu.memory_space<hbm>> -> memref<64x768xf32, #tpu.memory_space<hbm>>
    %dma_start3A_474 = arith.constant 0 : i32
    %dma_start3A_475 = tpu.memref_slice %arg18[%add3A_467, %dma_start3A_474] : memref<8192x768xf32, #tpu.memory_space<hbm>> -> memref<64x768xf32, #tpu.memory_space<hbm>>
    tpu.enqueue_dma source(%arg23 : memref<64x768xf32, #tpu.memory_space<vmem>>) target(%dma_start3A_475 : memref<64x768xf32, #tpu.memory_space<hbm>>) target_semaphore(%arg27 : memref<!tpu.dma_semaphore, #tpu.memory_space<semaphore_mem>>)
    %dma_wait3A_476 = arith.constant 0 : i32
    %dma_wait3A_477 = tpu.memref_slice %arg12[%add3A_467, %dma_wait3A_476] : memref<8192x768xf32, #tpu.memory_space<hbm>> -> memref<64x768xf32, #tpu.memory_space<hbm>>
    %dma_wait3A_478 = arith.constant 0 : i32
    %dma_wait3A_479 = tpu.memref_slice %arg12[%add3A_467, %dma_wait3A_478] : memref<8192x768xf32, #tpu.memory_space<hbm>> -> memref<64x768xf32, #tpu.memory_space<hbm>>
    tpu.wait_dma2 semaphore(%arg27 : memref<!tpu.dma_semaphore, #tpu.memory_space<semaphore_mem>>) src(%arg23 : memref<64x768xf32, #tpu.memory_space<vmem>>) dst(%dma_wait3A_479 : memref<64x768xf32, #tpu.memory_space<hbm>>)
    %dma_wait3A_480 = arith.constant 0 : i32
    %dma_wait3A_481 = tpu.memref_slice %arg18[%add3A_467, %dma_wait3A_480] : memref<8192x768xf32, #tpu.memory_space<hbm>> -> memref<64x768xf32, #tpu.memory_space<hbm>>
    %dma_wait3A_482 = arith.constant 0 : i32
    %dma_wait3A_483 = tpu.memref_slice %arg18[%add3A_467, %dma_wait3A_482] : memref<8192x768xf32, #tpu.memory_space<hbm>> -> memref<64x768xf32, #tpu.memory_space<hbm>>
    tpu.wait_dma2 semaphore(%arg27 : memref<!tpu.dma_semaphore, #tpu.memory_space<semaphore_mem>>) src(%arg23 : memref<64x768xf32, #tpu.memory_space<vmem>>) dst(%dma_wait3A_483 : memref<64x768xf32, #tpu.memory_space<hbm>>)
    %dma_start3A_484 = arith.constant 64 : i32
    %dma_start3A_485 = tpu.memref_slice %arg21[%dma_start3A_484] : memref<256xi32, #tpu.memory_space<vmem>> -> memref<64xi32, #tpu.memory_space<vmem>>
    %dma_start3A_486 = arith.constant 0 : i32
    %dma_start3A_487 = arith.constant 0 : i32
    %dma_start3A_488 = tpu.memref_slice %arg7[%dma_start3A_486, %dma_start3A_487] : memref<100000x768xf32, #tpu.memory_space<hbm>> -> memref<100000x768xf32, #tpu.memory_space<hbm>>
    tpu.enqueue_indirect_dma source(%dma_start3A_488 : memref<100000x768xf32, #tpu.memory_space<hbm>>) target(%arg23 : memref<64x768xf32, #tpu.memory_space<vmem>>) offsets(%dma_start3A_485 : memref<64xi32, #tpu.memory_space<vmem>>) semaphore(%arg25 : memref<!tpu.dma_semaphore, #tpu.memory_space<semaphore_mem>>)
    %dma_wait3A_489 = arith.constant 0 : i32
    %dma_wait3A_490 = tpu.memref_slice %arg21[%dma_wait3A_489] : memref<256xi32, #tpu.memory_space<vmem>> -> memref<64xi32, #tpu.memory_space<vmem>>
    %dma_wait3A_491 = arith.constant 0 : i32
    %dma_wait3A_492 = arith.constant 0 : i32
    %dma_wait3A_493 = tpu.memref_slice %arg7[%dma_wait3A_491, %dma_wait3A_492] : memref<100000x768xf32, #tpu.memory_space<hbm>> -> memref<100000x768xf32, #tpu.memory_space<hbm>>
    tpu.wait_indirect_dma semaphore(%arg24 : memref<!tpu.dma_semaphore, #tpu.memory_space<semaphore_mem>>) src(%dma_wait3A_493 : memref<100000x768xf32, #tpu.memory_space<hbm>>) dst(%arg22 : memref<64x768xf32, #tpu.memory_space<vmem>>)
    %add3A_494 = arith.constant 0 : i32
    %add3A_495 = arith.addi %mul3A_2, %add3A_494 : i32
    %dma_start3A_496 = arith.constant 0 : i32
    %dma_start3A_497 = tpu.memref_slice %arg13[%add3A_495, %dma_start3A_496] : memref<8192x768xf32, #tpu.memory_space<hbm>> -> memref<64x768xf32, #tpu.memory_space<hbm>>
    %dma_start3A_498 = arith.constant 0 : i32
    %dma_start3A_499 = tpu.memref_slice %arg13[%add3A_495, %dma_start3A_498] : memref<8192x768xf32, #tpu.memory_space<hbm>> -> memref<64x768xf32, #tpu.memory_space<hbm>>
    tpu.enqueue_dma source(%arg22 : memref<64x768xf32, #tpu.memory_space<vmem>>) target(%dma_start3A_499 : memref<64x768xf32, #tpu.memory_space<hbm>>) target_semaphore(%arg26 : memref<!tpu.dma_semaphore, #tpu.memory_space<semaphore_mem>>)
    %dma_start3A_500 = arith.constant 0 : i32
    %dma_start3A_501 = tpu.memref_slice %arg19[%add3A_495, %dma_start3A_500] : memref<8192x768xf32, #tpu.memory_space<hbm>> -> memref<64x768xf32, #tpu.memory_space<hbm>>
    %dma_start3A_502 = arith.constant 0 : i32
    %dma_start3A_503 = tpu.memref_slice %arg19[%add3A_495, %dma_start3A_502] : memref<8192x768xf32, #tpu.memory_space<hbm>> -> memref<64x768xf32, #tpu.memory_space<hbm>>
    tpu.enqueue_dma source(%arg22 : memref<64x768xf32, #tpu.memory_space<vmem>>) target(%dma_start3A_503 : memref<64x768xf32, #tpu.memory_space<hbm>>) target_semaphore(%arg26 : memref<!tpu.dma_semaphore, #tpu.memory_space<semaphore_mem>>)
    %dma_wait3A_504 = arith.constant 0 : i32
    %dma_wait3A_505 = tpu.memref_slice %arg13[%add3A_495, %dma_wait3A_504] : memref<8192x768xf32, #tpu.memory_space<hbm>> -> memref<64x768xf32, #tpu.memory_space<hbm>>
    %dma_wait3A_506 = arith.constant 0 : i32
    %dma_wait3A_507 = tpu.memref_slice %arg13[%add3A_495, %dma_wait3A_506] : memref<8192x768xf32, #tpu.memory_space<hbm>> -> memref<64x768xf32, #tpu.memory_space<hbm>>
    tpu.wait_dma2 semaphore(%arg26 : memref<!tpu.dma_semaphore, #tpu.memory_space<semaphore_mem>>) src(%arg22 : memref<64x768xf32, #tpu.memory_space<vmem>>) dst(%dma_wait3A_507 : memref<64x768xf32, #tpu.memory_space<hbm>>)
    %dma_wait3A_508 = arith.constant 0 : i32
    %dma_wait3A_509 = tpu.memref_slice %arg19[%add3A_495, %dma_wait3A_508] : memref<8192x768xf32, #tpu.memory_space<hbm>> -> memref<64x768xf32, #tpu.memory_space<hbm>>
    %dma_wait3A_510 = arith.constant 0 : i32
    %dma_wait3A_511 = tpu.memref_slice %arg19[%add3A_495, %dma_wait3A_510] : memref<8192x768xf32, #tpu.memory_space<hbm>> -> memref<64x768xf32, #tpu.memory_space<hbm>>
    tpu.wait_dma2 semaphore(%arg26 : memref<!tpu.dma_semaphore, #tpu.memory_space<semaphore_mem>>) src(%arg22 : memref<64x768xf32, #tpu.memory_space<vmem>>) dst(%dma_wait3A_511 : memref<64x768xf32, #tpu.memory_space<hbm>>)
    %dma_start3A_512 = arith.constant 128 : i32
    %dma_start3A_513 = tpu.memref_slice %arg21[%dma_start3A_512] : memref<256xi32, #tpu.memory_space<vmem>> -> memref<64xi32, #tpu.memory_space<vmem>>
    %dma_start3A_514 = arith.constant 0 : i32
    %dma_start3A_515 = arith.constant 0 : i32
    %dma_start3A_516 = tpu.memref_slice %arg7[%dma_start3A_514, %dma_start3A_515] : memref<100000x768xf32, #tpu.memory_space<hbm>> -> memref<100000x768xf32, #tpu.memory_space<hbm>>
    tpu.enqueue_indirect_dma source(%dma_start3A_516 : memref<100000x768xf32, #tpu.memory_space<hbm>>) target(%arg22 : memref<64x768xf32, #tpu.memory_space<vmem>>) offsets(%dma_start3A_513 : memref<64xi32, #tpu.memory_space<vmem>>) semaphore(%arg24 : memref<!tpu.dma_semaphore, #tpu.memory_space<semaphore_mem>>)
    %dma_wait3A_517 = arith.constant 64 : i32
    %dma_wait3A_518 = tpu.memref_slice %arg21[%dma_wait3A_517] : memref<256xi32, #tpu.memory_space<vmem>> -> memref<64xi32, #tpu.memory_space<vmem>>
    %dma_wait3A_519 = arith.constant 0 : i32
    %dma_wait3A_520 = arith.constant 0 : i32
    %dma_wait3A_521 = tpu.memref_slice %arg7[%dma_wait3A_519, %dma_wait3A_520] : memref<100000x768xf32, #tpu.memory_space<hbm>> -> memref<100000x768xf32, #tpu.memory_space<hbm>>
    tpu.wait_indirect_dma semaphore(%arg25 : memref<!tpu.dma_semaphore, #tpu.memory_space<semaphore_mem>>) src(%dma_wait3A_521 : memref<100000x768xf32, #tpu.memory_space<hbm>>) dst(%arg23 : memref<64x768xf32, #tpu.memory_space<vmem>>)
    %add3A_522 = arith.constant 64 : i32
    %add3A_523 = arith.addi %mul3A_2, %add3A_522 : i32
    %dma_start3A_524 = arith.constant 0 : i32
    %dma_start3A_525 = tpu.memref_slice %arg13[%add3A_523, %dma_start3A_524] : memref<8192x768xf32, #tpu.memory_space<hbm>> -> memref<64x768xf32, #tpu.memory_space<hbm>>
    %dma_start3A_526 = arith.constant 0 : i32
    %dma_start3A_527 = tpu.memref_slice %arg13[%add3A_523, %dma_start3A_526] : memref<8192x768xf32, #tpu.memory_space<hbm>> -> memref<64x768xf32, #tpu.memory_space<hbm>>
    tpu.enqueue_dma source(%arg23 : memref<64x768xf32, #tpu.memory_space<vmem>>) target(%dma_start3A_527 : memref<64x768xf32, #tpu.memory_space<hbm>>) target_semaphore(%arg27 : memref<!tpu.dma_semaphore, #tpu.memory_space<semaphore_mem>>)
    %dma_start3A_528 = arith.constant 0 : i32
    %dma_start3A_529 = tpu.memref_slice %arg19[%add3A_523, %dma_start3A_528] : memref<8192x768xf32, #tpu.memory_space<hbm>> -> memref<64x768xf32, #tpu.memory_space<hbm>>
    %dma_start3A_530 = arith.constant 0 : i32
    %dma_start3A_531 = tpu.memref_slice %arg19[%add3A_523, %dma_start3A_530] : memref<8192x768xf32, #tpu.memory_space<hbm>> -> memref<64x768xf32, #tpu.memory_space<hbm>>
    tpu.enqueue_dma source(%arg23 : memref<64x768xf32, #tpu.memory_space<vmem>>) target(%dma_start3A_531 : memref<64x768xf32, #tpu.memory_space<hbm>>) target_semaphore(%arg27 : memref<!tpu.dma_semaphore, #tpu.memory_space<semaphore_mem>>)
    %dma_wait3A_532 = arith.constant 0 : i32
    %dma_wait3A_533 = tpu.memref_slice %arg13[%add3A_523, %dma_wait3A_532] : memref<8192x768xf32, #tpu.memory_space<hbm>> -> memref<64x768xf32, #tpu.memory_space<hbm>>
    %dma_wait3A_534 = arith.constant 0 : i32
    %dma_wait3A_535 = tpu.memref_slice %arg13[%add3A_523, %dma_wait3A_534] : memref<8192x768xf32, #tpu.memory_space<hbm>> -> memref<64x768xf32, #tpu.memory_space<hbm>>
    tpu.wait_dma2 semaphore(%arg27 : memref<!tpu.dma_semaphore, #tpu.memory_space<semaphore_mem>>) src(%arg23 : memref<64x768xf32, #tpu.memory_space<vmem>>) dst(%dma_wait3A_535 : memref<64x768xf32, #tpu.memory_space<hbm>>)
    %dma_wait3A_536 = arith.constant 0 : i32
    %dma_wait3A_537 = tpu.memref_slice %arg19[%add3A_523, %dma_wait3A_536] : memref<8192x768xf32, #tpu.memory_space<hbm>> -> memref<64x768xf32, #tpu.memory_space<hbm>>
    %dma_wait3A_538 = arith.constant 0 : i32
    %dma_wait3A_539 = tpu.memref_slice %arg19[%add3A_523, %dma_wait3A_538] : memref<8192x768xf32, #tpu.memory_space<hbm>> -> memref<64x768xf32, #tpu.memory_space<hbm>>
    tpu.wait_dma2 semaphore(%arg27 : memref<!tpu.dma_semaphore, #tpu.memory_space<semaphore_mem>>) src(%arg23 : memref<64x768xf32, #tpu.memory_space<vmem>>) dst(%dma_wait3A_539 : memref<64x768xf32, #tpu.memory_space<hbm>>)
    %dma_start3A_540 = arith.constant 192 : i32
    %dma_start3A_541 = tpu.memref_slice %arg21[%dma_start3A_540] : memref<256xi32, #tpu.memory_space<vmem>> -> memref<64xi32, #tpu.memory_space<vmem>>
    %dma_start3A_542 = arith.constant 0 : i32
    %dma_start3A_543 = arith.constant 0 : i32
    %dma_start3A_544 = tpu.memref_slice %arg7[%dma_start3A_542, %dma_start3A_543] : memref<100000x768xf32, #tpu.memory_space<hbm>> -> memref<100000x768xf32, #tpu.memory_space<hbm>>
    tpu.enqueue_indirect_dma source(%dma_start3A_544 : memref<100000x768xf32, #tpu.memory_space<hbm>>) target(%arg23 : memref<64x768xf32, #tpu.memory_space<vmem>>) offsets(%dma_start3A_541 : memref<64xi32, #tpu.memory_space<vmem>>) semaphore(%arg25 : memref<!tpu.dma_semaphore, #tpu.memory_space<semaphore_mem>>)
    %dma_wait3A_545 = arith.constant 128 : i32
    %dma_wait3A_546 = tpu.memref_slice %arg21[%dma_wait3A_545] : memref<256xi32, #tpu.memory_space<vmem>> -> memref<64xi32, #tpu.memory_space<vmem>>
    %dma_wait3A_547 = arith.constant 0 : i32
    %dma_wait3A_548 = arith.constant 0 : i32
    %dma_wait3A_549 = tpu.memref_slice %arg7[%dma_wait3A_547, %dma_wait3A_548] : memref<100000x768xf32, #tpu.memory_space<hbm>> -> memref<100000x768xf32, #tpu.memory_space<hbm>>
    tpu.wait_indirect_dma semaphore(%arg24 : memref<!tpu.dma_semaphore, #tpu.memory_space<semaphore_mem>>) src(%dma_wait3A_549 : memref<100000x768xf32, #tpu.memory_space<hbm>>) dst(%arg22 : memref<64x768xf32, #tpu.memory_space<vmem>>)
    %add3A_550 = arith.constant 128 : i32
    %add3A_551 = arith.addi %mul3A_2, %add3A_550 : i32
    %dma_start3A_552 = arith.constant 0 : i32
    %dma_start3A_553 = tpu.memref_slice %arg13[%add3A_551, %dma_start3A_552] : memref<8192x768xf32, #tpu.memory_space<hbm>> -> memref<64x768xf32, #tpu.memory_space<hbm>>
    %dma_start3A_554 = arith.constant 0 : i32
    %dma_start3A_555 = tpu.memref_slice %arg13[%add3A_551, %dma_start3A_554] : memref<8192x768xf32, #tpu.memory_space<hbm>> -> memref<64x768xf32, #tpu.memory_space<hbm>>
    tpu.enqueue_dma source(%arg22 : memref<64x768xf32, #tpu.memory_space<vmem>>) target(%dma_start3A_555 : memref<64x768xf32, #tpu.memory_space<hbm>>) target_semaphore(%arg26 : memref<!tpu.dma_semaphore, #tpu.memory_space<semaphore_mem>>)
    %dma_start3A_556 = arith.constant 0 : i32
    %dma_start3A_557 = tpu.memref_slice %arg19[%add3A_551, %dma_start3A_556] : memref<8192x768xf32, #tpu.memory_space<hbm>> -> memref<64x768xf32, #tpu.memory_space<hbm>>
    %dma_start3A_558 = arith.constant 0 : i32
    %dma_start3A_559 = tpu.memref_slice %arg19[%add3A_551, %dma_start3A_558] : memref<8192x768xf32, #tpu.memory_space<hbm>> -> memref<64x768xf32, #tpu.memory_space<hbm>>
    tpu.enqueue_dma source(%arg22 : memref<64x768xf32, #tpu.memory_space<vmem>>) target(%dma_start3A_559 : memref<64x768xf32, #tpu.memory_space<hbm>>) target_semaphore(%arg26 : memref<!tpu.dma_semaphore, #tpu.memory_space<semaphore_mem>>)
    %dma_wait3A_560 = arith.constant 0 : i32
    %dma_wait3A_561 = tpu.memref_slice %arg13[%add3A_551, %dma_wait3A_560] : memref<8192x768xf32, #tpu.memory_space<hbm>> -> memref<64x768xf32, #tpu.memory_space<hbm>>
    %dma_wait3A_562 = arith.constant 0 : i32
    %dma_wait3A_563 = tpu.memref_slice %arg13[%add3A_551, %dma_wait3A_562] : memref<8192x768xf32, #tpu.memory_space<hbm>> -> memref<64x768xf32, #tpu.memory_space<hbm>>
    tpu.wait_dma2 semaphore(%arg26 : memref<!tpu.dma_semaphore, #tpu.memory_space<semaphore_mem>>) src(%arg22 : memref<64x768xf32, #tpu.memory_space<vmem>>) dst(%dma_wait3A_563 : memref<64x768xf32, #tpu.memory_space<hbm>>)
    %dma_wait3A_564 = arith.constant 0 : i32
    %dma_wait3A_565 = tpu.memref_slice %arg19[%add3A_551, %dma_wait3A_564] : memref<8192x768xf32, #tpu.memory_space<hbm>> -> memref<64x768xf32, #tpu.memory_space<hbm>>
    %dma_wait3A_566 = arith.constant 0 : i32
    %dma_wait3A_567 = tpu.memref_slice %arg19[%add3A_551, %dma_wait3A_566] : memref<8192x768xf32, #tpu.memory_space<hbm>> -> memref<64x768xf32, #tpu.memory_space<hbm>>
    tpu.wait_dma2 semaphore(%arg26 : memref<!tpu.dma_semaphore, #tpu.memory_space<semaphore_mem>>) src(%arg22 : memref<64x768xf32, #tpu.memory_space<vmem>>) dst(%dma_wait3A_567 : memref<64x768xf32, #tpu.memory_space<hbm>>)
    %dma_start3A_568 = arith.constant 0 : i32
    %dma_start3A_569 = tpu.memref_slice %arg21[%dma_start3A_568] : memref<256xi32, #tpu.memory_space<vmem>> -> memref<64xi32, #tpu.memory_space<vmem>>
    %dma_start3A_570 = arith.constant 0 : i32
    %dma_start3A_571 = arith.constant 0 : i32
    %dma_start3A_572 = tpu.memref_slice %arg8[%dma_start3A_570, %dma_start3A_571] : memref<100000x768xf32, #tpu.memory_space<hbm>> -> memref<100000x768xf32, #tpu.memory_space<hbm>>
    tpu.enqueue_indirect_dma source(%dma_start3A_572 : memref<100000x768xf32, #tpu.memory_space<hbm>>) target(%arg22 : memref<64x768xf32, #tpu.memory_space<vmem>>) offsets(%dma_start3A_569 : memref<64xi32, #tpu.memory_space<vmem>>) semaphore(%arg24 : memref<!tpu.dma_semaphore, #tpu.memory_space<semaphore_mem>>)
    %dma_wait3A_573 = arith.constant 192 : i32
    %dma_wait3A_574 = tpu.memref_slice %arg21[%dma_wait3A_573] : memref<256xi32, #tpu.memory_space<vmem>> -> memref<64xi32, #tpu.memory_space<vmem>>
    %dma_wait3A_575 = arith.constant 0 : i32
    %dma_wait3A_576 = arith.constant 0 : i32
    %dma_wait3A_577 = tpu.memref_slice %arg7[%dma_wait3A_575, %dma_wait3A_576] : memref<100000x768xf32, #tpu.memory_space<hbm>> -> memref<100000x768xf32, #tpu.memory_space<hbm>>
    tpu.wait_indirect_dma semaphore(%arg25 : memref<!tpu.dma_semaphore, #tpu.memory_space<semaphore_mem>>) src(%dma_wait3A_577 : memref<100000x768xf32, #tpu.memory_space<hbm>>) dst(%arg23 : memref<64x768xf32, #tpu.memory_space<vmem>>)
    %add3A_578 = arith.constant 192 : i32
    %add3A_579 = arith.addi %mul3A_2, %add3A_578 : i32
    %dma_start3A_580 = arith.constant 0 : i32
    %dma_start3A_581 = tpu.memref_slice %arg13[%add3A_579, %dma_start3A_580] : memref<8192x768xf32, #tpu.memory_space<hbm>> -> memref<64x768xf32, #tpu.memory_space<hbm>>
    %dma_start3A_582 = arith.constant 0 : i32
    %dma_start3A_583 = tpu.memref_slice %arg13[%add3A_579, %dma_start3A_582] : memref<8192x768xf32, #tpu.memory_space<hbm>> -> memref<64x768xf32, #tpu.memory_space<hbm>>
    tpu.enqueue_dma source(%arg23 : memref<64x768xf32, #tpu.memory_space<vmem>>) target(%dma_start3A_583 : memref<64x768xf32, #tpu.memory_space<hbm>>) target_semaphore(%arg27 : memref<!tpu.dma_semaphore, #tpu.memory_space<semaphore_mem>>)
    %dma_start3A_584 = arith.constant 0 : i32
    %dma_start3A_585 = tpu.memref_slice %arg19[%add3A_579, %dma_start3A_584] : memref<8192x768xf32, #tpu.memory_space<hbm>> -> memref<64x768xf32, #tpu.memory_space<hbm>>
    %dma_start3A_586 = arith.constant 0 : i32
    %dma_start3A_587 = tpu.memref_slice %arg19[%add3A_579, %dma_start3A_586] : memref<8192x768xf32, #tpu.memory_space<hbm>> -> memref<64x768xf32, #tpu.memory_space<hbm>>
    tpu.enqueue_dma source(%arg23 : memref<64x768xf32, #tpu.memory_space<vmem>>) target(%dma_start3A_587 : memref<64x768xf32, #tpu.memory_space<hbm>>) target_semaphore(%arg27 : memref<!tpu.dma_semaphore, #tpu.memory_space<semaphore_mem>>)
    %dma_wait3A_588 = arith.constant 0 : i32
    %dma_wait3A_589 = tpu.memref_slice %arg13[%add3A_579, %dma_wait3A_588] : memref<8192x768xf32, #tpu.memory_space<hbm>> -> memref<64x768xf32, #tpu.memory_space<hbm>>
    %dma_wait3A_590 = arith.constant 0 : i32
    %dma_wait3A_591 = tpu.memref_slice %arg13[%add3A_579, %dma_wait3A_590] : memref<8192x768xf32, #tpu.memory_space<hbm>> -> memref<64x768xf32, #tpu.memory_space<hbm>>
    tpu.wait_dma2 semaphore(%arg27 : memref<!tpu.dma_semaphore, #tpu.memory_space<semaphore_mem>>) src(%arg23 : memref<64x768xf32, #tpu.memory_space<vmem>>) dst(%dma_wait3A_591 : memref<64x768xf32, #tpu.memory_space<hbm>>)
    %dma_wait3A_592 = arith.constant 0 : i32
    %dma_wait3A_593 = tpu.memref_slice %arg19[%add3A_579, %dma_wait3A_592] : memref<8192x768xf32, #tpu.memory_space<hbm>> -> memref<64x768xf32, #tpu.memory_space<hbm>>
    %dma_wait3A_594 = arith.constant 0 : i32
    %dma_wait3A_595 = tpu.memref_slice %arg19[%add3A_579, %dma_wait3A_594] : memref<8192x768xf32, #tpu.memory_space<hbm>> -> memref<64x768xf32, #tpu.memory_space<hbm>>
    tpu.wait_dma2 semaphore(%arg27 : memref<!tpu.dma_semaphore, #tpu.memory_space<semaphore_mem>>) src(%arg23 : memref<64x768xf32, #tpu.memory_space<vmem>>) dst(%dma_wait3A_595 : memref<64x768xf32, #tpu.memory_space<hbm>>)
    %dma_start3A_596 = arith.constant 64 : i32
    %dma_start3A_597 = tpu.memref_slice %arg21[%dma_start3A_596] : memref<256xi32, #tpu.memory_space<vmem>> -> memref<64xi32, #tpu.memory_space<vmem>>
    %dma_start3A_598 = arith.constant 0 : i32
    %dma_start3A_599 = arith.constant 0 : i32
    %dma_start3A_600 = tpu.memref_slice %arg8[%dma_start3A_598, %dma_start3A_599] : memref<100000x768xf32, #tpu.memory_space<hbm>> -> memref<100000x768xf32, #tpu.memory_space<hbm>>
    tpu.enqueue_indirect_dma source(%dma_start3A_600 : memref<100000x768xf32, #tpu.memory_space<hbm>>) target(%arg23 : memref<64x768xf32, #tpu.memory_space<vmem>>) offsets(%dma_start3A_597 : memref<64xi32, #tpu.memory_space<vmem>>) semaphore(%arg25 : memref<!tpu.dma_semaphore, #tpu.memory_space<semaphore_mem>>)
    %dma_wait3A_601 = arith.constant 0 : i32
    %dma_wait3A_602 = tpu.memref_slice %arg21[%dma_wait3A_601] : memref<256xi32, #tpu.memory_space<vmem>> -> memref<64xi32, #tpu.memory_space<vmem>>
    %dma_wait3A_603 = arith.constant 0 : i32
    %dma_wait3A_604 = arith.constant 0 : i32
    %dma_wait3A_605 = tpu.memref_slice %arg8[%dma_wait3A_603, %dma_wait3A_604] : memref<100000x768xf32, #tpu.memory_space<hbm>> -> memref<100000x768xf32, #tpu.memory_space<hbm>>
    tpu.wait_indirect_dma semaphore(%arg24 : memref<!tpu.dma_semaphore, #tpu.memory_space<semaphore_mem>>) src(%dma_wait3A_605 : memref<100000x768xf32, #tpu.memory_space<hbm>>) dst(%arg22 : memref<64x768xf32, #tpu.memory_space<vmem>>)
    %add3A_606 = arith.constant 0 : i32
    %add3A_607 = arith.addi %mul3A_2, %add3A_606 : i32
    %dma_start3A_608 = arith.constant 0 : i32
    %dma_start3A_609 = tpu.memref_slice %arg14[%add3A_607, %dma_start3A_608] : memref<8192x768xf32, #tpu.memory_space<hbm>> -> memref<64x768xf32, #tpu.memory_space<hbm>>
    %dma_start3A_610 = arith.constant 0 : i32
    %dma_start3A_611 = tpu.memref_slice %arg14[%add3A_607, %dma_start3A_610] : memref<8192x768xf32, #tpu.memory_space<hbm>> -> memref<64x768xf32, #tpu.memory_space<hbm>>
    tpu.enqueue_dma source(%arg22 : memref<64x768xf32, #tpu.memory_space<vmem>>) target(%dma_start3A_611 : memref<64x768xf32, #tpu.memory_space<hbm>>) target_semaphore(%arg26 : memref<!tpu.dma_semaphore, #tpu.memory_space<semaphore_mem>>)
    %dma_start3A_612 = arith.constant 0 : i32
    %dma_start3A_613 = tpu.memref_slice %arg20[%add3A_607, %dma_start3A_612] : memref<8192x768xf32, #tpu.memory_space<hbm>> -> memref<64x768xf32, #tpu.memory_space<hbm>>
    %dma_start3A_614 = arith.constant 0 : i32
    %dma_start3A_615 = tpu.memref_slice %arg20[%add3A_607, %dma_start3A_614] : memref<8192x768xf32, #tpu.memory_space<hbm>> -> memref<64x768xf32, #tpu.memory_space<hbm>>
    tpu.enqueue_dma source(%arg22 : memref<64x768xf32, #tpu.memory_space<vmem>>) target(%dma_start3A_615 : memref<64x768xf32, #tpu.memory_space<hbm>>) target_semaphore(%arg26 : memref<!tpu.dma_semaphore, #tpu.memory_space<semaphore_mem>>)
    %dma_wait3A_616 = arith.constant 0 : i32
    %dma_wait3A_617 = tpu.memref_slice %arg14[%add3A_607, %dma_wait3A_616] : memref<8192x768xf32, #tpu.memory_space<hbm>> -> memref<64x768xf32, #tpu.memory_space<hbm>>
    %dma_wait3A_618 = arith.constant 0 : i32
    %dma_wait3A_619 = tpu.memref_slice %arg14[%add3A_607, %dma_wait3A_618] : memref<8192x768xf32, #tpu.memory_space<hbm>> -> memref<64x768xf32, #tpu.memory_space<hbm>>
    tpu.wait_dma2 semaphore(%arg26 : memref<!tpu.dma_semaphore, #tpu.memory_space<semaphore_mem>>) src(%arg22 : memref<64x768xf32, #tpu.memory_space<vmem>>) dst(%dma_wait3A_619 : memref<64x768xf32, #tpu.memory_space<hbm>>)
    %dma_wait3A_620 = arith.constant 0 : i32
    %dma_wait3A_621 = tpu.memref_slice %arg20[%add3A_607, %dma_wait3A_620] : memref<8192x768xf32, #tpu.memory_space<hbm>> -> memref<64x768xf32, #tpu.memory_space<hbm>>
    %dma_wait3A_622 = arith.constant 0 : i32
    %dma_wait3A_623 = tpu.memref_slice %arg20[%add3A_607, %dma_wait3A_622] : memref<8192x768xf32, #tpu.memory_space<hbm>> -> memref<64x768xf32, #tpu.memory_space<hbm>>
    tpu.wait_dma2 semaphore(%arg26 : memref<!tpu.dma_semaphore, #tpu.memory_space<semaphore_mem>>) src(%arg22 : memref<64x768xf32, #tpu.memory_space<vmem>>) dst(%dma_wait3A_623 : memref<64x768xf32, #tpu.memory_space<hbm>>)
    %dma_start3A_624 = arith.constant 128 : i32
    %dma_start3A_625 = tpu.memref_slice %arg21[%dma_start3A_624] : memref<256xi32, #tpu.memory_space<vmem>> -> memref<64xi32, #tpu.memory_space<vmem>>
    %dma_start3A_626 = arith.constant 0 : i32
    %dma_start3A_627 = arith.constant 0 : i32
    %dma_start3A_628 = tpu.memref_slice %arg8[%dma_start3A_626, %dma_start3A_627] : memref<100000x768xf32, #tpu.memory_space<hbm>> -> memref<100000x768xf32, #tpu.memory_space<hbm>>
    tpu.enqueue_indirect_dma source(%dma_start3A_628 : memref<100000x768xf32, #tpu.memory_space<hbm>>) target(%arg22 : memref<64x768xf32, #tpu.memory_space<vmem>>) offsets(%dma_start3A_625 : memref<64xi32, #tpu.memory_space<vmem>>) semaphore(%arg24 : memref<!tpu.dma_semaphore, #tpu.memory_space<semaphore_mem>>)
    %dma_wait3A_629 = arith.constant 64 : i32
    %dma_wait3A_630 = tpu.memref_slice %arg21[%dma_wait3A_629] : memref<256xi32, #tpu.memory_space<vmem>> -> memref<64xi32, #tpu.memory_space<vmem>>
    %dma_wait3A_631 = arith.constant 0 : i32
    %dma_wait3A_632 = arith.constant 0 : i32
    %dma_wait3A_633 = tpu.memref_slice %arg8[%dma_wait3A_631, %dma_wait3A_632] : memref<100000x768xf32, #tpu.memory_space<hbm>> -> memref<100000x768xf32, #tpu.memory_space<hbm>>
    tpu.wait_indirect_dma semaphore(%arg25 : memref<!tpu.dma_semaphore, #tpu.memory_space<semaphore_mem>>) src(%dma_wait3A_633 : memref<100000x768xf32, #tpu.memory_space<hbm>>) dst(%arg23 : memref<64x768xf32, #tpu.memory_space<vmem>>)
    %add3A_634 = arith.constant 64 : i32
    %add3A_635 = arith.addi %mul3A_2, %add3A_634 : i32
    %dma_start3A_636 = arith.constant 0 : i32
    %dma_start3A_637 = tpu.memref_slice %arg14[%add3A_635, %dma_start3A_636] : memref<8192x768xf32, #tpu.memory_space<hbm>> -> memref<64x768xf32, #tpu.memory_space<hbm>>
    %dma_start3A_638 = arith.constant 0 : i32
    %dma_start3A_639 = tpu.memref_slice %arg14[%add3A_635, %dma_start3A_638] : memref<8192x768xf32, #tpu.memory_space<hbm>> -> memref<64x768xf32, #tpu.memory_space<hbm>>
    tpu.enqueue_dma source(%arg23 : memref<64x768xf32, #tpu.memory_space<vmem>>) target(%dma_start3A_639 : memref<64x768xf32, #tpu.memory_space<hbm>>) target_semaphore(%arg27 : memref<!tpu.dma_semaphore, #tpu.memory_space<semaphore_mem>>)
    %dma_start3A_640 = arith.constant 0 : i32
    %dma_start3A_641 = tpu.memref_slice %arg20[%add3A_635, %dma_start3A_640] : memref<8192x768xf32, #tpu.memory_space<hbm>> -> memref<64x768xf32, #tpu.memory_space<hbm>>
    %dma_start3A_642 = arith.constant 0 : i32
    %dma_start3A_643 = tpu.memref_slice %arg20[%add3A_635, %dma_start3A_642] : memref<8192x768xf32, #tpu.memory_space<hbm>> -> memref<64x768xf32, #tpu.memory_space<hbm>>
    tpu.enqueue_dma source(%arg23 : memref<64x768xf32, #tpu.memory_space<vmem>>) target(%dma_start3A_643 : memref<64x768xf32, #tpu.memory_space<hbm>>) target_semaphore(%arg27 : memref<!tpu.dma_semaphore, #tpu.memory_space<semaphore_mem>>)
    %dma_wait3A_644 = arith.constant 0 : i32
    %dma_wait3A_645 = tpu.memref_slice %arg14[%add3A_635, %dma_wait3A_644] : memref<8192x768xf32, #tpu.memory_space<hbm>> -> memref<64x768xf32, #tpu.memory_space<hbm>>
    %dma_wait3A_646 = arith.constant 0 : i32
    %dma_wait3A_647 = tpu.memref_slice %arg14[%add3A_635, %dma_wait3A_646] : memref<8192x768xf32, #tpu.memory_space<hbm>> -> memref<64x768xf32, #tpu.memory_space<hbm>>
    tpu.wait_dma2 semaphore(%arg27 : memref<!tpu.dma_semaphore, #tpu.memory_space<semaphore_mem>>) src(%arg23 : memref<64x768xf32, #tpu.memory_space<vmem>>) dst(%dma_wait3A_647 : memref<64x768xf32, #tpu.memory_space<hbm>>)
    %dma_wait3A_648 = arith.constant 0 : i32
    %dma_wait3A_649 = tpu.memref_slice %arg20[%add3A_635, %dma_wait3A_648] : memref<8192x768xf32, #tpu.memory_space<hbm>> -> memref<64x768xf32, #tpu.memory_space<hbm>>
    %dma_wait3A_650 = arith.constant 0 : i32
    %dma_wait3A_651 = tpu.memref_slice %arg20[%add3A_635, %dma_wait3A_650] : memref<8192x768xf32, #tpu.memory_space<hbm>> -> memref<64x768xf32, #tpu.memory_space<hbm>>
    tpu.wait_dma2 semaphore(%arg27 : memref<!tpu.dma_semaphore, #tpu.memory_space<semaphore_mem>>) src(%arg23 : memref<64x768xf32, #tpu.memory_space<vmem>>) dst(%dma_wait3A_651 : memref<64x768xf32, #tpu.memory_space<hbm>>)
    %dma_start3A_652 = arith.constant 192 : i32
    %dma_start3A_653 = tpu.memref_slice %arg21[%dma_start3A_652] : memref<256xi32, #tpu.memory_space<vmem>> -> memref<64xi32, #tpu.memory_space<vmem>>
    %dma_start3A_654 = arith.constant 0 : i32
    %dma_start3A_655 = arith.constant 0 : i32
    %dma_start3A_656 = tpu.memref_slice %arg8[%dma_start3A_654, %dma_start3A_655] : memref<100000x768xf32, #tpu.memory_space<hbm>> -> memref<100000x768xf32, #tpu.memory_space<hbm>>
    tpu.enqueue_indirect_dma source(%dma_start3A_656 : memref<100000x768xf32, #tpu.memory_space<hbm>>) target(%arg23 : memref<64x768xf32, #tpu.memory_space<vmem>>) offsets(%dma_start3A_653 : memref<64xi32, #tpu.memory_space<vmem>>) semaphore(%arg25 : memref<!tpu.dma_semaphore, #tpu.memory_space<semaphore_mem>>)
    %dma_wait3A_657 = arith.constant 128 : i32
    %dma_wait3A_658 = tpu.memref_slice %arg21[%dma_wait3A_657] : memref<256xi32, #tpu.memory_space<vmem>> -> memref<64xi32, #tpu.memory_space<vmem>>
    %dma_wait3A_659 = arith.constant 0 : i32
    %dma_wait3A_660 = arith.constant 0 : i32
    %dma_wait3A_661 = tpu.memref_slice %arg8[%dma_wait3A_659, %dma_wait3A_660] : memref<100000x768xf32, #tpu.memory_space<hbm>> -> memref<100000x768xf32, #tpu.memory_space<hbm>>
    tpu.wait_indirect_dma semaphore(%arg24 : memref<!tpu.dma_semaphore, #tpu.memory_space<semaphore_mem>>) src(%dma_wait3A_661 : memref<100000x768xf32, #tpu.memory_space<hbm>>) dst(%arg22 : memref<64x768xf32, #tpu.memory_space<vmem>>)
    %add3A_662 = arith.constant 128 : i32
    %add3A_663 = arith.addi %mul3A_2, %add3A_662 : i32
    %dma_start3A_664 = arith.constant 0 : i32
    %dma_start3A_665 = tpu.memref_slice %arg14[%add3A_663, %dma_start3A_664] : memref<8192x768xf32, #tpu.memory_space<hbm>> -> memref<64x768xf32, #tpu.memory_space<hbm>>
    %dma_start3A_666 = arith.constant 0 : i32
    %dma_start3A_667 = tpu.memref_slice %arg14[%add3A_663, %dma_start3A_666] : memref<8192x768xf32, #tpu.memory_space<hbm>> -> memref<64x768xf32, #tpu.memory_space<hbm>>
    tpu.enqueue_dma source(%arg22 : memref<64x768xf32, #tpu.memory_space<vmem>>) target(%dma_start3A_667 : memref<64x768xf32, #tpu.memory_space<hbm>>) target_semaphore(%arg26 : memref<!tpu.dma_semaphore, #tpu.memory_space<semaphore_mem>>)
    %dma_start3A_668 = arith.constant 0 : i32
    %dma_start3A_669 = tpu.memref_slice %arg20[%add3A_663, %dma_start3A_668] : memref<8192x768xf32, #tpu.memory_space<hbm>> -> memref<64x768xf32, #tpu.memory_space<hbm>>
    %dma_start3A_670 = arith.constant 0 : i32
    %dma_start3A_671 = tpu.memref_slice %arg20[%add3A_663, %dma_start3A_670] : memref<8192x768xf32, #tpu.memory_space<hbm>> -> memref<64x768xf32, #tpu.memory_space<hbm>>
    tpu.enqueue_dma source(%arg22 : memref<64x768xf32, #tpu.memory_space<vmem>>) target(%dma_start3A_671 : memref<64x768xf32, #tpu.memory_space<hbm>>) target_semaphore(%arg26 : memref<!tpu.dma_semaphore, #tpu.memory_space<semaphore_mem>>)
    %dma_wait3A_672 = arith.constant 192 : i32
    %dma_wait3A_673 = tpu.memref_slice %arg21[%dma_wait3A_672] : memref<256xi32, #tpu.memory_space<vmem>> -> memref<64xi32, #tpu.memory_space<vmem>>
    %dma_wait3A_674 = arith.constant 0 : i32
    %dma_wait3A_675 = arith.constant 0 : i32
    %dma_wait3A_676 = tpu.memref_slice %arg8[%dma_wait3A_674, %dma_wait3A_675] : memref<100000x768xf32, #tpu.memory_space<hbm>> -> memref<100000x768xf32, #tpu.memory_space<hbm>>
    tpu.wait_indirect_dma semaphore(%arg25 : memref<!tpu.dma_semaphore, #tpu.memory_space<semaphore_mem>>) src(%dma_wait3A_676 : memref<100000x768xf32, #tpu.memory_space<hbm>>) dst(%arg23 : memref<64x768xf32, #tpu.memory_space<vmem>>)
    %add3A_677 = arith.constant 192 : i32
    %add3A_678 = arith.addi %mul3A_2, %add3A_677 : i32
    %dma_start3A_679 = arith.constant 0 : i32
    %dma_start3A_680 = tpu.memref_slice %arg14[%add3A_678, %dma_start3A_679] : memref<8192x768xf32, #tpu.memory_space<hbm>> -> memref<64x768xf32, #tpu.memory_space<hbm>>
    %dma_start3A_681 = arith.constant 0 : i32
    %dma_start3A_682 = tpu.memref_slice %arg14[%add3A_678, %dma_start3A_681] : memref<8192x768xf32, #tpu.memory_space<hbm>> -> memref<64x768xf32, #tpu.memory_space<hbm>>
    tpu.enqueue_dma source(%arg23 : memref<64x768xf32, #tpu.memory_space<vmem>>) target(%dma_start3A_682 : memref<64x768xf32, #tpu.memory_space<hbm>>) target_semaphore(%arg27 : memref<!tpu.dma_semaphore, #tpu.memory_space<semaphore_mem>>)
    %dma_start3A_683 = arith.constant 0 : i32
    %dma_start3A_684 = tpu.memref_slice %arg20[%add3A_678, %dma_start3A_683] : memref<8192x768xf32, #tpu.memory_space<hbm>> -> memref<64x768xf32, #tpu.memory_space<hbm>>
    %dma_start3A_685 = arith.constant 0 : i32
    %dma_start3A_686 = tpu.memref_slice %arg20[%add3A_678, %dma_start3A_685] : memref<8192x768xf32, #tpu.memory_space<hbm>> -> memref<64x768xf32, #tpu.memory_space<hbm>>
    tpu.enqueue_dma source(%arg23 : memref<64x768xf32, #tpu.memory_space<vmem>>) target(%dma_start3A_686 : memref<64x768xf32, #tpu.memory_space<hbm>>) target_semaphore(%arg27 : memref<!tpu.dma_semaphore, #tpu.memory_space<semaphore_mem>>)
    %dma_wait3A_687 = arith.constant 0 : i32
    %dma_wait3A_688 = tpu.memref_slice %arg14[%add3A_663, %dma_wait3A_687] : memref<8192x768xf32, #tpu.memory_space<hbm>> -> memref<64x768xf32, #tpu.memory_space<hbm>>
    %dma_wait3A_689 = arith.constant 0 : i32
    %dma_wait3A_690 = tpu.memref_slice %arg14[%add3A_663, %dma_wait3A_689] : memref<8192x768xf32, #tpu.memory_space<hbm>> -> memref<64x768xf32, #tpu.memory_space<hbm>>
    tpu.wait_dma2 semaphore(%arg26 : memref<!tpu.dma_semaphore, #tpu.memory_space<semaphore_mem>>) src(%arg22 : memref<64x768xf32, #tpu.memory_space<vmem>>) dst(%dma_wait3A_690 : memref<64x768xf32, #tpu.memory_space<hbm>>)
    %dma_wait3A_691 = arith.constant 0 : i32
    %dma_wait3A_692 = tpu.memref_slice %arg20[%add3A_663, %dma_wait3A_691] : memref<8192x768xf32, #tpu.memory_space<hbm>> -> memref<64x768xf32, #tpu.memory_space<hbm>>
    %dma_wait3A_693 = arith.constant 0 : i32
    %dma_wait3A_694 = tpu.memref_slice %arg20[%add3A_663, %dma_wait3A_693] : memref<8192x768xf32, #tpu.memory_space<hbm>> -> memref<64x768xf32, #tpu.memory_space<hbm>>
    tpu.wait_dma2 semaphore(%arg26 : memref<!tpu.dma_semaphore, #tpu.memory_space<semaphore_mem>>) src(%arg22 : memref<64x768xf32, #tpu.memory_space<vmem>>) dst(%dma_wait3A_694 : memref<64x768xf32, #tpu.memory_space<hbm>>)
    %dma_wait3A_695 = arith.constant 0 : i32
    %dma_wait3A_696 = tpu.memref_slice %arg14[%add3A_678, %dma_wait3A_695] : memref<8192x768xf32, #tpu.memory_space<hbm>> -> memref<64x768xf32, #tpu.memory_space<hbm>>
    %dma_wait3A_697 = arith.constant 0 : i32
    %dma_wait3A_698 = tpu.memref_slice %arg14[%add3A_678, %dma_wait3A_697] : memref<8192x768xf32, #tpu.memory_space<hbm>> -> memref<64x768xf32, #tpu.memory_space<hbm>>
    tpu.wait_dma2 semaphore(%arg27 : memref<!tpu.dma_semaphore, #tpu.memory_space<semaphore_mem>>) src(%arg23 : memref<64x768xf32, #tpu.memory_space<vmem>>) dst(%dma_wait3A_698 : memref<64x768xf32, #tpu.memory_space<hbm>>)
    %dma_wait3A_699 = arith.constant 0 : i32
    %dma_wait3A_700 = tpu.memref_slice %arg20[%add3A_678, %dma_wait3A_699] : memref<8192x768xf32, #tpu.memory_space<hbm>> -> memref<64x768xf32, #tpu.memory_space<hbm>>
    %dma_wait3A_701 = arith.constant 0 : i32
    %dma_wait3A_702 = tpu.memref_slice %arg20[%add3A_678, %dma_wait3A_701] : memref<8192x768xf32, #tpu.memory_space<hbm>> -> memref<64x768xf32, #tpu.memory_space<hbm>>
    tpu.wait_dma2 semaphore(%arg27 : memref<!tpu.dma_semaphore, #tpu.memory_space<semaphore_mem>>) src(%arg23 : memref<64x768xf32, #tpu.memory_space<vmem>>) dst(%dma_wait3A_702 : memref<64x768xf32, #tpu.memory_space<hbm>>)
    return
  }
}

</mosaic_0001>

<sc_bundles>
// kernel: kernel.3.cloned.1.call-start
scs
__scs_entry_jumppad:
0x0: {  	(pc) =	sbr.rel $0x88, $3  }
0x1: {  	(tag) =	ssettag $0x0;
	lr =	simm.s32 $0x1  }
0x2: {  	[smem:$0x3F9A] =	sst lr;
	_ =	strace $0xD0000000  }
0x3: {  	_ = 	snop  }
0x4: {  	_ = 	snop  }
0x5: {  	_ = 	snop  }
0x6: {  	_ = 	snop  }
0x7: {  	_ = 	snop  }
__scs_overlays_trampoline_lowered:
0x8: {  	[smem:$0x3FA9] =	sst s0  }
0x9: {  	[smem:$0x3FAA] =	sst s1  }
0xa: {  	[smem:$0x3FAB] =	sst s2  }
0xb: {  	[smem:$0x3FAC] =	sst s3  }
0xc: {  	[smem:$0x3FAD] =	sst s4  }
0xd: {  	[smem:$0x3FAE] =	sst s5  }
0xe: {  	[smem:$0x3FAF] =	sst s6  }
0xf: {  	[smem:$0x3FB0] =	sst s7  }
0x10: {  	[smem:$0x3FB1] =	sst s8  }
0x11: {  	[smem:$0x3FB2] =	sst s9;
	s0 =	simm.s32 @!p0 $0x0  }
0x12: {  	s1 =	sld [smem:$0x3F98];
	s0 =	simm.s32 @p0 $0x1  }
0x13: {  	[smem:$0x3FB3] =	sst s0;
	s0 =	simm.s32 @!p1 $0x0  }
0x14: {  	s2 =	sld [smem:$0x3F97];
	s0 =	simm.s32 @p1 $0x1  }
0x15: {  	[smem:$0x3FB4] =	sst s0;
	s0 =	simm.s32 @!p2 $0x0  }
0x16: {  	s3 =	sld [smem:$0x3FDB];
	s0 =	simm.s32 @p2 $0x1  }
0x17: {  	s4 =	simm.s32 $0x1BF5;
	[smem:$0x3FB6] =	sst s0  }
0x18: {  	s0 =	sld [smem:$0x3F99];
	_ =	swait.ge [sflag:s4], $0x0  }
0x19: {  	s7 =	sld [smem:$0x3F9A]  }
0x1a: {  	s8 =	sadd.s32 $0xFFFFE003, lr  }
0x1b: {  	s9 =	sadd.s32 $0xFFFFFEF7, lr;
	s5 =	simm.s32 $0xFFFFFFFF;
	p2 =	slt.u32 s8, $0xFFFFF086  }
0x1c: {  	p1 =	slt.u32 s9, $0xF7A;
	s5 =	simm.s32 @!p2 $0x0  }
0x1d: {  	s5 =	simm.s32 @p1 $0x1;
	p0 =	seq.s32 s7, s2  }
0x1e: {  	s7 =	smul.u32 @!p0 $0xF7A, s2;
	p2 =	seq.s32 @!p0 s5, $0x0  }
0x1f: {  	s9 =	smul.u32 $0xF7A, s1;
	s8 =	simm.s32 @!p0 $0x1BF5;
	p2 =	por !p2, p0  }
0x20: {  	[sflag:s8] =	ssyncset.s32 @!p0 $0xFFFFF086;
	s6 =	sadd.s32 @!p0 s3, s7;
	s7 =	simm.s32 @!p0 $0x108  }
0x21: {  	s3 =	sadd.s32 s3, s9;
	s6 =	sadd.s32 @!p0 $0x88, s6;
	s7 =	simm.s32 @p2 $0x1082  }
0x22: {  	[simem:s7], [sflag:s8] =	dma.local @!p0 [hbm:s6], $0xF7A  }
0x23: {  	s9 =	sor.u32 $0xD0000000, s2;
	s6 =	simm.s32 $0x108;
	_ =	swait.ge @!p0 [sflag:s8], $0x0  }
0x24: {  	s3 =	sadd.s32 $0x88, s3;
	s6 =	simm.s32 @!p1 $0x1082;
	[sflag:s4] =	ssyncset.s32 $0xFFFFF086  }
0x25: {  	[simem:s6], [sflag:s4] =	dma.local [hbm:s3], $0xF7A  }
0x26: {  	[smem:$0x3F9A] =	sst s1;
	(tag) =	ssettag s2;
	_ =	strace s9  }
0x27: {  	s1 =	sld [smem:$0x3FAA]  }
0x28: {  	s2 =	sld [smem:$0x3FAB]  }
0x29: {  	s4 =	sld [smem:$0x3FAD]  }
0x2a: {  	p0 =	seq.s32 s5, $0x0;
	s5 =	sld [smem:$0x3FAE]  }
0x2b: {  	s6 =	sld [smem:$0x3FAF]  }
0x2c: {  	s7 =	sld [smem:$0x3FB0]  }
0x2d: {  	s3 =	simm.s32 $0x108;
	s8 =	sld [smem:$0x3FB1]  }
0x2e: {  	s3 =	simm.s32 @!p0 $0x1082;
	s9 =	sld [smem:$0x3FB2]  }
0x2f: {  	lr =	sadd.s32 s0, s3;
	s0 =	sld [smem:$0x3FA9]  }
0x30: {  	s3 =	sld [smem:$0x3FAC]  }
0x31: {  	[smem:$0x3FB5] =	sst s10  }
0x32: {  	s10 =	sld [smem:$0x3FB3];
	_ =	sdelay $0x3  }
0x33: {  	p0 =	seq.s32 s10, $0x1;
	s10 =	sld [smem:$0x3FB5];
	_ =	sdelay $0x3  }
0x34: {  	[smem:$0x3FB5] =	sst s10  }
0x35: {  	s10 =	sld [smem:$0x3FB4];
	_ =	sdelay $0x3  }
0x36: {  	p1 =	seq.s32 s10, $0x1;
	s10 =	sld [smem:$0x3FB5];
	_ =	sdelay $0x3  }
0x37: {  	[smem:$0x3FB5] =	sst s10  }
0x38: {  	s10 =	sld [smem:$0x3FB6]  }
0x39: {  	_ = 	snop;
	(pc) =	sbr.ind lr, $3  }
0x3a: {  	_ = 	snop  }
0x3b: {  	_ = 	snop  }
0x3c: {  	p2 =	seq.s32 s10, $0x1;
	s10 =	sld [smem:$0x3FB5]  }
0x3d: {  	_ =	shalt  }
0x3e: {  	_ =	shalt  }
0x3f: {  	_ =	shalt  }
0x40: {  	_ =	shalt  }
0x41: {  	_ =	shalt  }
0x42: {  	_ =	shalt  }
0x43: {  	_ =	shalt  }
0x44: {  	_ =	shalt  }
0x45: {  	_ =	shalt  }
0x46: {  	_ =	shalt  }
0x47: {  	_ =	shalt  }
0x48: {  	_ =	shalt  }
0x49: {  	_ =	shalt  }
0x4a: {  	_ =	shalt  }
0x4b: {  	_ =	shalt  }
0x4c: {  	_ =	shalt  }
0x4d: {  	_ =	shalt  }
0x4e: {  	_ =	shalt  }
0x4f: {  	_ =	shalt  }
0x50: {  	_ =	shalt  }
0x51: {  	_ =	shalt  }
0x52: {  	_ =	shalt  }
0x53: {  	_ =	shalt  }
0x54: {  	_ =	shalt  }
0x55: {  	_ =	shalt  }
0x56: {  	_ =	shalt  }
0x57: {  	_ =	shalt  }
0x58: {  	_ =	shalt  }
0x59: {  	_ =	shalt  }
0x5a: {  	_ =	shalt  }
0x5b: {  	_ =	shalt  }
0x5c: {  	_ =	shalt  }
0x5d: {  	_ =	shalt  }
0x5e: {  	_ =	shalt  }
0x5f: {  	_ =	shalt  }
0x60: {  	_ =	shalt  }
0x61: {  	_ =	shalt  }
0x62: {  	_ =	shalt  }
0x63: {  	_ =	shalt  }
0x64: {  	_ =	shalt  }
0x65: {  	_ =	shalt  }
0x66: {  	_ =	shalt  }
0x67: {  	_ =	shalt  }
0x68: {  	_ =	shalt  }
0x69: {  	_ =	shalt  }
0x6a: {  	_ =	shalt  }
0x6b: {  	_ =	shalt  }
0x6c: {  	_ =	shalt  }
0x6d: {  	_ =	shalt  }
0x6e: {  	_ =	shalt  }
0x6f: {  	_ =	shalt  }
0x70: {  	_ =	shalt  }
0x71: {  	_ =	shalt  }
0x72: {  	_ =	shalt  }
0x73: {  	_ =	shalt  }
0x74: {  	_ =	shalt  }
0x75: {  	_ =	shalt  }
0x76: {  	_ =	shalt  }
0x77: {  	_ =	shalt  }
0x78: {  	_ =	shalt  }
0x79: {  	_ =	shalt  }
0x7a: {  	_ =	shalt  }
0x7b: {  	_ =	shalt  }
0x7c: {  	_ =	shalt  }
0x7d: {  	_ =	shalt  }
0x7e: {  	_ =	shalt  }
0x7f: {  	_ =	shalt  }
0x80: {  	_ =	shalt  }
0x81: {  	_ =	shalt  }
0x82: {  	_ =	shalt  }
0x83: {  	_ =	shalt  }
0x84: {  	_ =	shalt  }
0x85: {  	_ =	shalt  }
0x86: {  	_ =	shalt  }
0x87: {  	_ =	shalt  }
.Lfunc_end0:
.L_simem_size_0:
called_computation_lowered:
.L_overlay_start_0:
0x88: {  	s2 =	sld [smem:$0x3FD9]  }
0x89: {  	s3 =	sld [smem:$0x3FFE];
	_ =	sdelay $0x1  }
0x8a: {  	s1 =	srdreg.scid  }
0x8b: {  	s0 =	sand.u32 $0x1, s1  }
0x8c: {  	s28 =	sshll.u32 s0, $0xA;
	s2 =	sadd.s32 s3, s2  }
0x8d: {  	s2 =	sadd.s32 s2, s28  }
0x8e: {  	[smem:$0x3FC1] =	sst s2  }
0x8f: {  	_ = 	snop  }
0x90: {  	s2 =	sld [smem:$0x3FC9]  }
0x91: {  	s3 =	sld [smem:$0x3FC8]  }
0x92: {  	s4 =	sld [smem:$0x3FC7]  }
0x93: {  	s5 =	sld [smem:$0x3FC6]  }
0x94: {  	s15 =	sld [smem:$0x3FD0]  }
0x95: {  	s6 =	sld [smem:$0x3FC5]  }
0x96: {  	s7 =	sld [smem:$0x3FC4]  }
0x97: {  	s17 =	simm.s32 $0xA;
	s19 =	simm.s32 $0x10;
	s8 =	sld [smem:$0x3FC3]  }
0x98: {  	[smem:s19], [sflag:s17] =	dma.local [hbm:s15], $0x1  }
0x99: {  	_ =	swait.eq [sflag:s17], $0x1  }
0x9a: {  	s9 =	sld [smem:$0x10]  }
0x9b: {  	s10 =	sld [smem:$0x11]  }
0x9c: {  	s11 =	sld [smem:$0x12]  }
0x9d: {  	s12 =	sld [smem:$0x13]  }
0x9e: {  	s13 =	sld [smem:$0x14]  }
0x9f: {  	s14 =	sld [smem:$0x15];
	[sflag:s17] =	ssyncset.done $0x0  }
0xa0: {  	s16 =	sld [smem:$0x16];
	[sflag:s17] =	ssyncadd.s32 $0xFFFFFFFF  }
0xa1: {  	s15 =	sadd.s32 $0x1, s15;
	s18 =	sld [smem:$0x17]  }
0xa2: {  	[smem:s19], [sflag:s17] =	dma.local [hbm:s15], $0x1  }
0xa3: {  	_ =	swait.eq [sflag:s17], $0x1  }
0xa4: {  	s19 =	sld [smem:$0x10]  }
0xa5: {  	s20 =	sld [smem:$0x11];
	[sflag:s17] =	ssyncset.done $0x0  }
0xa6: {  	s21 =	sld [smem:$0x12];
	[sflag:s17] =	ssyncadd.s32 $0xFFFFFFFF  }
0xa7: {  	s15 =	sld [smem:$0x13];
	(tm) =	ssettm $0x1  }
0xa8: {  	s29 =	sld [smem:$0x3FFB];
	_ =	sdelay $0x3  }
0xa9: {  	_ =	strace s29  }
0xaa: {  	s17 =	sld [smem:$0x3FFC];
	_ =	sdelay $0x3  }
0xab: {  	_ =	strace s17  }
0xac: {  	s17 =	sld [smem:$0x3FFD];
	_ =	sdelay $0x3  }
0xad: {  	_ =	strace s17  }
0xae: {  	_ =	strace $0x8FFFFFFF  }
0xaf: {  	s30 =	sld [smem:$0x3FDB];
	_ =	sdelay $0x1  }
0xb0: {  	s22 =	simm.s32 $_scs_section_size  }
0xb1: {  	s23 =	simm.s32 $_size__tile_task_arg_handler_lowered;
	s24 =	simm.s32 $_tile_task_arg_handler_lowered  }
0xb2: {  	s26 =	simm.s32 $0x1BFF;
	s25 =	sshll.u32 s24, $0x1;
	s22 =	sadd.s32 s22, s30  }
0xb3: {  	s31 =	sshll.u32 s23, $0x1;
	s23 =	sadd.s32 s25, s22;
	s25 =	simm.s32 $0x60  }
0xb4: {  	[timem:s25], [sflag:s26] =	dma.local [hbm:s23], s31  }
0xb5: {  	_ =	swait.ge [sflag:s26], s31  }
0xb6: {  	s28 =	simm.s32 $_tile_overlayer_lowered;
	s17 =	ssub.s32 $0x0, s31;
	[sflag:s26] =	ssyncset.done $0x0  }
0xb7: {  	s29 =	simm.s32 $_size__tile_overlayer_lowered;
	s23 =	sshll.u32 s28, $0x1;
	[sflag:s26] =	ssyncadd.s32 s17  }
0xb8: {  	s30 =	sshll.u32 s29, $0x1;
	s23 =	sadd.s32 s23, s22;
	s17 =	simm.s32 $0x0  }
0xb9: {  	[timem:s17], [sflag:s26] =	dma.local [hbm:s23], s30  }
0xba: {  	_ =	swait.ge [sflag:s26], s30  }
0xbb: {  	s31 =	ssub.s32 $0x0, s30;
	[sflag:s26] =	ssyncset.done $0x0  }
0xbc: {  	[sflag:s26] =	ssyncadd.s32 s31;
	_ =	sdelay $0x1  }
0xbd: {  	s24 =	simm.s32 $0x1B8B  }
0xbe: {  	_ =	swait.ge [sflag:s24], $0x1  }
0xbf: {  	[sflag:s24] =	ssyncset.done $0x0  }
0xc0: {  	s25 =	simm.s32 $0x1B8E;
	[sflag:s24] =	ssyncadd.s32 $0xFFFFFFFF  }
0xc1: {  	s26 =	simm.s32 $execute0_lowered;
	[smem:$0x3FD2] =	sst s25  }
0xc2: {  	s23 =	sshll.u32 s26, $0x1;
	_ =	strace $0x80000046;
	[dreg:$0x1] =	wrdreg $0xFFFFFFFF  }
0xc3: {  	s28 =	simm.s32 $_size_execute0_lowered;
	s22 =	sadd.s32 s22, s23;
	[dreg:$0x0] =	wrdreg $0x0  }
0xc4: {  	s23 =	sshll.u32 s28, $0x1;
	[dreg:$0x2] =	wrdreg s22  }
0xc5: {  	[dreg:$0x3] =	wrdreg s23  }
0xc6: {  	[dreg:$0x4] =	wrdreg $0xC0  }
0xc7: {  	_ =	task [dreg:s17], $0x5FFFF  }
0xc8: {  	[dreg:$0x1] =	wrdreg $0xFFFFFFFF  }
0xc9: {  	[dreg:$0x0] =	wrdreg $0x30  }
0xca: {  	[dreg:$0x2] =	wrdreg $0x0  }
0xcb: {  	[dreg:$0x3] =	wrdreg s21  }
0xcc: {  	[dreg:$0x4] =	wrdreg s20  }
0xcd: {  	[dreg:$0x5] =	wrdreg s19  }
0xce: {  	[dreg:$0x6] =	wrdreg s18  }
0xcf: {  	[dreg:$0x7] =	wrdreg s16  }
0xd0: {  	[dreg:$0x8] =	wrdreg $0x9  }
0xd1: {  	_ =	task [dreg:s17], $0x9FFFF  }
0xd2: {  	[dreg:$0x1] =	wrdreg $0xFFFFFFFF  }
0xd3: {  	[dreg:$0x0] =	wrdreg $0x60  }
0xd4: {  	[dreg:$0x2] =	wrdreg s2  }
0xd5: {  	[dreg:$0x3] =	wrdreg s3  }
0xd6: {  	[dreg:$0x4] =	wrdreg s4  }
0xd7: {  	[dreg:$0x5] =	wrdreg s5  }
0xd8: {  	[dreg:$0x6] =	wrdreg s6  }
0xd9: {  	[dreg:$0x7] =	wrdreg s7  }
0xda: {  	[dreg:$0x8] =	wrdreg s8  }
0xdb: {  	[dreg:$0x9] =	wrdreg s9  }
0xdc: {  	[dreg:$0xa] =	wrdreg s10  }
0xdd: {  	[dreg:$0xb] =	wrdreg s11  }
0xde: {  	[dreg:$0xc] =	wrdreg s12  }
0xdf: {  	[dreg:$0xd] =	wrdreg s13  }
0xe0: {  	[dreg:$0xe] =	wrdreg s14  }
0xe1: {  	[dreg:$0xf] =	wrdreg s15  }
0xe2: {  	_ =	task.clear_ibuf [dreg:s17], $0x10FFFF;
	_ =	strace $0x90000046  }
0xe3: {  	s29 =	simm.s32 $0x9;
	_ =	strace $0x80000048  }
0xe4: {  	_ =	swait.ge [sflag:s29], $0x1  }
0xe5: {  	[sflag:s29] =	ssyncadd.s32 $0xFFFFFFFF  }
0xe6: {  	_ =	strace $0x90000048  }
0xe7: {  	_ =	sfence  }
0xe8: {  	s30 =	sld [smem:$0x0];
	_ =	sdelay $0x2  }
0xe9: {  	s31 =	sshll.u32 s1, $0xD;
	s1 =	sshrl.u32 s1, $0x2  }
0xea: {  	s3 =	sand.u32 $0x4000, s31;
	s1 =	sadd.s32 s1, s30  }
0xeb: {  	s0 =	sor.u32 s3, s0;
	s1 =	sshll.u32 s1, $0x11  }
0xec: {  	s0 =	sor.u32 s1, s0  }
0xed: {  	s0 =	sadd.s32 $0x8F2B, s0  }
0xee: {  	[sflag:s0] =	ssyncadd.remote.s32 $0x1  }
0xef: {  	_ =	sfence.sel $0xFFFF  }
0xf0: {  	[dreg:$0x0] =	wrdreg $0xFFFFFFFF;
	(pc) =	sbr.abs _section_cstart, $3  }
0xf1: {  	[dreg:$0x1] =	wrdreg $0xFFFFFFFF  }
0xf2: {  	_ =	task.clear_ibuf [dreg:s17], $0x2FFFF;
	_ =	strace $0x9FFFFFFF  }
0xf3: {  	(tm) =	ssettm $0x7FFFFFFF  }
tec
_tile_task_arg_handler_lowered:
.L_overlay_start_1:
0x0: {  	(tag) =	ssettag $0x1  }
0x1: {  	s0 =	rddreg [dreg:$0x0]  }
0x2: {  	s1 =	rddreg [dreg:$0x1]  }
0x3: {  	s2 =	rddreg [dreg:$0x2]  }
0x4: {  	s3 =	rddreg [dreg:$0x3]  }
0x5: {  	s4 =	rddreg [dreg:$0x4]  }
0x6: {  	s5 =	rddreg [dreg:$0x5]  }
0x7: {  	s6 =	rddreg [dreg:$0x6]  }
0x8: {  	s7 =	rddreg [dreg:$0x7]  }
0x9: {  	s8 =	rddreg [dreg:$0x8]  }
0xa: {  	s9 =	rddreg [dreg:$0x9]  }
0xb: {  	s10 =	rddreg [dreg:$0xa]  }
0xc: {  	s11 =	rddreg [dreg:$0xb]  }
0xd: {  	s12 =	rddreg [dreg:$0xc]  }
0xe: {  	s13 =	rddreg [dreg:$0xd]  }
0xf: {  	[smem:s0] =	sst s1  }
0x10: {  	[smem:s0+$0x1] =	sst s2  }
0x11: {  	[smem:s0+$0x2] =	sst s3  }
0x12: {  	[smem:s0+$0x3] =	sst s4  }
0x13: {  	[smem:s0+$0x4] =	sst s5  }
0x14: {  	[smem:s0+$0x5] =	sst s6  }
0x15: {  	[smem:s0+$0x6] =	sst s7  }
0x16: {  	[smem:s0+$0x7] =	sst s8  }
0x17: {  	[smem:s0+$0x8] =	sst s9  }
0x18: {  	[smem:s0+$0x9] =	sst s10  }
0x19: {  	[smem:s0+$0xA] =	sst s11  }
0x1a: {  	[smem:s0+$0xB] =	sst s12  }
0x1b: {  	[smem:s0+$0xC] =	sst s13;
	_ =	shalt  }
.Lfunc_end2:
execute0_lowered:
.L_overlay_start_2:
0x1c: {  	(tag) =	ssettag $0x2  }
0x1d: {  	s16 =	rddreg [dreg:$0x0]  }
0x1e: {  	s0 =	rddreg [dreg:$0x1]  }
0x1f: {  	s1 =	rddreg [dreg:$0x2]  }
0x20: {  	s2 =	rddreg [dreg:$0x3]  }
0x21: {  	s3 =	rddreg [dreg:$0x4]  }
0x22: {  	s4 =	rddreg [dreg:$0x5]  }
0x23: {  	s5 =	rddreg [dreg:$0x6]  }
0x24: {  	s21 =	rddreg [dreg:$0x7]  }
0x25: {  	s19 =	rddreg [dreg:$0x8]  }
0x26: {  	s15 =	rddreg [dreg:$0x9]  }
0x27: {  	s9 =	rddreg [dreg:$0xa]  }
0x28: {  	s11 =	rddreg [dreg:$0xb]  }
0x29: {  	s6 =	rddreg [dreg:$0xc]  }
0x2a: {  	s22 =	rddreg [dreg:$0xd];
	s7 =	simm.s32 $0x0  }
0x2b: {  	[smem:$0x7FF] =	sst s7  }
0x2c: {  	s8 =	srdreg.scid;
	s23 =	sld [smem:$0x0]  }
0x2d: {  	s18 =	stileid.u32;
	s10 =	sand.u32 $0x1, s8;
	s17 =	sld [smem:$0x1]  }
0x2e: {  	s24 =	sshll.u32 s18, $0x9;
	s12 =	sshll.u32 s10, $0x8;
	s13 =	sld [smem:$0x2]  }
0x2f: {  	s18 =	sshll.u32 s18, $0x5;
	s25 =	sld [smem:$0x5];
	s14 =	sor.u32 s12, s24  }
0x30: {  	s12 =	sld [smem:$0x3];
	s8 =	sshll.u32 s14, $0x2;
	s20 =	sshrl.u32 s14, $0x3  }
0x31: {  	s18 =	sor.u32 s18, s8;
	s8 =	sld [smem:$0x4];
	s14 =	smul.u32 $0x300, s20  }
0x32: {  	[smem:$0x7DC] =	sst s25;
	s29 =	smul.u32 $0x1800, s20;
	s18 =	sand.u32 $0x1D80, s18  }
0x33: {  	_ =	strace $0x80000047;
	s18 =	sshrl.u32 s18, $0x3;
	s26 =	sadd.s32 s21, s14  }
0x34: {  	s30 =	sadd.s32 s22, s14;
	s24 =	sshrl.u32 s29, $0x3;
	[dreg:$0xf] =	wrdreg s26  }
0x35: {  	s16 =	sadd.s32 s16, s18;
	[dreg:$0x10] =	wrdreg s30;
	s18 =	sadd.s32 $0x3000, s24  }
0x36: {  	[dreg:$0xe] =	wrdreg s16;
	s26 =	sadd.s32 s21, s18  }
0x37: {  	s20 =	sadd.s32 $0x4800, s24;
	s29 =	sadd.s32 s22, s18;
	[dreg:$0x13] =	wrdreg s26  }
0x38: {  	s16 =	sor.u32 $0x1800, s14;
	s30 =	sadd.s32 s22, s20;
	[dreg:$0x14] =	wrdreg s29  }
0x39: {  	s31 =	sadd.s32 s21, s16;
	[dreg:$0x16] =	wrdreg s30  }
0x3a: {  	s25 =	sadd.s32 s22, s16;
	[dreg:$0x11] =	wrdreg s31  }
0x3b: {  	s21 =	sadd.s32 s21, s20;
	[dreg:$0x12] =	wrdreg s25  }
0x3c: {  	s22 =	sadd.s32 s23, s14;
	[dreg:$0x15] =	wrdreg s21  }
0x3d: {  	s24 =	sadd.s32 s19, s16;
	[dreg:$0x18] =	wrdreg s22  }
0x3e: {  	s26 =	sadd.s32 s19, s18;
	[dreg:$0x19] =	wrdreg s24  }
0x3f: {  	s29 =	sadd.s32 s23, s18;
	[dreg:$0x1b] =	wrdreg s26  }
0x40: {  	s30 =	sadd.s32 s23, s20;
	[dreg:$0x1c] =	wrdreg s29  }
0x41: {  	s31 =	sadd.s32 s19, s14;
	[dreg:$0x1e] =	wrdreg s30  }
0x42: {  	s25 =	sadd.s32 s23, s16;
	[dreg:$0x17] =	wrdreg s31  }
0x43: {  	s19 =	sadd.s32 s19, s20;
	[dreg:$0x1a] =	wrdreg s25  }
0x44: {  	s21 =	sadd.s32 s17, s14;
	[dreg:$0x1d] =	wrdreg s19  }
0x45: {  	s22 =	sadd.s32 s15, s16;
	[smem:$0x7DD] =	sst s21  }
0x46: {  	s23 =	sadd.s32 s17, s16;
	[smem:$0x7DE] =	sst s22  }
0x47: {  	s24 =	sadd.s32 s15, s18;
	[smem:$0x7DF] =	sst s23  }
0x48: {  	s26 =	sadd.s32 s17, s20;
	[smem:$0x7E0] =	sst s24  }
0x49: {  	s29 =	sadd.s32 s9, s14;
	[smem:$0x7E3] =	sst s26  }
0x4a: {  	s30 =	sadd.s32 s13, s14;
	[smem:$0x7E4] =	sst s29  }
0x4b: {  	s31 =	sadd.s32 s15, s14;
	[smem:$0x7E5] =	sst s30  }
0x4c: {  	s25 =	sadd.s32 s17, s18;
	[dreg:$0x1f] =	wrdreg s31  }
0x4d: {  	s15 =	sadd.s32 s15, s20;
	[smem:$0x7E1] =	sst s25  }
0x4e: {  	s17 =	sadd.s32 s13, s16;
	[smem:$0x7E2] =	sst s15  }
0x4f: {  	s19 =	sadd.s32 s9, s18;
	[smem:$0x7E7] =	sst s17  }
0x50: {  	s21 =	sadd.s32 s13, s18;
	[smem:$0x7E8] =	sst s19  }
0x51: {  	s22 =	sadd.s32 s13, s20;
	[smem:$0x7E9] =	sst s21  }
0x52: {  	s28 =	simm.s32 $0xC100;
	s23 =	sadd.s32 s11, s14;
	[smem:$0x7EB] =	sst s22  }
0x53: {  	s10 =	ssub.s32 $0x2, s10;
	s24 =	sadd.s32 s12, s14;
	[smem:$0x7EC] =	sst s23  }
0x54: {  	s26 =	sshrl.u32 s10, $0x1;
	s29 =	sadd.s32 s12, s16;
	[smem:$0x7ED] =	sst s24  }
0x55: {  	s30 =	sadd.s32 s11, s18;
	s13 =	sadd.s32 $0x100, s2;
	[smem:$0x7EF] =	sst s29  }
0x56: {  	s31 =	sadd.s32 s9, s16;
	s9 =	sadd.s32 s9, s20;
	[smem:$0x7F0] =	sst s30  }
0x57: {  	s25 =	sadd.s32 s11, s16;
	s21 =	ssub.s32 s10, s26;
	[smem:$0x7E6] =	sst s31  }
0x58: {  	s10 =	sadd.s32 $0x200, s0;
	s15 =	sadd.s32 s11, s20;
	[smem:$0x7EA] =	sst s9  }
0x59: {  	s11 =	sadd.s32 $0x100, s1;
	s17 =	sadd.s32 s12, s20;
	[smem:$0x7EE] =	sst s25  }
0x5a: {  	s19 =	sadd.s32 s6, s14;
	s22 =	sadd.s32 s8, s14;
	[smem:$0x7F2] =	sst s15  }
0x5b: {  	s14 =	sadd.s32 $0x200, s2;
	s23 =	sadd.s32 s6, s16;
	[smem:$0x7F3] =	sst s17  }
0x5c: {  	s24 =	sadd.s32 s8, s16;
	s16 =	sadd.s32 $0x200, s3;
	[smem:$0x7F4] =	sst s19  }
0x5d: {  	s26 =	sadd.s32 s8, s18;
	s29 =	sadd.s32 s8, s20;
	[smem:$0x7F5] =	sst s22  }
0x5e: {  	s30 =	simm.s32 $0x80;
	s9 =	sadd.s32 $0x100, s0;
	[smem:$0x7F6] =	sst s23  }
0x5f: {  	s31 =	sadd.s32 s12, s18;
	s12 =	sadd.s32 $0x200, s1;
	[smem:$0x7F7] =	sst s24  }
0x60: {  	s15 =	sadd.s32 $0x100, s3;
	s25 =	sadd.s32 s6, s18;
	[smem:$0x7F9] =	sst s26  }
0x61: {  	s17 =	sadd.s32 $0x100, s4;
	s18 =	sadd.s32 $0x200, s4;
	[smem:$0x7FB] =	sst s29  }
0x62: {  	s6 =	sadd.s32 s6, s20;
	s19 =	sadd.s32 $0x100, s5;
	[smem:$0x7FC] =	sst s30  }
0x63: {  	s20 =	sadd.s32 $0x200, s5;
	s8 =	smax.u32 s21, $0x1;
	[smem:$0x7F1] =	sst s31  }
0x64: {  	v2 =	vlaneseq.u32;
	s23 =	simm.s32 $0x100;
	s22 =	simm.s32 $0x1;
	[smem:$0x7F8] =	sst s25  }
0x65: {  	vm0 =	vmmov $0xffff;
	v1 =	vshrl.u32 v2, $0x3;
	s24 =	simm.s32 $0x3;
	[smem:$0x7FA] =	sst s6;
	s31 =	simm.s32 $0x200  }
0x66: {  	v0 =	vand.u32 $0x7, v2;
	v2 =	vor.u32 $0x8, v2;
	v1 =	vmul.u32 $0x8, v1;
	s26 =	simm.s32 $0x4;
	s25 =	simm.s32 $0x2;
	[smem:$0x7FD] =	sst s31  }
.LBB3_1:
0x67: {  	s30 =	sld [smem:$0x7FC]  }
0x68: {  	s31 =	sld [smem:$0x7FD]  }
0x69: {  	[smem:$0x7DB] =	sst s8  }
0x6a: {  	s29 =	rddreg [dreg:$0xe];
	s3 =	simm.s32 $0x5  }
0x6b: {  	[tilespmem:s7], [sflag:$0x5] =	stream.strided.gather [hbm4b:s29+s30], $0x100, s31, s30, $0x38;
	[tilespmem:$0x18100] =	vst v63  }
0x6c: {  	_ =	swait.ge [sflag:s3], $0x100  }
0x6d: {  	[sflag:s3] =	ssyncset.done $0x0  }
0x6e: {  	[sflag:s3] =	ssyncadd.s32 $0xFFFFFF00  }
0x6f: {  	v3 =	vld [tilespmem:$0x0];
	_ =	sdelay $0x4  }
0x70: {  	v4 =	vshrl.u32 v3, $0x3  }
0x71: {  	v4 =	vmul.u32 $0x30, v4  }
0x72: {  	v3 =	vand.u32 $0x7, v3  }
0x73: {  	v3 =	vor.u32 v3, v4  }
0x74: {  	v4 =	vperm.xlane v3, v0;
	_ =	sdelay $0x1  }
0x75: {  	v4 =	vadd.s32 v1, v4;
	_ =	sdelay $0x3  }
0x76: {  	s1 =	rddreg [dreg:$0x1];
	v3 =	vperm.xlane v3, v2  }
0x77: {  	[tilespmem:s23], [sflag:$0x1] =	stream.indirect_vreg.gather [hbm4b:s1+s7], $0x80, v4, vm0, $0xb8;
	[tilespmem:$0x18100] =	vst v63  }
0x78: {  	s6 =	simm.s32 $0x900;
	v3 =	vadd.s32 v1, v3  }
0x79: {  	[tilespmem:s6], [sflag:$0x1] =	stream.indirect_vreg.gather [hbm4b:s9+s7], $0x80, v4, vm0, $0xb8;
	[tilespmem:$0x18100] =	vst v63  }
0x7a: {  	s4 =	simm.s32 $0x1100  }
0x7b: {  	[tilespmem:s4], [sflag:$0x1] =	stream.indirect_vreg.gather [hbm4b:s10+s7], $0x80, v4, vm0, $0xb8;
	[tilespmem:$0x18100] =	vst v63  }
0x7c: {  	s5 =	simm.s32 $0x1900  }
0x7d: {  	[tilespmem:s5], [sflag:$0x1] =	stream.indirect_vreg.gather [hbm4b:s1+s7], $0x80, v3, vm0, $0xb8;
	[tilespmem:$0x18100] =	vst v63  }
0x7e: {  	s8 =	simm.s32 $0x2100  }
0x7f: {  	[tilespmem:s8], [sflag:$0x1] =	stream.indirect_vreg.gather [hbm4b:s9+s7], $0x80, v3, vm0, $0xb8;
	[tilespmem:$0x18100] =	vst v63  }
0x80: {  	s21 =	simm.s32 $0x2900  }
0x81: {  	[tilespmem:s21], [sflag:$0x1] =	stream.indirect_vreg.gather [hbm4b:s10+s7], $0x80, v3, vm0, $0xb8;
	[tilespmem:$0x18100] =	vst v63  }
0x82: {  	v3 =	vld [tilespmem:$0x10];
	_ =	sdelay $0x4  }
0x83: {  	v25 =	vshrl.u32 v3, $0x3  }
0x84: {  	v4 =	vmul.u32 $0x30, v25  }
0x85: {  	v3 =	vand.u32 $0x7, v3  }
0x86: {  	v3 =	vor.u32 v3, v4  }
0x87: {  	v4 =	vperm.xlane v3, v0;
	_ =	sdelay $0x1  }
0x88: {  	v4 =	vadd.s32 v1, v4;
	_ =	sdelay $0x3  }
0x89: {  	s29 =	simm.s32 $0x3100;
	v3 =	vperm.xlane v3, v2  }
0x8a: {  	[tilespmem:s29], [sflag:$0x1] =	stream.indirect_vreg.gather [hbm4b:s1+s7], $0x80, v4, vm0, $0xb8;
	[tilespmem:$0x18100] =	vst v63  }
0x8b: {  	s30 =	simm.s32 $0x3900;
	v3 =	vadd.s32 v1, v3  }
0x8c: {  	[tilespmem:s30], [sflag:$0x1] =	stream.indirect_vreg.gather [hbm4b:s9+s7], $0x80, v4, vm0, $0xb8;
	[tilespmem:$0x18100] =	vst v63  }
0x8d: {  	s0 =	simm.s32 $0x4100  }
0x8e: {  	[tilespmem:s0], [sflag:$0x1] =	stream.indirect_vreg.gather [hbm4b:s10+s7], $0x80, v4, vm0, $0xb8;
	[tilespmem:$0x18100] =	vst v63  }
0x8f: {  	s4 =	simm.s32 $0x4900  }
0x90: {  	[tilespmem:s4], [sflag:$0x1] =	stream.indirect_vreg.gather [hbm4b:s1+s7], $0x80, v3, vm0, $0xb8;
	[tilespmem:$0x18100] =	vst v63  }
0x91: {  	s5 =	simm.s32 $0x5100  }
0x92: {  	[tilespmem:s5], [sflag:$0x1] =	stream.indirect_vreg.gather [hbm4b:s9+s7], $0x80, v3, vm0, $0xb8;
	[tilespmem:$0x18100] =	vst v63  }
0x93: {  	s8 =	simm.s32 $0x5900  }
0x94: {  	[tilespmem:s8], [sflag:$0x1] =	stream.indirect_vreg.gather [hbm4b:s10+s7], $0x80, v3, vm0, $0xb8;
	[tilespmem:$0x18100] =	vst v63  }
0x95: {  	v3 =	vld [tilespmem:$0x20];
	_ =	sdelay $0x4  }
0x96: {  	v26 =	vshrl.u32 v3, $0x3  }
0x97: {  	v4 =	vmul.u32 $0x30, v26  }
0x98: {  	v3 =	vand.u32 $0x7, v3  }
0x99: {  	v3 =	vor.u32 v3, v4  }
0x9a: {  	v4 =	vperm.xlane v3, v0;
	_ =	sdelay $0x1  }
0x9b: {  	v4 =	vadd.s32 v1, v4;
	_ =	sdelay $0x3  }
0x9c: {  	s21 =	simm.s32 $0x6100;
	v3 =	vperm.xlane v3, v2  }
0x9d: {  	[tilespmem:s21], [sflag:$0x1] =	stream.indirect_vreg.gather [hbm4b:s1+s7], $0x80, v4, vm0, $0xb8;
	[tilespmem:$0x18100] =	vst v63  }
0x9e: {  	s29 =	simm.s32 $0x6900;
	v3 =	vadd.s32 v1, v3  }
0x9f: {  	[tilespmem:s29], [sflag:$0x1] =	stream.indirect_vreg.gather [hbm4b:s9+s7], $0x80, v4, vm0, $0xb8;
	[tilespmem:$0x18100] =	vst v63  }
0xa0: {  	s30 =	simm.s32 $0x7100  }
0xa1: {  	[tilespmem:s30], [sflag:$0x1] =	stream.indirect_vreg.gather [hbm4b:s10+s7], $0x80, v4, vm0, $0xb8;
	[tilespmem:$0x18100] =	vst v63  }
0xa2: {  	s0 =	simm.s32 $0x7900  }
0xa3: {  	[tilespmem:s0], [sflag:$0x1] =	stream.indirect_vreg.gather [hbm4b:s1+s7], $0x80, v3, vm0, $0xb8;
	[tilespmem:$0x18100] =	vst v63  }
0xa4: {  	s8 =	simm.s32 $0x8100  }
0xa5: {  	[tilespmem:s8], [sflag:$0x1] =	stream.indirect_vreg.gather [hbm4b:s9+s7], $0x80, v3, vm0, $0xb8;
	[tilespmem:$0x18100] =	vst v63  }
0xa6: {  	s21 =	simm.s32 $0x8900  }
0xa7: {  	[tilespmem:s21], [sflag:$0x1] =	stream.indirect_vreg.gather [hbm4b:s10+s7], $0x80, v3, vm0, $0xb8;
	[tilespmem:$0x18100] =	vst v63  }
0xa8: {  	v3 =	vld [tilespmem:$0x30];
	_ =	sdelay $0x4  }
0xa9: {  	v27 =	vshrl.u32 v3, $0x3  }
0xaa: {  	v4 =	vmul.u32 $0x30, v27  }
0xab: {  	v3 =	vand.u32 $0x7, v3  }
0xac: {  	v3 =	vor.u32 v3, v4  }
0xad: {  	v4 =	vperm.xlane v3, v0;
	_ =	sdelay $0x1  }
0xae: {  	v4 =	vadd.s32 v1, v4;
	_ =	sdelay $0x3  }
0xaf: {  	s29 =	simm.s32 $0x9100;
	v3 =	vperm.xlane v3, v2  }
0xb0: {  	[tilespmem:s29], [sflag:$0x1] =	stream.indirect_vreg.gather [hbm4b:s1+s7], $0x80, v4, vm0, $0xb8;
	[tilespmem:$0x18100] =	vst v63  }
0xb1: {  	s30 =	simm.s32 $0x9900;
	v3 =	vadd.s32 v1, v3  }
0xb2: {  	[tilespmem:s30], [sflag:$0x1] =	stream.indirect_vreg.gather [hbm4b:s9+s7], $0x80, v4, vm0, $0xb8;
	[tilespmem:$0x18100] =	vst v63  }
0xb3: {  	s0 =	simm.s32 $0xA100  }
0xb4: {  	[tilespmem:s0], [sflag:$0x1] =	stream.indirect_vreg.gather [hbm4b:s10+s7], $0x80, v4, vm0, $0xb8;
	[tilespmem:$0x18100] =	vst v63  }
0xb5: {  	s29 =	simm.s32 $0xA900  }
0xb6: {  	[tilespmem:s29], [sflag:$0x1] =	stream.indirect_vreg.gather [hbm4b:s1+s7], $0x80, v3, vm0, $0xb8;
	[tilespmem:$0x18100] =	vst v63  }
0xb7: {  	s30 =	simm.s32 $0xB100  }
0xb8: {  	[tilespmem:s30], [sflag:$0x1] =	stream.indirect_vreg.gather [hbm4b:s9+s7], $0x80, v3, vm0, $0xb8;
	[tilespmem:$0x18100] =	vst v63  }
0xb9: {  	s0 =	simm.s32 $0xB900  }
0xba: {  	[tilespmem:s0], [sflag:$0x1] =	stream.indirect_vreg.gather [hbm4b:s10+s7], $0x80, v3, vm0, $0xb8;
	[tilespmem:$0x18100] =	vst v63  }
0xbb: {  	v3 =	vld [tilespmem:$0x40];
	_ =	sdelay $0x4  }
0xbc: {  	v28 =	vshrl.u32 v3, $0x3  }
0xbd: {  	v4 =	vmul.u32 $0x30, v28  }
0xbe: {  	v3 =	vand.u32 $0x7, v3  }
0xbf: {  	v3 =	vor.u32 v3, v4  }
0xc0: {  	v4 =	vperm.xlane v3, v0;
	_ =	sdelay $0x1  }
0xc1: {  	v4 =	vadd.s32 v1, v4;
	_ =	sdelay $0x3  }
0xc2: {  	v3 =	vperm.xlane v3, v2  }
0xc3: {  	[tilespmem:s28], [sflag:$0x2] =	stream.indirect_vreg.gather [hbm4b:s1+s7], $0x80, v4, vm0, $0xb8;
	[tilespmem:$0x18100] =	vst v63  }
0xc4: {  	s6 =	simm.s32 $0xC900;
	v3 =	vadd.s32 v1, v3  }
0xc5: {  	[tilespmem:s6], [sflag:$0x2] =	stream.indirect_vreg.gather [hbm4b:s9+s7], $0x80, v4, vm0, $0xb8;
	[tilespmem:$0x18100] =	vst v63  }
0xc6: {  	s30 =	simm.s32 $0xD100  }
0xc7: {  	[tilespmem:s30], [sflag:$0x2] =	stream.indirect_vreg.gather [hbm4b:s10+s7], $0x80, v4, vm0, $0xb8;
	[tilespmem:$0x18100] =	vst v63  }
0xc8: {  	s0 =	simm.s32 $0xD900  }
0xc9: {  	[tilespmem:s0], [sflag:$0x2] =	stream.indirect_vreg.gather [hbm4b:s1+s7], $0x80, v3, vm0, $0xb8;
	[tilespmem:$0x18100] =	vst v63  }
0xca: {  	s6 =	simm.s32 $0xE100  }
0xcb: {  	[tilespmem:s6], [sflag:$0x2] =	stream.indirect_vreg.gather [hbm4b:s9+s7], $0x80, v3, vm0, $0xb8;
	[tilespmem:$0x18100] =	vst v63  }
0xcc: {  	s30 =	simm.s32 $0xE900  }
0xcd: {  	[tilespmem:s30], [sflag:$0x2] =	stream.indirect_vreg.gather [hbm4b:s10+s7], $0x80, v3, vm0, $0xb8;
	[tilespmem:$0x18100] =	vst v63  }
0xce: {  	v3 =	vld [tilespmem:$0x50];
	_ =	sdelay $0x4  }
0xcf: {  	v29 =	vshrl.u32 v3, $0x3  }
0xd0: {  	v4 =	vmul.u32 $0x30, v29  }
0xd1: {  	v3 =	vand.u32 $0x7, v3  }
0xd2: {  	v3 =	vor.u32 v3, v4  }
0xd3: {  	v4 =	vperm.xlane v3, v0;
	_ =	sdelay $0x1  }
0xd4: {  	v4 =	vadd.s32 v1, v4;
	_ =	sdelay $0x3  }
0xd5: {  	s0 =	simm.s32 $0xF100;
	v3 =	vperm.xlane v3, v2  }
0xd6: {  	[tilespmem:s0], [sflag:$0x2] =	stream.indirect_vreg.gather [hbm4b:s1+s7], $0x80, v4, vm0, $0xb8;
	[tilespmem:$0x18100] =	vst v63  }
0xd7: {  	s6 =	simm.s32 $0xF900;
	v3 =	vadd.s32 v1, v3  }
0xd8: {  	[tilespmem:s6], [sflag:$0x2] =	stream.indirect_vreg.gather [hbm4b:s9+s7], $0x80, v4, vm0, $0xb8;
	[tilespmem:$0x18100] =	vst v63  }
0xd9: {  	s30 =	simm.s32 $0x10100  }
0xda: {  	[tilespmem:s30], [sflag:$0x2] =	stream.indirect_vreg.gather [hbm4b:s10+s7], $0x80, v4, vm0, $0xb8;
	[tilespmem:$0x18100] =	vst v63  }
0xdb: {  	s0 =	simm.s32 $0x10900  }
0xdc: {  	[tilespmem:s0], [sflag:$0x2] =	stream.indirect_vreg.gather [hbm4b:s1+s7], $0x80, v3, vm0, $0xb8;
	[tilespmem:$0x18100] =	vst v63  }
0xdd: {  	s6 =	simm.s32 $0x11100  }
0xde: {  	[tilespmem:s6], [sflag:$0x2] =	stream.indirect_vreg.gather [hbm4b:s9+s7], $0x80, v3, vm0, $0xb8;
	[tilespmem:$0x18100] =	vst v63  }
0xdf: {  	s30 =	simm.s32 $0x11900  }
0xe0: {  	[tilespmem:s30], [sflag:$0x2] =	stream.indirect_vreg.gather [hbm4b:s10+s7], $0x80, v3, vm0, $0xb8;
	[tilespmem:$0x18100] =	vst v63  }
0xe1: {  	v3 =	vld [tilespmem:$0x60];
	_ =	sdelay $0x4  }
0xe2: {  	v30 =	vshrl.u32 v3, $0x3  }
0xe3: {  	v4 =	vmul.u32 $0x30, v30  }
0xe4: {  	v3 =	vand.u32 $0x7, v3  }
0xe5: {  	v3 =	vor.u32 v3, v4  }
0xe6: {  	v4 =	vperm.xlane v3, v0;
	_ =	sdelay $0x1  }
0xe7: {  	v4 =	vadd.s32 v1, v4;
	_ =	sdelay $0x3  }
0xe8: {  	s0 =	simm.s32 $0x12100;
	v3 =	vperm.xlane v3, v2  }
0xe9: {  	[tilespmem:s0], [sflag:$0x2] =	stream.indirect_vreg.gather [hbm4b:s1+s7], $0x80, v4, vm0, $0xb8;
	[tilespmem:$0x18100] =	vst v63  }
0xea: {  	s6 =	simm.s32 $0x12900;
	v3 =	vadd.s32 v1, v3  }
0xeb: {  	[tilespmem:s6], [sflag:$0x2] =	stream.indirect_vreg.gather [hbm4b:s9+s7], $0x80, v4, vm0, $0xb8;
	[tilespmem:$0x18100] =	vst v63  }
0xec: {  	s30 =	simm.s32 $0x13100  }
0xed: {  	[tilespmem:s30], [sflag:$0x2] =	stream.indirect_vreg.gather [hbm4b:s10+s7], $0x80, v4, vm0, $0xb8;
	[tilespmem:$0x18100] =	vst v63  }
0xee: {  	s0 =	simm.s32 $0x13900  }
0xef: {  	[tilespmem:s0], [sflag:$0x2] =	stream.indirect_vreg.gather [hbm4b:s1+s7], $0x80, v3, vm0, $0xb8;
	[tilespmem:$0x18100] =	vst v63  }
0xf0: {  	s6 =	simm.s32 $0x14100  }
0xf1: {  	[tilespmem:s6], [sflag:$0x2] =	stream.indirect_vreg.gather [hbm4b:s9+s7], $0x80, v3, vm0, $0xb8;
	[tilespmem:$0x18100] =	vst v63  }
0xf2: {  	s30 =	simm.s32 $0x14900  }
0xf3: {  	[tilespmem:s30], [sflag:$0x2] =	stream.indirect_vreg.gather [hbm4b:s10+s7], $0x80, v3, vm0, $0xb8;
	[tilespmem:$0x18100] =	vst v63  }
0xf4: {  	v3 =	vld [tilespmem:$0x70];
	_ =	sdelay $0x4  }
0xf5: {  	v31 =	vshrl.u32 v3, $0x3  }
0xf6: {  	v4 =	vmul.u32 $0x30, v31  }
0xf7: {  	v3 =	vand.u32 $0x7, v3  }
0xf8: {  	v3 =	vor.u32 v3, v4  }
0xf9: {  	v4 =	vperm.xlane v3, v0;
	_ =	sdelay $0x1  }
0xfa: {  	v4 =	vadd.s32 v1, v4;
	_ =	sdelay $0x3  }
0xfb: {  	s0 =	simm.s32 $0x15100;
	v3 =	vperm.xlane v3, v2  }
0xfc: {  	[tilespmem:s0], [sflag:$0x2] =	stream.indirect_vreg.gather [hbm4b:s1+s7], $0x80, v4, vm0, $0xb8;
	[tilespmem:$0x18100] =	vst v63  }
0xfd: {  	s6 =	simm.s32 $0x15900;
	v3 =	vadd.s32 v1, v3  }
0xfe: {  	[tilespmem:s6], [sflag:$0x2] =	stream.indirect_vreg.gather [hbm4b:s9+s7], $0x80, v4, vm0, $0xb8;
	[tilespmem:$0x18100] =	vst v63  }
0xff: {  	s30 =	simm.s32 $0x16100  }
0x100: {  	[tilespmem:s30], [sflag:$0x2] =	stream.indirect_vreg.gather [hbm4b:s10+s7], $0x80, v4, vm0, $0xb8;
	[tilespmem:$0x18100] =	vst v63  }
0x101: {  	s0 =	simm.s32 $0x16900  }
0x102: {  	[tilespmem:s0], [sflag:$0x2] =	stream.indirect_vreg.gather [hbm4b:s1+s7], $0x80, v3, vm0, $0xb8;
	[tilespmem:$0x18100] =	vst v63  }
0x103: {  	s6 =	simm.s32 $0x17100  }
0x104: {  	[tilespmem:s6], [sflag:$0x2] =	stream.indirect_vreg.gather [hbm4b:s9+s7], $0x80, v3, vm0, $0xb8;
	[tilespmem:$0x18100] =	vst v63  }
0x105: {  	s30 =	simm.s32 $0x17900  }
0x106: {  	[tilespmem:s30], [sflag:$0x2] =	stream.indirect_vreg.gather [hbm4b:s10+s7], $0x80, v3, vm0, $0xb8;
	[tilespmem:$0x18100] =	vst v63  }
0x107: {  	_ =	swait.ge [sflag:s22], $0xC000  }
0x108: {  	[sflag:s22] =	ssyncset.done $0x0  }
0x109: {  	s0 =	rddreg [dreg:$0xf];
	[sflag:s22] =	ssyncadd.s32 $0xFFFF4000  }
0x10a: {  	[hbm4b:s0+s7] =	stream.linear.scatter [tilespmem:s23], [sflag:$0x3], $0xC000, $0x38;
	[tilespmem:$0x18100] =	vst v63  }
0x10b: {  	s6 =	rddreg [dreg:$0x10]  }
0x10c: {  	[hbm4b:s6+s7] =	stream.linear.scatter [tilespmem:s23], [sflag:$0x3], $0xC000, $0x38;
	[tilespmem:$0x18100] =	vst v63  }
0x10d: {  	_ =	swait.ge [sflag:s24], $0xC000  }
0x10e: {  	[sflag:s24] =	ssyncset.done $0x0  }
0x10f: {  	[sflag:s24] =	ssyncadd.s32 $0xFFFF4000  }
0x110: {  	_ =	swait.ge [sflag:s24], $0xC000  }
0x111: {  	[sflag:s24] =	ssyncset.done $0x0  }
0x112: {  	[sflag:s24] =	ssyncadd.s32 $0xFFFF4000  }
0x113: {  	v3 =	vld [tilespmem:$0x80];
	_ =	sdelay $0x4  }
0x114: {  	v32 =	vshrl.u32 v3, $0x3  }
0x115: {  	v4 =	vmul.u32 $0x30, v32  }
0x116: {  	v3 =	vand.u32 $0x7, v3  }
0x117: {  	v3 =	vor.u32 v3, v4  }
0x118: {  	v4 =	vperm.xlane v3, v0;
	_ =	sdelay $0x1  }
0x119: {  	v4 =	vadd.s32 v1, v4;
	_ =	sdelay $0x3  }
0x11a: {  	v3 =	vperm.xlane v3, v2  }
0x11b: {  	[tilespmem:s23], [sflag:$0x1] =	stream.indirect_vreg.gather [hbm4b:s1+s7], $0x80, v4, vm0, $0xb8;
	[tilespmem:$0x18100] =	vst v63  }
0x11c: {  	s0 =	simm.s32 $0x900;
	v3 =	vadd.s32 v1, v3  }
0x11d: {  	[tilespmem:s0], [sflag:$0x1] =	stream.indirect_vreg.gather [hbm4b:s9+s7], $0x80, v4, vm0, $0xb8;
	[tilespmem:$0x18100] =	vst v63  }
0x11e: {  	s2 =	simm.s32 $0x1100  }
0x11f: {  	[tilespmem:s2], [sflag:$0x1] =	stream.indirect_vreg.gather [hbm4b:s10+s7], $0x80, v4, vm0, $0xb8;
	[tilespmem:$0x18100] =	vst v63  }
0x120: {  	s31 =	simm.s32 $0x1900  }
0x121: {  	[tilespmem:s31], [sflag:$0x1] =	stream.indirect_vreg.gather [hbm4b:s1+s7], $0x80, v3, vm0, $0xb8;
	[tilespmem:$0x18100] =	vst v63  }
0x122: {  	s0 =	simm.s32 $0x2100  }
0x123: {  	[tilespmem:s0], [sflag:$0x1] =	stream.indirect_vreg.gather [hbm4b:s9+s7], $0x80, v3, vm0, $0xb8;
	[tilespmem:$0x18100] =	vst v63  }
0x124: {  	s30 =	simm.s32 $0x2900  }
0x125: {  	[tilespmem:s30], [sflag:$0x1] =	stream.indirect_vreg.gather [hbm4b:s10+s7], $0x80, v3, vm0, $0xb8;
	[tilespmem:$0x18100] =	vst v63  }
0x126: {  	v3 =	vld [tilespmem:$0x90];
	_ =	sdelay $0x4  }
0x127: {  	v33 =	vshrl.u32 v3, $0x3  }
0x128: {  	v4 =	vmul.u32 $0x30, v33  }
0x129: {  	v3 =	vand.u32 $0x7, v3  }
0x12a: {  	v3 =	vor.u32 v3, v4  }
0x12b: {  	v4 =	vperm.xlane v3, v0;
	_ =	sdelay $0x1  }
0x12c: {  	v4 =	vadd.s32 v1, v4;
	_ =	sdelay $0x3  }
0x12d: {  	s3 =	simm.s32 $0x3100;
	v3 =	vperm.xlane v3, v2  }
0x12e: {  	[tilespmem:s3], [sflag:$0x1] =	stream.indirect_vreg.gather [hbm4b:s1+s7], $0x80, v4, vm0, $0xb8;
	[tilespmem:$0x18100] =	vst v63  }
0x12f: {  	s31 =	simm.s32 $0x3900;
	v3 =	vadd.s32 v1, v3  }
0x130: {  	[tilespmem:s31], [sflag:$0x1] =	stream.indirect_vreg.gather [hbm4b:s9+s7], $0x80, v4, vm0, $0xb8;
	[tilespmem:$0x18100] =	vst v63  }
0x131: {  	s3 =	simm.s32 $0x4100  }
0x132: {  	[tilespmem:s3], [sflag:$0x1] =	stream.indirect_vreg.gather [hbm4b:s10+s7], $0x80, v4, vm0, $0xb8;
	[tilespmem:$0x18100] =	vst v63  }
0x133: {  	s2 =	simm.s32 $0x4900  }
0x134: {  	[tilespmem:s2], [sflag:$0x1] =	stream.indirect_vreg.gather [hbm4b:s1+s7], $0x80, v3, vm0, $0xb8;
	[tilespmem:$0x18100] =	vst v63  }
0x135: {  	s6 =	simm.s32 $0x5100  }
0x136: {  	[tilespmem:s6], [sflag:$0x1] =	stream.indirect_vreg.gather [hbm4b:s9+s7], $0x80, v3, vm0, $0xb8;
	[tilespmem:$0x18100] =	vst v63  }
0x137: {  	s4 =	simm.s32 $0x5900  }
0x138: {  	[tilespmem:s4], [sflag:$0x1] =	stream.indirect_vreg.gather [hbm4b:s10+s7], $0x80, v3, vm0, $0xb8;
	[tilespmem:$0x18100] =	vst v63  }
0x139: {  	v3 =	vld [tilespmem:$0xA0];
	_ =	sdelay $0x4  }
0x13a: {  	v34 =	vshrl.u32 v3, $0x3  }
0x13b: {  	v4 =	vmul.u32 $0x30, v34  }
0x13c: {  	v3 =	vand.u32 $0x7, v3  }
0x13d: {  	v3 =	vor.u32 v3, v4  }
0x13e: {  	v4 =	vperm.xlane v3, v0;
	_ =	sdelay $0x1  }
0x13f: {  	v4 =	vadd.s32 v1, v4;
	_ =	sdelay $0x3  }
0x140: {  	s5 =	simm.s32 $0x6100;
	v3 =	vperm.xlane v3, v2  }
0x141: {  	[tilespmem:s5], [sflag:$0x1] =	stream.indirect_vreg.gather [hbm4b:s1+s7], $0x80, v4, vm0, $0xb8;
	[tilespmem:$0x18100] =	vst v63  }
0x142: {  	s3 =	simm.s32 $0x6900;
	v3 =	vadd.s32 v1, v3  }
0x143: {  	[tilespmem:s3], [sflag:$0x1] =	stream.indirect_vreg.gather [hbm4b:s9+s7], $0x80, v4, vm0, $0xb8;
	[tilespmem:$0x18100] =	vst v63  }
0x144: {  	s29 =	simm.s32 $0x7100  }
0x145: {  	[tilespmem:s29], [sflag:$0x1] =	stream.indirect_vreg.gather [hbm4b:s10+s7], $0x80, v4, vm0, $0xb8;
	[tilespmem:$0x18100] =	vst v63  }
0x146: {  	s4 =	simm.s32 $0x7900  }
0x147: {  	[tilespmem:s4], [sflag:$0x1] =	stream.indirect_vreg.gather [hbm4b:s1+s7], $0x80, v3, vm0, $0xb8;
	[tilespmem:$0x18100] =	vst v63  }
0x148: {  	s5 =	simm.s32 $0x8100  }
0x149: {  	[tilespmem:s5], [sflag:$0x1] =	stream.indirect_vreg.gather [hbm4b:s9+s7], $0x80, v3, vm0, $0xb8;
	[tilespmem:$0x18100] =	vst v63  }
0x14a: {  	s8 =	simm.s32 $0x8900  }
0x14b: {  	[tilespmem:s8], [sflag:$0x1] =	stream.indirect_vreg.gather [hbm4b:s10+s7], $0x80, v3, vm0, $0xb8;
	[tilespmem:$0x18100] =	vst v63  }
0x14c: {  	v3 =	vld [tilespmem:$0xB0];
	_ =	sdelay $0x4  }
0x14d: {  	v35 =	vshrl.u32 v3, $0x3  }
0x14e: {  	v4 =	vmul.u32 $0x30, v35  }
0x14f: {  	v3 =	vand.u32 $0x7, v3  }
0x150: {  	v3 =	vor.u32 v3, v4  }
0x151: {  	v4 =	vperm.xlane v3, v0;
	_ =	sdelay $0x1  }
0x152: {  	v4 =	vadd.s32 v1, v4;
	_ =	sdelay $0x3  }
0x153: {  	s21 =	simm.s32 $0x9100;
	v3 =	vperm.xlane v3, v2  }
0x154: {  	[tilespmem:s21], [sflag:$0x1] =	stream.indirect_vreg.gather [hbm4b:s1+s7], $0x80, v4, vm0, $0xb8;
	[tilespmem:$0x18100] =	vst v63  }
0x155: {  	s6 =	simm.s32 $0x9900;
	v3 =	vadd.s32 v1, v3  }
0x156: {  	[tilespmem:s6], [sflag:$0x1] =	stream.indirect_vreg.gather [hbm4b:s9+s7], $0x80, v4, vm0, $0xb8;
	[tilespmem:$0x18100] =	vst v63  }
0x157: {  	s8 =	simm.s32 $0xA100  }
0x158: {  	[tilespmem:s8], [sflag:$0x1] =	stream.indirect_vreg.gather [hbm4b:s10+s7], $0x80, v4, vm0, $0xb8;
	[tilespmem:$0x18100] =	vst v63  }
0x159: {  	s21 =	simm.s32 $0xA900  }
0x15a: {  	[tilespmem:s21], [sflag:$0x1] =	stream.indirect_vreg.gather [hbm4b:s1+s7], $0x80, v3, vm0, $0xb8;
	[tilespmem:$0x18100] =	vst v63  }
0x15b: {  	s31 =	simm.s32 $0xB100  }
0x15c: {  	[tilespmem:s31], [sflag:$0x1] =	stream.indirect_vreg.gather [hbm4b:s9+s7], $0x80, v3, vm0, $0xb8;
	[tilespmem:$0x18100] =	vst v63  }
0x15d: {  	s30 =	simm.s32 $0xB900  }
0x15e: {  	[tilespmem:s30], [sflag:$0x1] =	stream.indirect_vreg.gather [hbm4b:s10+s7], $0x80, v3, vm0, $0xb8;
	[tilespmem:$0x18100] =	vst v63  }
0x15f: {  	_ =	swait.ge [sflag:s25], $0xC000  }
0x160: {  	[sflag:s25] =	ssyncset.done $0x0  }
0x161: {  	s29 =	rddreg [dreg:$0x11];
	[sflag:s25] =	ssyncadd.s32 $0xFFFF4000  }
0x162: {  	[hbm4b:s29+s7] =	stream.linear.scatter [tilespmem:s28], [sflag:$0x4], $0xC000, $0x38;
	[tilespmem:$0x18100] =	vst v63  }
0x163: {  	s30 =	rddreg [dreg:$0x12]  }
0x164: {  	[hbm4b:s30+s7] =	stream.linear.scatter [tilespmem:s28], [sflag:$0x4], $0xC000, $0x38;
	[tilespmem:$0x18100] =	vst v63  }
0x165: {  	_ =	swait.ge [sflag:s26], $0xC000  }
0x166: {  	[sflag:s26] =	ssyncset.done $0x0  }
0x167: {  	[sflag:s26] =	ssyncadd.s32 $0xFFFF4000  }
0x168: {  	_ =	swait.ge [sflag:s26], $0xC000  }
0x169: {  	[sflag:s26] =	ssyncset.done $0x0  }
0x16a: {  	[sflag:s26] =	ssyncadd.s32 $0xFFFF4000  }
0x16b: {  	v3 =	vld [tilespmem:$0xC0];
	_ =	sdelay $0x4  }
0x16c: {  	v36 =	vshrl.u32 v3, $0x3  }
0x16d: {  	v4 =	vmul.u32 $0x30, v36  }
0x16e: {  	v3 =	vand.u32 $0x7, v3  }
0x16f: {  	v3 =	vor.u32 v3, v4  }
0x170: {  	v4 =	vperm.xlane v3, v0;
	_ =	sdelay $0x1  }
0x171: {  	v4 =	vadd.s32 v1, v4;
	_ =	sdelay $0x3  }
0x172: {  	v3 =	vperm.xlane v3, v2  }
0x173: {  	[tilespmem:s28], [sflag:$0x2] =	stream.indirect_vreg.gather [hbm4b:s1+s7], $0x80, v4, vm0, $0xb8;
	[tilespmem:$0x18100] =	vst v63  }
0x174: {  	s30 =	simm.s32 $0xC900;
	v3 =	vadd.s32 v1, v3  }
0x175: {  	[tilespmem:s30], [sflag:$0x2] =	stream.indirect_vreg.gather [hbm4b:s9+s7], $0x80, v4, vm0, $0xb8;
	[tilespmem:$0x18100] =	vst v63  }
0x176: {  	s30 =	simm.s32 $0xD100  }
0x177: {  	[tilespmem:s30], [sflag:$0x2] =	stream.indirect_vreg.gather [hbm4b:s10+s7], $0x80, v4, vm0, $0xb8;
	[tilespmem:$0x18100] =	vst v63  }
0x178: {  	s30 =	simm.s32 $0xD900  }
0x179: {  	[tilespmem:s30], [sflag:$0x2] =	stream.indirect_vreg.gather [hbm4b:s1+s7], $0x80, v3, vm0, $0xb8;
	[tilespmem:$0x18100] =	vst v63  }
0x17a: {  	s30 =	simm.s32 $0xE100  }
0x17b: {  	[tilespmem:s30], [sflag:$0x2] =	stream.indirect_vreg.gather [hbm4b:s9+s7], $0x80, v3, vm0, $0xb8;
	[tilespmem:$0x18100] =	vst v63  }
0x17c: {  	s30 =	simm.s32 $0xE900  }
0x17d: {  	[tilespmem:s30], [sflag:$0x2] =	stream.indirect_vreg.gather [hbm4b:s10+s7], $0x80, v3, vm0, $0xb8;
	[tilespmem:$0x18100] =	vst v63  }
0x17e: {  	v3 =	vld [tilespmem:$0xD0];
	_ =	sdelay $0x4  }
0x17f: {  	v37 =	vshrl.u32 v3, $0x3  }
0x180: {  	v4 =	vmul.u32 $0x30, v37  }
0x181: {  	v3 =	vand.u32 $0x7, v3  }
0x182: {  	v3 =	vor.u32 v3, v4  }
0x183: {  	v4 =	vperm.xlane v3, v0;
	_ =	sdelay $0x1  }
0x184: {  	v4 =	vadd.s32 v1, v4;
	_ =	sdelay $0x3  }
0x185: {  	s30 =	simm.s32 $0xF100;
	v3 =	vperm.xlane v3, v2  }
0x186: {  	[tilespmem:s30], [sflag:$0x2] =	stream.indirect_vreg.gather [hbm4b:s1+s7], $0x80, v4, vm0, $0xb8;
	[tilespmem:$0x18100] =	vst v63  }
0x187: {  	v3 =	vadd.s32 v1, v3;
	s30 =	simm.s32 $0xF900  }
0x188: {  	[tilespmem:s30], [sflag:$0x2] =	stream.indirect_vreg.gather [hbm4b:s9+s7], $0x80, v4, vm0, $0xb8;
	[tilespmem:$0x18100] =	vst v63  }
0x189: {  	s30 =	simm.s32 $0x10100  }
0x18a: {  	[tilespmem:s30], [sflag:$0x2] =	stream.indirect_vreg.gather [hbm4b:s10+s7], $0x80, v4, vm0, $0xb8;
	[tilespmem:$0x18100] =	vst v63  }
0x18b: {  	s30 =	simm.s32 $0x10900  }
0x18c: {  	[tilespmem:s30], [sflag:$0x2] =	stream.indirect_vreg.gather [hbm4b:s1+s7], $0x80, v3, vm0, $0xb8;
	[tilespmem:$0x18100] =	vst v63  }
0x18d: {  	s30 =	simm.s32 $0x11100  }
0x18e: {  	[tilespmem:s30], [sflag:$0x2] =	stream.indirect_vreg.gather [hbm4b:s9+s7], $0x80, v3, vm0, $0xb8;
	[tilespmem:$0x18100] =	vst v63  }
0x18f: {  	s30 =	simm.s32 $0x11900  }
0x190: {  	[tilespmem:s30], [sflag:$0x2] =	stream.indirect_vreg.gather [hbm4b:s10+s7], $0x80, v3, vm0, $0xb8;
	[tilespmem:$0x18100] =	vst v63  }
0x191: {  	v3 =	vld [tilespmem:$0xE0];
	_ =	sdelay $0x4  }
0x192: {  	v38 =	vshrl.u32 v3, $0x3  }
0x193: {  	v4 =	vmul.u32 $0x30, v38  }
0x194: {  	v3 =	vand.u32 $0x7, v3  }
0x195: {  	v3 =	vor.u32 v3, v4  }
0x196: {  	v4 =	vperm.xlane v3, v0;
	_ =	sdelay $0x1  }
0x197: {  	v4 =	vadd.s32 v1, v4;
	_ =	sdelay $0x3  }
0x198: {  	s30 =	simm.s32 $0x12100;
	v3 =	vperm.xlane v3, v2  }
0x199: {  	[tilespmem:s30], [sflag:$0x2] =	stream.indirect_vreg.gather [hbm4b:s1+s7], $0x80, v4, vm0, $0xb8;
	[tilespmem:$0x18100] =	vst v63  }
0x19a: {  	v3 =	vadd.s32 v1, v3;
	s30 =	simm.s32 $0x12900  }
0x19b: {  	[tilespmem:s30], [sflag:$0x2] =	stream.indirect_vreg.gather [hbm4b:s9+s7], $0x80, v4, vm0, $0xb8;
	[tilespmem:$0x18100] =	vst v63  }
0x19c: {  	s30 =	simm.s32 $0x13100  }
0x19d: {  	[tilespmem:s30], [sflag:$0x2] =	stream.indirect_vreg.gather [hbm4b:s10+s7], $0x80, v4, vm0, $0xb8;
	[tilespmem:$0x18100] =	vst v63  }
0x19e: {  	s30 =	simm.s32 $0x13900  }
0x19f: {  	[tilespmem:s30], [sflag:$0x2] =	stream.indirect_vreg.gather [hbm4b:s1+s7], $0x80, v3, vm0, $0xb8;
	[tilespmem:$0x18100] =	vst v63  }
0x1a0: {  	s30 =	simm.s32 $0x14100  }
0x1a1: {  	[tilespmem:s30], [sflag:$0x2] =	stream.indirect_vreg.gather [hbm4b:s9+s7], $0x80, v3, vm0, $0xb8;
	[tilespmem:$0x18100] =	vst v63  }
0x1a2: {  	s30 =	simm.s32 $0x14900  }
0x1a3: {  	[tilespmem:s30], [sflag:$0x2] =	stream.indirect_vreg.gather [hbm4b:s10+s7], $0x80, v3, vm0, $0xb8;
	[tilespmem:$0x18100] =	vst v63  }
0x1a4: {  	v3 =	vld [tilespmem:$0xF0];
	_ =	sdelay $0x4  }
0x1a5: {  	v39 =	vshrl.u32 v3, $0x3  }
0x1a6: {  	v4 =	vmul.u32 $0x30, v39  }
0x1a7: {  	v3 =	vand.u32 $0x7, v3  }
0x1a8: {  	v3 =	vor.u32 v3, v4  }
0x1a9: {  	v4 =	vperm.xlane v3, v0;
	_ =	sdelay $0x1  }
0x1aa: {  	v4 =	vadd.s32 v1, v4;
	_ =	sdelay $0x3  }
0x1ab: {  	s30 =	simm.s32 $0x15100;
	v3 =	vperm.xlane v3, v2  }
0x1ac: {  	[tilespmem:s30], [sflag:$0x2] =	stream.indirect_vreg.gather [hbm4b:s1+s7], $0x80, v4, vm0, $0xb8;
	[tilespmem:$0x18100] =	vst v63  }
0x1ad: {  	v3 =	vadd.s32 v1, v3;
	s30 =	simm.s32 $0x15900  }
0x1ae: {  	[tilespmem:s30], [sflag:$0x2] =	stream.indirect_vreg.gather [hbm4b:s9+s7], $0x80, v4, vm0, $0xb8;
	[tilespmem:$0x18100] =	vst v63  }
0x1af: {  	s30 =	simm.s32 $0x16100  }
0x1b0: {  	[tilespmem:s30], [sflag:$0x2] =	stream.indirect_vreg.gather [hbm4b:s10+s7], $0x80, v4, vm0, $0xb8;
	[tilespmem:$0x18100] =	vst v63  }
0x1b1: {  	s30 =	simm.s32 $0x16900  }
0x1b2: {  	[tilespmem:s30], [sflag:$0x2] =	stream.indirect_vreg.gather [hbm4b:s1+s7], $0x80, v3, vm0, $0xb8;
	[tilespmem:$0x18100] =	vst v63  }
0x1b3: {  	s29 =	simm.s32 $0x17100  }
0x1b4: {  	[tilespmem:s29], [sflag:$0x2] =	stream.indirect_vreg.gather [hbm4b:s9+s7], $0x80, v3, vm0, $0xb8;
	[tilespmem:$0x18100] =	vst v63  }
0x1b5: {  	s30 =	simm.s32 $0x17900  }
0x1b6: {  	[tilespmem:s30], [sflag:$0x2] =	stream.indirect_vreg.gather [hbm4b:s10+s7], $0x80, v3, vm0, $0xb8;
	[tilespmem:$0x18100] =	vst v63  }
0x1b7: {  	_ =	swait.ge [sflag:s22], $0xC000  }
0x1b8: {  	[sflag:s22] =	ssyncset.done $0x0  }
0x1b9: {  	s29 =	rddreg [dreg:$0x13];
	[sflag:s22] =	ssyncadd.s32 $0xFFFF4000  }
0x1ba: {  	[hbm4b:s29+s7] =	stream.linear.scatter [tilespmem:s23], [sflag:$0x3], $0xC000, $0x38;
	[tilespmem:$0x18100] =	vst v63  }
0x1bb: {  	s1 =	rddreg [dreg:$0x14]  }
0x1bc: {  	[hbm4b:s1+s7] =	stream.linear.scatter [tilespmem:s23], [sflag:$0x3], $0xC000, $0x38;
	[tilespmem:$0x18100] =	vst v63  }
0x1bd: {  	_ =	swait.ge [sflag:s24], $0xC000  }
0x1be: {  	[sflag:s24] =	ssyncset.done $0x0  }
0x1bf: {  	[sflag:s24] =	ssyncadd.s32 $0xFFFF4000  }
0x1c0: {  	_ =	swait.ge [sflag:s24], $0xC000  }
0x1c1: {  	[sflag:s24] =	ssyncset.done $0x0  }
0x1c2: {  	[sflag:s24] =	ssyncadd.s32 $0xFFFF4000  }
0x1c3: {  	v3 =	vld [tilespmem:$0x0];
	_ =	sdelay $0x4  }
0x1c4: {  	v40 =	vshrl.u32 v3, $0x3  }
0x1c5: {  	v4 =	vmul.u32 $0x30, v40  }
0x1c6: {  	v3 =	vand.u32 $0x7, v3  }
0x1c7: {  	v3 =	vor.u32 v3, v4  }
0x1c8: {  	v4 =	vperm.xlane v3, v0;
	_ =	sdelay $0x1  }
0x1c9: {  	v4 =	vadd.s32 v1, v4;
	_ =	sdelay $0x3  }
0x1ca: {  	s1 =	rddreg [dreg:$0x2];
	v3 =	vperm.xlane v3, v2  }
0x1cb: {  	[tilespmem:s23], [sflag:$0x1] =	stream.indirect_vreg.gather [hbm4b:s1+s7], $0x80, v4, vm0, $0xb8;
	[tilespmem:$0x18100] =	vst v63  }
0x1cc: {  	s30 =	simm.s32 $0x900;
	v3 =	vadd.s32 v1, v3  }
0x1cd: {  	[tilespmem:s30], [sflag:$0x1] =	stream.indirect_vreg.gather [hbm4b:s11+s7], $0x80, v4, vm0, $0xb8;
	[tilespmem:$0x18100] =	vst v63  }
0x1ce: {  	s30 =	simm.s32 $0x1100  }
0x1cf: {  	[tilespmem:s30], [sflag:$0x1] =	stream.indirect_vreg.gather [hbm4b:s12+s7], $0x80, v4, vm0, $0xb8;
	[tilespmem:$0x18100] =	vst v63  }
0x1d0: {  	s30 =	simm.s32 $0x1900  }
0x1d1: {  	[tilespmem:s30], [sflag:$0x1] =	stream.indirect_vreg.gather [hbm4b:s1+s7], $0x80, v3, vm0, $0xb8;
	[tilespmem:$0x18100] =	vst v63  }
0x1d2: {  	_ = 	snop  }
0x1d3: {  	[tilespmem:s0], [sflag:$0x1] =	stream.indirect_vreg.gather [hbm4b:s11+s7], $0x80, v3, vm0, $0xb8;
	[tilespmem:$0x18100] =	vst v63  }
0x1d4: {  	s29 =	simm.s32 $0x2900  }
0x1d5: {  	[tilespmem:s29], [sflag:$0x1] =	stream.indirect_vreg.gather [hbm4b:s12+s7], $0x80, v3, vm0, $0xb8;
	[tilespmem:$0x18100] =	vst v63  }
0x1d6: {  	v3 =	vld [tilespmem:$0x10];
	_ =	sdelay $0x4  }
0x1d7: {  	v41 =	vshrl.u32 v3, $0x3  }
0x1d8: {  	v4 =	vmul.u32 $0x30, v41  }
0x1d9: {  	v3 =	vand.u32 $0x7, v3  }
0x1da: {  	v3 =	vor.u32 v3, v4  }
0x1db: {  	v4 =	vperm.xlane v3, v0;
	_ =	sdelay $0x1  }
0x1dc: {  	v4 =	vadd.s32 v1, v4;
	_ =	sdelay $0x3  }
0x1dd: {  	s30 =	simm.s32 $0x3100;
	v3 =	vperm.xlane v3, v2  }
0x1de: {  	[tilespmem:s30], [sflag:$0x1] =	stream.indirect_vreg.gather [hbm4b:s1+s7], $0x80, v4, vm0, $0xb8;
	[tilespmem:$0x18100] =	vst v63  }
0x1df: {  	s29 =	simm.s32 $0x3900;
	v3 =	vadd.s32 v1, v3  }
0x1e0: {  	[tilespmem:s29], [sflag:$0x1] =	stream.indirect_vreg.gather [hbm4b:s11+s7], $0x80, v4, vm0, $0xb8;
	[tilespmem:$0x18100] =	vst v63  }
0x1e1: {  	s30 =	simm.s32 $0x4100  }
0x1e2: {  	[tilespmem:s30], [sflag:$0x1] =	stream.indirect_vreg.gather [hbm4b:s12+s7], $0x80, v4, vm0, $0xb8;
	[tilespmem:$0x18100] =	vst v63  }
0x1e3: {  	_ = 	snop  }
0x1e4: {  	[tilespmem:s2], [sflag:$0x1] =	stream.indirect_vreg.gather [hbm4b:s1+s7], $0x80, v3, vm0, $0xb8;
	[tilespmem:$0x18100] =	vst v63  }
0x1e5: {  	s29 =	simm.s32 $0x5100  }
0x1e6: {  	[tilespmem:s29], [sflag:$0x1] =	stream.indirect_vreg.gather [hbm4b:s11+s7], $0x80, v3, vm0, $0xb8;
	[tilespmem:$0x18100] =	vst v63  }
0x1e7: {  	s30 =	simm.s32 $0x5900  }
0x1e8: {  	[tilespmem:s30], [sflag:$0x1] =	stream.indirect_vreg.gather [hbm4b:s12+s7], $0x80, v3, vm0, $0xb8;
	[tilespmem:$0x18100] =	vst v63  }
0x1e9: {  	v3 =	vld [tilespmem:$0x20];
	_ =	sdelay $0x4  }
0x1ea: {  	v42 =	vshrl.u32 v3, $0x3  }
0x1eb: {  	v4 =	vmul.u32 $0x30, v42  }
0x1ec: {  	v3 =	vand.u32 $0x7, v3  }
0x1ed: {  	v3 =	vor.u32 v3, v4  }
0x1ee: {  	v4 =	vperm.xlane v3, v0;
	_ =	sdelay $0x1  }
0x1ef: {  	v4 =	vadd.s32 v1, v4;
	_ =	sdelay $0x3  }
0x1f0: {  	s2 =	simm.s32 $0x6100;
	v3 =	vperm.xlane v3, v2  }
0x1f1: {  	[tilespmem:s2], [sflag:$0x1] =	stream.indirect_vreg.gather [hbm4b:s1+s7], $0x80, v4, vm0, $0xb8;
	[tilespmem:$0x18100] =	vst v63  }
0x1f2: {  	v3 =	vadd.s32 v1, v3  }
0x1f3: {  	[tilespmem:s3], [sflag:$0x1] =	stream.indirect_vreg.gather [hbm4b:s11+s7], $0x80, v4, vm0, $0xb8;
	[tilespmem:$0x18100] =	vst v63  }
0x1f4: {  	s3 =	simm.s32 $0x7100  }
0x1f5: {  	[tilespmem:s3], [sflag:$0x1] =	stream.indirect_vreg.gather [hbm4b:s12+s7], $0x80, v4, vm0, $0xb8;
	[tilespmem:$0x18100] =	vst v63  }
0x1f6: {  	_ = 	snop  }
0x1f7: {  	[tilespmem:s4], [sflag:$0x1] =	stream.indirect_vreg.gather [hbm4b:s1+s7], $0x80, v3, vm0, $0xb8;
	[tilespmem:$0x18100] =	vst v63  }
0x1f8: {  	_ = 	snop  }
0x1f9: {  	[tilespmem:s5], [sflag:$0x1] =	stream.indirect_vreg.gather [hbm4b:s11+s7], $0x80, v3, vm0, $0xb8;
	[tilespmem:$0x18100] =	vst v63  }
0x1fa: {  	s5 =	simm.s32 $0x8900  }
0x1fb: {  	[tilespmem:s5], [sflag:$0x1] =	stream.indirect_vreg.gather [hbm4b:s12+s7], $0x80, v3, vm0, $0xb8;
	[tilespmem:$0x18100] =	vst v63  }
0x1fc: {  	v3 =	vld [tilespmem:$0x30];
	_ =	sdelay $0x4  }
0x1fd: {  	v43 =	vshrl.u32 v3, $0x3  }
0x1fe: {  	v4 =	vmul.u32 $0x30, v43  }
0x1ff: {  	v3 =	vand.u32 $0x7, v3  }
0x200: {  	v3 =	vor.u32 v3, v4  }
0x201: {  	v4 =	vperm.xlane v3, v0;
	_ =	sdelay $0x1  }
0x202: {  	v4 =	vadd.s32 v1, v4;
	_ =	sdelay $0x3  }
0x203: {  	s29 =	simm.s32 $0x9100;
	v3 =	vperm.xlane v3, v2  }
0x204: {  	[tilespmem:s29], [sflag:$0x1] =	stream.indirect_vreg.gather [hbm4b:s1+s7], $0x80, v4, vm0, $0xb8;
	[tilespmem:$0x18100] =	vst v63  }
0x205: {  	v3 =	vadd.s32 v1, v3  }
0x206: {  	[tilespmem:s6], [sflag:$0x1] =	stream.indirect_vreg.gather [hbm4b:s11+s7], $0x80, v4, vm0, $0xb8;
	[tilespmem:$0x18100] =	vst v63  }
0x207: {  	_ = 	snop  }
0x208: {  	[tilespmem:s8], [sflag:$0x1] =	stream.indirect_vreg.gather [hbm4b:s12+s7], $0x80, v4, vm0, $0xb8;
	[tilespmem:$0x18100] =	vst v63  }
0x209: {  	_ = 	snop  }
0x20a: {  	[tilespmem:s21], [sflag:$0x1] =	stream.indirect_vreg.gather [hbm4b:s1+s7], $0x80, v3, vm0, $0xb8;
	[tilespmem:$0x18100] =	vst v63  }
0x20b: {  	_ = 	snop  }
0x20c: {  	[tilespmem:s31], [sflag:$0x1] =	stream.indirect_vreg.gather [hbm4b:s11+s7], $0x80, v3, vm0, $0xb8;
	[tilespmem:$0x18100] =	vst v63  }
0x20d: {  	s30 =	simm.s32 $0xB900  }
0x20e: {  	[tilespmem:s30], [sflag:$0x1] =	stream.indirect_vreg.gather [hbm4b:s12+s7], $0x80, v3, vm0, $0xb8;
	[tilespmem:$0x18100] =	vst v63  }
0x20f: {  	_ =	swait.ge [sflag:s25], $0xC000  }
0x210: {  	[sflag:s25] =	ssyncset.done $0x0  }
0x211: {  	s31 =	rddreg [dreg:$0x15];
	[sflag:s25] =	ssyncadd.s32 $0xFFFF4000  }
0x212: {  	[hbm4b:s31+s7] =	stream.linear.scatter [tilespmem:s28], [sflag:$0x4], $0xC000, $0x38;
	[tilespmem:$0x18100] =	vst v63  }
0x213: {  	s0 =	rddreg [dreg:$0x16]  }
0x214: {  	[hbm4b:s0+s7] =	stream.linear.scatter [tilespmem:s28], [sflag:$0x4], $0xC000, $0x38;
	[tilespmem:$0x18100] =	vst v63  }
0x215: {  	_ =	swait.ge [sflag:s26], $0xC000  }
0x216: {  	[sflag:s26] =	ssyncset.done $0x0  }
0x217: {  	[sflag:s26] =	ssyncadd.s32 $0xFFFF4000  }
0x218: {  	_ =	swait.ge [sflag:s26], $0xC000  }
0x219: {  	[sflag:s26] =	ssyncset.done $0x0  }
0x21a: {  	[sflag:s26] =	ssyncadd.s32 $0xFFFF4000  }
0x21b: {  	v3 =	vld [tilespmem:$0x40];
	_ =	sdelay $0x4  }
0x21c: {  	v44 =	vshrl.u32 v3, $0x3  }
0x21d: {  	v4 =	vmul.u32 $0x30, v44  }
0x21e: {  	v3 =	vand.u32 $0x7, v3  }
0x21f: {  	v3 =	vor.u32 v3, v4  }
0x220: {  	v4 =	vperm.xlane v3, v0;
	_ =	sdelay $0x1  }
0x221: {  	v4 =	vadd.s32 v1, v4;
	_ =	sdelay $0x3  }
0x222: {  	v3 =	vperm.xlane v3, v2  }
0x223: {  	[tilespmem:s28], [sflag:$0x2] =	stream.indirect_vreg.gather [hbm4b:s1+s7], $0x80, v4, vm0, $0xb8;
	[tilespmem:$0x18100] =	vst v63  }
0x224: {  	s0 =	simm.s32 $0xC900;
	v3 =	vadd.s32 v1, v3  }
0x225: {  	[tilespmem:s0], [sflag:$0x2] =	stream.indirect_vreg.gather [hbm4b:s11+s7], $0x80, v4, vm0, $0xb8;
	[tilespmem:$0x18100] =	vst v63  }
0x226: {  	s31 =	simm.s32 $0xD100  }
0x227: {  	[tilespmem:s31], [sflag:$0x2] =	stream.indirect_vreg.gather [hbm4b:s12+s7], $0x80, v4, vm0, $0xb8;
	[tilespmem:$0x18100] =	vst v63  }
0x228: {  	s30 =	simm.s32 $0xD900  }
0x229: {  	[tilespmem:s30], [sflag:$0x2] =	stream.indirect_vreg.gather [hbm4b:s1+s7], $0x80, v3, vm0, $0xb8;
	[tilespmem:$0x18100] =	vst v63  }
0x22a: {  	s31 =	simm.s32 $0xE100  }
0x22b: {  	[tilespmem:s31], [sflag:$0x2] =	stream.indirect_vreg.gather [hbm4b:s11+s7], $0x80, v3, vm0, $0xb8;
	[tilespmem:$0x18100] =	vst v63  }
0x22c: {  	s30 =	simm.s32 $0xE900  }
0x22d: {  	[tilespmem:s30], [sflag:$0x2] =	stream.indirect_vreg.gather [hbm4b:s12+s7], $0x80, v3, vm0, $0xb8;
	[tilespmem:$0x18100] =	vst v63  }
0x22e: {  	v3 =	vld [tilespmem:$0x50];
	_ =	sdelay $0x4  }
0x22f: {  	v45 =	vshrl.u32 v3, $0x3  }
0x230: {  	v4 =	vmul.u32 $0x30, v45  }
0x231: {  	v3 =	vand.u32 $0x7, v3  }
0x232: {  	v3 =	vor.u32 v3, v4  }
0x233: {  	v4 =	vperm.xlane v3, v0;
	_ =	sdelay $0x1  }
0x234: {  	v4 =	vadd.s32 v1, v4;
	_ =	sdelay $0x3  }
0x235: {  	s31 =	simm.s32 $0xF100;
	v3 =	vperm.xlane v3, v2  }
0x236: {  	[tilespmem:s31], [sflag:$0x2] =	stream.indirect_vreg.gather [hbm4b:s1+s7], $0x80, v4, vm0, $0xb8;
	[tilespmem:$0x18100] =	vst v63  }
0x237: {  	s30 =	simm.s32 $0xF900;
	v3 =	vadd.s32 v1, v3  }
0x238: {  	[tilespmem:s30], [sflag:$0x2] =	stream.indirect_vreg.gather [hbm4b:s11+s7], $0x80, v4, vm0, $0xb8;
	[tilespmem:$0x18100] =	vst v63  }
0x239: {  	s31 =	simm.s32 $0x10100  }
0x23a: {  	[tilespmem:s31], [sflag:$0x2] =	stream.indirect_vreg.gather [hbm4b:s12+s7], $0x80, v4, vm0, $0xb8;
	[tilespmem:$0x18100] =	vst v63  }
0x23b: {  	s30 =	simm.s32 $0x10900  }
0x23c: {  	[tilespmem:s30], [sflag:$0x2] =	stream.indirect_vreg.gather [hbm4b:s1+s7], $0x80, v3, vm0, $0xb8;
	[tilespmem:$0x18100] =	vst v63  }
0x23d: {  	s31 =	simm.s32 $0x11100  }
0x23e: {  	[tilespmem:s31], [sflag:$0x2] =	stream.indirect_vreg.gather [hbm4b:s11+s7], $0x80, v3, vm0, $0xb8;
	[tilespmem:$0x18100] =	vst v63  }
0x23f: {  	s30 =	simm.s32 $0x11900  }
0x240: {  	[tilespmem:s30], [sflag:$0x2] =	stream.indirect_vreg.gather [hbm4b:s12+s7], $0x80, v3, vm0, $0xb8;
	[tilespmem:$0x18100] =	vst v63  }
0x241: {  	v3 =	vld [tilespmem:$0x60];
	_ =	sdelay $0x4  }
0x242: {  	v46 =	vshrl.u32 v3, $0x3  }
0x243: {  	v4 =	vmul.u32 $0x30, v46  }
0x244: {  	v3 =	vand.u32 $0x7, v3  }
0x245: {  	v3 =	vor.u32 v3, v4  }
0x246: {  	v4 =	vperm.xlane v3, v0;
	_ =	sdelay $0x1  }
0x247: {  	v4 =	vadd.s32 v1, v4;
	_ =	sdelay $0x3  }
0x248: {  	s31 =	simm.s32 $0x12100;
	v3 =	vperm.xlane v3, v2  }
0x249: {  	[tilespmem:s31], [sflag:$0x2] =	stream.indirect_vreg.gather [hbm4b:s1+s7], $0x80, v4, vm0, $0xb8;
	[tilespmem:$0x18100] =	vst v63  }
0x24a: {  	s30 =	simm.s32 $0x12900;
	v3 =	vadd.s32 v1, v3  }
0x24b: {  	[tilespmem:s30], [sflag:$0x2] =	stream.indirect_vreg.gather [hbm4b:s11+s7], $0x80, v4, vm0, $0xb8;
	[tilespmem:$0x18100] =	vst v63  }
0x24c: {  	s31 =	simm.s32 $0x13100  }
0x24d: {  	[tilespmem:s31], [sflag:$0x2] =	stream.indirect_vreg.gather [hbm4b:s12+s7], $0x80, v4, vm0, $0xb8;
	[tilespmem:$0x18100] =	vst v63  }
0x24e: {  	s30 =	simm.s32 $0x13900  }
0x24f: {  	[tilespmem:s30], [sflag:$0x2] =	stream.indirect_vreg.gather [hbm4b:s1+s7], $0x80, v3, vm0, $0xb8;
	[tilespmem:$0x18100] =	vst v63  }
0x250: {  	s31 =	simm.s32 $0x14100  }
0x251: {  	[tilespmem:s31], [sflag:$0x2] =	stream.indirect_vreg.gather [hbm4b:s11+s7], $0x80, v3, vm0, $0xb8;
	[tilespmem:$0x18100] =	vst v63  }
0x252: {  	s30 =	simm.s32 $0x14900  }
0x253: {  	[tilespmem:s30], [sflag:$0x2] =	stream.indirect_vreg.gather [hbm4b:s12+s7], $0x80, v3, vm0, $0xb8;
	[tilespmem:$0x18100] =	vst v63  }
0x254: {  	v3 =	vld [tilespmem:$0x70];
	_ =	sdelay $0x4  }
0x255: {  	v47 =	vshrl.u32 v3, $0x3  }
0x256: {  	v4 =	vmul.u32 $0x30, v47  }
0x257: {  	v3 =	vand.u32 $0x7, v3  }
0x258: {  	v3 =	vor.u32 v3, v4  }
0x259: {  	v4 =	vperm.xlane v3, v0;
	_ =	sdelay $0x1  }
0x25a: {  	v4 =	vadd.s32 v1, v4;
	_ =	sdelay $0x3  }
0x25b: {  	s31 =	simm.s32 $0x15100;
	v3 =	vperm.xlane v3, v2  }
0x25c: {  	[tilespmem:s31], [sflag:$0x2] =	stream.indirect_vreg.gather [hbm4b:s1+s7], $0x80, v4, vm0, $0xb8;
	[tilespmem:$0x18100] =	vst v63  }
0x25d: {  	s30 =	simm.s32 $0x15900;
	v3 =	vadd.s32 v1, v3  }
0x25e: {  	[tilespmem:s30], [sflag:$0x2] =	stream.indirect_vreg.gather [hbm4b:s11+s7], $0x80, v4, vm0, $0xb8;
	[tilespmem:$0x18100] =	vst v63  }
0x25f: {  	s31 =	simm.s32 $0x16100  }
0x260: {  	[tilespmem:s31], [sflag:$0x2] =	stream.indirect_vreg.gather [hbm4b:s12+s7], $0x80, v4, vm0, $0xb8;
	[tilespmem:$0x18100] =	vst v63  }
0x261: {  	s30 =	simm.s32 $0x16900  }
0x262: {  	[tilespmem:s30], [sflag:$0x2] =	stream.indirect_vreg.gather [hbm4b:s1+s7], $0x80, v3, vm0, $0xb8;
	[tilespmem:$0x18100] =	vst v63  }
0x263: {  	s31 =	simm.s32 $0x17100  }
0x264: {  	[tilespmem:s31], [sflag:$0x2] =	stream.indirect_vreg.gather [hbm4b:s11+s7], $0x80, v3, vm0, $0xb8;
	[tilespmem:$0x18100] =	vst v63  }
0x265: {  	s30 =	simm.s32 $0x17900  }
0x266: {  	[tilespmem:s30], [sflag:$0x2] =	stream.indirect_vreg.gather [hbm4b:s12+s7], $0x80, v3, vm0, $0xb8;
	[tilespmem:$0x18100] =	vst v63  }
0x267: {  	_ =	swait.ge [sflag:s22], $0xC000  }
0x268: {  	[sflag:s22] =	ssyncset.done $0x0  }
0x269: {  	s29 =	rddreg [dreg:$0x17];
	[sflag:s22] =	ssyncadd.s32 $0xFFFF4000  }
0x26a: {  	[hbm4b:s29+s7] =	stream.linear.scatter [tilespmem:s23], [sflag:$0x3], $0xC000, $0x38;
	[tilespmem:$0x18100] =	vst v63  }
0x26b: {  	s31 =	rddreg [dreg:$0x18]  }
0x26c: {  	[hbm4b:s31+s7] =	stream.linear.scatter [tilespmem:s23], [sflag:$0x3], $0xC000, $0x38;
	[tilespmem:$0x18100] =	vst v63  }
0x26d: {  	_ =	swait.ge [sflag:s24], $0xC000  }
0x26e: {  	[sflag:s24] =	ssyncset.done $0x0  }
0x26f: {  	[sflag:s24] =	ssyncadd.s32 $0xFFFF4000  }
0x270: {  	_ =	swait.ge [sflag:s24], $0xC000  }
0x271: {  	[sflag:s24] =	ssyncset.done $0x0  }
0x272: {  	[sflag:s24] =	ssyncadd.s32 $0xFFFF4000  }
0x273: {  	v3 =	vld [tilespmem:$0x80];
	_ =	sdelay $0x4  }
0x274: {  	v48 =	vshrl.u32 v3, $0x3  }
0x275: {  	v4 =	vmul.u32 $0x30, v48  }
0x276: {  	v3 =	vand.u32 $0x7, v3  }
0x277: {  	v3 =	vor.u32 v3, v4  }
0x278: {  	v4 =	vperm.xlane v3, v0;
	_ =	sdelay $0x1  }
0x279: {  	v4 =	vadd.s32 v1, v4;
	_ =	sdelay $0x3  }
0x27a: {  	v3 =	vperm.xlane v3, v2  }
0x27b: {  	[tilespmem:s23], [sflag:$0x1] =	stream.indirect_vreg.gather [hbm4b:s1+s7], $0x80, v4, vm0, $0xb8;
	[tilespmem:$0x18100] =	vst v63  }
0x27c: {  	s31 =	simm.s32 $0x900;
	v3 =	vadd.s32 v1, v3  }
0x27d: {  	[tilespmem:s31], [sflag:$0x1] =	stream.indirect_vreg.gather [hbm4b:s11+s7], $0x80, v4, vm0, $0xb8;
	[tilespmem:$0x18100] =	vst v63  }
0x27e: {  	s30 =	simm.s32 $0x1100  }
0x27f: {  	[tilespmem:s30], [sflag:$0x1] =	stream.indirect_vreg.gather [hbm4b:s12+s7], $0x80, v4, vm0, $0xb8;
	[tilespmem:$0x18100] =	vst v63  }
0x280: {  	s31 =	simm.s32 $0x1900  }
0x281: {  	[tilespmem:s31], [sflag:$0x1] =	stream.indirect_vreg.gather [hbm4b:s1+s7], $0x80, v3, vm0, $0xb8;
	[tilespmem:$0x18100] =	vst v63  }
0x282: {  	s30 =	simm.s32 $0x2100  }
0x283: {  	[tilespmem:s30], [sflag:$0x1] =	stream.indirect_vreg.gather [hbm4b:s11+s7], $0x80, v3, vm0, $0xb8;
	[tilespmem:$0x18100] =	vst v63  }
0x284: {  	s31 =	simm.s32 $0x2900  }
0x285: {  	[tilespmem:s31], [sflag:$0x1] =	stream.indirect_vreg.gather [hbm4b:s12+s7], $0x80, v3, vm0, $0xb8;
	[tilespmem:$0x18100] =	vst v63  }
0x286: {  	v3 =	vld [tilespmem:$0x90];
	_ =	sdelay $0x4  }
0x287: {  	v49 =	vshrl.u32 v3, $0x3  }
0x288: {  	v4 =	vmul.u32 $0x30, v49  }
0x289: {  	v3 =	vand.u32 $0x7, v3  }
0x28a: {  	v3 =	vor.u32 v3, v4  }
0x28b: {  	v4 =	vperm.xlane v3, v0;
	_ =	sdelay $0x1  }
0x28c: {  	v4 =	vadd.s32 v1, v4;
	_ =	sdelay $0x3  }
0x28d: {  	s30 =	simm.s32 $0x3100;
	v3 =	vperm.xlane v3, v2  }
0x28e: {  	[tilespmem:s30], [sflag:$0x1] =	stream.indirect_vreg.gather [hbm4b:s1+s7], $0x80, v4, vm0, $0xb8;
	[tilespmem:$0x18100] =	vst v63  }
0x28f: {  	s31 =	simm.s32 $0x3900;
	v3 =	vadd.s32 v1, v3  }
0x290: {  	[tilespmem:s31], [sflag:$0x1] =	stream.indirect_vreg.gather [hbm4b:s11+s7], $0x80, v4, vm0, $0xb8;
	[tilespmem:$0x18100] =	vst v63  }
0x291: {  	s30 =	simm.s32 $0x4100  }
0x292: {  	[tilespmem:s30], [sflag:$0x1] =	stream.indirect_vreg.gather [hbm4b:s12+s7], $0x80, v4, vm0, $0xb8;
	[tilespmem:$0x18100] =	vst v63  }
0x293: {  	s31 =	simm.s32 $0x4900  }
0x294: {  	[tilespmem:s31], [sflag:$0x1] =	stream.indirect_vreg.gather [hbm4b:s1+s7], $0x80, v3, vm0, $0xb8;
	[tilespmem:$0x18100] =	vst v63  }
0x295: {  	s30 =	simm.s32 $0x5100  }
0x296: {  	[tilespmem:s30], [sflag:$0x1] =	stream.indirect_vreg.gather [hbm4b:s11+s7], $0x80, v3, vm0, $0xb8;
	[tilespmem:$0x18100] =	vst v63  }
0x297: {  	s30 =	simm.s32 $0x5900  }
0x298: {  	[tilespmem:s30], [sflag:$0x1] =	stream.indirect_vreg.gather [hbm4b:s12+s7], $0x80, v3, vm0, $0xb8;
	[tilespmem:$0x18100] =	vst v63  }
0x299: {  	v3 =	vld [tilespmem:$0xA0];
	_ =	sdelay $0x4  }
0x29a: {  	v50 =	vshrl.u32 v3, $0x3  }
0x29b: {  	v4 =	vmul.u32 $0x30, v50  }
0x29c: {  	v3 =	vand.u32 $0x7, v3  }
0x29d: {  	v3 =	vor.u32 v3, v4  }
0x29e: {  	v4 =	vperm.xlane v3, v0;
	_ =	sdelay $0x1  }
0x29f: {  	v4 =	vadd.s32 v1, v4;
	_ =	sdelay $0x3  }
0x2a0: {  	s30 =	simm.s32 $0x6100;
	v3 =	vperm.xlane v3, v2  }
0x2a1: {  	[tilespmem:s30], [sflag:$0x1] =	stream.indirect_vreg.gather [hbm4b:s1+s7], $0x80, v4, vm0, $0xb8;
	[tilespmem:$0x18100] =	vst v63  }
0x2a2: {  	s2 =	simm.s32 $0x6900;
	v3 =	vadd.s32 v1, v3  }
0x2a3: {  	[tilespmem:s2], [sflag:$0x1] =	stream.indirect_vreg.gather [hbm4b:s11+s7], $0x80, v4, vm0, $0xb8;
	[tilespmem:$0x18100] =	vst v63  }
0x2a4: {  	s30 =	simm.s32 $0x7100  }
0x2a5: {  	[tilespmem:s30], [sflag:$0x1] =	stream.indirect_vreg.gather [hbm4b:s12+s7], $0x80, v4, vm0, $0xb8;
	[tilespmem:$0x18100] =	vst v63  }
0x2a6: {  	s3 =	simm.s32 $0x7900  }
0x2a7: {  	[tilespmem:s3], [sflag:$0x1] =	stream.indirect_vreg.gather [hbm4b:s1+s7], $0x80, v3, vm0, $0xb8;
	[tilespmem:$0x18100] =	vst v63  }
0x2a8: {  	s4 =	simm.s32 $0x8100  }
0x2a9: {  	[tilespmem:s4], [sflag:$0x1] =	stream.indirect_vreg.gather [hbm4b:s11+s7], $0x80, v3, vm0, $0xb8;
	[tilespmem:$0x18100] =	vst v63  }
0x2aa: {  	s3 =	simm.s32 $0x8900  }
0x2ab: {  	[tilespmem:s3], [sflag:$0x1] =	stream.indirect_vreg.gather [hbm4b:s12+s7], $0x80, v3, vm0, $0xb8;
	[tilespmem:$0x18100] =	vst v63  }
0x2ac: {  	v3 =	vld [tilespmem:$0xB0];
	_ =	sdelay $0x4  }
0x2ad: {  	v51 =	vshrl.u32 v3, $0x3  }
0x2ae: {  	v4 =	vmul.u32 $0x30, v51  }
0x2af: {  	v3 =	vand.u32 $0x7, v3  }
0x2b0: {  	v3 =	vor.u32 v3, v4  }
0x2b1: {  	v4 =	vperm.xlane v3, v0;
	_ =	sdelay $0x1  }
0x2b2: {  	v4 =	vadd.s32 v1, v4;
	_ =	sdelay $0x3  }
0x2b3: {  	s29 =	simm.s32 $0x9100;
	v3 =	vperm.xlane v3, v2  }
0x2b4: {  	[tilespmem:s29], [sflag:$0x1] =	stream.indirect_vreg.gather [hbm4b:s1+s7], $0x80, v4, vm0, $0xb8;
	[tilespmem:$0x18100] =	vst v63  }
0x2b5: {  	s5 =	simm.s32 $0x9900;
	v3 =	vadd.s32 v1, v3  }
0x2b6: {  	[tilespmem:s5], [sflag:$0x1] =	stream.indirect_vreg.gather [hbm4b:s11+s7], $0x80, v4, vm0, $0xb8;
	[tilespmem:$0x18100] =	vst v63  }
0x2b7: {  	s6 =	simm.s32 $0xA100  }
0x2b8: {  	[tilespmem:s6], [sflag:$0x1] =	stream.indirect_vreg.gather [hbm4b:s12+s7], $0x80, v4, vm0, $0xb8;
	[tilespmem:$0x18100] =	vst v63  }
0x2b9: {  	s8 =	simm.s32 $0xA900  }
0x2ba: {  	[tilespmem:s8], [sflag:$0x1] =	stream.indirect_vreg.gather [hbm4b:s1+s7], $0x80, v3, vm0, $0xb8;
	[tilespmem:$0x18100] =	vst v63  }
0x2bb: {  	s21 =	simm.s32 $0xB100  }
0x2bc: {  	[tilespmem:s21], [sflag:$0x1] =	stream.indirect_vreg.gather [hbm4b:s11+s7], $0x80, v3, vm0, $0xb8;
	[tilespmem:$0x18100] =	vst v63  }
0x2bd: {  	s30 =	simm.s32 $0xB900  }
0x2be: {  	[tilespmem:s30], [sflag:$0x1] =	stream.indirect_vreg.gather [hbm4b:s12+s7], $0x80, v3, vm0, $0xb8;
	[tilespmem:$0x18100] =	vst v63  }
0x2bf: {  	_ =	swait.ge [sflag:s25], $0xC000  }
0x2c0: {  	[sflag:s25] =	ssyncset.done $0x0  }
0x2c1: {  	s2 =	rddreg [dreg:$0x19];
	[sflag:s25] =	ssyncadd.s32 $0xFFFF4000  }
0x2c2: {  	[hbm4b:s2+s7] =	stream.linear.scatter [tilespmem:s28], [sflag:$0x4], $0xC000, $0x38;
	[tilespmem:$0x18100] =	vst v63  }
0x2c3: {  	s3 =	rddreg [dreg:$0x1a]  }
0x2c4: {  	[hbm4b:s3+s7] =	stream.linear.scatter [tilespmem:s28], [sflag:$0x4], $0xC000, $0x38;
	[tilespmem:$0x18100] =	vst v63  }
0x2c5: {  	_ =	swait.ge [sflag:s26], $0xC000  }
0x2c6: {  	[sflag:s26] =	ssyncset.done $0x0  }
0x2c7: {  	[sflag:s26] =	ssyncadd.s32 $0xFFFF4000  }
0x2c8: {  	_ =	swait.ge [sflag:s26], $0xC000  }
0x2c9: {  	[sflag:s26] =	ssyncset.done $0x0  }
0x2ca: {  	[sflag:s26] =	ssyncadd.s32 $0xFFFF4000  }
0x2cb: {  	v3 =	vld [tilespmem:$0xC0];
	_ =	sdelay $0x4  }
0x2cc: {  	v52 =	vshrl.u32 v3, $0x3  }
0x2cd: {  	v4 =	vmul.u32 $0x30, v52  }
0x2ce: {  	v3 =	vand.u32 $0x7, v3  }
0x2cf: {  	v3 =	vor.u32 v3, v4  }
0x2d0: {  	v4 =	vperm.xlane v3, v0;
	_ =	sdelay $0x1  }
0x2d1: {  	v4 =	vadd.s32 v1, v4;
	_ =	sdelay $0x3  }
0x2d2: {  	v3 =	vperm.xlane v3, v2  }
0x2d3: {  	[tilespmem:s28], [sflag:$0x2] =	stream.indirect_vreg.gather [hbm4b:s1+s7], $0x80, v4, vm0, $0xb8;
	[tilespmem:$0x18100] =	vst v63  }
0x2d4: {  	v3 =	vadd.s32 v1, v3  }
0x2d5: {  	[tilespmem:s0], [sflag:$0x2] =	stream.indirect_vreg.gather [hbm4b:s11+s7], $0x80, v4, vm0, $0xb8;
	[tilespmem:$0x18100] =	vst v63  }
0x2d6: {  	s29 =	simm.s32 $0xD100  }
0x2d7: {  	[tilespmem:s29], [sflag:$0x2] =	stream.indirect_vreg.gather [hbm4b:s12+s7], $0x80, v4, vm0, $0xb8;
	[tilespmem:$0x18100] =	vst v63  }
0x2d8: {  	s30 =	simm.s32 $0xD900  }
0x2d9: {  	[tilespmem:s30], [sflag:$0x2] =	stream.indirect_vreg.gather [hbm4b:s1+s7], $0x80, v3, vm0, $0xb8;
	[tilespmem:$0x18100] =	vst v63  }
0x2da: {  	s2 =	simm.s32 $0xE100  }
0x2db: {  	[tilespmem:s2], [sflag:$0x2] =	stream.indirect_vreg.gather [hbm4b:s11+s7], $0x80, v3, vm0, $0xb8;
	[tilespmem:$0x18100] =	vst v63  }
0x2dc: {  	s3 =	simm.s32 $0xE900  }
0x2dd: {  	[tilespmem:s3], [sflag:$0x2] =	stream.indirect_vreg.gather [hbm4b:s12+s7], $0x80, v3, vm0, $0xb8;
	[tilespmem:$0x18100] =	vst v63  }
0x2de: {  	v3 =	vld [tilespmem:$0xD0];
	_ =	sdelay $0x4  }
0x2df: {  	v53 =	vshrl.u32 v3, $0x3  }
0x2e0: {  	v4 =	vmul.u32 $0x30, v53  }
0x2e1: {  	v3 =	vand.u32 $0x7, v3  }
0x2e2: {  	v3 =	vor.u32 v3, v4  }
0x2e3: {  	v4 =	vperm.xlane v3, v0;
	_ =	sdelay $0x1  }
0x2e4: {  	v4 =	vadd.s32 v1, v4;
	_ =	sdelay $0x3  }
0x2e5: {  	s29 =	simm.s32 $0xF100;
	v3 =	vperm.xlane v3, v2  }
0x2e6: {  	[tilespmem:s29], [sflag:$0x2] =	stream.indirect_vreg.gather [hbm4b:s1+s7], $0x80, v4, vm0, $0xb8;
	[tilespmem:$0x18100] =	vst v63  }
0x2e7: {  	s30 =	simm.s32 $0xF900;
	v3 =	vadd.s32 v1, v3  }
0x2e8: {  	[tilespmem:s30], [sflag:$0x2] =	stream.indirect_vreg.gather [hbm4b:s11+s7], $0x80, v4, vm0, $0xb8;
	[tilespmem:$0x18100] =	vst v63  }
0x2e9: {  	s2 =	simm.s32 $0x10100  }
0x2ea: {  	[tilespmem:s2], [sflag:$0x2] =	stream.indirect_vreg.gather [hbm4b:s12+s7], $0x80, v4, vm0, $0xb8;
	[tilespmem:$0x18100] =	vst v63  }
0x2eb: {  	s3 =	simm.s32 $0x10900  }
0x2ec: {  	[tilespmem:s3], [sflag:$0x2] =	stream.indirect_vreg.gather [hbm4b:s1+s7], $0x80, v3, vm0, $0xb8;
	[tilespmem:$0x18100] =	vst v63  }
0x2ed: {  	s29 =	simm.s32 $0x11100  }
0x2ee: {  	[tilespmem:s29], [sflag:$0x2] =	stream.indirect_vreg.gather [hbm4b:s11+s7], $0x80, v3, vm0, $0xb8;
	[tilespmem:$0x18100] =	vst v63  }
0x2ef: {  	s30 =	simm.s32 $0x11900  }
0x2f0: {  	[tilespmem:s30], [sflag:$0x2] =	stream.indirect_vreg.gather [hbm4b:s12+s7], $0x80, v3, vm0, $0xb8;
	[tilespmem:$0x18100] =	vst v63  }
0x2f1: {  	v3 =	vld [tilespmem:$0xE0];
	_ =	sdelay $0x4  }
0x2f2: {  	v54 =	vshrl.u32 v3, $0x3  }
0x2f3: {  	v4 =	vmul.u32 $0x30, v54  }
0x2f4: {  	v3 =	vand.u32 $0x7, v3  }
0x2f5: {  	v3 =	vor.u32 v3, v4  }
0x2f6: {  	v4 =	vperm.xlane v3, v0;
	_ =	sdelay $0x1  }
0x2f7: {  	v4 =	vadd.s32 v1, v4;
	_ =	sdelay $0x3  }
0x2f8: {  	s2 =	simm.s32 $0x12100;
	v3 =	vperm.xlane v3, v2  }
0x2f9: {  	[tilespmem:s2], [sflag:$0x2] =	stream.indirect_vreg.gather [hbm4b:s1+s7], $0x80, v4, vm0, $0xb8;
	[tilespmem:$0x18100] =	vst v63  }
0x2fa: {  	s3 =	simm.s32 $0x12900;
	v3 =	vadd.s32 v1, v3  }
0x2fb: {  	[tilespmem:s3], [sflag:$0x2] =	stream.indirect_vreg.gather [hbm4b:s11+s7], $0x80, v4, vm0, $0xb8;
	[tilespmem:$0x18100] =	vst v63  }
0x2fc: {  	s29 =	simm.s32 $0x13100  }
0x2fd: {  	[tilespmem:s29], [sflag:$0x2] =	stream.indirect_vreg.gather [hbm4b:s12+s7], $0x80, v4, vm0, $0xb8;
	[tilespmem:$0x18100] =	vst v63  }
0x2fe: {  	s30 =	simm.s32 $0x13900  }
0x2ff: {  	[tilespmem:s30], [sflag:$0x2] =	stream.indirect_vreg.gather [hbm4b:s1+s7], $0x80, v3, vm0, $0xb8;
	[tilespmem:$0x18100] =	vst v63  }
0x300: {  	s2 =	simm.s32 $0x14100  }
0x301: {  	[tilespmem:s2], [sflag:$0x2] =	stream.indirect_vreg.gather [hbm4b:s11+s7], $0x80, v3, vm0, $0xb8;
	[tilespmem:$0x18100] =	vst v63  }
0x302: {  	s3 =	simm.s32 $0x14900  }
0x303: {  	[tilespmem:s3], [sflag:$0x2] =	stream.indirect_vreg.gather [hbm4b:s12+s7], $0x80, v3, vm0, $0xb8;
	[tilespmem:$0x18100] =	vst v63  }
0x304: {  	v3 =	vld [tilespmem:$0xF0];
	_ =	sdelay $0x4  }
0x305: {  	v55 =	vshrl.u32 v3, $0x3  }
0x306: {  	v4 =	vmul.u32 $0x30, v55  }
0x307: {  	v3 =	vand.u32 $0x7, v3  }
0x308: {  	v3 =	vor.u32 v3, v4  }
0x309: {  	v4 =	vperm.xlane v3, v0;
	_ =	sdelay $0x1  }
0x30a: {  	v4 =	vadd.s32 v1, v4;
	_ =	sdelay $0x3  }
0x30b: {  	s29 =	simm.s32 $0x15100;
	v3 =	vperm.xlane v3, v2  }
0x30c: {  	[tilespmem:s29], [sflag:$0x2] =	stream.indirect_vreg.gather [hbm4b:s1+s7], $0x80, v4, vm0, $0xb8;
	[tilespmem:$0x18100] =	vst v63  }
0x30d: {  	s30 =	simm.s32 $0x15900;
	v3 =	vadd.s32 v1, v3  }
0x30e: {  	[tilespmem:s30], [sflag:$0x2] =	stream.indirect_vreg.gather [hbm4b:s11+s7], $0x80, v4, vm0, $0xb8;
	[tilespmem:$0x18100] =	vst v63  }
0x30f: {  	s2 =	simm.s32 $0x16100  }
0x310: {  	[tilespmem:s2], [sflag:$0x2] =	stream.indirect_vreg.gather [hbm4b:s12+s7], $0x80, v4, vm0, $0xb8;
	[tilespmem:$0x18100] =	vst v63  }
0x311: {  	s3 =	simm.s32 $0x16900  }
0x312: {  	[tilespmem:s3], [sflag:$0x2] =	stream.indirect_vreg.gather [hbm4b:s1+s7], $0x80, v3, vm0, $0xb8;
	[tilespmem:$0x18100] =	vst v63  }
0x313: {  	s29 =	simm.s32 $0x17100  }
0x314: {  	[tilespmem:s29], [sflag:$0x2] =	stream.indirect_vreg.gather [hbm4b:s11+s7], $0x80, v3, vm0, $0xb8;
	[tilespmem:$0x18100] =	vst v63  }
0x315: {  	s30 =	simm.s32 $0x17900  }
0x316: {  	[tilespmem:s30], [sflag:$0x2] =	stream.indirect_vreg.gather [hbm4b:s12+s7], $0x80, v3, vm0, $0xb8;
	[tilespmem:$0x18100] =	vst v63  }
0x317: {  	_ =	swait.ge [sflag:s22], $0xC000  }
0x318: {  	[sflag:s22] =	ssyncset.done $0x0  }
0x319: {  	s1 =	rddreg [dreg:$0x1b];
	[sflag:s22] =	ssyncadd.s32 $0xFFFF4000  }
0x31a: {  	[hbm4b:s1+s7] =	stream.linear.scatter [tilespmem:s23], [sflag:$0x3], $0xC000, $0x38;
	[tilespmem:$0x18100] =	vst v63  }
0x31b: {  	s2 =	rddreg [dreg:$0x1c]  }
0x31c: {  	[hbm4b:s2+s7] =	stream.linear.scatter [tilespmem:s23], [sflag:$0x3], $0xC000, $0x38;
	[tilespmem:$0x18100] =	vst v63  }
0x31d: {  	_ =	swait.ge [sflag:s24], $0xC000  }
0x31e: {  	[sflag:s24] =	ssyncset.done $0x0  }
0x31f: {  	[sflag:s24] =	ssyncadd.s32 $0xFFFF4000  }
0x320: {  	_ =	swait.ge [sflag:s24], $0xC000  }
0x321: {  	[sflag:s24] =	ssyncset.done $0x0  }
0x322: {  	[sflag:s24] =	ssyncadd.s32 $0xFFFF4000  }
0x323: {  	v3 =	vld [tilespmem:$0x0];
	_ =	sdelay $0x4  }
0x324: {  	v56 =	vshrl.u32 v3, $0x3  }
0x325: {  	v4 =	vmul.u32 $0x30, v56  }
0x326: {  	v3 =	vand.u32 $0x7, v3  }
0x327: {  	v3 =	vor.u32 v3, v4  }
0x328: {  	v4 =	vperm.xlane v3, v0;
	_ =	sdelay $0x1  }
0x329: {  	v4 =	vadd.s32 v1, v4;
	_ =	sdelay $0x3  }
0x32a: {  	s2 =	rddreg [dreg:$0x3];
	v3 =	vperm.xlane v3, v2  }
0x32b: {  	[tilespmem:s23], [sflag:$0x1] =	stream.indirect_vreg.gather [hbm4b:s2+s7], $0x80, v4, vm0, $0xb8;
	[tilespmem:$0x18100] =	vst v63  }
0x32c: {  	s3 =	simm.s32 $0x900;
	v3 =	vadd.s32 v1, v3  }
0x32d: {  	[tilespmem:s3], [sflag:$0x1] =	stream.indirect_vreg.gather [hbm4b:s13+s7], $0x80, v4, vm0, $0xb8;
	[tilespmem:$0x18100] =	vst v63  }
0x32e: {  	s29 =	simm.s32 $0x1100  }
0x32f: {  	[tilespmem:s29], [sflag:$0x1] =	stream.indirect_vreg.gather [hbm4b:s14+s7], $0x80, v4, vm0, $0xb8;
	[tilespmem:$0x18100] =	vst v63  }
0x330: {  	s30 =	simm.s32 $0x1900  }
0x331: {  	[tilespmem:s30], [sflag:$0x1] =	stream.indirect_vreg.gather [hbm4b:s2+s7], $0x80, v3, vm0, $0xb8;
	[tilespmem:$0x18100] =	vst v63  }
0x332: {  	s1 =	simm.s32 $0x2100  }
0x333: {  	[tilespmem:s1], [sflag:$0x1] =	stream.indirect_vreg.gather [hbm4b:s13+s7], $0x80, v3, vm0, $0xb8;
	[tilespmem:$0x18100] =	vst v63  }
0x334: {  	s3 =	simm.s32 $0x2900  }
0x335: {  	[tilespmem:s3], [sflag:$0x1] =	stream.indirect_vreg.gather [hbm4b:s14+s7], $0x80, v3, vm0, $0xb8;
	[tilespmem:$0x18100] =	vst v63  }
0x336: {  	v3 =	vld [tilespmem:$0x10];
	_ =	sdelay $0x4  }
0x337: {  	v57 =	vshrl.u32 v3, $0x3  }
0x338: {  	v4 =	vmul.u32 $0x30, v57  }
0x339: {  	v3 =	vand.u32 $0x7, v3  }
0x33a: {  	v3 =	vor.u32 v3, v4  }
0x33b: {  	v4 =	vperm.xlane v3, v0;
	_ =	sdelay $0x1  }
0x33c: {  	v4 =	vadd.s32 v1, v4;
	_ =	sdelay $0x3  }
0x33d: {  	s29 =	simm.s32 $0x3100;
	v3 =	vperm.xlane v3, v2  }
0x33e: {  	[tilespmem:s29], [sflag:$0x1] =	stream.indirect_vreg.gather [hbm4b:s2+s7], $0x80, v4, vm0, $0xb8;
	[tilespmem:$0x18100] =	vst v63  }
0x33f: {  	s3 =	simm.s32 $0x3900;
	v3 =	vadd.s32 v1, v3  }
0x340: {  	[tilespmem:s3], [sflag:$0x1] =	stream.indirect_vreg.gather [hbm4b:s13+s7], $0x80, v4, vm0, $0xb8;
	[tilespmem:$0x18100] =	vst v63  }
0x341: {  	s30 =	simm.s32 $0x4100  }
0x342: {  	[tilespmem:s30], [sflag:$0x1] =	stream.indirect_vreg.gather [hbm4b:s14+s7], $0x80, v4, vm0, $0xb8;
	[tilespmem:$0x18100] =	vst v63  }
0x343: {  	s31 =	simm.s32 $0x4900  }
0x344: {  	[tilespmem:s31], [sflag:$0x1] =	stream.indirect_vreg.gather [hbm4b:s2+s7], $0x80, v3, vm0, $0xb8;
	[tilespmem:$0x18100] =	vst v63  }
0x345: {  	s31 =	simm.s32 $0x5100  }
0x346: {  	[tilespmem:s31], [sflag:$0x1] =	stream.indirect_vreg.gather [hbm4b:s13+s7], $0x80, v3, vm0, $0xb8;
	[tilespmem:$0x18100] =	vst v63  }
0x347: {  	s1 =	simm.s32 $0x5900  }
0x348: {  	[tilespmem:s1], [sflag:$0x1] =	stream.indirect_vreg.gather [hbm4b:s14+s7], $0x80, v3, vm0, $0xb8;
	[tilespmem:$0x18100] =	vst v63  }
0x349: {  	v3 =	vld [tilespmem:$0x20];
	_ =	sdelay $0x4  }
0x34a: {  	v58 =	vshrl.u32 v3, $0x3  }
0x34b: {  	v4 =	vmul.u32 $0x30, v58  }
0x34c: {  	v3 =	vand.u32 $0x7, v3  }
0x34d: {  	v3 =	vor.u32 v3, v4  }
0x34e: {  	v4 =	vperm.xlane v3, v0;
	_ =	sdelay $0x1  }
0x34f: {  	v4 =	vadd.s32 v1, v4;
	_ =	sdelay $0x3  }
0x350: {  	s29 =	simm.s32 $0x6100;
	v3 =	vperm.xlane v3, v2  }
0x351: {  	[tilespmem:s29], [sflag:$0x1] =	stream.indirect_vreg.gather [hbm4b:s2+s7], $0x80, v4, vm0, $0xb8;
	[tilespmem:$0x18100] =	vst v63  }
0x352: {  	s30 =	simm.s32 $0x6900;
	v3 =	vadd.s32 v1, v3  }
0x353: {  	[tilespmem:s30], [sflag:$0x1] =	stream.indirect_vreg.gather [hbm4b:s13+s7], $0x80, v4, vm0, $0xb8;
	[tilespmem:$0x18100] =	vst v63  }
0x354: {  	s31 =	simm.s32 $0x7100  }
0x355: {  	[tilespmem:s31], [sflag:$0x1] =	stream.indirect_vreg.gather [hbm4b:s14+s7], $0x80, v4, vm0, $0xb8;
	[tilespmem:$0x18100] =	vst v63  }
0x356: {  	s1 =	simm.s32 $0x7900  }
0x357: {  	[tilespmem:s1], [sflag:$0x1] =	stream.indirect_vreg.gather [hbm4b:s2+s7], $0x80, v3, vm0, $0xb8;
	[tilespmem:$0x18100] =	vst v63  }
0x358: {  	s4 =	simm.s32 $0x8100  }
0x359: {  	[tilespmem:s4], [sflag:$0x1] =	stream.indirect_vreg.gather [hbm4b:s13+s7], $0x80, v3, vm0, $0xb8;
	[tilespmem:$0x18100] =	vst v63  }
0x35a: {  	s1 =	simm.s32 $0x8900  }
0x35b: {  	[tilespmem:s1], [sflag:$0x1] =	stream.indirect_vreg.gather [hbm4b:s14+s7], $0x80, v3, vm0, $0xb8;
	[tilespmem:$0x18100] =	vst v63  }
0x35c: {  	v3 =	vld [tilespmem:$0x30];
	_ =	sdelay $0x4  }
0x35d: {  	v59 =	vshrl.u32 v3, $0x3  }
0x35e: {  	v4 =	vmul.u32 $0x30, v59  }
0x35f: {  	v3 =	vand.u32 $0x7, v3  }
0x360: {  	v3 =	vor.u32 v3, v4  }
0x361: {  	v4 =	vperm.xlane v3, v0;
	_ =	sdelay $0x1  }
0x362: {  	v4 =	vadd.s32 v1, v4;
	_ =	sdelay $0x3  }
0x363: {  	s4 =	simm.s32 $0x9100;
	v3 =	vperm.xlane v3, v2  }
0x364: {  	[tilespmem:s4], [sflag:$0x1] =	stream.indirect_vreg.gather [hbm4b:s2+s7], $0x80, v4, vm0, $0xb8;
	[tilespmem:$0x18100] =	vst v63  }
0x365: {  	s5 =	simm.s32 $0x9900;
	v3 =	vadd.s32 v1, v3  }
0x366: {  	[tilespmem:s5], [sflag:$0x1] =	stream.indirect_vreg.gather [hbm4b:s13+s7], $0x80, v4, vm0, $0xb8;
	[tilespmem:$0x18100] =	vst v63  }
0x367: {  	s6 =	simm.s32 $0xA100  }
0x368: {  	[tilespmem:s6], [sflag:$0x1] =	stream.indirect_vreg.gather [hbm4b:s14+s7], $0x80, v4, vm0, $0xb8;
	[tilespmem:$0x18100] =	vst v63  }
0x369: {  	s8 =	simm.s32 $0xA900  }
0x36a: {  	[tilespmem:s8], [sflag:$0x1] =	stream.indirect_vreg.gather [hbm4b:s2+s7], $0x80, v3, vm0, $0xb8;
	[tilespmem:$0x18100] =	vst v63  }
0x36b: {  	s21 =	simm.s32 $0xB100  }
0x36c: {  	[tilespmem:s21], [sflag:$0x1] =	stream.indirect_vreg.gather [hbm4b:s13+s7], $0x80, v3, vm0, $0xb8;
	[tilespmem:$0x18100] =	vst v63  }
0x36d: {  	s0 =	simm.s32 $0xB900  }
0x36e: {  	[tilespmem:s0], [sflag:$0x1] =	stream.indirect_vreg.gather [hbm4b:s14+s7], $0x80, v3, vm0, $0xb8;
	[tilespmem:$0x18100] =	vst v63  }
0x36f: {  	_ =	swait.ge [sflag:s25], $0xC000  }
0x370: {  	[sflag:s25] =	ssyncset.done $0x0  }
0x371: {  	s8 =	rddreg [dreg:$0x1d];
	[sflag:s25] =	ssyncadd.s32 $0xFFFF4000  }
0x372: {  	[hbm4b:s8+s7] =	stream.linear.scatter [tilespmem:s28], [sflag:$0x4], $0xC000, $0x38;
	[tilespmem:$0x18100] =	vst v63  }
0x373: {  	s21 =	rddreg [dreg:$0x1e]  }
0x374: {  	[hbm4b:s21+s7] =	stream.linear.scatter [tilespmem:s28], [sflag:$0x4], $0xC000, $0x38;
	[tilespmem:$0x18100] =	vst v63  }
0x375: {  	_ =	swait.ge [sflag:s26], $0xC000  }
0x376: {  	[sflag:s26] =	ssyncset.done $0x0  }
0x377: {  	[sflag:s26] =	ssyncadd.s32 $0xFFFF4000  }
0x378: {  	_ =	swait.ge [sflag:s26], $0xC000  }
0x379: {  	[sflag:s26] =	ssyncset.done $0x0  }
0x37a: {  	[sflag:s26] =	ssyncadd.s32 $0xFFFF4000  }
0x37b: {  	v3 =	vld [tilespmem:$0x40];
	_ =	sdelay $0x4  }
0x37c: {  	v60 =	vshrl.u32 v3, $0x3  }
0x37d: {  	v4 =	vmul.u32 $0x30, v60  }
0x37e: {  	v3 =	vand.u32 $0x7, v3  }
0x37f: {  	v3 =	vor.u32 v3, v4  }
0x380: {  	v4 =	vperm.xlane v3, v0;
	_ =	sdelay $0x1  }
0x381: {  	v4 =	vadd.s32 v1, v4;
	_ =	sdelay $0x3  }
0x382: {  	v3 =	vperm.xlane v3, v2  }
0x383: {  	[tilespmem:s28], [sflag:$0x2] =	stream.indirect_vreg.gather [hbm4b:s2+s7], $0x80, v4, vm0, $0xb8;
	[tilespmem:$0x18100] =	vst v63  }
0x384: {  	s4 =	simm.s32 $0xC900;
	v3 =	vadd.s32 v1, v3  }
0x385: {  	[tilespmem:s4], [sflag:$0x2] =	stream.indirect_vreg.gather [hbm4b:s13+s7], $0x80, v4, vm0, $0xb8;
	[tilespmem:$0x18100] =	vst v63  }
0x386: {  	s5 =	simm.s32 $0xD100  }
0x387: {  	[tilespmem:s5], [sflag:$0x2] =	stream.indirect_vreg.gather [hbm4b:s14+s7], $0x80, v4, vm0, $0xb8;
	[tilespmem:$0x18100] =	vst v63  }
0x388: {  	s6 =	simm.s32 $0xD900  }
0x389: {  	[tilespmem:s6], [sflag:$0x2] =	stream.indirect_vreg.gather [hbm4b:s2+s7], $0x80, v3, vm0, $0xb8;
	[tilespmem:$0x18100] =	vst v63  }
0x38a: {  	s8 =	simm.s32 $0xE100  }
0x38b: {  	[tilespmem:s8], [sflag:$0x2] =	stream.indirect_vreg.gather [hbm4b:s13+s7], $0x80, v3, vm0, $0xb8;
	[tilespmem:$0x18100] =	vst v63  }
0x38c: {  	s31 =	simm.s32 $0xE900  }
0x38d: {  	[tilespmem:s31], [sflag:$0x2] =	stream.indirect_vreg.gather [hbm4b:s14+s7], $0x80, v3, vm0, $0xb8;
	[tilespmem:$0x18100] =	vst v63  }
0x38e: {  	v3 =	vld [tilespmem:$0x50];
	_ =	sdelay $0x4  }
0x38f: {  	v61 =	vshrl.u32 v3, $0x3  }
0x390: {  	v4 =	vmul.u32 $0x30, v61  }
0x391: {  	v3 =	vand.u32 $0x7, v3  }
0x392: {  	v3 =	vor.u32 v3, v4  }
0x393: {  	v4 =	vperm.xlane v3, v0;
	_ =	sdelay $0x1  }
0x394: {  	v4 =	vadd.s32 v1, v4;
	_ =	sdelay $0x3  }
0x395: {  	s29 =	simm.s32 $0xF100;
	v3 =	vperm.xlane v3, v2  }
0x396: {  	[tilespmem:s29], [sflag:$0x2] =	stream.indirect_vreg.gather [hbm4b:s2+s7], $0x80, v4, vm0, $0xb8;
	[tilespmem:$0x18100] =	vst v63  }
0x397: {  	s21 =	simm.s32 $0xF900;
	v3 =	vadd.s32 v1, v3  }
0x398: {  	[tilespmem:s21], [sflag:$0x2] =	stream.indirect_vreg.gather [hbm4b:s13+s7], $0x80, v4, vm0, $0xb8;
	[tilespmem:$0x18100] =	vst v63  }
0x399: {  	s31 =	simm.s32 $0x10100  }
0x39a: {  	[tilespmem:s31], [sflag:$0x2] =	stream.indirect_vreg.gather [hbm4b:s14+s7], $0x80, v4, vm0, $0xb8;
	[tilespmem:$0x18100] =	vst v63  }
0x39b: {  	s30 =	simm.s32 $0x10900  }
0x39c: {  	[tilespmem:s30], [sflag:$0x2] =	stream.indirect_vreg.gather [hbm4b:s2+s7], $0x80, v3, vm0, $0xb8;
	[tilespmem:$0x18100] =	vst v63  }
0x39d: {  	s30 =	simm.s32 $0x11100  }
0x39e: {  	[tilespmem:s30], [sflag:$0x2] =	stream.indirect_vreg.gather [hbm4b:s13+s7], $0x80, v3, vm0, $0xb8;
	[tilespmem:$0x18100] =	vst v63  }
0x39f: {  	s30 =	simm.s32 $0x11900  }
0x3a0: {  	[tilespmem:s30], [sflag:$0x2] =	stream.indirect_vreg.gather [hbm4b:s14+s7], $0x80, v3, vm0, $0xb8;
	[tilespmem:$0x18100] =	vst v63  }
0x3a1: {  	v3 =	vld [tilespmem:$0x60];
	_ =	sdelay $0x4  }
0x3a2: {  	v62 =	vshrl.u32 v3, $0x3  }
0x3a3: {  	v4 =	vmul.u32 $0x30, v62  }
0x3a4: {  	v3 =	vand.u32 $0x7, v3  }
0x3a5: {  	v3 =	vor.u32 v3, v4  }
0x3a6: {  	v4 =	vperm.xlane v3, v0;
	_ =	sdelay $0x1  }
0x3a7: {  	v4 =	vadd.s32 v1, v4;
	_ =	sdelay $0x3  }
0x3a8: {  	s30 =	simm.s32 $0x12100;
	v3 =	vperm.xlane v3, v2  }
0x3a9: {  	[tilespmem:s30], [sflag:$0x2] =	stream.indirect_vreg.gather [hbm4b:s2+s7], $0x80, v4, vm0, $0xb8;
	[tilespmem:$0x18100] =	vst v63  }
0x3aa: {  	v3 =	vadd.s32 v1, v3;
	s30 =	simm.s32 $0x12900  }
0x3ab: {  	[tilespmem:s30], [sflag:$0x2] =	stream.indirect_vreg.gather [hbm4b:s13+s7], $0x80, v4, vm0, $0xb8;
	[tilespmem:$0x18100] =	vst v63  }
0x3ac: {  	s30 =	simm.s32 $0x13100  }
0x3ad: {  	[tilespmem:s30], [sflag:$0x2] =	stream.indirect_vreg.gather [hbm4b:s14+s7], $0x80, v4, vm0, $0xb8;
	[tilespmem:$0x18100] =	vst v63  }
0x3ae: {  	s30 =	simm.s32 $0x13900  }
0x3af: {  	[tilespmem:s30], [sflag:$0x2] =	stream.indirect_vreg.gather [hbm4b:s2+s7], $0x80, v3, vm0, $0xb8;
	[tilespmem:$0x18100] =	vst v63  }
0x3b0: {  	s30 =	simm.s32 $0x14100  }
0x3b1: {  	[tilespmem:s30], [sflag:$0x2] =	stream.indirect_vreg.gather [hbm4b:s13+s7], $0x80, v3, vm0, $0xb8;
	[tilespmem:$0x18100] =	vst v63  }
0x3b2: {  	s30 =	simm.s32 $0x14900  }
0x3b3: {  	[tilespmem:s30], [sflag:$0x2] =	stream.indirect_vreg.gather [hbm4b:s14+s7], $0x80, v3, vm0, $0xb8;
	[tilespmem:$0x18100] =	vst v63  }
0x3b4: {  	v3 =	vld [tilespmem:$0x70];
	_ =	sdelay $0x4  }
0x3b5: {  	v63 =	vshrl.u32 v3, $0x3  }
0x3b6: {  	v4 =	vmul.u32 $0x30, v63  }
0x3b7: {  	v3 =	vand.u32 $0x7, v3  }
0x3b8: {  	v3 =	vor.u32 v3, v4  }
0x3b9: {  	v4 =	vperm.xlane v3, v0;
	_ =	sdelay $0x1  }
0x3ba: {  	v4 =	vadd.s32 v1, v4;
	_ =	sdelay $0x3  }
0x3bb: {  	s30 =	simm.s32 $0x15100;
	v3 =	vperm.xlane v3, v2  }
0x3bc: {  	[tilespmem:s30], [sflag:$0x2] =	stream.indirect_vreg.gather [hbm4b:s2+s7], $0x80, v4, vm0, $0xb8;
	[tilespmem:$0x18100] =	vst v63  }
0x3bd: {  	v3 =	vadd.s32 v1, v3;
	s30 =	simm.s32 $0x15900  }
0x3be: {  	[tilespmem:s30], [sflag:$0x2] =	stream.indirect_vreg.gather [hbm4b:s13+s7], $0x80, v4, vm0, $0xb8;
	[tilespmem:$0x18100] =	vst v63  }
0x3bf: {  	s30 =	simm.s32 $0x16100  }
0x3c0: {  	[tilespmem:s30], [sflag:$0x2] =	stream.indirect_vreg.gather [hbm4b:s14+s7], $0x80, v4, vm0, $0xb8;
	[tilespmem:$0x18100] =	vst v63  }
0x3c1: {  	s30 =	simm.s32 $0x16900  }
0x3c2: {  	[tilespmem:s30], [sflag:$0x2] =	stream.indirect_vreg.gather [hbm4b:s2+s7], $0x80, v3, vm0, $0xb8;
	[tilespmem:$0x18100] =	vst v63  }
0x3c3: {  	s30 =	simm.s32 $0x17100  }
0x3c4: {  	[tilespmem:s30], [sflag:$0x2] =	stream.indirect_vreg.gather [hbm4b:s13+s7], $0x80, v3, vm0, $0xb8;
	[tilespmem:$0x18100] =	vst v63  }
0x3c5: {  	s30 =	simm.s32 $0x17900  }
0x3c6: {  	[tilespmem:s30], [sflag:$0x2] =	stream.indirect_vreg.gather [hbm4b:s14+s7], $0x80, v3, vm0, $0xb8;
	[tilespmem:$0x18100] =	vst v63  }
0x3c7: {  	_ =	swait.ge [sflag:s22], $0xC000  }
0x3c8: {  	s29 =	rddreg [dreg:$0x1f];
	[sflag:s22] =	ssyncset.done $0x0  }
0x3c9: {  	s30 =	sld [smem:$0x7DD];
	[sflag:s22] =	ssyncadd.s32 $0xFFFF4000  }
0x3ca: {  	[hbm4b:s29+s7] =	stream.linear.scatter [tilespmem:s23], [sflag:$0x3], $0xC000, $0x38;
	[tilespmem:$0x18100] =	vst v63  }
0x3cb: {  	_ = 	snop  }
0x3cc: {  	[hbm4b:s30+s7] =	stream.linear.scatter [tilespmem:s23], [sflag:$0x3], $0xC000, $0x38;
	[tilespmem:$0x18100] =	vst v63  }
0x3cd: {  	_ =	swait.ge [sflag:s24], $0xC000  }
0x3ce: {  	[sflag:s24] =	ssyncset.done $0x0  }
0x3cf: {  	[sflag:s24] =	ssyncadd.s32 $0xFFFF4000  }
0x3d0: {  	_ =	swait.ge [sflag:s24], $0xC000  }
0x3d1: {  	[sflag:s24] =	ssyncset.done $0x0  }
0x3d2: {  	[sflag:s24] =	ssyncadd.s32 $0xFFFF4000  }
0x3d3: {  	v3 =	vld [tilespmem:$0x80];
	_ =	sdelay $0x4  }
0x3d4: {  	v8 =	vshrl.u32 v3, $0x3  }
0x3d5: {  	v4 =	vmul.u32 $0x30, v8  }
0x3d6: {  	v3 =	vand.u32 $0x7, v3  }
0x3d7: {  	v3 =	vor.u32 v3, v4  }
0x3d8: {  	v4 =	vperm.xlane v3, v0;
	_ =	sdelay $0x1  }
0x3d9: {  	v4 =	vadd.s32 v1, v4;
	_ =	sdelay $0x3  }
0x3da: {  	v3 =	vperm.xlane v3, v2  }
0x3db: {  	[tilespmem:s23], [sflag:$0x1] =	stream.indirect_vreg.gather [hbm4b:s2+s7], $0x80, v4, vm0, $0xb8;
	[tilespmem:$0x18100] =	vst v63  }
0x3dc: {  	s30 =	simm.s32 $0x900;
	v3 =	vadd.s32 v1, v3  }
0x3dd: {  	[tilespmem:s30], [sflag:$0x1] =	stream.indirect_vreg.gather [hbm4b:s13+s7], $0x80, v4, vm0, $0xb8;
	[tilespmem:$0x18100] =	vst v63  }
0x3de: {  	s30 =	simm.s32 $0x1100  }
0x3df: {  	[tilespmem:s30], [sflag:$0x1] =	stream.indirect_vreg.gather [hbm4b:s14+s7], $0x80, v4, vm0, $0xb8;
	[tilespmem:$0x18100] =	vst v63  }
0x3e0: {  	s30 =	simm.s32 $0x1900  }
0x3e1: {  	[tilespmem:s30], [sflag:$0x1] =	stream.indirect_vreg.gather [hbm4b:s2+s7], $0x80, v3, vm0, $0xb8;
	[tilespmem:$0x18100] =	vst v63  }
0x3e2: {  	s30 =	simm.s32 $0x2100  }
0x3e3: {  	[tilespmem:s30], [sflag:$0x1] =	stream.indirect_vreg.gather [hbm4b:s13+s7], $0x80, v3, vm0, $0xb8;
	[tilespmem:$0x18100] =	vst v63  }
0x3e4: {  	s30 =	simm.s32 $0x2900  }
0x3e5: {  	[tilespmem:s30], [sflag:$0x1] =	stream.indirect_vreg.gather [hbm4b:s14+s7], $0x80, v3, vm0, $0xb8;
	[tilespmem:$0x18100] =	vst v63  }
0x3e6: {  	v3 =	vld [tilespmem:$0x90];
	_ =	sdelay $0x4  }
0x3e7: {  	v9 =	vshrl.u32 v3, $0x3  }
0x3e8: {  	v4 =	vmul.u32 $0x30, v9  }
0x3e9: {  	v3 =	vand.u32 $0x7, v3  }
0x3ea: {  	v3 =	vor.u32 v3, v4  }
0x3eb: {  	v4 =	vperm.xlane v3, v0;
	_ =	sdelay $0x1  }
0x3ec: {  	v4 =	vadd.s32 v1, v4;
	_ =	sdelay $0x3  }
0x3ed: {  	s30 =	simm.s32 $0x3100;
	v3 =	vperm.xlane v3, v2  }
0x3ee: {  	[tilespmem:s30], [sflag:$0x1] =	stream.indirect_vreg.gather [hbm4b:s2+s7], $0x80, v4, vm0, $0xb8;
	[tilespmem:$0x18100] =	vst v63  }
0x3ef: {  	v3 =	vadd.s32 v1, v3  }
0x3f0: {  	[tilespmem:s3], [sflag:$0x1] =	stream.indirect_vreg.gather [hbm4b:s13+s7], $0x80, v4, vm0, $0xb8;
	[tilespmem:$0x18100] =	vst v63  }
0x3f1: {  	s30 =	simm.s32 $0x4100  }
0x3f2: {  	[tilespmem:s30], [sflag:$0x1] =	stream.indirect_vreg.gather [hbm4b:s14+s7], $0x80, v4, vm0, $0xb8;
	[tilespmem:$0x18100] =	vst v63  }
0x3f3: {  	s29 =	simm.s32 $0x4900  }
0x3f4: {  	[tilespmem:s29], [sflag:$0x1] =	stream.indirect_vreg.gather [hbm4b:s2+s7], $0x80, v3, vm0, $0xb8;
	[tilespmem:$0x18100] =	vst v63  }
0x3f5: {  	s30 =	simm.s32 $0x5100  }
0x3f6: {  	[tilespmem:s30], [sflag:$0x1] =	stream.indirect_vreg.gather [hbm4b:s13+s7], $0x80, v3, vm0, $0xb8;
	[tilespmem:$0x18100] =	vst v63  }
0x3f7: {  	s29 =	simm.s32 $0x5900  }
0x3f8: {  	[tilespmem:s29], [sflag:$0x1] =	stream.indirect_vreg.gather [hbm4b:s14+s7], $0x80, v3, vm0, $0xb8;
	[tilespmem:$0x18100] =	vst v63  }
0x3f9: {  	v3 =	vld [tilespmem:$0xA0];
	_ =	sdelay $0x4  }
0x3fa: {  	v10 =	vshrl.u32 v3, $0x3  }
0x3fb: {  	v4 =	vmul.u32 $0x30, v10  }
0x3fc: {  	v3 =	vand.u32 $0x7, v3  }
0x3fd: {  	v3 =	vor.u32 v3, v4  }
0x3fe: {  	v4 =	vperm.xlane v3, v0;
	_ =	sdelay $0x1  }
0x3ff: {  	v4 =	vadd.s32 v1, v4;
	_ =	sdelay $0x3  }
0x400: {  	s30 =	simm.s32 $0x6100;
	v3 =	vperm.xlane v3, v2  }
0x401: {  	[tilespmem:s30], [sflag:$0x1] =	stream.indirect_vreg.gather [hbm4b:s2+s7], $0x80, v4, vm0, $0xb8;
	[tilespmem:$0x18100] =	vst v63  }
0x402: {  	s29 =	simm.s32 $0x6900;
	v3 =	vadd.s32 v1, v3  }
0x403: {  	[tilespmem:s29], [sflag:$0x1] =	stream.indirect_vreg.gather [hbm4b:s13+s7], $0x80, v4, vm0, $0xb8;
	[tilespmem:$0x18100] =	vst v63  }
0x404: {  	s30 =	simm.s32 $0x7100  }
0x405: {  	[tilespmem:s30], [sflag:$0x1] =	stream.indirect_vreg.gather [hbm4b:s14+s7], $0x80, v4, vm0, $0xb8;
	[tilespmem:$0x18100] =	vst v63  }
0x406: {  	s29 =	simm.s32 $0x7900  }
0x407: {  	[tilespmem:s29], [sflag:$0x1] =	stream.indirect_vreg.gather [hbm4b:s2+s7], $0x80, v3, vm0, $0xb8;
	[tilespmem:$0x18100] =	vst v63  }
0x408: {  	s30 =	simm.s32 $0x8100  }
0x409: {  	[tilespmem:s30], [sflag:$0x1] =	stream.indirect_vreg.gather [hbm4b:s13+s7], $0x80, v3, vm0, $0xb8;
	[tilespmem:$0x18100] =	vst v63  }
0x40a: {  	_ = 	snop  }
0x40b: {  	[tilespmem:s1], [sflag:$0x1] =	stream.indirect_vreg.gather [hbm4b:s14+s7], $0x80, v3, vm0, $0xb8;
	[tilespmem:$0x18100] =	vst v63  }
0x40c: {  	v3 =	vld [tilespmem:$0xB0];
	_ =	sdelay $0x4  }
0x40d: {  	v11 =	vshrl.u32 v3, $0x3  }
0x40e: {  	v4 =	vmul.u32 $0x30, v11  }
0x40f: {  	v3 =	vand.u32 $0x7, v3  }
0x410: {  	v3 =	vor.u32 v3, v4  }
0x411: {  	v4 =	vperm.xlane v3, v0;
	_ =	sdelay $0x1  }
0x412: {  	v4 =	vadd.s32 v1, v4;
	_ =	sdelay $0x3  }
0x413: {  	s29 =	simm.s32 $0x9100;
	v3 =	vperm.xlane v3, v2  }
0x414: {  	[tilespmem:s29], [sflag:$0x1] =	stream.indirect_vreg.gather [hbm4b:s2+s7], $0x80, v4, vm0, $0xb8;
	[tilespmem:$0x18100] =	vst v63  }
0x415: {  	s30 =	simm.s32 $0x9900;
	v3 =	vadd.s32 v1, v3  }
0x416: {  	[tilespmem:s30], [sflag:$0x1] =	stream.indirect_vreg.gather [hbm4b:s13+s7], $0x80, v4, vm0, $0xb8;
	[tilespmem:$0x18100] =	vst v63  }
0x417: {  	s3 =	simm.s32 $0xA100  }
0x418: {  	[tilespmem:s3], [sflag:$0x1] =	stream.indirect_vreg.gather [hbm4b:s14+s7], $0x80, v4, vm0, $0xb8;
	[tilespmem:$0x18100] =	vst v63  }
0x419: {  	s29 =	simm.s32 $0xA900  }
0x41a: {  	[tilespmem:s29], [sflag:$0x1] =	stream.indirect_vreg.gather [hbm4b:s2+s7], $0x80, v3, vm0, $0xb8;
	[tilespmem:$0x18100] =	vst v63  }
0x41b: {  	s30 =	simm.s32 $0xB100  }
0x41c: {  	[tilespmem:s30], [sflag:$0x1] =	stream.indirect_vreg.gather [hbm4b:s13+s7], $0x80, v3, vm0, $0xb8;
	[tilespmem:$0x18100] =	vst v63  }
0x41d: {  	_ = 	snop  }
0x41e: {  	[tilespmem:s0], [sflag:$0x1] =	stream.indirect_vreg.gather [hbm4b:s14+s7], $0x80, v3, vm0, $0xb8;
	[tilespmem:$0x18100] =	vst v63  }
0x41f: {  	_ =	swait.ge [sflag:s25], $0xC000  }
0x420: {  	s0 =	sld [smem:$0x7DE]  }
0x421: {  	[sflag:s25] =	ssyncset.done $0x0  }
0x422: {  	s3 =	sld [smem:$0x7DF];
	[sflag:s25] =	ssyncadd.s32 $0xFFFF4000  }
0x423: {  	[hbm4b:s0+s7] =	stream.linear.scatter [tilespmem:s28], [sflag:$0x4], $0xC000, $0x38;
	[tilespmem:$0x18100] =	vst v63  }
0x424: {  	_ = 	snop  }
0x425: {  	[hbm4b:s3+s7] =	stream.linear.scatter [tilespmem:s28], [sflag:$0x4], $0xC000, $0x38;
	[tilespmem:$0x18100] =	vst v63  }
0x426: {  	_ =	swait.ge [sflag:s26], $0xC000  }
0x427: {  	[sflag:s26] =	ssyncset.done $0x0  }
0x428: {  	[sflag:s26] =	ssyncadd.s32 $0xFFFF4000  }
0x429: {  	_ =	swait.ge [sflag:s26], $0xC000  }
0x42a: {  	[sflag:s26] =	ssyncset.done $0x0  }
0x42b: {  	[sflag:s26] =	ssyncadd.s32 $0xFFFF4000  }
0x42c: {  	v3 =	vld [tilespmem:$0xC0];
	_ =	sdelay $0x4  }
0x42d: {  	v12 =	vshrl.u32 v3, $0x3  }
0x42e: {  	v4 =	vmul.u32 $0x30, v12  }
0x42f: {  	v3 =	vand.u32 $0x7, v3  }
0x430: {  	v3 =	vor.u32 v3, v4  }
0x431: {  	v4 =	vperm.xlane v3, v0;
	_ =	sdelay $0x1  }
0x432: {  	v4 =	vadd.s32 v1, v4;
	_ =	sdelay $0x3  }
0x433: {  	v3 =	vperm.xlane v3, v2  }
0x434: {  	[tilespmem:s28], [sflag:$0x2] =	stream.indirect_vreg.gather [hbm4b:s2+s7], $0x80, v4, vm0, $0xb8;
	[tilespmem:$0x18100] =	vst v63  }
0x435: {  	v3 =	vadd.s32 v1, v3  }
0x436: {  	[tilespmem:s4], [sflag:$0x2] =	stream.indirect_vreg.gather [hbm4b:s13+s7], $0x80, v4, vm0, $0xb8;
	[tilespmem:$0x18100] =	vst v63  }
0x437: {  	_ = 	snop  }
0x438: {  	[tilespmem:s5], [sflag:$0x2] =	stream.indirect_vreg.gather [hbm4b:s14+s7], $0x80, v4, vm0, $0xb8;
	[tilespmem:$0x18100] =	vst v63  }
0x439: {  	_ = 	snop  }
0x43a: {  	[tilespmem:s6], [sflag:$0x2] =	stream.indirect_vreg.gather [hbm4b:s2+s7], $0x80, v3, vm0, $0xb8;
	[tilespmem:$0x18100] =	vst v63  }
0x43b: {  	_ = 	snop  }
0x43c: {  	[tilespmem:s8], [sflag:$0x2] =	stream.indirect_vreg.gather [hbm4b:s13+s7], $0x80, v3, vm0, $0xb8;
	[tilespmem:$0x18100] =	vst v63  }
0x43d: {  	s5 =	simm.s32 $0xE900  }
0x43e: {  	[tilespmem:s5], [sflag:$0x2] =	stream.indirect_vreg.gather [hbm4b:s14+s7], $0x80, v3, vm0, $0xb8;
	[tilespmem:$0x18100] =	vst v63  }
0x43f: {  	v3 =	vld [tilespmem:$0xD0];
	_ =	sdelay $0x4  }
0x440: {  	v13 =	vshrl.u32 v3, $0x3  }
0x441: {  	v4 =	vmul.u32 $0x30, v13  }
0x442: {  	v3 =	vand.u32 $0x7, v3  }
0x443: {  	v3 =	vor.u32 v3, v4  }
0x444: {  	v4 =	vperm.xlane v3, v0;
	_ =	sdelay $0x1  }
0x445: {  	v4 =	vadd.s32 v1, v4;
	_ =	sdelay $0x3  }
0x446: {  	s6 =	simm.s32 $0xF100;
	v3 =	vperm.xlane v3, v2  }
0x447: {  	[tilespmem:s6], [sflag:$0x2] =	stream.indirect_vreg.gather [hbm4b:s2+s7], $0x80, v4, vm0, $0xb8;
	[tilespmem:$0x18100] =	vst v63  }
0x448: {  	v3 =	vadd.s32 v1, v3  }
0x449: {  	[tilespmem:s21], [sflag:$0x2] =	stream.indirect_vreg.gather [hbm4b:s13+s7], $0x80, v4, vm0, $0xb8;
	[tilespmem:$0x18100] =	vst v63  }
0x44a: {  	_ = 	snop  }
0x44b: {  	[tilespmem:s31], [sflag:$0x2] =	stream.indirect_vreg.gather [hbm4b:s14+s7], $0x80, v4, vm0, $0xb8;
	[tilespmem:$0x18100] =	vst v63  }
0x44c: {  	s8 =	simm.s32 $0x10900  }
0x44d: {  	[tilespmem:s8], [sflag:$0x2] =	stream.indirect_vreg.gather [hbm4b:s2+s7], $0x80, v3, vm0, $0xb8;
	[tilespmem:$0x18100] =	vst v63  }
0x44e: {  	s21 =	simm.s32 $0x11100  }
0x44f: {  	[tilespmem:s21], [sflag:$0x2] =	stream.indirect_vreg.gather [hbm4b:s13+s7], $0x80, v3, vm0, $0xb8;
	[tilespmem:$0x18100] =	vst v63  }
0x450: {  	s29 =	simm.s32 $0x11900  }
0x451: {  	[tilespmem:s29], [sflag:$0x2] =	stream.indirect_vreg.gather [hbm4b:s14+s7], $0x80, v3, vm0, $0xb8;
	[tilespmem:$0x18100] =	vst v63  }
0x452: {  	v3 =	vld [tilespmem:$0xE0];
	_ =	sdelay $0x4  }
0x453: {  	v14 =	vshrl.u32 v3, $0x3  }
0x454: {  	v4 =	vmul.u32 $0x30, v14  }
0x455: {  	v3 =	vand.u32 $0x7, v3  }
0x456: {  	v3 =	vor.u32 v3, v4  }
0x457: {  	v4 =	vperm.xlane v3, v0;
	_ =	sdelay $0x1  }
0x458: {  	v4 =	vadd.s32 v1, v4;
	_ =	sdelay $0x3  }
0x459: {  	s30 =	simm.s32 $0x12100;
	v3 =	vperm.xlane v3, v2  }
0x45a: {  	[tilespmem:s30], [sflag:$0x2] =	stream.indirect_vreg.gather [hbm4b:s2+s7], $0x80, v4, vm0, $0xb8;
	[tilespmem:$0x18100] =	vst v63  }
0x45b: {  	s31 =	simm.s32 $0x12900;
	v3 =	vadd.s32 v1, v3  }
0x45c: {  	[tilespmem:s31], [sflag:$0x2] =	stream.indirect_vreg.gather [hbm4b:s13+s7], $0x80, v4, vm0, $0xb8;
	[tilespmem:$0x18100] =	vst v63  }
0x45d: {  	s3 =	simm.s32 $0x13100  }
0x45e: {  	[tilespmem:s3], [sflag:$0x2] =	stream.indirect_vreg.gather [hbm4b:s14+s7], $0x80, v4, vm0, $0xb8;
	[tilespmem:$0x18100] =	vst v63  }
0x45f: {  	s4 =	simm.s32 $0x13900  }
0x460: {  	[tilespmem:s4], [sflag:$0x2] =	stream.indirect_vreg.gather [hbm4b:s2+s7], $0x80, v3, vm0, $0xb8;
	[tilespmem:$0x18100] =	vst v63  }
0x461: {  	s5 =	simm.s32 $0x14100  }
0x462: {  	[tilespmem:s5], [sflag:$0x2] =	stream.indirect_vreg.gather [hbm4b:s13+s7], $0x80, v3, vm0, $0xb8;
	[tilespmem:$0x18100] =	vst v63  }
0x463: {  	s6 =	simm.s32 $0x14900  }
0x464: {  	[tilespmem:s6], [sflag:$0x2] =	stream.indirect_vreg.gather [hbm4b:s14+s7], $0x80, v3, vm0, $0xb8;
	[tilespmem:$0x18100] =	vst v63  }
0x465: {  	v3 =	vld [tilespmem:$0xF0];
	_ =	sdelay $0x4  }
0x466: {  	v15 =	vshrl.u32 v3, $0x3  }
0x467: {  	v4 =	vmul.u32 $0x30, v15  }
0x468: {  	v3 =	vand.u32 $0x7, v3  }
0x469: {  	v3 =	vor.u32 v3, v4  }
0x46a: {  	v4 =	vperm.xlane v3, v0;
	_ =	sdelay $0x1  }
0x46b: {  	v4 =	vadd.s32 v1, v4;
	_ =	sdelay $0x3  }
0x46c: {  	s8 =	simm.s32 $0x15100;
	v3 =	vperm.xlane v3, v2  }
0x46d: {  	[tilespmem:s8], [sflag:$0x2] =	stream.indirect_vreg.gather [hbm4b:s2+s7], $0x80, v4, vm0, $0xb8;
	[tilespmem:$0x18100] =	vst v63  }
0x46e: {  	s21 =	simm.s32 $0x15900;
	v3 =	vadd.s32 v1, v3  }
0x46f: {  	[tilespmem:s21], [sflag:$0x2] =	stream.indirect_vreg.gather [hbm4b:s13+s7], $0x80, v4, vm0, $0xb8;
	[tilespmem:$0x18100] =	vst v63  }
0x470: {  	s29 =	simm.s32 $0x16100  }
0x471: {  	[tilespmem:s29], [sflag:$0x2] =	stream.indirect_vreg.gather [hbm4b:s14+s7], $0x80, v4, vm0, $0xb8;
	[tilespmem:$0x18100] =	vst v63  }
0x472: {  	s30 =	simm.s32 $0x16900  }
0x473: {  	[tilespmem:s30], [sflag:$0x2] =	stream.indirect_vreg.gather [hbm4b:s2+s7], $0x80, v3, vm0, $0xb8;
	[tilespmem:$0x18100] =	vst v63  }
0x474: {  	s31 =	simm.s32 $0x17100  }
0x475: {  	[tilespmem:s31], [sflag:$0x2] =	stream.indirect_vreg.gather [hbm4b:s13+s7], $0x80, v3, vm0, $0xb8;
	[tilespmem:$0x18100] =	vst v63  }
0x476: {  	s2 =	simm.s32 $0x17900  }
0x477: {  	[tilespmem:s2], [sflag:$0x2] =	stream.indirect_vreg.gather [hbm4b:s14+s7], $0x80, v3, vm0, $0xb8;
	[tilespmem:$0x18100] =	vst v63  }
0x478: {  	_ =	swait.ge [sflag:s22], $0xC000  }
0x479: {  	s3 =	sld [smem:$0x7E0]  }
0x47a: {  	[sflag:s22] =	ssyncset.done $0x0  }
0x47b: {  	s4 =	sld [smem:$0x7E1];
	[sflag:s22] =	ssyncadd.s32 $0xFFFF4000  }
0x47c: {  	[hbm4b:s3+s7] =	stream.linear.scatter [tilespmem:s23], [sflag:$0x3], $0xC000, $0x38;
	[tilespmem:$0x18100] =	vst v63  }
0x47d: {  	_ = 	snop  }
0x47e: {  	[hbm4b:s4+s7] =	stream.linear.scatter [tilespmem:s23], [sflag:$0x3], $0xC000, $0x38;
	[tilespmem:$0x18100] =	vst v63  }
0x47f: {  	_ =	swait.ge [sflag:s24], $0xC000  }
0x480: {  	[sflag:s24] =	ssyncset.done $0x0  }
0x481: {  	[sflag:s24] =	ssyncadd.s32 $0xFFFF4000  }
0x482: {  	_ =	swait.ge [sflag:s24], $0xC000  }
0x483: {  	[sflag:s24] =	ssyncset.done $0x0  }
0x484: {  	[sflag:s24] =	ssyncadd.s32 $0xFFFF4000  }
0x485: {  	v3 =	vld [tilespmem:$0x0];
	_ =	sdelay $0x4  }
0x486: {  	v16 =	vshrl.u32 v3, $0x3  }
0x487: {  	v4 =	vmul.u32 $0x30, v16  }
0x488: {  	v3 =	vand.u32 $0x7, v3  }
0x489: {  	v3 =	vor.u32 v3, v4  }
0x48a: {  	v4 =	vperm.xlane v3, v0;
	_ =	sdelay $0x1  }
0x48b: {  	v4 =	vadd.s32 v1, v4;
	_ =	sdelay $0x3  }
0x48c: {  	s3 =	rddreg [dreg:$0x4];
	v3 =	vperm.xlane v3, v2  }
0x48d: {  	[tilespmem:s23], [sflag:$0x1] =	stream.indirect_vreg.gather [hbm4b:s3+s7], $0x80, v4, vm0, $0xb8;
	[tilespmem:$0x18100] =	vst v63  }
0x48e: {  	s5 =	simm.s32 $0x900;
	v3 =	vadd.s32 v1, v3  }
0x48f: {  	[tilespmem:s5], [sflag:$0x1] =	stream.indirect_vreg.gather [hbm4b:s15+s7], $0x80, v4, vm0, $0xb8;
	[tilespmem:$0x18100] =	vst v63  }
0x490: {  	s6 =	simm.s32 $0x1100  }
0x491: {  	[tilespmem:s6], [sflag:$0x1] =	stream.indirect_vreg.gather [hbm4b:s16+s7], $0x80, v4, vm0, $0xb8;
	[tilespmem:$0x18100] =	vst v63  }
0x492: {  	s8 =	simm.s32 $0x1900  }
0x493: {  	[tilespmem:s8], [sflag:$0x1] =	stream.indirect_vreg.gather [hbm4b:s3+s7], $0x80, v3, vm0, $0xb8;
	[tilespmem:$0x18100] =	vst v63  }
0x494: {  	s21 =	simm.s32 $0x2100  }
0x495: {  	[tilespmem:s21], [sflag:$0x1] =	stream.indirect_vreg.gather [hbm4b:s15+s7], $0x80, v3, vm0, $0xb8;
	[tilespmem:$0x18100] =	vst v63  }
0x496: {  	s29 =	simm.s32 $0x2900  }
0x497: {  	[tilespmem:s29], [sflag:$0x1] =	stream.indirect_vreg.gather [hbm4b:s16+s7], $0x80, v3, vm0, $0xb8;
	[tilespmem:$0x18100] =	vst v63  }
0x498: {  	v3 =	vld [tilespmem:$0x10];
	_ =	sdelay $0x4  }
0x499: {  	v17 =	vshrl.u32 v3, $0x3  }
0x49a: {  	v4 =	vmul.u32 $0x30, v17  }
0x49b: {  	v3 =	vand.u32 $0x7, v3  }
0x49c: {  	v3 =	vor.u32 v3, v4  }
0x49d: {  	v4 =	vperm.xlane v3, v0;
	_ =	sdelay $0x1  }
0x49e: {  	v4 =	vadd.s32 v1, v4;
	_ =	sdelay $0x3  }
0x49f: {  	s30 =	simm.s32 $0x3100;
	v3 =	vperm.xlane v3, v2  }
0x4a0: {  	[tilespmem:s30], [sflag:$0x1] =	stream.indirect_vreg.gather [hbm4b:s3+s7], $0x80, v4, vm0, $0xb8;
	[tilespmem:$0x18100] =	vst v63  }
0x4a1: {  	s31 =	simm.s32 $0x3900;
	v3 =	vadd.s32 v1, v3  }
0x4a2: {  	[tilespmem:s31], [sflag:$0x1] =	stream.indirect_vreg.gather [hbm4b:s15+s7], $0x80, v4, vm0, $0xb8;
	[tilespmem:$0x18100] =	vst v63  }
0x4a3: {  	s2 =	simm.s32 $0x4100  }
0x4a4: {  	[tilespmem:s2], [sflag:$0x1] =	stream.indirect_vreg.gather [hbm4b:s16+s7], $0x80, v4, vm0, $0xb8;
	[tilespmem:$0x18100] =	vst v63  }
0x4a5: {  	s4 =	simm.s32 $0x4900  }
0x4a6: {  	[tilespmem:s4], [sflag:$0x1] =	stream.indirect_vreg.gather [hbm4b:s3+s7], $0x80, v3, vm0, $0xb8;
	[tilespmem:$0x18100] =	vst v63  }
0x4a7: {  	s2 =	simm.s32 $0x5100  }
0x4a8: {  	[tilespmem:s2], [sflag:$0x1] =	stream.indirect_vreg.gather [hbm4b:s15+s7], $0x80, v3, vm0, $0xb8;
	[tilespmem:$0x18100] =	vst v63  }
0x4a9: {  	s21 =	simm.s32 $0x5900  }
0x4aa: {  	[tilespmem:s21], [sflag:$0x1] =	stream.indirect_vreg.gather [hbm4b:s16+s7], $0x80, v3, vm0, $0xb8;
	[tilespmem:$0x18100] =	vst v63  }
0x4ab: {  	v3 =	vld [tilespmem:$0x20];
	_ =	sdelay $0x4  }
0x4ac: {  	v18 =	vshrl.u32 v3, $0x3  }
0x4ad: {  	v4 =	vmul.u32 $0x30, v18  }
0x4ae: {  	v3 =	vand.u32 $0x7, v3  }
0x4af: {  	v3 =	vor.u32 v3, v4  }
0x4b0: {  	v4 =	vperm.xlane v3, v0;
	_ =	sdelay $0x1  }
0x4b1: {  	v4 =	vadd.s32 v1, v4;
	_ =	sdelay $0x3  }
0x4b2: {  	s5 =	simm.s32 $0x6100;
	v3 =	vperm.xlane v3, v2  }
0x4b3: {  	[tilespmem:s5], [sflag:$0x1] =	stream.indirect_vreg.gather [hbm4b:s3+s7], $0x80, v4, vm0, $0xb8;
	[tilespmem:$0x18100] =	vst v63  }
0x4b4: {  	s6 =	simm.s32 $0x6900;
	v3 =	vadd.s32 v1, v3  }
0x4b5: {  	[tilespmem:s6], [sflag:$0x1] =	stream.indirect_vreg.gather [hbm4b:s15+s7], $0x80, v4, vm0, $0xb8;
	[tilespmem:$0x18100] =	vst v63  }
0x4b6: {  	s8 =	simm.s32 $0x7100  }
0x4b7: {  	[tilespmem:s8], [sflag:$0x1] =	stream.indirect_vreg.gather [hbm4b:s16+s7], $0x80, v4, vm0, $0xb8;
	[tilespmem:$0x18100] =	vst v63  }
0x4b8: {  	s29 =	simm.s32 $0x7900  }
0x4b9: {  	[tilespmem:s29], [sflag:$0x1] =	stream.indirect_vreg.gather [hbm4b:s3+s7], $0x80, v3, vm0, $0xb8;
	[tilespmem:$0x18100] =	vst v63  }
0x4ba: {  	s30 =	simm.s32 $0x8100  }
0x4bb: {  	[tilespmem:s30], [sflag:$0x1] =	stream.indirect_vreg.gather [hbm4b:s15+s7], $0x80, v3, vm0, $0xb8;
	[tilespmem:$0x18100] =	vst v63  }
0x4bc: {  	s4 =	simm.s32 $0x8900  }
0x4bd: {  	[tilespmem:s4], [sflag:$0x1] =	stream.indirect_vreg.gather [hbm4b:s16+s7], $0x80, v3, vm0, $0xb8;
	[tilespmem:$0x18100] =	vst v63  }
0x4be: {  	v3 =	vld [tilespmem:$0x30];
	_ =	sdelay $0x4  }
0x4bf: {  	v19 =	vshrl.u32 v3, $0x3  }
0x4c0: {  	v4 =	vmul.u32 $0x30, v19  }
0x4c1: {  	v3 =	vand.u32 $0x7, v3  }
0x4c2: {  	v3 =	vor.u32 v3, v4  }
0x4c3: {  	v4 =	vperm.xlane v3, v0;
	_ =	sdelay $0x1  }
0x4c4: {  	v4 =	vadd.s32 v1, v4;
	_ =	sdelay $0x3  }
0x4c5: {  	s31 =	simm.s32 $0x9100;
	v3 =	vperm.xlane v3, v2  }
0x4c6: {  	[tilespmem:s31], [sflag:$0x1] =	stream.indirect_vreg.gather [hbm4b:s3+s7], $0x80, v4, vm0, $0xb8;
	[tilespmem:$0x18100] =	vst v63  }
0x4c7: {  	s5 =	simm.s32 $0x9900;
	v3 =	vadd.s32 v1, v3  }
0x4c8: {  	[tilespmem:s5], [sflag:$0x1] =	stream.indirect_vreg.gather [hbm4b:s15+s7], $0x80, v4, vm0, $0xb8;
	[tilespmem:$0x18100] =	vst v63  }
0x4c9: {  	s6 =	simm.s32 $0xA100  }
0x4ca: {  	[tilespmem:s6], [sflag:$0x1] =	stream.indirect_vreg.gather [hbm4b:s16+s7], $0x80, v4, vm0, $0xb8;
	[tilespmem:$0x18100] =	vst v63  }
0x4cb: {  	s0 =	simm.s32 $0xA900  }
0x4cc: {  	[tilespmem:s0], [sflag:$0x1] =	stream.indirect_vreg.gather [hbm4b:s3+s7], $0x80, v3, vm0, $0xb8;
	[tilespmem:$0x18100] =	vst v63  }
0x4cd: {  	s0 =	simm.s32 $0xB100  }
0x4ce: {  	[tilespmem:s0], [sflag:$0x1] =	stream.indirect_vreg.gather [hbm4b:s15+s7], $0x80, v3, vm0, $0xb8;
	[tilespmem:$0x18100] =	vst v63  }
0x4cf: {  	s1 =	simm.s32 $0xB900  }
0x4d0: {  	[tilespmem:s1], [sflag:$0x1] =	stream.indirect_vreg.gather [hbm4b:s16+s7], $0x80, v3, vm0, $0xb8;
	[tilespmem:$0x18100] =	vst v63  }
0x4d1: {  	_ =	swait.ge [sflag:s25], $0xC000  }
0x4d2: {  	s1 =	sld [smem:$0x7E2]  }
0x4d3: {  	[sflag:s25] =	ssyncset.done $0x0  }
0x4d4: {  	s8 =	sld [smem:$0x7E3];
	[sflag:s25] =	ssyncadd.s32 $0xFFFF4000  }
0x4d5: {  	[hbm4b:s1+s7] =	stream.linear.scatter [tilespmem:s28], [sflag:$0x4], $0xC000, $0x38;
	[tilespmem:$0x18100] =	vst v63  }
0x4d6: {  	_ = 	snop  }
0x4d7: {  	[hbm4b:s8+s7] =	stream.linear.scatter [tilespmem:s28], [sflag:$0x4], $0xC000, $0x38;
	[tilespmem:$0x18100] =	vst v63  }
0x4d8: {  	_ =	swait.ge [sflag:s26], $0xC000  }
0x4d9: {  	[sflag:s26] =	ssyncset.done $0x0  }
0x4da: {  	[sflag:s26] =	ssyncadd.s32 $0xFFFF4000  }
0x4db: {  	_ =	swait.ge [sflag:s26], $0xC000  }
0x4dc: {  	[sflag:s26] =	ssyncset.done $0x0  }
0x4dd: {  	[sflag:s26] =	ssyncadd.s32 $0xFFFF4000  }
0x4de: {  	v3 =	vld [tilespmem:$0x40];
	_ =	sdelay $0x4  }
0x4df: {  	v20 =	vshrl.u32 v3, $0x3  }
0x4e0: {  	v4 =	vmul.u32 $0x30, v20  }
0x4e1: {  	v3 =	vand.u32 $0x7, v3  }
0x4e2: {  	v3 =	vor.u32 v3, v4  }
0x4e3: {  	v4 =	vperm.xlane v3, v0;
	_ =	sdelay $0x1  }
0x4e4: {  	v4 =	vadd.s32 v1, v4;
	_ =	sdelay $0x3  }
0x4e5: {  	v3 =	vperm.xlane v3, v2  }
0x4e6: {  	[tilespmem:s28], [sflag:$0x2] =	stream.indirect_vreg.gather [hbm4b:s3+s7], $0x80, v4, vm0, $0xb8;
	[tilespmem:$0x18100] =	vst v63  }
0x4e7: {  	s29 =	simm.s32 $0xC900;
	v3 =	vadd.s32 v1, v3  }
0x4e8: {  	[tilespmem:s29], [sflag:$0x2] =	stream.indirect_vreg.gather [hbm4b:s15+s7], $0x80, v4, vm0, $0xb8;
	[tilespmem:$0x18100] =	vst v63  }
0x4e9: {  	s30 =	simm.s32 $0xD100  }
0x4ea: {  	[tilespmem:s30], [sflag:$0x2] =	stream.indirect_vreg.gather [hbm4b:s16+s7], $0x80, v4, vm0, $0xb8;
	[tilespmem:$0x18100] =	vst v63  }
0x4eb: {  	s31 =	simm.s32 $0xD900  }
0x4ec: {  	[tilespmem:s31], [sflag:$0x2] =	stream.indirect_vreg.gather [hbm4b:s3+s7], $0x80, v3, vm0, $0xb8;
	[tilespmem:$0x18100] =	vst v63  }
0x4ed: {  	s29 =	simm.s32 $0xE100  }
0x4ee: {  	[tilespmem:s29], [sflag:$0x2] =	stream.indirect_vreg.gather [hbm4b:s15+s7], $0x80, v3, vm0, $0xb8;
	[tilespmem:$0x18100] =	vst v63  }
0x4ef: {  	s30 =	simm.s32 $0xE900  }
0x4f0: {  	[tilespmem:s30], [sflag:$0x2] =	stream.indirect_vreg.gather [hbm4b:s16+s7], $0x80, v3, vm0, $0xb8;
	[tilespmem:$0x18100] =	vst v63  }
0x4f1: {  	v3 =	vld [tilespmem:$0x50];
	_ =	sdelay $0x4  }
0x4f2: {  	v21 =	vshrl.u32 v3, $0x3  }
0x4f3: {  	v4 =	vmul.u32 $0x30, v21  }
0x4f4: {  	v3 =	vand.u32 $0x7, v3  }
0x4f5: {  	v3 =	vor.u32 v3, v4  }
0x4f6: {  	v4 =	vperm.xlane v3, v0;
	_ =	sdelay $0x1  }
0x4f7: {  	v4 =	vadd.s32 v1, v4;
	_ =	sdelay $0x3  }
0x4f8: {  	s29 =	simm.s32 $0xF100;
	v3 =	vperm.xlane v3, v2  }
0x4f9: {  	[tilespmem:s29], [sflag:$0x2] =	stream.indirect_vreg.gather [hbm4b:s3+s7], $0x80, v4, vm0, $0xb8;
	[tilespmem:$0x18100] =	vst v63  }
0x4fa: {  	s30 =	simm.s32 $0xF900;
	v3 =	vadd.s32 v1, v3  }
0x4fb: {  	[tilespmem:s30], [sflag:$0x2] =	stream.indirect_vreg.gather [hbm4b:s15+s7], $0x80, v4, vm0, $0xb8;
	[tilespmem:$0x18100] =	vst v63  }
0x4fc: {  	s29 =	simm.s32 $0x10100  }
0x4fd: {  	[tilespmem:s29], [sflag:$0x2] =	stream.indirect_vreg.gather [hbm4b:s16+s7], $0x80, v4, vm0, $0xb8;
	[tilespmem:$0x18100] =	vst v63  }
0x4fe: {  	s30 =	simm.s32 $0x10900  }
0x4ff: {  	[tilespmem:s30], [sflag:$0x2] =	stream.indirect_vreg.gather [hbm4b:s3+s7], $0x80, v3, vm0, $0xb8;
	[tilespmem:$0x18100] =	vst v63  }
0x500: {  	s29 =	simm.s32 $0x11100  }
0x501: {  	[tilespmem:s29], [sflag:$0x2] =	stream.indirect_vreg.gather [hbm4b:s15+s7], $0x80, v3, vm0, $0xb8;
	[tilespmem:$0x18100] =	vst v63  }
0x502: {  	s30 =	simm.s32 $0x11900  }
0x503: {  	[tilespmem:s30], [sflag:$0x2] =	stream.indirect_vreg.gather [hbm4b:s16+s7], $0x80, v3, vm0, $0xb8;
	[tilespmem:$0x18100] =	vst v63  }
0x504: {  	v3 =	vld [tilespmem:$0x60];
	_ =	sdelay $0x4  }
0x505: {  	v22 =	vshrl.u32 v3, $0x3  }
0x506: {  	v4 =	vmul.u32 $0x30, v22  }
0x507: {  	v3 =	vand.u32 $0x7, v3  }
0x508: {  	v3 =	vor.u32 v3, v4  }
0x509: {  	v4 =	vperm.xlane v3, v0;
	_ =	sdelay $0x1  }
0x50a: {  	v4 =	vadd.s32 v1, v4;
	_ =	sdelay $0x3  }
0x50b: {  	s29 =	simm.s32 $0x12100;
	v3 =	vperm.xlane v3, v2  }
0x50c: {  	[tilespmem:s29], [sflag:$0x2] =	stream.indirect_vreg.gather [hbm4b:s3+s7], $0x80, v4, vm0, $0xb8;
	[tilespmem:$0x18100] =	vst v63  }
0x50d: {  	s30 =	simm.s32 $0x12900;
	v3 =	vadd.s32 v1, v3  }
0x50e: {  	[tilespmem:s30], [sflag:$0x2] =	stream.indirect_vreg.gather [hbm4b:s15+s7], $0x80, v4, vm0, $0xb8;
	[tilespmem:$0x18100] =	vst v63  }
0x50f: {  	s29 =	simm.s32 $0x13100  }
0x510: {  	[tilespmem:s29], [sflag:$0x2] =	stream.indirect_vreg.gather [hbm4b:s16+s7], $0x80, v4, vm0, $0xb8;
	[tilespmem:$0x18100] =	vst v63  }
0x511: {  	s30 =	simm.s32 $0x13900  }
0x512: {  	[tilespmem:s30], [sflag:$0x2] =	stream.indirect_vreg.gather [hbm4b:s3+s7], $0x80, v3, vm0, $0xb8;
	[tilespmem:$0x18100] =	vst v63  }
0x513: {  	s29 =	simm.s32 $0x14100  }
0x514: {  	[tilespmem:s29], [sflag:$0x2] =	stream.indirect_vreg.gather [hbm4b:s15+s7], $0x80, v3, vm0, $0xb8;
	[tilespmem:$0x18100] =	vst v63  }
0x515: {  	s30 =	simm.s32 $0x14900  }
0x516: {  	[tilespmem:s30], [sflag:$0x2] =	stream.indirect_vreg.gather [hbm4b:s16+s7], $0x80, v3, vm0, $0xb8;
	[tilespmem:$0x18100] =	vst v63  }
0x517: {  	v3 =	vld [tilespmem:$0x70];
	_ =	sdelay $0x4  }
0x518: {  	v23 =	vshrl.u32 v3, $0x3  }
0x519: {  	v4 =	vmul.u32 $0x30, v23  }
0x51a: {  	v3 =	vand.u32 $0x7, v3  }
0x51b: {  	v3 =	vor.u32 v3, v4  }
0x51c: {  	v4 =	vperm.xlane v3, v0;
	_ =	sdelay $0x1  }
0x51d: {  	v4 =	vadd.s32 v1, v4;
	_ =	sdelay $0x3  }
0x51e: {  	s29 =	simm.s32 $0x15100;
	v3 =	vperm.xlane v3, v2  }
0x51f: {  	[tilespmem:s29], [sflag:$0x2] =	stream.indirect_vreg.gather [hbm4b:s3+s7], $0x80, v4, vm0, $0xb8;
	[tilespmem:$0x18100] =	vst v63  }
0x520: {  	s30 =	simm.s32 $0x15900;
	v3 =	vadd.s32 v1, v3  }
0x521: {  	[tilespmem:s30], [sflag:$0x2] =	stream.indirect_vreg.gather [hbm4b:s15+s7], $0x80, v4, vm0, $0xb8;
	[tilespmem:$0x18100] =	vst v63  }
0x522: {  	s29 =	simm.s32 $0x16100  }
0x523: {  	[tilespmem:s29], [sflag:$0x2] =	stream.indirect_vreg.gather [hbm4b:s16+s7], $0x80, v4, vm0, $0xb8;
	[tilespmem:$0x18100] =	vst v63  }
0x524: {  	s30 =	simm.s32 $0x16900  }
0x525: {  	[tilespmem:s30], [sflag:$0x2] =	stream.indirect_vreg.gather [hbm4b:s3+s7], $0x80, v3, vm0, $0xb8;
	[tilespmem:$0x18100] =	vst v63  }
0x526: {  	s30 =	simm.s32 $0x17100  }
0x527: {  	[tilespmem:s30], [sflag:$0x2] =	stream.indirect_vreg.gather [hbm4b:s15+s7], $0x80, v3, vm0, $0xb8;
	[tilespmem:$0x18100] =	vst v63  }
0x528: {  	s30 =	simm.s32 $0x17900  }
0x529: {  	[tilespmem:s30], [sflag:$0x2] =	stream.indirect_vreg.gather [hbm4b:s16+s7], $0x80, v3, vm0, $0xb8;
	[tilespmem:$0x18100] =	vst v63  }
0x52a: {  	_ =	swait.ge [sflag:s22], $0xC000  }
0x52b: {  	s29 =	sld [smem:$0x7E4]  }
0x52c: {  	[sflag:s22] =	ssyncset.done $0x0  }
0x52d: {  	s30 =	sld [smem:$0x7E5];
	[sflag:s22] =	ssyncadd.s32 $0xFFFF4000  }
0x52e: {  	[hbm4b:s29+s7] =	stream.linear.scatter [tilespmem:s23], [sflag:$0x3], $0xC000, $0x38;
	[tilespmem:$0x18100] =	vst v63  }
0x52f: {  	_ = 	snop  }
0x530: {  	[hbm4b:s30+s7] =	stream.linear.scatter [tilespmem:s23], [sflag:$0x3], $0xC000, $0x38;
	[tilespmem:$0x18100] =	vst v63  }
0x531: {  	_ =	swait.ge [sflag:s24], $0xC000  }
0x532: {  	[sflag:s24] =	ssyncset.done $0x0  }
0x533: {  	[sflag:s24] =	ssyncadd.s32 $0xFFFF4000  }
0x534: {  	_ =	swait.ge [sflag:s24], $0xC000  }
0x535: {  	[sflag:s24] =	ssyncset.done $0x0  }
0x536: {  	[sflag:s24] =	ssyncadd.s32 $0xFFFF4000  }
0x537: {  	v3 =	vld [tilespmem:$0x80];
	_ =	sdelay $0x4  }
0x538: {  	v24 =	vshrl.u32 v3, $0x3  }
0x539: {  	v4 =	vmul.u32 $0x30, v24  }
0x53a: {  	v3 =	vand.u32 $0x7, v3  }
0x53b: {  	v3 =	vor.u32 v3, v4  }
0x53c: {  	v4 =	vperm.xlane v3, v0;
	_ =	sdelay $0x1  }
0x53d: {  	v4 =	vadd.s32 v1, v4;
	_ =	sdelay $0x3  }
0x53e: {  	v3 =	vperm.xlane v3, v2  }
0x53f: {  	[tilespmem:s23], [sflag:$0x1] =	stream.indirect_vreg.gather [hbm4b:s3+s7], $0x80, v4, vm0, $0xb8;
	[tilespmem:$0x18100] =	vst v63  }
0x540: {  	s30 =	simm.s32 $0x900;
	v3 =	vadd.s32 v1, v3  }
0x541: {  	[tilespmem:s30], [sflag:$0x1] =	stream.indirect_vreg.gather [hbm4b:s15+s7], $0x80, v4, vm0, $0xb8;
	[tilespmem:$0x18100] =	vst v63  }
0x542: {  	s30 =	simm.s32 $0x1100  }
0x543: {  	[tilespmem:s30], [sflag:$0x1] =	stream.indirect_vreg.gather [hbm4b:s16+s7], $0x80, v4, vm0, $0xb8;
	[tilespmem:$0x18100] =	vst v63  }
0x544: {  	s30 =	simm.s32 $0x1900  }
0x545: {  	[tilespmem:s30], [sflag:$0x1] =	stream.indirect_vreg.gather [hbm4b:s3+s7], $0x80, v3, vm0, $0xb8;
	[tilespmem:$0x18100] =	vst v63  }
0x546: {  	s30 =	simm.s32 $0x2100  }
0x547: {  	[tilespmem:s30], [sflag:$0x1] =	stream.indirect_vreg.gather [hbm4b:s15+s7], $0x80, v3, vm0, $0xb8;
	[tilespmem:$0x18100] =	vst v63  }
0x548: {  	s30 =	simm.s32 $0x2900  }
0x549: {  	[tilespmem:s30], [sflag:$0x1] =	stream.indirect_vreg.gather [hbm4b:s16+s7], $0x80, v3, vm0, $0xb8;
	[tilespmem:$0x18100] =	vst v63  }
0x54a: {  	v3 =	vld [tilespmem:$0x90];
	_ =	sdelay $0x4  }
0x54b: {  	v25 =	vshrl.u32 v3, $0x3  }
0x54c: {  	v4 =	vmul.u32 $0x30, v25  }
0x54d: {  	v3 =	vand.u32 $0x7, v3  }
0x54e: {  	v3 =	vor.u32 v3, v4  }
0x54f: {  	v4 =	vperm.xlane v3, v0;
	_ =	sdelay $0x1  }
0x550: {  	v4 =	vadd.s32 v1, v4;
	_ =	sdelay $0x3  }
0x551: {  	s30 =	simm.s32 $0x3100;
	v3 =	vperm.xlane v3, v2  }
0x552: {  	[tilespmem:s30], [sflag:$0x1] =	stream.indirect_vreg.gather [hbm4b:s3+s7], $0x80, v4, vm0, $0xb8;
	[tilespmem:$0x18100] =	vst v63  }
0x553: {  	v3 =	vadd.s32 v1, v3;
	s30 =	simm.s32 $0x3900  }
0x554: {  	[tilespmem:s30], [sflag:$0x1] =	stream.indirect_vreg.gather [hbm4b:s15+s7], $0x80, v4, vm0, $0xb8;
	[tilespmem:$0x18100] =	vst v63  }
0x555: {  	s30 =	simm.s32 $0x4100  }
0x556: {  	[tilespmem:s30], [sflag:$0x1] =	stream.indirect_vreg.gather [hbm4b:s16+s7], $0x80, v4, vm0, $0xb8;
	[tilespmem:$0x18100] =	vst v63  }
0x557: {  	s30 =	simm.s32 $0x4900  }
0x558: {  	[tilespmem:s30], [sflag:$0x1] =	stream.indirect_vreg.gather [hbm4b:s3+s7], $0x80, v3, vm0, $0xb8;
	[tilespmem:$0x18100] =	vst v63  }
0x559: {  	_ = 	snop  }
0x55a: {  	[tilespmem:s2], [sflag:$0x1] =	stream.indirect_vreg.gather [hbm4b:s15+s7], $0x80, v3, vm0, $0xb8;
	[tilespmem:$0x18100] =	vst v63  }
0x55b: {  	_ = 	snop  }
0x55c: {  	[tilespmem:s21], [sflag:$0x1] =	stream.indirect_vreg.gather [hbm4b:s16+s7], $0x80, v3, vm0, $0xb8;
	[tilespmem:$0x18100] =	vst v63  }
0x55d: {  	v3 =	vld [tilespmem:$0xA0];
	_ =	sdelay $0x4  }
0x55e: {  	v26 =	vshrl.u32 v3, $0x3  }
0x55f: {  	v4 =	vmul.u32 $0x30, v26  }
0x560: {  	v3 =	vand.u32 $0x7, v3  }
0x561: {  	v3 =	vor.u32 v3, v4  }
0x562: {  	v4 =	vperm.xlane v3, v0;
	_ =	sdelay $0x1  }
0x563: {  	v4 =	vadd.s32 v1, v4;
	_ =	sdelay $0x3  }
0x564: {  	s30 =	simm.s32 $0x6100;
	v3 =	vperm.xlane v3, v2  }
0x565: {  	[tilespmem:s30], [sflag:$0x1] =	stream.indirect_vreg.gather [hbm4b:s3+s7], $0x80, v4, vm0, $0xb8;
	[tilespmem:$0x18100] =	vst v63  }
0x566: {  	s29 =	simm.s32 $0x6900;
	v3 =	vadd.s32 v1, v3  }
0x567: {  	[tilespmem:s29], [sflag:$0x1] =	stream.indirect_vreg.gather [hbm4b:s15+s7], $0x80, v4, vm0, $0xb8;
	[tilespmem:$0x18100] =	vst v63  }
0x568: {  	s30 =	simm.s32 $0x7100  }
0x569: {  	[tilespmem:s30], [sflag:$0x1] =	stream.indirect_vreg.gather [hbm4b:s16+s7], $0x80, v4, vm0, $0xb8;
	[tilespmem:$0x18100] =	vst v63  }
0x56a: {  	s29 =	simm.s32 $0x7900  }
0x56b: {  	[tilespmem:s29], [sflag:$0x1] =	stream.indirect_vreg.gather [hbm4b:s3+s7], $0x80, v3, vm0, $0xb8;
	[tilespmem:$0x18100] =	vst v63  }
0x56c: {  	s30 =	simm.s32 $0x8100  }
0x56d: {  	[tilespmem:s30], [sflag:$0x1] =	stream.indirect_vreg.gather [hbm4b:s15+s7], $0x80, v3, vm0, $0xb8;
	[tilespmem:$0x18100] =	vst v63  }
0x56e: {  	_ = 	snop  }
0x56f: {  	[tilespmem:s4], [sflag:$0x1] =	stream.indirect_vreg.gather [hbm4b:s16+s7], $0x80, v3, vm0, $0xb8;
	[tilespmem:$0x18100] =	vst v63  }
0x570: {  	v3 =	vld [tilespmem:$0xB0];
	_ =	sdelay $0x4  }
0x571: {  	v27 =	vshrl.u32 v3, $0x3  }
0x572: {  	v4 =	vmul.u32 $0x30, v27  }
0x573: {  	v3 =	vand.u32 $0x7, v3  }
0x574: {  	v3 =	vor.u32 v3, v4  }
0x575: {  	v4 =	vperm.xlane v3, v0;
	_ =	sdelay $0x1  }
0x576: {  	v4 =	vadd.s32 v1, v4;
	_ =	sdelay $0x3  }
0x577: {  	s29 =	simm.s32 $0x9100;
	v3 =	vperm.xlane v3, v2  }
0x578: {  	[tilespmem:s29], [sflag:$0x1] =	stream.indirect_vreg.gather [hbm4b:s3+s7], $0x80, v4, vm0, $0xb8;
	[tilespmem:$0x18100] =	vst v63  }
0x579: {  	v3 =	vadd.s32 v1, v3  }
0x57a: {  	[tilespmem:s5], [sflag:$0x1] =	stream.indirect_vreg.gather [hbm4b:s15+s7], $0x80, v4, vm0, $0xb8;
	[tilespmem:$0x18100] =	vst v63  }
0x57b: {  	_ = 	snop  }
0x57c: {  	[tilespmem:s6], [sflag:$0x1] =	stream.indirect_vreg.gather [hbm4b:s16+s7], $0x80, v4, vm0, $0xb8;
	[tilespmem:$0x18100] =	vst v63  }
0x57d: {  	s30 =	simm.s32 $0xA900  }
0x57e: {  	[tilespmem:s30], [sflag:$0x1] =	stream.indirect_vreg.gather [hbm4b:s3+s7], $0x80, v3, vm0, $0xb8;
	[tilespmem:$0x18100] =	vst v63  }
0x57f: {  	_ = 	snop  }
0x580: {  	[tilespmem:s0], [sflag:$0x1] =	stream.indirect_vreg.gather [hbm4b:s15+s7], $0x80, v3, vm0, $0xb8;
	[tilespmem:$0x18100] =	vst v63  }
0x581: {  	s4 =	simm.s32 $0xB900  }
0x582: {  	[tilespmem:s4], [sflag:$0x1] =	stream.indirect_vreg.gather [hbm4b:s16+s7], $0x80, v3, vm0, $0xb8;
	[tilespmem:$0x18100] =	vst v63  }
0x583: {  	_ =	swait.ge [sflag:s25], $0xC000  }
0x584: {  	s5 =	sld [smem:$0x7E6]  }
0x585: {  	[sflag:s25] =	ssyncset.done $0x0  }
0x586: {  	s6 =	sld [smem:$0x7E7];
	[sflag:s25] =	ssyncadd.s32 $0xFFFF4000  }
0x587: {  	[hbm4b:s5+s7] =	stream.linear.scatter [tilespmem:s28], [sflag:$0x4], $0xC000, $0x38;
	[tilespmem:$0x18100] =	vst v63  }
0x588: {  	_ = 	snop  }
0x589: {  	[hbm4b:s6+s7] =	stream.linear.scatter [tilespmem:s28], [sflag:$0x4], $0xC000, $0x38;
	[tilespmem:$0x18100] =	vst v63  }
0x58a: {  	_ =	swait.ge [sflag:s26], $0xC000  }
0x58b: {  	[sflag:s26] =	ssyncset.done $0x0  }
0x58c: {  	[sflag:s26] =	ssyncadd.s32 $0xFFFF4000  }
0x58d: {  	_ =	swait.ge [sflag:s26], $0xC000  }
0x58e: {  	[sflag:s26] =	ssyncset.done $0x0  }
0x58f: {  	[sflag:s26] =	ssyncadd.s32 $0xFFFF4000  }
0x590: {  	v3 =	vld [tilespmem:$0xC0];
	_ =	sdelay $0x4  }
0x591: {  	v28 =	vshrl.u32 v3, $0x3  }
0x592: {  	v4 =	vmul.u32 $0x30, v28  }
0x593: {  	v3 =	vand.u32 $0x7, v3  }
0x594: {  	v3 =	vor.u32 v3, v4  }
0x595: {  	v4 =	vperm.xlane v3, v0;
	_ =	sdelay $0x1  }
0x596: {  	v4 =	vadd.s32 v1, v4;
	_ =	sdelay $0x3  }
0x597: {  	v3 =	vperm.xlane v3, v2  }
0x598: {  	[tilespmem:s28], [sflag:$0x2] =	stream.indirect_vreg.gather [hbm4b:s3+s7], $0x80, v4, vm0, $0xb8;
	[tilespmem:$0x18100] =	vst v63  }
0x599: {  	s21 =	simm.s32 $0xC900;
	v3 =	vadd.s32 v1, v3  }
0x59a: {  	[tilespmem:s21], [sflag:$0x2] =	stream.indirect_vreg.gather [hbm4b:s15+s7], $0x80, v4, vm0, $0xb8;
	[tilespmem:$0x18100] =	vst v63  }
0x59b: {  	s8 =	simm.s32 $0xD100  }
0x59c: {  	[tilespmem:s8], [sflag:$0x2] =	stream.indirect_vreg.gather [hbm4b:s16+s7], $0x80, v4, vm0, $0xb8;
	[tilespmem:$0x18100] =	vst v63  }
0x59d: {  	s29 =	simm.s32 $0xD900  }
0x59e: {  	[tilespmem:s29], [sflag:$0x2] =	stream.indirect_vreg.gather [hbm4b:s3+s7], $0x80, v3, vm0, $0xb8;
	[tilespmem:$0x18100] =	vst v63  }
0x59f: {  	s31 =	simm.s32 $0xE100  }
0x5a0: {  	[tilespmem:s31], [sflag:$0x2] =	stream.indirect_vreg.gather [hbm4b:s15+s7], $0x80, v3, vm0, $0xb8;
	[tilespmem:$0x18100] =	vst v63  }
0x5a1: {  	s30 =	simm.s32 $0xE900  }
0x5a2: {  	[tilespmem:s30], [sflag:$0x2] =	stream.indirect_vreg.gather [hbm4b:s16+s7], $0x80, v3, vm0, $0xb8;
	[tilespmem:$0x18100] =	vst v63  }
0x5a3: {  	v3 =	vld [tilespmem:$0xD0];
	_ =	sdelay $0x4  }
0x5a4: {  	v29 =	vshrl.u32 v3, $0x3  }
0x5a5: {  	v4 =	vmul.u32 $0x30, v29  }
0x5a6: {  	v3 =	vand.u32 $0x7, v3  }
0x5a7: {  	v3 =	vor.u32 v3, v4  }
0x5a8: {  	v4 =	vperm.xlane v3, v0;
	_ =	sdelay $0x1  }
0x5a9: {  	v4 =	vadd.s32 v1, v4;
	_ =	sdelay $0x3  }
0x5aa: {  	s31 =	simm.s32 $0xF100;
	v3 =	vperm.xlane v3, v2  }
0x5ab: {  	[tilespmem:s31], [sflag:$0x2] =	stream.indirect_vreg.gather [hbm4b:s3+s7], $0x80, v4, vm0, $0xb8;
	[tilespmem:$0x18100] =	vst v63  }
0x5ac: {  	s4 =	simm.s32 $0xF900;
	v3 =	vadd.s32 v1, v3  }
0x5ad: {  	[tilespmem:s4], [sflag:$0x2] =	stream.indirect_vreg.gather [hbm4b:s15+s7], $0x80, v4, vm0, $0xb8;
	[tilespmem:$0x18100] =	vst v63  }
0x5ae: {  	s5 =	simm.s32 $0x10100  }
0x5af: {  	[tilespmem:s5], [sflag:$0x2] =	stream.indirect_vreg.gather [hbm4b:s16+s7], $0x80, v4, vm0, $0xb8;
	[tilespmem:$0x18100] =	vst v63  }
0x5b0: {  	s6 =	simm.s32 $0x10900  }
0x5b1: {  	[tilespmem:s6], [sflag:$0x2] =	stream.indirect_vreg.gather [hbm4b:s3+s7], $0x80, v3, vm0, $0xb8;
	[tilespmem:$0x18100] =	vst v63  }
0x5b2: {  	s8 =	simm.s32 $0x11100  }
0x5b3: {  	[tilespmem:s8], [sflag:$0x2] =	stream.indirect_vreg.gather [hbm4b:s15+s7], $0x80, v3, vm0, $0xb8;
	[tilespmem:$0x18100] =	vst v63  }
0x5b4: {  	s21 =	simm.s32 $0x11900  }
0x5b5: {  	[tilespmem:s21], [sflag:$0x2] =	stream.indirect_vreg.gather [hbm4b:s16+s7], $0x80, v3, vm0, $0xb8;
	[tilespmem:$0x18100] =	vst v63  }
0x5b6: {  	v3 =	vld [tilespmem:$0xE0];
	_ =	sdelay $0x4  }
0x5b7: {  	v30 =	vshrl.u32 v3, $0x3  }
0x5b8: {  	v4 =	vmul.u32 $0x30, v30  }
0x5b9: {  	v3 =	vand.u32 $0x7, v3  }
0x5ba: {  	v3 =	vor.u32 v3, v4  }
0x5bb: {  	v4 =	vperm.xlane v3, v0;
	_ =	sdelay $0x1  }
0x5bc: {  	v4 =	vadd.s32 v1, v4;
	_ =	sdelay $0x3  }
0x5bd: {  	s29 =	simm.s32 $0x12100;
	v3 =	vperm.xlane v3, v2  }
0x5be: {  	[tilespmem:s29], [sflag:$0x2] =	stream.indirect_vreg.gather [hbm4b:s3+s7], $0x80, v4, vm0, $0xb8;
	[tilespmem:$0x18100] =	vst v63  }
0x5bf: {  	s30 =	simm.s32 $0x12900;
	v3 =	vadd.s32 v1, v3  }
0x5c0: {  	[tilespmem:s30], [sflag:$0x2] =	stream.indirect_vreg.gather [hbm4b:s15+s7], $0x80, v4, vm0, $0xb8;
	[tilespmem:$0x18100] =	vst v63  }
0x5c1: {  	s31 =	simm.s32 $0x13100  }
0x5c2: {  	[tilespmem:s31], [sflag:$0x2] =	stream.indirect_vreg.gather [hbm4b:s16+s7], $0x80, v4, vm0, $0xb8;
	[tilespmem:$0x18100] =	vst v63  }
0x5c3: {  	s4 =	simm.s32 $0x13900  }
0x5c4: {  	[tilespmem:s4], [sflag:$0x2] =	stream.indirect_vreg.gather [hbm4b:s3+s7], $0x80, v3, vm0, $0xb8;
	[tilespmem:$0x18100] =	vst v63  }
0x5c5: {  	s5 =	simm.s32 $0x14100  }
0x5c6: {  	[tilespmem:s5], [sflag:$0x2] =	stream.indirect_vreg.gather [hbm4b:s15+s7], $0x80, v3, vm0, $0xb8;
	[tilespmem:$0x18100] =	vst v63  }
0x5c7: {  	s6 =	simm.s32 $0x14900  }
0x5c8: {  	[tilespmem:s6], [sflag:$0x2] =	stream.indirect_vreg.gather [hbm4b:s16+s7], $0x80, v3, vm0, $0xb8;
	[tilespmem:$0x18100] =	vst v63  }
0x5c9: {  	v3 =	vld [tilespmem:$0xF0];
	_ =	sdelay $0x4  }
0x5ca: {  	v31 =	vshrl.u32 v3, $0x3  }
0x5cb: {  	v4 =	vmul.u32 $0x30, v31  }
0x5cc: {  	v3 =	vand.u32 $0x7, v3  }
0x5cd: {  	v3 =	vor.u32 v3, v4  }
0x5ce: {  	v4 =	vperm.xlane v3, v0;
	_ =	sdelay $0x1  }
0x5cf: {  	v4 =	vadd.s32 v1, v4;
	_ =	sdelay $0x3  }
0x5d0: {  	s8 =	simm.s32 $0x15100;
	v3 =	vperm.xlane v3, v2  }
0x5d1: {  	[tilespmem:s8], [sflag:$0x2] =	stream.indirect_vreg.gather [hbm4b:s3+s7], $0x80, v4, vm0, $0xb8;
	[tilespmem:$0x18100] =	vst v63  }
0x5d2: {  	s21 =	simm.s32 $0x15900;
	v3 =	vadd.s32 v1, v3  }
0x5d3: {  	[tilespmem:s21], [sflag:$0x2] =	stream.indirect_vreg.gather [hbm4b:s15+s7], $0x80, v4, vm0, $0xb8;
	[tilespmem:$0x18100] =	vst v63  }
0x5d4: {  	s1 =	simm.s32 $0x16100  }
0x5d5: {  	[tilespmem:s1], [sflag:$0x2] =	stream.indirect_vreg.gather [hbm4b:s16+s7], $0x80, v4, vm0, $0xb8;
	[tilespmem:$0x18100] =	vst v63  }
0x5d6: {  	s29 =	simm.s32 $0x16900  }
0x5d7: {  	[tilespmem:s29], [sflag:$0x2] =	stream.indirect_vreg.gather [hbm4b:s3+s7], $0x80, v3, vm0, $0xb8;
	[tilespmem:$0x18100] =	vst v63  }
0x5d8: {  	s30 =	simm.s32 $0x17100  }
0x5d9: {  	[tilespmem:s30], [sflag:$0x2] =	stream.indirect_vreg.gather [hbm4b:s15+s7], $0x80, v3, vm0, $0xb8;
	[tilespmem:$0x18100] =	vst v63  }
0x5da: {  	s31 =	simm.s32 $0x17900  }
0x5db: {  	[tilespmem:s31], [sflag:$0x2] =	stream.indirect_vreg.gather [hbm4b:s16+s7], $0x80, v3, vm0, $0xb8;
	[tilespmem:$0x18100] =	vst v63  }
0x5dc: {  	_ =	swait.ge [sflag:s22], $0xC000  }
0x5dd: {  	s0 =	sld [smem:$0x7E8]  }
0x5de: {  	[sflag:s22] =	ssyncset.done $0x0  }
0x5df: {  	s1 =	sld [smem:$0x7E9];
	[sflag:s22] =	ssyncadd.s32 $0xFFFF4000  }
0x5e0: {  	[hbm4b:s0+s7] =	stream.linear.scatter [tilespmem:s23], [sflag:$0x3], $0xC000, $0x38;
	[tilespmem:$0x18100] =	vst v63  }
0x5e1: {  	_ = 	snop  }
0x5e2: {  	[hbm4b:s1+s7] =	stream.linear.scatter [tilespmem:s23], [sflag:$0x3], $0xC000, $0x38;
	[tilespmem:$0x18100] =	vst v63  }
0x5e3: {  	_ =	swait.ge [sflag:s24], $0xC000  }
0x5e4: {  	[sflag:s24] =	ssyncset.done $0x0  }
0x5e5: {  	[sflag:s24] =	ssyncadd.s32 $0xFFFF4000  }
0x5e6: {  	_ =	swait.ge [sflag:s24], $0xC000  }
0x5e7: {  	[sflag:s24] =	ssyncset.done $0x0  }
0x5e8: {  	[sflag:s24] =	ssyncadd.s32 $0xFFFF4000  }
0x5e9: {  	v3 =	vld [tilespmem:$0x0];
	_ =	sdelay $0x4  }
0x5ea: {  	v32 =	vshrl.u32 v3, $0x3  }
0x5eb: {  	v4 =	vmul.u32 $0x30, v32  }
0x5ec: {  	v3 =	vand.u32 $0x7, v3  }
0x5ed: {  	v3 =	vor.u32 v3, v4  }
0x5ee: {  	v4 =	vperm.xlane v3, v0;
	_ =	sdelay $0x1  }
0x5ef: {  	v4 =	vadd.s32 v1, v4;
	_ =	sdelay $0x3  }
0x5f0: {  	s4 =	rddreg [dreg:$0x5];
	v3 =	vperm.xlane v3, v2  }
0x5f1: {  	[tilespmem:s23], [sflag:$0x1] =	stream.indirect_vreg.gather [hbm4b:s4+s7], $0x80, v4, vm0, $0xb8;
	[tilespmem:$0x18100] =	vst v63  }
0x5f2: {  	s3 =	simm.s32 $0x900;
	v3 =	vadd.s32 v1, v3  }
0x5f3: {  	[tilespmem:s3], [sflag:$0x1] =	stream.indirect_vreg.gather [hbm4b:s17+s7], $0x80, v4, vm0, $0xb8;
	[tilespmem:$0x18100] =	vst v63  }
0x5f4: {  	s5 =	simm.s32 $0x1100  }
0x5f5: {  	[tilespmem:s5], [sflag:$0x1] =	stream.indirect_vreg.gather [hbm4b:s18+s7], $0x80, v4, vm0, $0xb8;
	[tilespmem:$0x18100] =	vst v63  }
0x5f6: {  	s6 =	simm.s32 $0x1900  }
0x5f7: {  	[tilespmem:s6], [sflag:$0x1] =	stream.indirect_vreg.gather [hbm4b:s4+s7], $0x80, v3, vm0, $0xb8;
	[tilespmem:$0x18100] =	vst v63  }
0x5f8: {  	s8 =	simm.s32 $0x2100  }
0x5f9: {  	[tilespmem:s8], [sflag:$0x1] =	stream.indirect_vreg.gather [hbm4b:s17+s7], $0x80, v3, vm0, $0xb8;
	[tilespmem:$0x18100] =	vst v63  }
0x5fa: {  	s21 =	simm.s32 $0x2900  }
0x5fb: {  	[tilespmem:s21], [sflag:$0x1] =	stream.indirect_vreg.gather [hbm4b:s18+s7], $0x80, v3, vm0, $0xb8;
	[tilespmem:$0x18100] =	vst v63  }
0x5fc: {  	v3 =	vld [tilespmem:$0x10];
	_ =	sdelay $0x4  }
0x5fd: {  	v33 =	vshrl.u32 v3, $0x3  }
0x5fe: {  	v4 =	vmul.u32 $0x30, v33  }
0x5ff: {  	v3 =	vand.u32 $0x7, v3  }
0x600: {  	v3 =	vor.u32 v3, v4  }
0x601: {  	v4 =	vperm.xlane v3, v0;
	_ =	sdelay $0x1  }
0x602: {  	v4 =	vadd.s32 v1, v4;
	_ =	sdelay $0x3  }
0x603: {  	s29 =	simm.s32 $0x3100;
	v3 =	vperm.xlane v3, v2  }
0x604: {  	[tilespmem:s29], [sflag:$0x1] =	stream.indirect_vreg.gather [hbm4b:s4+s7], $0x80, v4, vm0, $0xb8;
	[tilespmem:$0x18100] =	vst v63  }
0x605: {  	s30 =	simm.s32 $0x3900;
	v3 =	vadd.s32 v1, v3  }
0x606: {  	[tilespmem:s30], [sflag:$0x1] =	stream.indirect_vreg.gather [hbm4b:s17+s7], $0x80, v4, vm0, $0xb8;
	[tilespmem:$0x18100] =	vst v63  }
0x607: {  	s31 =	simm.s32 $0x4100  }
0x608: {  	[tilespmem:s31], [sflag:$0x1] =	stream.indirect_vreg.gather [hbm4b:s18+s7], $0x80, v4, vm0, $0xb8;
	[tilespmem:$0x18100] =	vst v63  }
0x609: {  	s1 =	simm.s32 $0x4900  }
0x60a: {  	[tilespmem:s1], [sflag:$0x1] =	stream.indirect_vreg.gather [hbm4b:s4+s7], $0x80, v3, vm0, $0xb8;
	[tilespmem:$0x18100] =	vst v63  }
0x60b: {  	s2 =	simm.s32 $0x5100  }
0x60c: {  	[tilespmem:s2], [sflag:$0x1] =	stream.indirect_vreg.gather [hbm4b:s17+s7], $0x80, v3, vm0, $0xb8;
	[tilespmem:$0x18100] =	vst v63  }
0x60d: {  	s2 =	simm.s32 $0x5900  }
0x60e: {  	[tilespmem:s2], [sflag:$0x1] =	stream.indirect_vreg.gather [hbm4b:s18+s7], $0x80, v3, vm0, $0xb8;
	[tilespmem:$0x18100] =	vst v63  }
0x60f: {  	v3 =	vld [tilespmem:$0x20];
	_ =	sdelay $0x4  }
0x610: {  	v34 =	vshrl.u32 v3, $0x3  }
0x611: {  	v4 =	vmul.u32 $0x30, v34  }
0x612: {  	v3 =	vand.u32 $0x7, v3  }
0x613: {  	v3 =	vor.u32 v3, v4  }
0x614: {  	v4 =	vperm.xlane v3, v0;
	_ =	sdelay $0x1  }
0x615: {  	v4 =	vadd.s32 v1, v4;
	_ =	sdelay $0x3  }
0x616: {  	s3 =	simm.s32 $0x6100;
	v3 =	vperm.xlane v3, v2  }
0x617: {  	[tilespmem:s3], [sflag:$0x1] =	stream.indirect_vreg.gather [hbm4b:s4+s7], $0x80, v4, vm0, $0xb8;
	[tilespmem:$0x18100] =	vst v63  }
0x618: {  	s5 =	simm.s32 $0x6900;
	v3 =	vadd.s32 v1, v3  }
0x619: {  	[tilespmem:s5], [sflag:$0x1] =	stream.indirect_vreg.gather [hbm4b:s17+s7], $0x80, v4, vm0, $0xb8;
	[tilespmem:$0x18100] =	vst v63  }
0x61a: {  	s3 =	simm.s32 $0x7100  }
0x61b: {  	[tilespmem:s3], [sflag:$0x1] =	stream.indirect_vreg.gather [hbm4b:s18+s7], $0x80, v4, vm0, $0xb8;
	[tilespmem:$0x18100] =	vst v63  }
0x61c: {  	s6 =	simm.s32 $0x7900  }
0x61d: {  	[tilespmem:s6], [sflag:$0x1] =	stream.indirect_vreg.gather [hbm4b:s4+s7], $0x80, v3, vm0, $0xb8;
	[tilespmem:$0x18100] =	vst v63  }
0x61e: {  	s8 =	simm.s32 $0x8100  }
0x61f: {  	[tilespmem:s8], [sflag:$0x1] =	stream.indirect_vreg.gather [hbm4b:s17+s7], $0x80, v3, vm0, $0xb8;
	[tilespmem:$0x18100] =	vst v63  }
0x620: {  	s21 =	simm.s32 $0x8900  }
0x621: {  	[tilespmem:s21], [sflag:$0x1] =	stream.indirect_vreg.gather [hbm4b:s18+s7], $0x80, v3, vm0, $0xb8;
	[tilespmem:$0x18100] =	vst v63  }
0x622: {  	v3 =	vld [tilespmem:$0x30];
	_ =	sdelay $0x4  }
0x623: {  	v35 =	vshrl.u32 v3, $0x3  }
0x624: {  	v4 =	vmul.u32 $0x30, v35  }
0x625: {  	v3 =	vand.u32 $0x7, v3  }
0x626: {  	v3 =	vor.u32 v3, v4  }
0x627: {  	v4 =	vperm.xlane v3, v0;
	_ =	sdelay $0x1  }
0x628: {  	v4 =	vadd.s32 v1, v4;
	_ =	sdelay $0x3  }
0x629: {  	s29 =	simm.s32 $0x9100;
	v3 =	vperm.xlane v3, v2  }
0x62a: {  	[tilespmem:s29], [sflag:$0x1] =	stream.indirect_vreg.gather [hbm4b:s4+s7], $0x80, v4, vm0, $0xb8;
	[tilespmem:$0x18100] =	vst v63  }
0x62b: {  	s30 =	simm.s32 $0x9900;
	v3 =	vadd.s32 v1, v3  }
0x62c: {  	[tilespmem:s30], [sflag:$0x1] =	stream.indirect_vreg.gather [hbm4b:s17+s7], $0x80, v4, vm0, $0xb8;
	[tilespmem:$0x18100] =	vst v63  }
0x62d: {  	s31 =	simm.s32 $0xA100  }
0x62e: {  	[tilespmem:s31], [sflag:$0x1] =	stream.indirect_vreg.gather [hbm4b:s18+s7], $0x80, v4, vm0, $0xb8;
	[tilespmem:$0x18100] =	vst v63  }
0x62f: {  	s1 =	simm.s32 $0xA900  }
0x630: {  	[tilespmem:s1], [sflag:$0x1] =	stream.indirect_vreg.gather [hbm4b:s4+s7], $0x80, v3, vm0, $0xb8;
	[tilespmem:$0x18100] =	vst v63  }
0x631: {  	s2 =	simm.s32 $0xB100  }
0x632: {  	[tilespmem:s2], [sflag:$0x1] =	stream.indirect_vreg.gather [hbm4b:s17+s7], $0x80, v3, vm0, $0xb8;
	[tilespmem:$0x18100] =	vst v63  }
0x633: {  	s8 =	simm.s32 $0xB900  }
0x634: {  	[tilespmem:s8], [sflag:$0x1] =	stream.indirect_vreg.gather [hbm4b:s18+s7], $0x80, v3, vm0, $0xb8;
	[tilespmem:$0x18100] =	vst v63  }
0x635: {  	_ =	swait.ge [sflag:s25], $0xC000  }
0x636: {  	s5 =	sld [smem:$0x7EA]  }
0x637: {  	[sflag:s25] =	ssyncset.done $0x0  }
0x638: {  	s6 =	sld [smem:$0x7EB];
	[sflag:s25] =	ssyncadd.s32 $0xFFFF4000  }
0x639: {  	[hbm4b:s5+s7] =	stream.linear.scatter [tilespmem:s28], [sflag:$0x4], $0xC000, $0x38;
	[tilespmem:$0x18100] =	vst v63  }
0x63a: {  	_ = 	snop  }
0x63b: {  	[hbm4b:s6+s7] =	stream.linear.scatter [tilespmem:s28], [sflag:$0x4], $0xC000, $0x38;
	[tilespmem:$0x18100] =	vst v63  }
0x63c: {  	_ =	swait.ge [sflag:s26], $0xC000  }
0x63d: {  	[sflag:s26] =	ssyncset.done $0x0  }
0x63e: {  	[sflag:s26] =	ssyncadd.s32 $0xFFFF4000  }
0x63f: {  	_ =	swait.ge [sflag:s26], $0xC000  }
0x640: {  	[sflag:s26] =	ssyncset.done $0x0  }
0x641: {  	[sflag:s26] =	ssyncadd.s32 $0xFFFF4000  }
0x642: {  	v3 =	vld [tilespmem:$0x40];
	_ =	sdelay $0x4  }
0x643: {  	v36 =	vshrl.u32 v3, $0x3  }
0x644: {  	v4 =	vmul.u32 $0x30, v36  }
0x645: {  	v3 =	vand.u32 $0x7, v3  }
0x646: {  	v3 =	vor.u32 v3, v4  }
0x647: {  	v4 =	vperm.xlane v3, v0;
	_ =	sdelay $0x1  }
0x648: {  	v4 =	vadd.s32 v1, v4;
	_ =	sdelay $0x3  }
0x649: {  	v3 =	vperm.xlane v3, v2  }
0x64a: {  	[tilespmem:s28], [sflag:$0x2] =	stream.indirect_vreg.gather [hbm4b:s4+s7], $0x80, v4, vm0, $0xb8;
	[tilespmem:$0x18100] =	vst v63  }
0x64b: {  	s0 =	simm.s32 $0xC900;
	v3 =	vadd.s32 v1, v3  }
0x64c: {  	[tilespmem:s0], [sflag:$0x2] =	stream.indirect_vreg.gather [hbm4b:s17+s7], $0x80, v4, vm0, $0xb8;
	[tilespmem:$0x18100] =	vst v63  }
0x64d: {  	s1 =	simm.s32 $0xD100  }
0x64e: {  	[tilespmem:s1], [sflag:$0x2] =	stream.indirect_vreg.gather [hbm4b:s18+s7], $0x80, v4, vm0, $0xb8;
	[tilespmem:$0x18100] =	vst v63  }
0x64f: {  	s2 =	simm.s32 $0xD900  }
0x650: {  	[tilespmem:s2], [sflag:$0x2] =	stream.indirect_vreg.gather [hbm4b:s4+s7], $0x80, v3, vm0, $0xb8;
	[tilespmem:$0x18100] =	vst v63  }
0x651: {  	s5 =	simm.s32 $0xE100  }
0x652: {  	[tilespmem:s5], [sflag:$0x2] =	stream.indirect_vreg.gather [hbm4b:s17+s7], $0x80, v3, vm0, $0xb8;
	[tilespmem:$0x18100] =	vst v63  }
0x653: {  	s21 =	simm.s32 $0xE900  }
0x654: {  	[tilespmem:s21], [sflag:$0x2] =	stream.indirect_vreg.gather [hbm4b:s18+s7], $0x80, v3, vm0, $0xb8;
	[tilespmem:$0x18100] =	vst v63  }
0x655: {  	v3 =	vld [tilespmem:$0x50];
	_ =	sdelay $0x4  }
0x656: {  	v37 =	vshrl.u32 v3, $0x3  }
0x657: {  	v4 =	vmul.u32 $0x30, v37  }
0x658: {  	v3 =	vand.u32 $0x7, v3  }
0x659: {  	v3 =	vor.u32 v3, v4  }
0x65a: {  	v4 =	vperm.xlane v3, v0;
	_ =	sdelay $0x1  }
0x65b: {  	v4 =	vadd.s32 v1, v4;
	_ =	sdelay $0x3  }
0x65c: {  	s29 =	simm.s32 $0xF100;
	v3 =	vperm.xlane v3, v2  }
0x65d: {  	[tilespmem:s29], [sflag:$0x2] =	stream.indirect_vreg.gather [hbm4b:s4+s7], $0x80, v4, vm0, $0xb8;
	[tilespmem:$0x18100] =	vst v63  }
0x65e: {  	s6 =	simm.s32 $0xF900;
	v3 =	vadd.s32 v1, v3  }
0x65f: {  	[tilespmem:s6], [sflag:$0x2] =	stream.indirect_vreg.gather [hbm4b:s17+s7], $0x80, v4, vm0, $0xb8;
	[tilespmem:$0x18100] =	vst v63  }
0x660: {  	s21 =	simm.s32 $0x10100  }
0x661: {  	[tilespmem:s21], [sflag:$0x2] =	stream.indirect_vreg.gather [hbm4b:s18+s7], $0x80, v4, vm0, $0xb8;
	[tilespmem:$0x18100] =	vst v63  }
0x662: {  	s31 =	simm.s32 $0x10900  }
0x663: {  	[tilespmem:s31], [sflag:$0x2] =	stream.indirect_vreg.gather [hbm4b:s4+s7], $0x80, v3, vm0, $0xb8;
	[tilespmem:$0x18100] =	vst v63  }
0x664: {  	s30 =	simm.s32 $0x11100  }
0x665: {  	[tilespmem:s30], [sflag:$0x2] =	stream.indirect_vreg.gather [hbm4b:s17+s7], $0x80, v3, vm0, $0xb8;
	[tilespmem:$0x18100] =	vst v63  }
0x666: {  	s30 =	simm.s32 $0x11900  }
0x667: {  	[tilespmem:s30], [sflag:$0x2] =	stream.indirect_vreg.gather [hbm4b:s18+s7], $0x80, v3, vm0, $0xb8;
	[tilespmem:$0x18100] =	vst v63  }
0x668: {  	v3 =	vld [tilespmem:$0x60];
	_ =	sdelay $0x4  }
0x669: {  	v38 =	vshrl.u32 v3, $0x3  }
0x66a: {  	v4 =	vmul.u32 $0x30, v38  }
0x66b: {  	v3 =	vand.u32 $0x7, v3  }
0x66c: {  	v3 =	vor.u32 v3, v4  }
0x66d: {  	v4 =	vperm.xlane v3, v0;
	_ =	sdelay $0x1  }
0x66e: {  	v4 =	vadd.s32 v1, v4;
	_ =	sdelay $0x3  }
0x66f: {  	s30 =	simm.s32 $0x12100;
	v3 =	vperm.xlane v3, v2  }
0x670: {  	[tilespmem:s30], [sflag:$0x2] =	stream.indirect_vreg.gather [hbm4b:s4+s7], $0x80, v4, vm0, $0xb8;
	[tilespmem:$0x18100] =	vst v63  }
0x671: {  	v3 =	vadd.s32 v1, v3;
	s30 =	simm.s32 $0x12900  }
0x672: {  	[tilespmem:s30], [sflag:$0x2] =	stream.indirect_vreg.gather [hbm4b:s17+s7], $0x80, v4, vm0, $0xb8;
	[tilespmem:$0x18100] =	vst v63  }
0x673: {  	s30 =	simm.s32 $0x13100  }
0x674: {  	[tilespmem:s30], [sflag:$0x2] =	stream.indirect_vreg.gather [hbm4b:s18+s7], $0x80, v4, vm0, $0xb8;
	[tilespmem:$0x18100] =	vst v63  }
0x675: {  	s30 =	simm.s32 $0x13900  }
0x676: {  	[tilespmem:s30], [sflag:$0x2] =	stream.indirect_vreg.gather [hbm4b:s4+s7], $0x80, v3, vm0, $0xb8;
	[tilespmem:$0x18100] =	vst v63  }
0x677: {  	s30 =	simm.s32 $0x14100  }
0x678: {  	[tilespmem:s30], [sflag:$0x2] =	stream.indirect_vreg.gather [hbm4b:s17+s7], $0x80, v3, vm0, $0xb8;
	[tilespmem:$0x18100] =	vst v63  }
0x679: {  	s30 =	simm.s32 $0x14900  }
0x67a: {  	[tilespmem:s30], [sflag:$0x2] =	stream.indirect_vreg.gather [hbm4b:s18+s7], $0x80, v3, vm0, $0xb8;
	[tilespmem:$0x18100] =	vst v63  }
0x67b: {  	v3 =	vld [tilespmem:$0x70];
	_ =	sdelay $0x4  }
0x67c: {  	v39 =	vshrl.u32 v3, $0x3  }
0x67d: {  	v4 =	vmul.u32 $0x30, v39  }
0x67e: {  	v3 =	vand.u32 $0x7, v3  }
0x67f: {  	v3 =	vor.u32 v3, v4  }
0x680: {  	v4 =	vperm.xlane v3, v0;
	_ =	sdelay $0x1  }
0x681: {  	v4 =	vadd.s32 v1, v4;
	_ =	sdelay $0x3  }
0x682: {  	s30 =	simm.s32 $0x15100;
	v3 =	vperm.xlane v3, v2  }
0x683: {  	[tilespmem:s30], [sflag:$0x2] =	stream.indirect_vreg.gather [hbm4b:s4+s7], $0x80, v4, vm0, $0xb8;
	[tilespmem:$0x18100] =	vst v63  }
0x684: {  	v3 =	vadd.s32 v1, v3;
	s30 =	simm.s32 $0x15900  }
0x685: {  	[tilespmem:s30], [sflag:$0x2] =	stream.indirect_vreg.gather [hbm4b:s17+s7], $0x80, v4, vm0, $0xb8;
	[tilespmem:$0x18100] =	vst v63  }
0x686: {  	s30 =	simm.s32 $0x16100  }
0x687: {  	[tilespmem:s30], [sflag:$0x2] =	stream.indirect_vreg.gather [hbm4b:s18+s7], $0x80, v4, vm0, $0xb8;
	[tilespmem:$0x18100] =	vst v63  }
0x688: {  	s30 =	simm.s32 $0x16900  }
0x689: {  	[tilespmem:s30], [sflag:$0x2] =	stream.indirect_vreg.gather [hbm4b:s4+s7], $0x80, v3, vm0, $0xb8;
	[tilespmem:$0x18100] =	vst v63  }
0x68a: {  	s30 =	simm.s32 $0x17100  }
0x68b: {  	[tilespmem:s30], [sflag:$0x2] =	stream.indirect_vreg.gather [hbm4b:s17+s7], $0x80, v3, vm0, $0xb8;
	[tilespmem:$0x18100] =	vst v63  }
0x68c: {  	s30 =	simm.s32 $0x17900  }
0x68d: {  	[tilespmem:s30], [sflag:$0x2] =	stream.indirect_vreg.gather [hbm4b:s18+s7], $0x80, v3, vm0, $0xb8;
	[tilespmem:$0x18100] =	vst v63  }
0x68e: {  	_ =	swait.ge [sflag:s22], $0xC000  }
0x68f: {  	s29 =	sld [smem:$0x7EC]  }
0x690: {  	[sflag:s22] =	ssyncset.done $0x0  }
0x691: {  	s30 =	sld [smem:$0x7ED];
	[sflag:s22] =	ssyncadd.s32 $0xFFFF4000  }
0x692: {  	[hbm4b:s29+s7] =	stream.linear.scatter [tilespmem:s23], [sflag:$0x3], $0xC000, $0x38;
	[tilespmem:$0x18100] =	vst v63  }
0x693: {  	_ = 	snop  }
0x694: {  	[hbm4b:s30+s7] =	stream.linear.scatter [tilespmem:s23], [sflag:$0x3], $0xC000, $0x38;
	[tilespmem:$0x18100] =	vst v63  }
0x695: {  	_ =	swait.ge [sflag:s24], $0xC000  }
0x696: {  	[sflag:s24] =	ssyncset.done $0x0  }
0x697: {  	[sflag:s24] =	ssyncadd.s32 $0xFFFF4000  }
0x698: {  	_ =	swait.ge [sflag:s24], $0xC000  }
0x699: {  	[sflag:s24] =	ssyncset.done $0x0  }
0x69a: {  	[sflag:s24] =	ssyncadd.s32 $0xFFFF4000  }
0x69b: {  	v3 =	vld [tilespmem:$0x80];
	_ =	sdelay $0x4  }
0x69c: {  	v40 =	vshrl.u32 v3, $0x3  }
0x69d: {  	v4 =	vmul.u32 $0x30, v40  }
0x69e: {  	v3 =	vand.u32 $0x7, v3  }
0x69f: {  	v3 =	vor.u32 v3, v4  }
0x6a0: {  	v4 =	vperm.xlane v3, v0;
	_ =	sdelay $0x1  }
0x6a1: {  	v4 =	vadd.s32 v1, v4;
	_ =	sdelay $0x3  }
0x6a2: {  	v3 =	vperm.xlane v3, v2  }
0x6a3: {  	[tilespmem:s23], [sflag:$0x1] =	stream.indirect_vreg.gather [hbm4b:s4+s7], $0x80, v4, vm0, $0xb8;
	[tilespmem:$0x18100] =	vst v63  }
0x6a4: {  	s30 =	simm.s32 $0x900;
	v3 =	vadd.s32 v1, v3  }
0x6a5: {  	[tilespmem:s30], [sflag:$0x1] =	stream.indirect_vreg.gather [hbm4b:s17+s7], $0x80, v4, vm0, $0xb8;
	[tilespmem:$0x18100] =	vst v63  }
0x6a6: {  	s30 =	simm.s32 $0x1100  }
0x6a7: {  	[tilespmem:s30], [sflag:$0x1] =	stream.indirect_vreg.gather [hbm4b:s18+s7], $0x80, v4, vm0, $0xb8;
	[tilespmem:$0x18100] =	vst v63  }
0x6a8: {  	s30 =	simm.s32 $0x1900  }
0x6a9: {  	[tilespmem:s30], [sflag:$0x1] =	stream.indirect_vreg.gather [hbm4b:s4+s7], $0x80, v3, vm0, $0xb8;
	[tilespmem:$0x18100] =	vst v63  }
0x6aa: {  	s30 =	simm.s32 $0x2100  }
0x6ab: {  	[tilespmem:s30], [sflag:$0x1] =	stream.indirect_vreg.gather [hbm4b:s17+s7], $0x80, v3, vm0, $0xb8;
	[tilespmem:$0x18100] =	vst v63  }
0x6ac: {  	s30 =	simm.s32 $0x2900  }
0x6ad: {  	[tilespmem:s30], [sflag:$0x1] =	stream.indirect_vreg.gather [hbm4b:s18+s7], $0x80, v3, vm0, $0xb8;
	[tilespmem:$0x18100] =	vst v63  }
0x6ae: {  	v3 =	vld [tilespmem:$0x90];
	_ =	sdelay $0x4  }
0x6af: {  	v41 =	vshrl.u32 v3, $0x3  }
0x6b0: {  	v4 =	vmul.u32 $0x30, v41  }
0x6b1: {  	v3 =	vand.u32 $0x7, v3  }
0x6b2: {  	v3 =	vor.u32 v3, v4  }
0x6b3: {  	v4 =	vperm.xlane v3, v0;
	_ =	sdelay $0x1  }
0x6b4: {  	v4 =	vadd.s32 v1, v4;
	_ =	sdelay $0x3  }
0x6b5: {  	s30 =	simm.s32 $0x3100;
	v3 =	vperm.xlane v3, v2  }
0x6b6: {  	[tilespmem:s30], [sflag:$0x1] =	stream.indirect_vreg.gather [hbm4b:s4+s7], $0x80, v4, vm0, $0xb8;
	[tilespmem:$0x18100] =	vst v63  }
0x6b7: {  	v3 =	vadd.s32 v1, v3;
	s30 =	simm.s32 $0x3900  }
0x6b8: {  	[tilespmem:s30], [sflag:$0x1] =	stream.indirect_vreg.gather [hbm4b:s17+s7], $0x80, v4, vm0, $0xb8;
	[tilespmem:$0x18100] =	vst v63  }
0x6b9: {  	s30 =	simm.s32 $0x4100  }
0x6ba: {  	[tilespmem:s30], [sflag:$0x1] =	stream.indirect_vreg.gather [hbm4b:s18+s7], $0x80, v4, vm0, $0xb8;
	[tilespmem:$0x18100] =	vst v63  }
0x6bb: {  	s30 =	simm.s32 $0x4900  }
0x6bc: {  	[tilespmem:s30], [sflag:$0x1] =	stream.indirect_vreg.gather [hbm4b:s4+s7], $0x80, v3, vm0, $0xb8;
	[tilespmem:$0x18100] =	vst v63  }
0x6bd: {  	s30 =	simm.s32 $0x5100  }
0x6be: {  	[tilespmem:s30], [sflag:$0x1] =	stream.indirect_vreg.gather [hbm4b:s17+s7], $0x80, v3, vm0, $0xb8;
	[tilespmem:$0x18100] =	vst v63  }
0x6bf: {  	s30 =	simm.s32 $0x5900  }
0x6c0: {  	[tilespmem:s30], [sflag:$0x1] =	stream.indirect_vreg.gather [hbm4b:s18+s7], $0x80, v3, vm0, $0xb8;
	[tilespmem:$0x18100] =	vst v63  }
0x6c1: {  	v3 =	vld [tilespmem:$0xA0];
	_ =	sdelay $0x4  }
0x6c2: {  	v42 =	vshrl.u32 v3, $0x3  }
0x6c3: {  	v4 =	vmul.u32 $0x30, v42  }
0x6c4: {  	v3 =	vand.u32 $0x7, v3  }
0x6c5: {  	v3 =	vor.u32 v3, v4  }
0x6c6: {  	v4 =	vperm.xlane v3, v0;
	_ =	sdelay $0x1  }
0x6c7: {  	v4 =	vadd.s32 v1, v4;
	_ =	sdelay $0x3  }
0x6c8: {  	s30 =	simm.s32 $0x6100;
	v3 =	vperm.xlane v3, v2  }
0x6c9: {  	[tilespmem:s30], [sflag:$0x1] =	stream.indirect_vreg.gather [hbm4b:s4+s7], $0x80, v4, vm0, $0xb8;
	[tilespmem:$0x18100] =	vst v63  }
0x6ca: {  	v3 =	vadd.s32 v1, v3;
	s30 =	simm.s32 $0x6900  }
0x6cb: {  	[tilespmem:s30], [sflag:$0x1] =	stream.indirect_vreg.gather [hbm4b:s17+s7], $0x80, v4, vm0, $0xb8;
	[tilespmem:$0x18100] =	vst v63  }
0x6cc: {  	_ = 	snop  }
0x6cd: {  	[tilespmem:s3], [sflag:$0x1] =	stream.indirect_vreg.gather [hbm4b:s18+s7], $0x80, v4, vm0, $0xb8;
	[tilespmem:$0x18100] =	vst v63  }
0x6ce: {  	s29 =	simm.s32 $0x7900  }
0x6cf: {  	[tilespmem:s29], [sflag:$0x1] =	stream.indirect_vreg.gather [hbm4b:s4+s7], $0x80, v3, vm0, $0xb8;
	[tilespmem:$0x18100] =	vst v63  }
0x6d0: {  	s30 =	simm.s32 $0x8100  }
0x6d1: {  	[tilespmem:s30], [sflag:$0x1] =	stream.indirect_vreg.gather [hbm4b:s17+s7], $0x80, v3, vm0, $0xb8;
	[tilespmem:$0x18100] =	vst v63  }
0x6d2: {  	s29 =	simm.s32 $0x8900  }
0x6d3: {  	[tilespmem:s29], [sflag:$0x1] =	stream.indirect_vreg.gather [hbm4b:s18+s7], $0x80, v3, vm0, $0xb8;
	[tilespmem:$0x18100] =	vst v63  }
0x6d4: {  	v3 =	vld [tilespmem:$0xB0];
	_ =	sdelay $0x4  }
0x6d5: {  	v43 =	vshrl.u32 v3, $0x3  }
0x6d6: {  	v4 =	vmul.u32 $0x30, v43  }
0x6d7: {  	v3 =	vand.u32 $0x7, v3  }
0x6d8: {  	v3 =	vor.u32 v3, v4  }
0x6d9: {  	v4 =	vperm.xlane v3, v0;
	_ =	sdelay $0x1  }
0x6da: {  	v4 =	vadd.s32 v1, v4;
	_ =	sdelay $0x3  }
0x6db: {  	s30 =	simm.s32 $0x9100;
	v3 =	vperm.xlane v3, v2  }
0x6dc: {  	[tilespmem:s30], [sflag:$0x1] =	stream.indirect_vreg.gather [hbm4b:s4+s7], $0x80, v4, vm0, $0xb8;
	[tilespmem:$0x18100] =	vst v63  }
0x6dd: {  	s29 =	simm.s32 $0x9900;
	v3 =	vadd.s32 v1, v3  }
0x6de: {  	[tilespmem:s29], [sflag:$0x1] =	stream.indirect_vreg.gather [hbm4b:s17+s7], $0x80, v4, vm0, $0xb8;
	[tilespmem:$0x18100] =	vst v63  }
0x6df: {  	s30 =	simm.s32 $0xA100  }
0x6e0: {  	[tilespmem:s30], [sflag:$0x1] =	stream.indirect_vreg.gather [hbm4b:s18+s7], $0x80, v4, vm0, $0xb8;
	[tilespmem:$0x18100] =	vst v63  }
0x6e1: {  	s29 =	simm.s32 $0xA900  }
0x6e2: {  	[tilespmem:s29], [sflag:$0x1] =	stream.indirect_vreg.gather [hbm4b:s4+s7], $0x80, v3, vm0, $0xb8;
	[tilespmem:$0x18100] =	vst v63  }
0x6e3: {  	s30 =	simm.s32 $0xB100  }
0x6e4: {  	[tilespmem:s30], [sflag:$0x1] =	stream.indirect_vreg.gather [hbm4b:s17+s7], $0x80, v3, vm0, $0xb8;
	[tilespmem:$0x18100] =	vst v63  }
0x6e5: {  	_ = 	snop  }
0x6e6: {  	[tilespmem:s8], [sflag:$0x1] =	stream.indirect_vreg.gather [hbm4b:s18+s7], $0x80, v3, vm0, $0xb8;
	[tilespmem:$0x18100] =	vst v63  }
0x6e7: {  	_ =	swait.ge [sflag:s25], $0xC000  }
0x6e8: {  	s29 =	sld [smem:$0x7EE]  }
0x6e9: {  	[sflag:s25] =	ssyncset.done $0x0  }
0x6ea: {  	s8 =	sld [smem:$0x7EF];
	[sflag:s25] =	ssyncadd.s32 $0xFFFF4000  }
0x6eb: {  	[hbm4b:s29+s7] =	stream.linear.scatter [tilespmem:s28], [sflag:$0x4], $0xC000, $0x38;
	[tilespmem:$0x18100] =	vst v63  }
0x6ec: {  	_ = 	snop  }
0x6ed: {  	[hbm4b:s8+s7] =	stream.linear.scatter [tilespmem:s28], [sflag:$0x4], $0xC000, $0x38;
	[tilespmem:$0x18100] =	vst v63  }
0x6ee: {  	_ =	swait.ge [sflag:s26], $0xC000  }
0x6ef: {  	[sflag:s26] =	ssyncset.done $0x0  }
0x6f0: {  	[sflag:s26] =	ssyncadd.s32 $0xFFFF4000  }
0x6f1: {  	_ =	swait.ge [sflag:s26], $0xC000  }
0x6f2: {  	[sflag:s26] =	ssyncset.done $0x0  }
0x6f3: {  	[sflag:s26] =	ssyncadd.s32 $0xFFFF4000  }
0x6f4: {  	v3 =	vld [tilespmem:$0xC0];
	_ =	sdelay $0x4  }
0x6f5: {  	v44 =	vshrl.u32 v3, $0x3  }
0x6f6: {  	v4 =	vmul.u32 $0x30, v44  }
0x6f7: {  	v3 =	vand.u32 $0x7, v3  }
0x6f8: {  	v3 =	vor.u32 v3, v4  }
0x6f9: {  	v4 =	vperm.xlane v3, v0;
	_ =	sdelay $0x1  }
0x6fa: {  	v4 =	vadd.s32 v1, v4;
	_ =	sdelay $0x3  }
0x6fb: {  	v3 =	vperm.xlane v3, v2  }
0x6fc: {  	[tilespmem:s28], [sflag:$0x2] =	stream.indirect_vreg.gather [hbm4b:s4+s7], $0x80, v4, vm0, $0xb8;
	[tilespmem:$0x18100] =	vst v63  }
0x6fd: {  	v3 =	vadd.s32 v1, v3  }
0x6fe: {  	[tilespmem:s0], [sflag:$0x2] =	stream.indirect_vreg.gather [hbm4b:s17+s7], $0x80, v4, vm0, $0xb8;
	[tilespmem:$0x18100] =	vst v63  }
0x6ff: {  	_ = 	snop  }
0x700: {  	[tilespmem:s1], [sflag:$0x2] =	stream.indirect_vreg.gather [hbm4b:s18+s7], $0x80, v4, vm0, $0xb8;
	[tilespmem:$0x18100] =	vst v63  }
0x701: {  	_ = 	snop  }
0x702: {  	[tilespmem:s2], [sflag:$0x2] =	stream.indirect_vreg.gather [hbm4b:s4+s7], $0x80, v3, vm0, $0xb8;
	[tilespmem:$0x18100] =	vst v63  }
0x703: {  	_ = 	snop  }
0x704: {  	[tilespmem:s5], [sflag:$0x2] =	stream.indirect_vreg.gather [hbm4b:s17+s7], $0x80, v3, vm0, $0xb8;
	[tilespmem:$0x18100] =	vst v63  }
0x705: {  	s2 =	simm.s32 $0xE900  }
0x706: {  	[tilespmem:s2], [sflag:$0x2] =	stream.indirect_vreg.gather [hbm4b:s18+s7], $0x80, v3, vm0, $0xb8;
	[tilespmem:$0x18100] =	vst v63  }
0x707: {  	v3 =	vld [tilespmem:$0xD0];
	_ =	sdelay $0x4  }
0x708: {  	v45 =	vshrl.u32 v3, $0x3  }
0x709: {  	v4 =	vmul.u32 $0x30, v45  }
0x70a: {  	v3 =	vand.u32 $0x7, v3  }
0x70b: {  	v3 =	vor.u32 v3, v4  }
0x70c: {  	v4 =	vperm.xlane v3, v0;
	_ =	sdelay $0x1  }
0x70d: {  	v4 =	vadd.s32 v1, v4;
	_ =	sdelay $0x3  }
0x70e: {  	s5 =	simm.s32 $0xF100;
	v3 =	vperm.xlane v3, v2  }
0x70f: {  	[tilespmem:s5], [sflag:$0x2] =	stream.indirect_vreg.gather [hbm4b:s4+s7], $0x80, v4, vm0, $0xb8;
	[tilespmem:$0x18100] =	vst v63  }
0x710: {  	v3 =	vadd.s32 v1, v3  }
0x711: {  	[tilespmem:s6], [sflag:$0x2] =	stream.indirect_vreg.gather [hbm4b:s17+s7], $0x80, v4, vm0, $0xb8;
	[tilespmem:$0x18100] =	vst v63  }
0x712: {  	_ = 	snop  }
0x713: {  	[tilespmem:s21], [sflag:$0x2] =	stream.indirect_vreg.gather [hbm4b:s18+s7], $0x80, v4, vm0, $0xb8;
	[tilespmem:$0x18100] =	vst v63  }
0x714: {  	_ = 	snop  }
0x715: {  	[tilespmem:s31], [sflag:$0x2] =	stream.indirect_vreg.gather [hbm4b:s4+s7], $0x80, v3, vm0, $0xb8;
	[tilespmem:$0x18100] =	vst v63  }
0x716: {  	s6 =	simm.s32 $0x11100  }
0x717: {  	[tilespmem:s6], [sflag:$0x2] =	stream.indirect_vreg.gather [hbm4b:s17+s7], $0x80, v3, vm0, $0xb8;
	[tilespmem:$0x18100] =	vst v63  }
0x718: {  	s21 =	simm.s32 $0x11900  }
0x719: {  	[tilespmem:s21], [sflag:$0x2] =	stream.indirect_vreg.gather [hbm4b:s18+s7], $0x80, v3, vm0, $0xb8;
	[tilespmem:$0x18100] =	vst v63  }
0x71a: {  	v3 =	vld [tilespmem:$0xE0];
	_ =	sdelay $0x4  }
0x71b: {  	v46 =	vshrl.u32 v3, $0x3  }
0x71c: {  	v4 =	vmul.u32 $0x30, v46  }
0x71d: {  	v3 =	vand.u32 $0x7, v3  }
0x71e: {  	v3 =	vor.u32 v3, v4  }
0x71f: {  	v4 =	vperm.xlane v3, v0;
	_ =	sdelay $0x1  }
0x720: {  	v4 =	vadd.s32 v1, v4;
	_ =	sdelay $0x3  }
0x721: {  	s29 =	simm.s32 $0x12100;
	v3 =	vperm.xlane v3, v2  }
0x722: {  	[tilespmem:s29], [sflag:$0x2] =	stream.indirect_vreg.gather [hbm4b:s4+s7], $0x80, v4, vm0, $0xb8;
	[tilespmem:$0x18100] =	vst v63  }
0x723: {  	s30 =	simm.s32 $0x12900;
	v3 =	vadd.s32 v1, v3  }
0x724: {  	[tilespmem:s30], [sflag:$0x2] =	stream.indirect_vreg.gather [hbm4b:s17+s7], $0x80, v4, vm0, $0xb8;
	[tilespmem:$0x18100] =	vst v63  }
0x725: {  	s31 =	simm.s32 $0x13100  }
0x726: {  	[tilespmem:s31], [sflag:$0x2] =	stream.indirect_vreg.gather [hbm4b:s18+s7], $0x80, v4, vm0, $0xb8;
	[tilespmem:$0x18100] =	vst v63  }
0x727: {  	s1 =	simm.s32 $0x13900  }
0x728: {  	[tilespmem:s1], [sflag:$0x2] =	stream.indirect_vreg.gather [hbm4b:s4+s7], $0x80, v3, vm0, $0xb8;
	[tilespmem:$0x18100] =	vst v63  }
0x729: {  	s2 =	simm.s32 $0x14100  }
0x72a: {  	[tilespmem:s2], [sflag:$0x2] =	stream.indirect_vreg.gather [hbm4b:s17+s7], $0x80, v3, vm0, $0xb8;
	[tilespmem:$0x18100] =	vst v63  }
0x72b: {  	s5 =	simm.s32 $0x14900  }
0x72c: {  	[tilespmem:s5], [sflag:$0x2] =	stream.indirect_vreg.gather [hbm4b:s18+s7], $0x80, v3, vm0, $0xb8;
	[tilespmem:$0x18100] =	vst v63  }
0x72d: {  	v3 =	vld [tilespmem:$0xF0];
	_ =	sdelay $0x4  }
0x72e: {  	v47 =	vshrl.u32 v3, $0x3  }
0x72f: {  	v4 =	vmul.u32 $0x30, v47  }
0x730: {  	v3 =	vand.u32 $0x7, v3  }
0x731: {  	v3 =	vor.u32 v3, v4  }
0x732: {  	v4 =	vperm.xlane v3, v0;
	_ =	sdelay $0x1  }
0x733: {  	v4 =	vadd.s32 v1, v4;
	_ =	sdelay $0x3  }
0x734: {  	s6 =	simm.s32 $0x15100;
	v3 =	vperm.xlane v3, v2  }
0x735: {  	[tilespmem:s6], [sflag:$0x2] =	stream.indirect_vreg.gather [hbm4b:s4+s7], $0x80, v4, vm0, $0xb8;
	[tilespmem:$0x18100] =	vst v63  }
0x736: {  	s21 =	simm.s32 $0x15900;
	v3 =	vadd.s32 v1, v3  }
0x737: {  	[tilespmem:s21], [sflag:$0x2] =	stream.indirect_vreg.gather [hbm4b:s17+s7], $0x80, v4, vm0, $0xb8;
	[tilespmem:$0x18100] =	vst v63  }
0x738: {  	s29 =	simm.s32 $0x16100  }
0x739: {  	[tilespmem:s29], [sflag:$0x2] =	stream.indirect_vreg.gather [hbm4b:s18+s7], $0x80, v4, vm0, $0xb8;
	[tilespmem:$0x18100] =	vst v63  }
0x73a: {  	s30 =	simm.s32 $0x16900  }
0x73b: {  	[tilespmem:s30], [sflag:$0x2] =	stream.indirect_vreg.gather [hbm4b:s4+s7], $0x80, v3, vm0, $0xb8;
	[tilespmem:$0x18100] =	vst v63  }
0x73c: {  	s31 =	simm.s32 $0x17100  }
0x73d: {  	[tilespmem:s31], [sflag:$0x2] =	stream.indirect_vreg.gather [hbm4b:s17+s7], $0x80, v3, vm0, $0xb8;
	[tilespmem:$0x18100] =	vst v63  }
0x73e: {  	s1 =	simm.s32 $0x17900  }
0x73f: {  	[tilespmem:s1], [sflag:$0x2] =	stream.indirect_vreg.gather [hbm4b:s18+s7], $0x80, v3, vm0, $0xb8;
	[tilespmem:$0x18100] =	vst v63  }
0x740: {  	_ =	swait.ge [sflag:s22], $0xC000  }
0x741: {  	s2 =	sld [smem:$0x7F0]  }
0x742: {  	[sflag:s22] =	ssyncset.done $0x0  }
0x743: {  	s4 =	sld [smem:$0x7F1];
	[sflag:s22] =	ssyncadd.s32 $0xFFFF4000  }
0x744: {  	[hbm4b:s2+s7] =	stream.linear.scatter [tilespmem:s23], [sflag:$0x3], $0xC000, $0x38;
	[tilespmem:$0x18100] =	vst v63  }
0x745: {  	_ = 	snop  }
0x746: {  	[hbm4b:s4+s7] =	stream.linear.scatter [tilespmem:s23], [sflag:$0x3], $0xC000, $0x38;
	[tilespmem:$0x18100] =	vst v63  }
0x747: {  	_ =	swait.ge [sflag:s24], $0xC000  }
0x748: {  	[sflag:s24] =	ssyncset.done $0x0  }
0x749: {  	[sflag:s24] =	ssyncadd.s32 $0xFFFF4000  }
0x74a: {  	_ =	swait.ge [sflag:s24], $0xC000  }
0x74b: {  	[sflag:s24] =	ssyncset.done $0x0  }
0x74c: {  	[sflag:s24] =	ssyncadd.s32 $0xFFFF4000  }
0x74d: {  	v3 =	vld [tilespmem:$0x0];
	_ =	sdelay $0x4  }
0x74e: {  	v48 =	vshrl.u32 v3, $0x3  }
0x74f: {  	v4 =	vmul.u32 $0x30, v48  }
0x750: {  	v3 =	vand.u32 $0x7, v3  }
0x751: {  	v3 =	vor.u32 v3, v4  }
0x752: {  	v4 =	vperm.xlane v3, v0;
	_ =	sdelay $0x1  }
0x753: {  	v4 =	vadd.s32 v1, v4;
	_ =	sdelay $0x3  }
0x754: {  	s4 =	rddreg [dreg:$0x6];
	v3 =	vperm.xlane v3, v2  }
0x755: {  	[tilespmem:s23], [sflag:$0x1] =	stream.indirect_vreg.gather [hbm4b:s4+s7], $0x80, v4, vm0, $0xb8;
	[tilespmem:$0x18100] =	vst v63  }
0x756: {  	s5 =	simm.s32 $0x900;
	v3 =	vadd.s32 v1, v3  }
0x757: {  	[tilespmem:s5], [sflag:$0x1] =	stream.indirect_vreg.gather [hbm4b:s19+s7], $0x80, v4, vm0, $0xb8;
	[tilespmem:$0x18100] =	vst v63  }
0x758: {  	s6 =	simm.s32 $0x1100  }
0x759: {  	[tilespmem:s6], [sflag:$0x1] =	stream.indirect_vreg.gather [hbm4b:s20+s7], $0x80, v4, vm0, $0xb8;
	[tilespmem:$0x18100] =	vst v63  }
0x75a: {  	s21 =	simm.s32 $0x1900  }
0x75b: {  	[tilespmem:s21], [sflag:$0x1] =	stream.indirect_vreg.gather [hbm4b:s4+s7], $0x80, v3, vm0, $0xb8;
	[tilespmem:$0x18100] =	vst v63  }
0x75c: {  	s29 =	simm.s32 $0x2100  }
0x75d: {  	[tilespmem:s29], [sflag:$0x1] =	stream.indirect_vreg.gather [hbm4b:s19+s7], $0x80, v3, vm0, $0xb8;
	[tilespmem:$0x18100] =	vst v63  }
0x75e: {  	s30 =	simm.s32 $0x2900  }
0x75f: {  	[tilespmem:s30], [sflag:$0x1] =	stream.indirect_vreg.gather [hbm4b:s20+s7], $0x80, v3, vm0, $0xb8;
	[tilespmem:$0x18100] =	vst v63  }
0x760: {  	v3 =	vld [tilespmem:$0x10];
	_ =	sdelay $0x4  }
0x761: {  	v49 =	vshrl.u32 v3, $0x3  }
0x762: {  	v4 =	vmul.u32 $0x30, v49  }
0x763: {  	v3 =	vand.u32 $0x7, v3  }
0x764: {  	v3 =	vor.u32 v3, v4  }
0x765: {  	v4 =	vperm.xlane v3, v0;
	_ =	sdelay $0x1  }
0x766: {  	v4 =	vadd.s32 v1, v4;
	_ =	sdelay $0x3  }
0x767: {  	s31 =	simm.s32 $0x3100;
	v3 =	vperm.xlane v3, v2  }
0x768: {  	[tilespmem:s31], [sflag:$0x1] =	stream.indirect_vreg.gather [hbm4b:s4+s7], $0x80, v4, vm0, $0xb8;
	[tilespmem:$0x18100] =	vst v63  }
0x769: {  	s1 =	simm.s32 $0x3900;
	v3 =	vadd.s32 v1, v3  }
0x76a: {  	[tilespmem:s1], [sflag:$0x1] =	stream.indirect_vreg.gather [hbm4b:s19+s7], $0x80, v4, vm0, $0xb8;
	[tilespmem:$0x18100] =	vst v63  }
0x76b: {  	s2 =	simm.s32 $0x4100  }
0x76c: {  	[tilespmem:s2], [sflag:$0x1] =	stream.indirect_vreg.gather [hbm4b:s20+s7], $0x80, v4, vm0, $0xb8;
	[tilespmem:$0x18100] =	vst v63  }
0x76d: {  	s5 =	simm.s32 $0x4900  }
0x76e: {  	[tilespmem:s5], [sflag:$0x1] =	stream.indirect_vreg.gather [hbm4b:s4+s7], $0x80, v3, vm0, $0xb8;
	[tilespmem:$0x18100] =	vst v63  }
0x76f: {  	s6 =	simm.s32 $0x5100  }
0x770: {  	[tilespmem:s6], [sflag:$0x1] =	stream.indirect_vreg.gather [hbm4b:s19+s7], $0x80, v3, vm0, $0xb8;
	[tilespmem:$0x18100] =	vst v63  }
0x771: {  	s21 =	simm.s32 $0x5900  }
0x772: {  	[tilespmem:s21], [sflag:$0x1] =	stream.indirect_vreg.gather [hbm4b:s20+s7], $0x80, v3, vm0, $0xb8;
	[tilespmem:$0x18100] =	vst v63  }
0x773: {  	v3 =	vld [tilespmem:$0x20];
	_ =	sdelay $0x4  }
0x774: {  	v50 =	vshrl.u32 v3, $0x3  }
0x775: {  	v4 =	vmul.u32 $0x30, v50  }
0x776: {  	v3 =	vand.u32 $0x7, v3  }
0x777: {  	v3 =	vor.u32 v3, v4  }
0x778: {  	v4 =	vperm.xlane v3, v0;
	_ =	sdelay $0x1  }
0x779: {  	v4 =	vadd.s32 v1, v4;
	_ =	sdelay $0x3  }
0x77a: {  	s29 =	simm.s32 $0x6100;
	v3 =	vperm.xlane v3, v2  }
0x77b: {  	[tilespmem:s29], [sflag:$0x1] =	stream.indirect_vreg.gather [hbm4b:s4+s7], $0x80, v4, vm0, $0xb8;
	[tilespmem:$0x18100] =	vst v63  }
0x77c: {  	s30 =	simm.s32 $0x6900;
	v3 =	vadd.s32 v1, v3  }
0x77d: {  	[tilespmem:s30], [sflag:$0x1] =	stream.indirect_vreg.gather [hbm4b:s19+s7], $0x80, v4, vm0, $0xb8;
	[tilespmem:$0x18100] =	vst v63  }
0x77e: {  	s31 =	simm.s32 $0x7100  }
0x77f: {  	[tilespmem:s31], [sflag:$0x1] =	stream.indirect_vreg.gather [hbm4b:s20+s7], $0x80, v4, vm0, $0xb8;
	[tilespmem:$0x18100] =	vst v63  }
0x780: {  	s1 =	simm.s32 $0x7900  }
0x781: {  	[tilespmem:s1], [sflag:$0x1] =	stream.indirect_vreg.gather [hbm4b:s4+s7], $0x80, v3, vm0, $0xb8;
	[tilespmem:$0x18100] =	vst v63  }
0x782: {  	s5 =	simm.s32 $0x8100  }
0x783: {  	[tilespmem:s5], [sflag:$0x1] =	stream.indirect_vreg.gather [hbm4b:s19+s7], $0x80, v3, vm0, $0xb8;
	[tilespmem:$0x18100] =	vst v63  }
0x784: {  	s6 =	simm.s32 $0x8900  }
0x785: {  	[tilespmem:s6], [sflag:$0x1] =	stream.indirect_vreg.gather [hbm4b:s20+s7], $0x80, v3, vm0, $0xb8;
	[tilespmem:$0x18100] =	vst v63  }
0x786: {  	v3 =	vld [tilespmem:$0x30];
	_ =	sdelay $0x4  }
0x787: {  	v51 =	vshrl.u32 v3, $0x3  }
0x788: {  	v4 =	vmul.u32 $0x30, v51  }
0x789: {  	v3 =	vand.u32 $0x7, v3  }
0x78a: {  	v3 =	vor.u32 v3, v4  }
0x78b: {  	v4 =	vperm.xlane v3, v0;
	_ =	sdelay $0x1  }
0x78c: {  	v4 =	vadd.s32 v1, v4;
	_ =	sdelay $0x3  }
0x78d: {  	s21 =	simm.s32 $0x9100;
	v3 =	vperm.xlane v3, v2  }
0x78e: {  	[tilespmem:s21], [sflag:$0x1] =	stream.indirect_vreg.gather [hbm4b:s4+s7], $0x80, v4, vm0, $0xb8;
	[tilespmem:$0x18100] =	vst v63  }
0x78f: {  	s29 =	simm.s32 $0x9900;
	v3 =	vadd.s32 v1, v3  }
0x790: {  	[tilespmem:s29], [sflag:$0x1] =	stream.indirect_vreg.gather [hbm4b:s19+s7], $0x80, v4, vm0, $0xb8;
	[tilespmem:$0x18100] =	vst v63  }
0x791: {  	s30 =	simm.s32 $0xA100  }
0x792: {  	[tilespmem:s30], [sflag:$0x1] =	stream.indirect_vreg.gather [hbm4b:s20+s7], $0x80, v4, vm0, $0xb8;
	[tilespmem:$0x18100] =	vst v63  }
0x793: {  	s31 =	simm.s32 $0xA900  }
0x794: {  	[tilespmem:s31], [sflag:$0x1] =	stream.indirect_vreg.gather [hbm4b:s4+s7], $0x80, v3, vm0, $0xb8;
	[tilespmem:$0x18100] =	vst v63  }
0x795: {  	s1 =	simm.s32 $0xB100  }
0x796: {  	[tilespmem:s1], [sflag:$0x1] =	stream.indirect_vreg.gather [hbm4b:s19+s7], $0x80, v3, vm0, $0xb8;
	[tilespmem:$0x18100] =	vst v63  }
0x797: {  	s3 =	simm.s32 $0xB900  }
0x798: {  	[tilespmem:s3], [sflag:$0x1] =	stream.indirect_vreg.gather [hbm4b:s20+s7], $0x80, v3, vm0, $0xb8;
	[tilespmem:$0x18100] =	vst v63  }
0x799: {  	_ =	swait.ge [sflag:s25], $0xC000  }
0x79a: {  	s5 =	sld [smem:$0x7F2]  }
0x79b: {  	[sflag:s25] =	ssyncset.done $0x0  }
0x79c: {  	s6 =	sld [smem:$0x7F3];
	[sflag:s25] =	ssyncadd.s32 $0xFFFF4000  }
0x79d: {  	[hbm4b:s5+s7] =	stream.linear.scatter [tilespmem:s28], [sflag:$0x4], $0xC000, $0x38;
	[tilespmem:$0x18100] =	vst v63  }
0x79e: {  	_ = 	snop  }
0x79f: {  	[hbm4b:s6+s7] =	stream.linear.scatter [tilespmem:s28], [sflag:$0x4], $0xC000, $0x38;
	[tilespmem:$0x18100] =	vst v63  }
0x7a0: {  	_ =	swait.ge [sflag:s26], $0xC000  }
0x7a1: {  	[sflag:s26] =	ssyncset.done $0x0  }
0x7a2: {  	[sflag:s26] =	ssyncadd.s32 $0xFFFF4000  }
0x7a3: {  	_ =	swait.ge [sflag:s26], $0xC000  }
0x7a4: {  	[sflag:s26] =	ssyncset.done $0x0  }
0x7a5: {  	[sflag:s26] =	ssyncadd.s32 $0xFFFF4000  }
0x7a6: {  	v3 =	vld [tilespmem:$0x40];
	_ =	sdelay $0x4  }
0x7a7: {  	v52 =	vshrl.u32 v3, $0x3  }
0x7a8: {  	v4 =	vmul.u32 $0x30, v52  }
0x7a9: {  	v3 =	vand.u32 $0x7, v3  }
0x7aa: {  	v3 =	vor.u32 v3, v4  }
0x7ab: {  	v4 =	vperm.xlane v3, v0;
	_ =	sdelay $0x1  }
0x7ac: {  	v4 =	vadd.s32 v1, v4;
	_ =	sdelay $0x3  }
0x7ad: {  	v3 =	vperm.xlane v3, v2  }
0x7ae: {  	[tilespmem:s28], [sflag:$0x2] =	stream.indirect_vreg.gather [hbm4b:s4+s7], $0x80, v4, vm0, $0xb8;
	[tilespmem:$0x18100] =	vst v63  }
0x7af: {  	s8 =	simm.s32 $0xC900;
	v3 =	vadd.s32 v1, v3  }
0x7b0: {  	[tilespmem:s8], [sflag:$0x2] =	stream.indirect_vreg.gather [hbm4b:s19+s7], $0x80, v4, vm0, $0xb8;
	[tilespmem:$0x18100] =	vst v63  }
0x7b1: {  	s8 =	simm.s32 $0xD100  }
0x7b2: {  	[tilespmem:s8], [sflag:$0x2] =	stream.indirect_vreg.gather [hbm4b:s20+s7], $0x80, v4, vm0, $0xb8;
	[tilespmem:$0x18100] =	vst v63  }
0x7b3: {  	s21 =	simm.s32 $0xD900  }
0x7b4: {  	[tilespmem:s21], [sflag:$0x2] =	stream.indirect_vreg.gather [hbm4b:s4+s7], $0x80, v3, vm0, $0xb8;
	[tilespmem:$0x18100] =	vst v63  }
0x7b5: {  	s29 =	simm.s32 $0xE100  }
0x7b6: {  	[tilespmem:s29], [sflag:$0x2] =	stream.indirect_vreg.gather [hbm4b:s19+s7], $0x80, v3, vm0, $0xb8;
	[tilespmem:$0x18100] =	vst v63  }
0x7b7: {  	s30 =	simm.s32 $0xE900  }
0x7b8: {  	[tilespmem:s30], [sflag:$0x2] =	stream.indirect_vreg.gather [hbm4b:s20+s7], $0x80, v3, vm0, $0xb8;
	[tilespmem:$0x18100] =	vst v63  }
0x7b9: {  	v3 =	vld [tilespmem:$0x50];
	_ =	sdelay $0x4  }
0x7ba: {  	v53 =	vshrl.u32 v3, $0x3  }
0x7bb: {  	v4 =	vmul.u32 $0x30, v53  }
0x7bc: {  	v3 =	vand.u32 $0x7, v3  }
0x7bd: {  	v3 =	vor.u32 v3, v4  }
0x7be: {  	v4 =	vperm.xlane v3, v0;
	_ =	sdelay $0x1  }
0x7bf: {  	v4 =	vadd.s32 v1, v4;
	_ =	sdelay $0x3  }
0x7c0: {  	s31 =	simm.s32 $0xF100;
	v3 =	vperm.xlane v3, v2  }
0x7c1: {  	[tilespmem:s31], [sflag:$0x2] =	stream.indirect_vreg.gather [hbm4b:s4+s7], $0x80, v4, vm0, $0xb8;
	[tilespmem:$0x18100] =	vst v63  }
0x7c2: {  	s8 =	simm.s32 $0xF900;
	v3 =	vadd.s32 v1, v3  }
0x7c3: {  	[tilespmem:s8], [sflag:$0x2] =	stream.indirect_vreg.gather [hbm4b:s19+s7], $0x80, v4, vm0, $0xb8;
	[tilespmem:$0x18100] =	vst v63  }
0x7c4: {  	s29 =	simm.s32 $0x10100  }
0x7c5: {  	[tilespmem:s29], [sflag:$0x2] =	stream.indirect_vreg.gather [hbm4b:s20+s7], $0x80, v4, vm0, $0xb8;
	[tilespmem:$0x18100] =	vst v63  }
0x7c6: {  	s30 =	simm.s32 $0x10900  }
0x7c7: {  	[tilespmem:s30], [sflag:$0x2] =	stream.indirect_vreg.gather [hbm4b:s4+s7], $0x80, v3, vm0, $0xb8;
	[tilespmem:$0x18100] =	vst v63  }
0x7c8: {  	s8 =	simm.s32 $0x11100  }
0x7c9: {  	[tilespmem:s8], [sflag:$0x2] =	stream.indirect_vreg.gather [hbm4b:s19+s7], $0x80, v3, vm0, $0xb8;
	[tilespmem:$0x18100] =	vst v63  }
0x7ca: {  	s29 =	simm.s32 $0x11900  }
0x7cb: {  	[tilespmem:s29], [sflag:$0x2] =	stream.indirect_vreg.gather [hbm4b:s20+s7], $0x80, v3, vm0, $0xb8;
	[tilespmem:$0x18100] =	vst v63  }
0x7cc: {  	v3 =	vld [tilespmem:$0x60];
	_ =	sdelay $0x4  }
0x7cd: {  	v54 =	vshrl.u32 v3, $0x3  }
0x7ce: {  	v4 =	vmul.u32 $0x30, v54  }
0x7cf: {  	v3 =	vand.u32 $0x7, v3  }
0x7d0: {  	v3 =	vor.u32 v3, v4  }
0x7d1: {  	v4 =	vperm.xlane v3, v0;
	_ =	sdelay $0x1  }
0x7d2: {  	v4 =	vadd.s32 v1, v4;
	_ =	sdelay $0x3  }
0x7d3: {  	s30 =	simm.s32 $0x12100;
	v3 =	vperm.xlane v3, v2  }
0x7d4: {  	[tilespmem:s30], [sflag:$0x2] =	stream.indirect_vreg.gather [hbm4b:s4+s7], $0x80, v4, vm0, $0xb8;
	[tilespmem:$0x18100] =	vst v63  }
0x7d5: {  	s8 =	simm.s32 $0x12900;
	v3 =	vadd.s32 v1, v3  }
0x7d6: {  	[tilespmem:s8], [sflag:$0x2] =	stream.indirect_vreg.gather [hbm4b:s19+s7], $0x80, v4, vm0, $0xb8;
	[tilespmem:$0x18100] =	vst v63  }
0x7d7: {  	s29 =	simm.s32 $0x13100  }
0x7d8: {  	[tilespmem:s29], [sflag:$0x2] =	stream.indirect_vreg.gather [hbm4b:s20+s7], $0x80, v4, vm0, $0xb8;
	[tilespmem:$0x18100] =	vst v63  }
0x7d9: {  	s30 =	simm.s32 $0x13900  }
0x7da: {  	[tilespmem:s30], [sflag:$0x2] =	stream.indirect_vreg.gather [hbm4b:s4+s7], $0x80, v3, vm0, $0xb8;
	[tilespmem:$0x18100] =	vst v63  }
0x7db: {  	s8 =	simm.s32 $0x14100  }
0x7dc: {  	[tilespmem:s8], [sflag:$0x2] =	stream.indirect_vreg.gather [hbm4b:s19+s7], $0x80, v3, vm0, $0xb8;
	[tilespmem:$0x18100] =	vst v63  }
0x7dd: {  	s29 =	simm.s32 $0x14900  }
0x7de: {  	[tilespmem:s29], [sflag:$0x2] =	stream.indirect_vreg.gather [hbm4b:s20+s7], $0x80, v3, vm0, $0xb8;
	[tilespmem:$0x18100] =	vst v63  }
0x7df: {  	v3 =	vld [tilespmem:$0x70];
	_ =	sdelay $0x4  }
0x7e0: {  	v55 =	vshrl.u32 v3, $0x3  }
0x7e1: {  	v4 =	vmul.u32 $0x30, v55  }
0x7e2: {  	v3 =	vand.u32 $0x7, v3  }
0x7e3: {  	v3 =	vor.u32 v3, v4  }
0x7e4: {  	v4 =	vperm.xlane v3, v0;
	_ =	sdelay $0x1  }
0x7e5: {  	v4 =	vadd.s32 v1, v4;
	_ =	sdelay $0x3  }
0x7e6: {  	s30 =	simm.s32 $0x15100;
	v3 =	vperm.xlane v3, v2  }
0x7e7: {  	[tilespmem:s30], [sflag:$0x2] =	stream.indirect_vreg.gather [hbm4b:s4+s7], $0x80, v4, vm0, $0xb8;
	[tilespmem:$0x18100] =	vst v63  }
0x7e8: {  	s8 =	simm.s32 $0x15900;
	v3 =	vadd.s32 v1, v3  }
0x7e9: {  	[tilespmem:s8], [sflag:$0x2] =	stream.indirect_vreg.gather [hbm4b:s19+s7], $0x80, v4, vm0, $0xb8;
	[tilespmem:$0x18100] =	vst v63  }
0x7ea: {  	s29 =	simm.s32 $0x16100  }
0x7eb: {  	[tilespmem:s29], [sflag:$0x2] =	stream.indirect_vreg.gather [hbm4b:s20+s7], $0x80, v4, vm0, $0xb8;
	[tilespmem:$0x18100] =	vst v63  }
0x7ec: {  	s30 =	simm.s32 $0x16900  }
0x7ed: {  	[tilespmem:s30], [sflag:$0x2] =	stream.indirect_vreg.gather [hbm4b:s4+s7], $0x80, v3, vm0, $0xb8;
	[tilespmem:$0x18100] =	vst v63  }
0x7ee: {  	s29 =	simm.s32 $0x17100  }
0x7ef: {  	[tilespmem:s29], [sflag:$0x2] =	stream.indirect_vreg.gather [hbm4b:s19+s7], $0x80, v3, vm0, $0xb8;
	[tilespmem:$0x18100] =	vst v63  }
0x7f0: {  	s30 =	simm.s32 $0x17900  }
0x7f1: {  	[tilespmem:s30], [sflag:$0x2] =	stream.indirect_vreg.gather [hbm4b:s20+s7], $0x80, v3, vm0, $0xb8;
	[tilespmem:$0x18100] =	vst v63  }
0x7f2: {  	_ =	swait.ge [sflag:s22], $0xC000  }
0x7f3: {  	s29 =	sld [smem:$0x7F4]  }
0x7f4: {  	[sflag:s22] =	ssyncset.done $0x0  }
0x7f5: {  	s8 =	sld [smem:$0x7F5];
	[sflag:s22] =	ssyncadd.s32 $0xFFFF4000  }
0x7f6: {  	[hbm4b:s29+s7] =	stream.linear.scatter [tilespmem:s23], [sflag:$0x3], $0xC000, $0x38;
	[tilespmem:$0x18100] =	vst v63  }
0x7f7: {  	_ = 	snop  }
0x7f8: {  	[hbm4b:s8+s7] =	stream.linear.scatter [tilespmem:s23], [sflag:$0x3], $0xC000, $0x38;
	[tilespmem:$0x18100] =	vst v63  }
0x7f9: {  	_ =	swait.ge [sflag:s24], $0xC000  }
0x7fa: {  	[sflag:s24] =	ssyncset.done $0x0  }
0x7fb: {  	[sflag:s24] =	ssyncadd.s32 $0xFFFF4000  }
0x7fc: {  	_ =	swait.ge [sflag:s24], $0xC000  }
0x7fd: {  	[sflag:s24] =	ssyncset.done $0x0  }
0x7fe: {  	[sflag:s24] =	ssyncadd.s32 $0xFFFF4000  }
0x7ff: {  	v3 =	vld [tilespmem:$0x80];
	_ =	sdelay $0x4  }
0x800: {  	v56 =	vshrl.u32 v3, $0x3  }
0x801: {  	v4 =	vmul.u32 $0x30, v56  }
0x802: {  	v3 =	vand.u32 $0x7, v3  }
0x803: {  	v3 =	vor.u32 v3, v4  }
0x804: {  	v4 =	vperm.xlane v3, v0;
	_ =	sdelay $0x1  }
0x805: {  	v4 =	vadd.s32 v1, v4;
	_ =	sdelay $0x3  }
0x806: {  	v3 =	vperm.xlane v3, v2  }
0x807: {  	[tilespmem:s23], [sflag:$0x1] =	stream.indirect_vreg.gather [hbm4b:s4+s7], $0x80, v4, vm0, $0xb8;
	[tilespmem:$0x18100] =	vst v63  }
0x808: {  	s29 =	simm.s32 $0x900;
	v3 =	vadd.s32 v1, v3  }
0x809: {  	[tilespmem:s29], [sflag:$0x1] =	stream.indirect_vreg.gather [hbm4b:s19+s7], $0x80, v4, vm0, $0xb8;
	[tilespmem:$0x18100] =	vst v63  }
0x80a: {  	s30 =	simm.s32 $0x1100  }
0x80b: {  	[tilespmem:s30], [sflag:$0x1] =	stream.indirect_vreg.gather [hbm4b:s20+s7], $0x80, v4, vm0, $0xb8;
	[tilespmem:$0x18100] =	vst v63  }
0x80c: {  	s29 =	simm.s32 $0x1900  }
0x80d: {  	[tilespmem:s29], [sflag:$0x1] =	stream.indirect_vreg.gather [hbm4b:s4+s7], $0x80, v3, vm0, $0xb8;
	[tilespmem:$0x18100] =	vst v63  }
0x80e: {  	s30 =	simm.s32 $0x2100  }
0x80f: {  	[tilespmem:s30], [sflag:$0x1] =	stream.indirect_vreg.gather [hbm4b:s19+s7], $0x80, v3, vm0, $0xb8;
	[tilespmem:$0x18100] =	vst v63  }
0x810: {  	s30 =	simm.s32 $0x2900  }
0x811: {  	[tilespmem:s30], [sflag:$0x1] =	stream.indirect_vreg.gather [hbm4b:s20+s7], $0x80, v3, vm0, $0xb8;
	[tilespmem:$0x18100] =	vst v63  }
0x812: {  	v3 =	vld [tilespmem:$0x90];
	_ =	sdelay $0x4  }
0x813: {  	v57 =	vshrl.u32 v3, $0x3  }
0x814: {  	v4 =	vmul.u32 $0x30, v57  }
0x815: {  	v3 =	vand.u32 $0x7, v3  }
0x816: {  	v3 =	vor.u32 v3, v4  }
0x817: {  	v4 =	vperm.xlane v3, v0;
	_ =	sdelay $0x1  }
0x818: {  	v4 =	vadd.s32 v1, v4;
	_ =	sdelay $0x3  }
0x819: {  	s30 =	simm.s32 $0x3100;
	v3 =	vperm.xlane v3, v2  }
0x81a: {  	[tilespmem:s30], [sflag:$0x1] =	stream.indirect_vreg.gather [hbm4b:s4+s7], $0x80, v4, vm0, $0xb8;
	[tilespmem:$0x18100] =	vst v63  }
0x81b: {  	v3 =	vadd.s32 v1, v3;
	s30 =	simm.s32 $0x3900  }
0x81c: {  	[tilespmem:s30], [sflag:$0x1] =	stream.indirect_vreg.gather [hbm4b:s19+s7], $0x80, v4, vm0, $0xb8;
	[tilespmem:$0x18100] =	vst v63  }
0x81d: {  	s30 =	simm.s32 $0x4100  }
0x81e: {  	[tilespmem:s30], [sflag:$0x1] =	stream.indirect_vreg.gather [hbm4b:s20+s7], $0x80, v4, vm0, $0xb8;
	[tilespmem:$0x18100] =	vst v63  }
0x81f: {  	s30 =	simm.s32 $0x4900  }
0x820: {  	[tilespmem:s30], [sflag:$0x1] =	stream.indirect_vreg.gather [hbm4b:s4+s7], $0x80, v3, vm0, $0xb8;
	[tilespmem:$0x18100] =	vst v63  }
0x821: {  	s30 =	simm.s32 $0x5100  }
0x822: {  	[tilespmem:s30], [sflag:$0x1] =	stream.indirect_vreg.gather [hbm4b:s19+s7], $0x80, v3, vm0, $0xb8;
	[tilespmem:$0x18100] =	vst v63  }
0x823: {  	s30 =	simm.s32 $0x5900  }
0x824: {  	[tilespmem:s30], [sflag:$0x1] =	stream.indirect_vreg.gather [hbm4b:s20+s7], $0x80, v3, vm0, $0xb8;
	[tilespmem:$0x18100] =	vst v63  }
0x825: {  	v3 =	vld [tilespmem:$0xA0];
	_ =	sdelay $0x4  }
0x826: {  	v58 =	vshrl.u32 v3, $0x3  }
0x827: {  	v4 =	vmul.u32 $0x30, v58  }
0x828: {  	v3 =	vand.u32 $0x7, v3  }
0x829: {  	v3 =	vor.u32 v3, v4  }
0x82a: {  	v4 =	vperm.xlane v3, v0;
	_ =	sdelay $0x1  }
0x82b: {  	v4 =	vadd.s32 v1, v4;
	_ =	sdelay $0x3  }
0x82c: {  	s30 =	simm.s32 $0x6100;
	v3 =	vperm.xlane v3, v2  }
0x82d: {  	[tilespmem:s30], [sflag:$0x1] =	stream.indirect_vreg.gather [hbm4b:s4+s7], $0x80, v4, vm0, $0xb8;
	[tilespmem:$0x18100] =	vst v63  }
0x82e: {  	v3 =	vadd.s32 v1, v3;
	s30 =	simm.s32 $0x6900  }
0x82f: {  	[tilespmem:s30], [sflag:$0x1] =	stream.indirect_vreg.gather [hbm4b:s19+s7], $0x80, v4, vm0, $0xb8;
	[tilespmem:$0x18100] =	vst v63  }
0x830: {  	s2 =	simm.s32 $0x7100  }
0x831: {  	[tilespmem:s2], [sflag:$0x1] =	stream.indirect_vreg.gather [hbm4b:s20+s7], $0x80, v4, vm0, $0xb8;
	[tilespmem:$0x18100] =	vst v63  }
0x832: {  	s29 =	simm.s32 $0x7900  }
0x833: {  	[tilespmem:s29], [sflag:$0x1] =	stream.indirect_vreg.gather [hbm4b:s4+s7], $0x80, v3, vm0, $0xb8;
	[tilespmem:$0x18100] =	vst v63  }
0x834: {  	s30 =	simm.s32 $0x8100  }
0x835: {  	[tilespmem:s30], [sflag:$0x1] =	stream.indirect_vreg.gather [hbm4b:s19+s7], $0x80, v3, vm0, $0xb8;
	[tilespmem:$0x18100] =	vst v63  }
0x836: {  	s29 =	simm.s32 $0x8900  }
0x837: {  	[tilespmem:s29], [sflag:$0x1] =	stream.indirect_vreg.gather [hbm4b:s20+s7], $0x80, v3, vm0, $0xb8;
	[tilespmem:$0x18100] =	vst v63  }
0x838: {  	v3 =	vld [tilespmem:$0xB0];
	_ =	sdelay $0x4  }
0x839: {  	v59 =	vshrl.u32 v3, $0x3  }
0x83a: {  	v4 =	vmul.u32 $0x30, v59  }
0x83b: {  	v3 =	vand.u32 $0x7, v3  }
0x83c: {  	v3 =	vor.u32 v3, v4  }
0x83d: {  	v4 =	vperm.xlane v3, v0;
	_ =	sdelay $0x1  }
0x83e: {  	v4 =	vadd.s32 v1, v4;
	_ =	sdelay $0x3  }
0x83f: {  	s30 =	simm.s32 $0x9100;
	v3 =	vperm.xlane v3, v2  }
0x840: {  	[tilespmem:s30], [sflag:$0x1] =	stream.indirect_vreg.gather [hbm4b:s4+s7], $0x80, v4, vm0, $0xb8;
	[tilespmem:$0x18100] =	vst v63  }
0x841: {  	s29 =	simm.s32 $0x9900;
	v3 =	vadd.s32 v1, v3  }
0x842: {  	[tilespmem:s29], [sflag:$0x1] =	stream.indirect_vreg.gather [hbm4b:s19+s7], $0x80, v4, vm0, $0xb8;
	[tilespmem:$0x18100] =	vst v63  }
0x843: {  	s30 =	simm.s32 $0xA100  }
0x844: {  	[tilespmem:s30], [sflag:$0x1] =	stream.indirect_vreg.gather [hbm4b:s20+s7], $0x80, v4, vm0, $0xb8;
	[tilespmem:$0x18100] =	vst v63  }
0x845: {  	s29 =	simm.s32 $0xA900  }
0x846: {  	[tilespmem:s29], [sflag:$0x1] =	stream.indirect_vreg.gather [hbm4b:s4+s7], $0x80, v3, vm0, $0xb8;
	[tilespmem:$0x18100] =	vst v63  }
0x847: {  	s30 =	simm.s32 $0xB100  }
0x848: {  	[tilespmem:s30], [sflag:$0x1] =	stream.indirect_vreg.gather [hbm4b:s19+s7], $0x80, v3, vm0, $0xb8;
	[tilespmem:$0x18100] =	vst v63  }
0x849: {  	s1 =	simm.s32 $0xB900  }
0x84a: {  	[tilespmem:s1], [sflag:$0x1] =	stream.indirect_vreg.gather [hbm4b:s20+s7], $0x80, v3, vm0, $0xb8;
	[tilespmem:$0x18100] =	vst v63  }
0x84b: {  	s8 =	sld [smem:$0x7DB];
	_ =	swait.ge [sflag:s25], $0xC000  }
0x84c: {  	s1 =	sld [smem:$0x7F6]  }
0x84d: {  	[sflag:s25] =	ssyncset.done $0x0  }
0x84e: {  	s2 =	sld [smem:$0x7F7];
	[sflag:s25] =	ssyncadd.s32 $0xFFFF4000  }
0x84f: {  	[hbm4b:s1+s7] =	stream.linear.scatter [tilespmem:s28], [sflag:$0x4], $0xC000, $0x38;
	[tilespmem:$0x18100] =	vst v63  }
0x850: {  	_ = 	snop  }
0x851: {  	[hbm4b:s2+s7] =	stream.linear.scatter [tilespmem:s28], [sflag:$0x4], $0xC000, $0x38;
	[tilespmem:$0x18100] =	vst v63  }
0x852: {  	_ =	swait.ge [sflag:s26], $0xC000  }
0x853: {  	[sflag:s26] =	ssyncset.done $0x0  }
0x854: {  	[sflag:s26] =	ssyncadd.s32 $0xFFFF4000  }
0x855: {  	_ =	swait.ge [sflag:s26], $0xC000  }
0x856: {  	[sflag:s26] =	ssyncset.done $0x0  }
0x857: {  	[sflag:s26] =	ssyncadd.s32 $0xFFFF4000  }
0x858: {  	v3 =	vld [tilespmem:$0xC0];
	_ =	sdelay $0x4  }
0x859: {  	v60 =	vshrl.u32 v3, $0x3  }
0x85a: {  	v4 =	vmul.u32 $0x30, v60  }
0x85b: {  	v3 =	vand.u32 $0x7, v3  }
0x85c: {  	v3 =	vor.u32 v3, v4  }
0x85d: {  	v4 =	vperm.xlane v3, v0;
	_ =	sdelay $0x1  }
0x85e: {  	v4 =	vadd.s32 v1, v4;
	_ =	sdelay $0x3  }
0x85f: {  	v3 =	vperm.xlane v3, v2  }
0x860: {  	[tilespmem:s28], [sflag:$0x2] =	stream.indirect_vreg.gather [hbm4b:s4+s7], $0x80, v4, vm0, $0xb8;
	[tilespmem:$0x18100] =	vst v63  }
0x861: {  	s3 =	simm.s32 $0xC900;
	v3 =	vadd.s32 v1, v3  }
0x862: {  	[tilespmem:s3], [sflag:$0x2] =	stream.indirect_vreg.gather [hbm4b:s19+s7], $0x80, v4, vm0, $0xb8;
	[tilespmem:$0x18100] =	vst v63  }
0x863: {  	s5 =	simm.s32 $0xD100  }
0x864: {  	[tilespmem:s5], [sflag:$0x2] =	stream.indirect_vreg.gather [hbm4b:s20+s7], $0x80, v4, vm0, $0xb8;
	[tilespmem:$0x18100] =	vst v63  }
0x865: {  	s6 =	simm.s32 $0xD900  }
0x866: {  	[tilespmem:s6], [sflag:$0x2] =	stream.indirect_vreg.gather [hbm4b:s4+s7], $0x80, v3, vm0, $0xb8;
	[tilespmem:$0x18100] =	vst v63  }
0x867: {  	s21 =	simm.s32 $0xE100  }
0x868: {  	[tilespmem:s21], [sflag:$0x2] =	stream.indirect_vreg.gather [hbm4b:s19+s7], $0x80, v3, vm0, $0xb8;
	[tilespmem:$0x18100] =	vst v63  }
0x869: {  	s5 =	simm.s32 $0xE900  }
0x86a: {  	[tilespmem:s5], [sflag:$0x2] =	stream.indirect_vreg.gather [hbm4b:s20+s7], $0x80, v3, vm0, $0xb8;
	[tilespmem:$0x18100] =	vst v63  }
0x86b: {  	v3 =	vld [tilespmem:$0xD0];
	_ =	sdelay $0x4  }
0x86c: {  	v61 =	vshrl.u32 v3, $0x3  }
0x86d: {  	v4 =	vmul.u32 $0x30, v61  }
0x86e: {  	v3 =	vand.u32 $0x7, v3  }
0x86f: {  	v3 =	vor.u32 v3, v4  }
0x870: {  	v4 =	vperm.xlane v3, v0;
	_ =	sdelay $0x1  }
0x871: {  	v4 =	vadd.s32 v1, v4;
	_ =	sdelay $0x3  }
0x872: {  	s6 =	simm.s32 $0xF100;
	v3 =	vperm.xlane v3, v2  }
0x873: {  	[tilespmem:s6], [sflag:$0x2] =	stream.indirect_vreg.gather [hbm4b:s4+s7], $0x80, v4, vm0, $0xb8;
	[tilespmem:$0x18100] =	vst v63  }
0x874: {  	s31 =	simm.s32 $0xF900;
	v3 =	vadd.s32 v1, v3  }
0x875: {  	[tilespmem:s31], [sflag:$0x2] =	stream.indirect_vreg.gather [hbm4b:s19+s7], $0x80, v4, vm0, $0xb8;
	[tilespmem:$0x18100] =	vst v63  }
0x876: {  	s21 =	simm.s32 $0x10100  }
0x877: {  	[tilespmem:s21], [sflag:$0x2] =	stream.indirect_vreg.gather [hbm4b:s20+s7], $0x80, v4, vm0, $0xb8;
	[tilespmem:$0x18100] =	vst v63  }
0x878: {  	s29 =	simm.s32 $0x10900  }
0x879: {  	[tilespmem:s29], [sflag:$0x2] =	stream.indirect_vreg.gather [hbm4b:s4+s7], $0x80, v3, vm0, $0xb8;
	[tilespmem:$0x18100] =	vst v63  }
0x87a: {  	s30 =	simm.s32 $0x11100  }
0x87b: {  	[tilespmem:s30], [sflag:$0x2] =	stream.indirect_vreg.gather [hbm4b:s19+s7], $0x80, v3, vm0, $0xb8;
	[tilespmem:$0x18100] =	vst v63  }
0x87c: {  	s31 =	simm.s32 $0x11900  }
0x87d: {  	[tilespmem:s31], [sflag:$0x2] =	stream.indirect_vreg.gather [hbm4b:s20+s7], $0x80, v3, vm0, $0xb8;
	[tilespmem:$0x18100] =	vst v63  }
0x87e: {  	v3 =	vld [tilespmem:$0xE0];
	_ =	sdelay $0x4  }
0x87f: {  	v62 =	vshrl.u32 v3, $0x3  }
0x880: {  	v4 =	vmul.u32 $0x30, v62  }
0x881: {  	v3 =	vand.u32 $0x7, v3  }
0x882: {  	v3 =	vor.u32 v3, v4  }
0x883: {  	v4 =	vperm.xlane v3, v0;
	_ =	sdelay $0x1  }
0x884: {  	v4 =	vadd.s32 v1, v4;
	_ =	sdelay $0x3  }
0x885: {  	s2 =	simm.s32 $0x12100;
	v3 =	vperm.xlane v3, v2  }
0x886: {  	[tilespmem:s2], [sflag:$0x2] =	stream.indirect_vreg.gather [hbm4b:s4+s7], $0x80, v4, vm0, $0xb8;
	[tilespmem:$0x18100] =	vst v63  }
0x887: {  	s3 =	simm.s32 $0x12900;
	v3 =	vadd.s32 v1, v3  }
0x888: {  	[tilespmem:s3], [sflag:$0x2] =	stream.indirect_vreg.gather [hbm4b:s19+s7], $0x80, v4, vm0, $0xb8;
	[tilespmem:$0x18100] =	vst v63  }
0x889: {  	s5 =	simm.s32 $0x13100  }
0x88a: {  	[tilespmem:s5], [sflag:$0x2] =	stream.indirect_vreg.gather [hbm4b:s20+s7], $0x80, v4, vm0, $0xb8;
	[tilespmem:$0x18100] =	vst v63  }
0x88b: {  	s6 =	simm.s32 $0x13900  }
0x88c: {  	[tilespmem:s6], [sflag:$0x2] =	stream.indirect_vreg.gather [hbm4b:s4+s7], $0x80, v3, vm0, $0xb8;
	[tilespmem:$0x18100] =	vst v63  }
0x88d: {  	s21 =	simm.s32 $0x14100  }
0x88e: {  	[tilespmem:s21], [sflag:$0x2] =	stream.indirect_vreg.gather [hbm4b:s19+s7], $0x80, v3, vm0, $0xb8;
	[tilespmem:$0x18100] =	vst v63  }
0x88f: {  	s29 =	simm.s32 $0x14900  }
0x890: {  	[tilespmem:s29], [sflag:$0x2] =	stream.indirect_vreg.gather [hbm4b:s20+s7], $0x80, v3, vm0, $0xb8;
	[tilespmem:$0x18100] =	vst v63  }
0x891: {  	v3 =	vld [tilespmem:$0xF0];
	_ =	sdelay $0x4  }
0x892: {  	v63 =	vshrl.u32 v3, $0x3  }
0x893: {  	v4 =	vmul.u32 $0x30, v63  }
0x894: {  	v3 =	vand.u32 $0x7, v3  }
0x895: {  	v3 =	vor.u32 v3, v4  }
0x896: {  	v4 =	vperm.xlane v3, v0;
	_ =	sdelay $0x1  }
0x897: {  	v4 =	vadd.s32 v1, v4;
	_ =	sdelay $0x3  }
0x898: {  	s30 =	simm.s32 $0x15100;
	v3 =	vperm.xlane v3, v2  }
0x899: {  	[tilespmem:s30], [sflag:$0x2] =	stream.indirect_vreg.gather [hbm4b:s4+s7], $0x80, v4, vm0, $0xb8;
	[tilespmem:$0x18100] =	vst v63  }
0x89a: {  	s31 =	simm.s32 $0x15900;
	v3 =	vadd.s32 v1, v3  }
0x89b: {  	[tilespmem:s31], [sflag:$0x2] =	stream.indirect_vreg.gather [hbm4b:s19+s7], $0x80, v4, vm0, $0xb8;
	[tilespmem:$0x18100] =	vst v63  }
0x89c: {  	s0 =	simm.s32 $0x16100  }
0x89d: {  	[tilespmem:s0], [sflag:$0x2] =	stream.indirect_vreg.gather [hbm4b:s20+s7], $0x80, v4, vm0, $0xb8;
	[tilespmem:$0x18100] =	vst v63  }
0x89e: {  	s2 =	simm.s32 $0x16900  }
0x89f: {  	[tilespmem:s2], [sflag:$0x2] =	stream.indirect_vreg.gather [hbm4b:s4+s7], $0x80, v3, vm0, $0xb8;
	[tilespmem:$0x18100] =	vst v63  }
0x8a0: {  	s3 =	simm.s32 $0x17100  }
0x8a1: {  	[tilespmem:s3], [sflag:$0x2] =	stream.indirect_vreg.gather [hbm4b:s19+s7], $0x80, v3, vm0, $0xb8;
	[tilespmem:$0x18100] =	vst v63  }
0x8a2: {  	s4 =	simm.s32 $0x17900  }
0x8a3: {  	[tilespmem:s4], [sflag:$0x2] =	stream.indirect_vreg.gather [hbm4b:s20+s7], $0x80, v3, vm0, $0xb8;
	[tilespmem:$0x18100] =	vst v63  }
0x8a4: {  	_ =	swait.ge [sflag:s22], $0xC000  }
0x8a5: {  	s5 =	sld [smem:$0x7F8]  }
0x8a6: {  	[sflag:s22] =	ssyncset.done $0x0  }
0x8a7: {  	s6 =	sld [smem:$0x7F9];
	[sflag:s22] =	ssyncadd.s32 $0xFFFF4000  }
0x8a8: {  	[hbm4b:s5+s7] =	stream.linear.scatter [tilespmem:s23], [sflag:$0x3], $0xC000, $0x38;
	[tilespmem:$0x18100] =	vst v63  }
0x8a9: {  	_ = 	snop  }
0x8aa: {  	[hbm4b:s6+s7] =	stream.linear.scatter [tilespmem:s23], [sflag:$0x3], $0xC000, $0x38;
	[tilespmem:$0x18100] =	vst v63  }
0x8ab: {  	_ =	swait.ge [sflag:s25], $0xC000  }
0x8ac: {  	s21 =	sld [smem:$0x7FA]  }
0x8ad: {  	[sflag:s25] =	ssyncset.done $0x0  }
0x8ae: {  	s31 =	sld [smem:$0x7FB];
	[sflag:s25] =	ssyncadd.s32 $0xFFFF4000  }
0x8af: {  	[hbm4b:s21+s7] =	stream.linear.scatter [tilespmem:s28], [sflag:$0x4], $0xC000, $0x38;
	[tilespmem:$0x18100] =	vst v63  }
0x8b0: {  	_ = 	snop  }
0x8b1: {  	[hbm4b:s31+s7] =	stream.linear.scatter [tilespmem:s28], [sflag:$0x4], $0xC000, $0x38;
	[tilespmem:$0x18100] =	vst v63  }
0x8b2: {  	_ =	swait.ge [sflag:s24], $0xC000  }
0x8b3: {  	[sflag:s24] =	ssyncset.done $0x0  }
0x8b4: {  	[sflag:s24] =	ssyncadd.s32 $0xFFFF4000  }
0x8b5: {  	_ =	swait.ge [sflag:s24], $0xC000  }
0x8b6: {  	[sflag:s24] =	ssyncset.done $0x0  }
0x8b7: {  	[sflag:s24] =	ssyncadd.s32 $0xFFFF4000  }
0x8b8: {  	p0 =	sne.s32 s8, $0x1;
	_ =	swait.ge [sflag:s26], $0xC000  }
.Ltmp0:
0x8b9: {  	[sflag:s26] =	ssyncset.done $0x0;
	(pc) =	sbr.rel @p0 .LBB3_1-.Ltmp0, $4  }
0x8ba: {  	[sflag:s26] =	ssyncadd.s32 $0xFFFF4000  }
0x8bb: {  	_ =	swait.ge [sflag:s26], $0xC000  }
0x8bc: {  	[sflag:s26] =	ssyncset.done $0x0  }
0x8bd: {  	s8 =	sadd.s32 $0xFFFFFFFF, s8;
	[sflag:s26] =	ssyncadd.s32 $0xFFFF4000  }
0x8be: {  	_ =	sfence.sel $0x180000  }
0x8bf: {  	[bflag:$0x0] =	sbarrier.arrive $0xFFFF  }
0x8c0: {  	_ =	strace $0x90000047  }
0x8c1: {  	s0 =	stileid.u32;
	[bflag:$0x2] =	sbarrier.arrive $0xFFFF  }
0x8c2: {  	p0 =	sne.s32 s0, $0x0;
	s0 =	sld [smem:$0x7DC];
	_ =	sdelay $0x2  }
0x8c3: {  	s0 =	sadd.s32 @!p0 $0x100000, s0  }
0x8c4: {  	[sflag:s0] =	ssyncadd.tile.s32 @!p0 $0x1;
	_ =	shalt  }
.Lfunc_end3:
_tile_overlayer_lowered:
.L_overlay_start_3:
0x8c5: {  	(tag) =	ssettag $0x3  }
0x8c6: {  	s0 =	rddreg [dreg:$0x0];
	s2 =	stileid.u32  }
0x8c7: {  	s1 =	rddreg [dreg:$0x1];
	p0 =	sne.s32 s2, $0x0  }
0x8c8: {  	s3 =	rddreg [dreg:$0x2];
	[bflag:$0x3] =	sbarrier.arrive $0xFFFF;
	s2 =	simm.s32 @!p0 $0x1C05  }
0x8c9: {  	[timem:s3], [sflag:s2] =	dma.local @!p0 [hbm:s0], s1  }
0x8ca: {  	s0 =	simm.s32 @!p0 $0x5  }
0x8cb: {  	_ =	swait.ge @!p0 [sflag:s0], s1  }
0x8cc: {  	s1 =	ssub.s32 @!p0 $0x0, s1;
	[sflag:s0] =	ssyncset.done @!p0 $0x0  }
0x8cd: {  	[sflag:s0] =	ssyncadd.s32 @!p0 s1  }
0x8ce: {  	[bflag:$0x3] =	sbarrier.arrive $0xFFFF  }
0x8cf: {  	_ =	shalt  }

</sc_bundles>
